<compile_context>
chip_gen: v7x
topology: tpu7x:2x2x1
jax: 0.10.2.dev20260603
libtpu: 0.0.44.dev20260713+nightly
codegen_flags: <defaults>
</compile_context>

<pallas_src>
import functools

import jax
import jax.numpy as jnp
from jax import lax
from jax.experimental import pallas as pl
from jax.experimental.pallas import tpu as pltpu
from jax.experimental.pallas import tpu_sc as plsc

B = 16384
EMB = 16
POI_IN = 85
POI_OUT = 10
OUT_W = 4 * EMB + POI_OUT
N_DAYS = 75
N_SLOTS = 48
N_CITIES = 200

_INFO = plsc.get_sparse_core_info()
_NC = _INFO.num_cores
_NS = _INFO.num_subcores
_NW = _NC * _NS
_BPW = B // _NW
_L = 16
_G = _BPW // _L
_NBUF = 2 * _L


def _poi_body(w_ref, x_ref, b_ref, o_ref):
    acc = jnp.dot(w_ref[...], x_ref[...], preferred_element_type=jnp.float32)
    o_ref[...] = jnp.maximum(acc + b_ref[...], 0.0)


def _poi_matmul(w, x_t, b2):
    return pl.pallas_call(
        _poi_body,
        out_shape=jax.ShapeDtypeStruct((POI_OUT, B), jnp.float32),
    )(w, x_t, b2)


def _sc_body(uidh, dh, th, cityh, uid_t, day_t, slot_t, city_t, epoi_hbm,
             out_hbm, uid_v, d_v, t_v, c_v, minib, out_v, day_v, slot_v,
             city_v, sem, semp):
    wid = lax.axis_index("s") * _NC + lax.axis_index("c")
    base = wid * _BPW

    h_uid = pltpu.async_copy(uidh.at[pl.ds(base, _BPW)], uid_v, sem)
    pro = [
        pltpu.async_copy(dh.at[pl.ds(base, _BPW)], d_v, semp),
        pltpu.async_copy(th.at[pl.ds(base, _BPW)], t_v, semp),
        pltpu.async_copy(cityh.at[pl.ds(base, _BPW)], c_v, semp),
        pltpu.async_copy(day_t, day_v, semp),
        pltpu.async_copy(slot_t, slot_v, semp),
        pltpu.async_copy(city_t, city_v, semp),
    ]

    lane = lax.iota(jnp.int32, _L)
    svecs = [jnp.full((_L,), s, dtype=jnp.int32) for s in range(EMB)]
    small = ((0, day_v, d_v), (1, slot_v, t_v), (2, city_v, c_v))

    def fire(g):
        vec = uid_v[pl.ds(g * _L, _L)]
        bank = lax.rem(g, 2) * _L
        for r in range(_L):
            u = jnp.sum(jnp.where(lane == r, vec, 0))
            q = pl.multiple_of((u // 128) * 128, 128)
            pltpu.async_copy(uid_t.at[:, pl.ds(q, 128)], minib.at[bank + r],
                             sem)

    def smalls(c):
        ocols = lane + c * _L
        for k, tbl, iv in small:
            col = iv[pl.ds(c * _L, _L)]
            for s in range(EMB):
                vals = plsc.load_gather(tbl, [svecs[s], col])
                orows = jnp.full((_L,), (k + 1) * EMB + s, dtype=jnp.int32)
                plsc.store_scatter(out_v, [orows, ocols], vals)

    def drain(g):
        vec = uid_v[pl.ds(g * _L, _L)]
        bank = lax.rem(g, 2) * _L
        for r in range(_L):
            pltpu.make_async_copy(uid_t.at[:, pl.ds(0, 128)],
                                  minib.at[bank + r], sem).wait()
        for r in range(_L):
            u = jnp.sum(jnp.where(lane == r, vec, 0))
            off = jnp.full((_L,), lax.rem(u, 128), dtype=jnp.int32)
            bvec = jnp.full((_L,), bank + r, dtype=jnp.int32)
            vals = plsc.load_gather(minib, [bvec, lane, off])
            cols = jnp.full((_L,), g * _L + r, dtype=jnp.int32)
            plsc.store_scatter(out_v, [lane, cols], vals)

    h_uid.wait()
    fire(0)
    for h in pro:
        h.wait()

    @pl.loop(1, _G)
    def _(g):
        fire(g)
        smalls(g - 1)
        drain(g - 1)

    h_epoi = pltpu.async_copy(epoi_hbm.at[:, pl.ds(base, _BPW)],
                              out_v.at[pl.ds(4 * EMB, POI_OUT), :], semp)
    smalls(_G - 1)
    drain(_G - 1)
    h_epoi.wait()

    pltpu.sync_copy(out_v, out_hbm.at[:, pl.ds(base, _BPW)])


_sc_fused = functools.partial(
    pl.kernel,
    out_type=jax.ShapeDtypeStruct((OUT_W, B), jnp.float32),
    mesh=plsc.VectorSubcoreMesh(core_axis_name="c", subcore_axis_name="s"),
    scratch_types=[
        pltpu.VMEM((_BPW,), jnp.int32),
        pltpu.VMEM((_BPW,), jnp.int32),
        pltpu.VMEM((_BPW,), jnp.int32),
        pltpu.VMEM((_BPW,), jnp.int32),
        pltpu.VMEM((_NBUF, EMB, 128), jnp.float32),
        pltpu.VMEM((OUT_W, _BPW), jnp.float32),
        pltpu.VMEM((EMB, N_DAYS), jnp.float32),
        pltpu.VMEM((EMB, N_SLOTS), jnp.float32),
        pltpu.VMEM((EMB, N_CITIES), jnp.float32),
        pltpu.SemaphoreType.DMA,
        pltpu.SemaphoreType.DMA,
    ],
    compiler_params=pltpu.CompilerParams(needs_layout_passes=False,
                                         disable_bounds_checks=True),
)(_sc_body)


@jax.jit
def kernel(uid, d, t, city, poi, uid_table, day_table, slot_table,
           city_table, poi_W, poi_b):
    epoi_t = _poi_matmul(poi_W, poi.T, poi_b.reshape(POI_OUT, 1))
    out_t = _sc_fused(uid.astype(jnp.int32), d.astype(jnp.int32),
                      t.astype(jnp.int32), city.astype(jnp.int32),
                      uid_table.T, day_table.T, slot_table.T, city_table.T,
                      epoi_t)
    return out_t.T

# --- scband reference (transcript-rebuilt; emitter-appended) ---
"""Pipeline reference for scband-external-information-fusion-dtpc-36146444763482 (READ-ONLY COPY).

The authoritative reference and input builder live on the scoring server;
editing this copy changes nothing except your own understanding.
"""

import jax, jax.numpy as jnp
import numpy as np

B = 16384
N_USERS = 1000000
N_DAYS = 75
N_SLOTS = 48
N_CITIES = 200
EMB = 16
POI_IN = 85
POI_OUT = 10


def setup_inputs(seed: int = 0) -> dict:
    key = jax.random.key(seed)
    ks = jax.random.split(key, 12)
    uid = jax.random.randint(ks[0], (B,), 0, N_USERS, dtype=jnp.int64) if jax.config.jax_enable_x64 else jax.random.randint(ks[0], (B,), 0, N_USERS)
    d = jax.random.randint(ks[1], (B,), 0, N_DAYS)
    t = jax.random.randint(ks[2], (B,), 0, N_SLOTS)
    city = jax.random.randint(ks[3], (B,), 0, N_CITIES)
    poi = jax.random.uniform(ks[4], (B, POI_IN), dtype=jnp.float32)
    uid_table = jax.random.normal(ks[5], (N_USERS, EMB), dtype=jnp.float32)
    day_table = jax.random.normal(ks[6], (N_DAYS, EMB), dtype=jnp.float32)
    slot_table = jax.random.normal(ks[7], (N_SLOTS, EMB), dtype=jnp.float32)
    city_table = jax.random.normal(ks[8], (N_CITIES, EMB), dtype=jnp.float32)
    poi_W = jax.random.normal(ks[9], (POI_OUT, POI_IN), dtype=jnp.float32) * (1.0 / np.sqrt(POI_IN))
    poi_b = jnp.zeros((POI_OUT,), dtype=jnp.float32)
    return {
        "uid": uid, "d": d, "t": t, "city": city, "poi": poi,
        "uid_table": uid_table, "day_table": day_table,
        "slot_table": slot_table, "city_table": city_table,
        "poi_W": poi_W, "poi_b": poi_b,
    }


def reference(uid, d, t, city, poi, uid_table, day_table, slot_table, city_table, poi_W, poi_b):
    e_uid = jnp.take(uid_table, uid, axis=0)
    e_d = jnp.take(day_table, d, axis=0)
    e_t = jnp.take(slot_table, t, axis=0)
    e_city = jnp.take(city_table, city, axis=0)
    e_poi = jax.nn.relu(poi @ poi_W.T + poi_b)
    fused = jnp.concatenate([e_uid, e_d, e_t, e_city, e_poi], axis=-1)
    return fused

if __name__ == "__main__":
    import jax
    _d = setup_inputs()
    print(jax.jit(kernel)(*tuple(_d.values())))

</pallas_src>

<mosaic_0001>
#map = affine_map<(d0, d1) -> (0)>
#map1 = affine_map<(d0, d1) -> (0, 0)>
module attributes {stable_mosaic.version = 14 : i64} {
  func.func @_sc_body(%arg0: i32, %arg1: i32, %arg2: memref<16384xi32, #tpu.memory_space<hbm>>, %arg3: memref<16384xi32, #tpu.memory_space<hbm>>, %arg4: memref<16384xi32, #tpu.memory_space<hbm>>, %arg5: memref<16384xi32, #tpu.memory_space<hbm>>, %arg6: memref<16x1000000xf32, #tpu.memory_space<hbm>>, %arg7: memref<16x75xf32, #tpu.memory_space<hbm>>, %arg8: memref<16x48xf32, #tpu.memory_space<hbm>>, %arg9: memref<16x200xf32, #tpu.memory_space<hbm>>, %arg10: memref<10x16384xf32, #tpu.memory_space<hbm>>, %arg11: memref<74x16384xf32, #tpu.memory_space<hbm>>, %arg12: memref<512xi32, #tpu.memory_space<vmem>>, %arg13: memref<512xi32, #tpu.memory_space<vmem>>, %arg14: memref<512xi32, #tpu.memory_space<vmem>>, %arg15: memref<512xi32, #tpu.memory_space<vmem>>, %arg16: memref<32x16x128xf32, #tpu.memory_space<vmem>>, %arg17: memref<74x512xf32, #tpu.memory_space<vmem>>, %arg18: memref<16x75xf32, #tpu.memory_space<vmem>>, %arg19: memref<16x48xf32, #tpu.memory_space<vmem>>, %arg20: memref<16x200xf32, #tpu.memory_space<vmem>>, %arg21: memref<!tpu.dma_semaphore, #tpu.memory_space<semaphore_mem>>, %arg22: memref<!tpu.dma_semaphore, #tpu.memory_space<semaphore_mem>>) attributes {dimension_semantics = [#tpu.dimension_semantics<core_parallel>, #tpu.dimension_semantics<subcore_parallel>], iteration_bounds = array<i64: 2, 16>, scalar_prefetch = 0 : i64, scratch_operands = 11 : i64, tpu.core_type = #tpu.core_type<sc_vector_subcore>, window_params = [{transform_indices = #map}, {transform_indices = #map}, {transform_indices = #map}, {transform_indices = #map}, {transform_indices = #map1}, {transform_indices = #map1}, {transform_indices = #map1}, {transform_indices = #map1}, {transform_indices = #map1}, {transform_indices = #map1}]} {
    %mul3A = arith.constant 2 : i32
    %mul3A_0 = arith.muli %arg1, %mul3A : i32
    %add3A = arith.addi %mul3A_0, %arg0 : i32
    %mul3A_1 = arith.constant 512 : i32
    %mul3A_2 = arith.muli %add3A, %mul3A_1 : i32
    %dma_start3A = tpu.memref_slice %arg2[%mul3A_2] : memref<16384xi32, #tpu.memory_space<hbm>> -> memref<512xi32, #tpu.memory_space<hbm>>
    %dma_start3A_3 = tpu.memref_slice %arg2[%mul3A_2] : memref<16384xi32, #tpu.memory_space<hbm>> -> memref<512xi32, #tpu.memory_space<hbm>>
    tpu.enqueue_dma source(%dma_start3A_3 : memref<512xi32, #tpu.memory_space<hbm>>) target(%arg12 : memref<512xi32, #tpu.memory_space<vmem>>) target_semaphore(%arg21 : memref<!tpu.dma_semaphore, #tpu.memory_space<semaphore_mem>>)
    %dma_start3A_4 = tpu.memref_slice %arg3[%mul3A_2] : memref<16384xi32, #tpu.memory_space<hbm>> -> memref<512xi32, #tpu.memory_space<hbm>>
    %dma_start3A_5 = tpu.memref_slice %arg3[%mul3A_2] : memref<16384xi32, #tpu.memory_space<hbm>> -> memref<512xi32, #tpu.memory_space<hbm>>
    tpu.enqueue_dma source(%dma_start3A_5 : memref<512xi32, #tpu.memory_space<hbm>>) target(%arg13 : memref<512xi32, #tpu.memory_space<vmem>>) target_semaphore(%arg22 : memref<!tpu.dma_semaphore, #tpu.memory_space<semaphore_mem>>)
    %dma_start3A_6 = tpu.memref_slice %arg4[%mul3A_2] : memref<16384xi32, #tpu.memory_space<hbm>> -> memref<512xi32, #tpu.memory_space<hbm>>
    %dma_start3A_7 = tpu.memref_slice %arg4[%mul3A_2] : memref<16384xi32, #tpu.memory_space<hbm>> -> memref<512xi32, #tpu.memory_space<hbm>>
    tpu.enqueue_dma source(%dma_start3A_7 : memref<512xi32, #tpu.memory_space<hbm>>) target(%arg14 : memref<512xi32, #tpu.memory_space<vmem>>) target_semaphore(%arg22 : memref<!tpu.dma_semaphore, #tpu.memory_space<semaphore_mem>>)
    %dma_start3A_8 = tpu.memref_slice %arg5[%mul3A_2] : memref<16384xi32, #tpu.memory_space<hbm>> -> memref<512xi32, #tpu.memory_space<hbm>>
    %dma_start3A_9 = tpu.memref_slice %arg5[%mul3A_2] : memref<16384xi32, #tpu.memory_space<hbm>> -> memref<512xi32, #tpu.memory_space<hbm>>
    tpu.enqueue_dma source(%dma_start3A_9 : memref<512xi32, #tpu.memory_space<hbm>>) target(%arg15 : memref<512xi32, #tpu.memory_space<vmem>>) target_semaphore(%arg22 : memref<!tpu.dma_semaphore, #tpu.memory_space<semaphore_mem>>)
    tpu.enqueue_dma source(%arg7 : memref<16x75xf32, #tpu.memory_space<hbm>>) target(%arg18 : memref<16x75xf32, #tpu.memory_space<vmem>>) target_semaphore(%arg22 : memref<!tpu.dma_semaphore, #tpu.memory_space<semaphore_mem>>)
    tpu.enqueue_dma source(%arg8 : memref<16x48xf32, #tpu.memory_space<hbm>>) target(%arg19 : memref<16x48xf32, #tpu.memory_space<vmem>>) target_semaphore(%arg22 : memref<!tpu.dma_semaphore, #tpu.memory_space<semaphore_mem>>)
    tpu.enqueue_dma source(%arg9 : memref<16x200xf32, #tpu.memory_space<hbm>>) target(%arg20 : memref<16x200xf32, #tpu.memory_space<vmem>>) target_semaphore(%arg22 : memref<!tpu.dma_semaphore, #tpu.memory_space<semaphore_mem>>)
    %iota3A = tpu.iota {dimensions = array<i32: 0>} : vector<16xi32>
    %broadcast_in_dim3A = arith.constant 0 : i32
    %broadcast_in_dim3A_10 = vector.broadcast %broadcast_in_dim3A : i32 to vector<16xi32>
    %broadcast_in_dim3A_11 = arith.constant 1 : i32
    %broadcast_in_dim3A_12 = vector.broadcast %broadcast_in_dim3A_11 : i32 to vector<16xi32>
    %broadcast_in_dim3A_13 = arith.constant 2 : i32
    %broadcast_in_dim3A_14 = vector.broadcast %broadcast_in_dim3A_13 : i32 to vector<16xi32>
    %broadcast_in_dim3A_15 = arith.constant 3 : i32
    %broadcast_in_dim3A_16 = vector.broadcast %broadcast_in_dim3A_15 : i32 to vector<16xi32>
    %broadcast_in_dim3A_17 = arith.constant 4 : i32
    %broadcast_in_dim3A_18 = vector.broadcast %broadcast_in_dim3A_17 : i32 to vector<16xi32>
    %broadcast_in_dim3A_19 = arith.constant 5 : i32
    %broadcast_in_dim3A_20 = vector.broadcast %broadcast_in_dim3A_19 : i32 to vector<16xi32>
    %broadcast_in_dim3A_21 = arith.constant 6 : i32
    %broadcast_in_dim3A_22 = vector.broadcast %broadcast_in_dim3A_21 : i32 to vector<16xi32>
    %broadcast_in_dim3A_23 = arith.constant 7 : i32
    %broadcast_in_dim3A_24 = vector.broadcast %broadcast_in_dim3A_23 : i32 to vector<16xi32>
    %broadcast_in_dim3A_25 = arith.constant 8 : i32
    %broadcast_in_dim3A_26 = vector.broadcast %broadcast_in_dim3A_25 : i32 to vector<16xi32>
    %broadcast_in_dim3A_27 = arith.constant 9 : i32
    %broadcast_in_dim3A_28 = vector.broadcast %broadcast_in_dim3A_27 : i32 to vector<16xi32>
    %broadcast_in_dim3A_29 = arith.constant 10 : i32
    %broadcast_in_dim3A_30 = vector.broadcast %broadcast_in_dim3A_29 : i32 to vector<16xi32>
    %broadcast_in_dim3A_31 = arith.constant 11 : i32
    %broadcast_in_dim3A_32 = vector.broadcast %broadcast_in_dim3A_31 : i32 to vector<16xi32>
    %broadcast_in_dim3A_33 = arith.constant 12 : i32
    %broadcast_in_dim3A_34 = vector.broadcast %broadcast_in_dim3A_33 : i32 to vector<16xi32>
    %broadcast_in_dim3A_35 = arith.constant 13 : i32
    %broadcast_in_dim3A_36 = vector.broadcast %broadcast_in_dim3A_35 : i32 to vector<16xi32>
    %broadcast_in_dim3A_37 = arith.constant 14 : i32
    %broadcast_in_dim3A_38 = vector.broadcast %broadcast_in_dim3A_37 : i32 to vector<16xi32>
    %broadcast_in_dim3A_39 = arith.constant 15 : i32
    %broadcast_in_dim3A_40 = vector.broadcast %broadcast_in_dim3A_39 : i32 to vector<16xi32>
    %dma_wait3A = tpu.memref_slice %arg2[%mul3A_2] : memref<16384xi32, #tpu.memory_space<hbm>> -> memref<512xi32, #tpu.memory_space<hbm>>
    %dma_wait3A_41 = tpu.memref_slice %arg2[%mul3A_2] : memref<16384xi32, #tpu.memory_space<hbm>> -> memref<512xi32, #tpu.memory_space<hbm>>
    tpu.wait_dma2 semaphore(%arg21 : memref<!tpu.dma_semaphore, #tpu.memory_space<semaphore_mem>>) src(%dma_wait3A_41 : memref<512xi32, #tpu.memory_space<hbm>>) dst(%arg12 : memref<512xi32, #tpu.memory_space<vmem>>)
    %get3A = arith.constant 0 : index
    %get3A_42 = tpu.vector_load %arg12[%get3A] {strides = array<i32>} : memref<512xi32, #tpu.memory_space<vmem>>, vector<16xi32>,
    %rem3A = arith.constant 0 : i32
    %rem3A_43 = arith.constant 2 : i32
    %rem3A_44 = arith.remsi %rem3A, %rem3A_43 : i32
    %mul3A_45 = arith.constant 16 : i32
    %mul3A_46 = arith.muli %rem3A_44, %mul3A_45 : i32
    %eq3A = arith.constant 0 : i32
    %eq3A_47 = vector.broadcast %eq3A : i32 to vector<16xi32>
    %eq3A_48 = arith.cmpi eq, %iota3A, %eq3A_47 : vector<16xi32>
    %jit3A = arith.constant 0 : i32
    %broadcast_in_dim3A_49 = vector.broadcast %jit3A : i32 to vector<16xi32>
    %select_n3A = arith.select %eq3A_48, %get3A_42, %broadcast_in_dim3A_49 : vector<16xi1>, vector<16xi32>
    %reduce_sum3A = arith.constant true
    %reduce_sum3A_50 = vector.broadcast %reduce_sum3A : i1 to vector<16xi1>
    %reduce_sum3A_51 = tpu.scan <sum>, %select_n3A masked %reduce_sum3A_50 : vector<16xi32>, vector<16xi1> -> vector<16xi32>
    %reduce_sum3A_52 = vector.extract %reduce_sum3A_51[15] : i32 from vector<16xi32>
    %jit3A_53 = arith.constant 128 : i32
    %div3A = arith.divsi %reduce_sum3A_52, %jit3A_53 : i32
    %sign3A = arith.constant 0 : i32
    %sign3A_54 = arith.cmpi sgt, %reduce_sum3A_52, %sign3A : i32
    %sign3A_55 = arith.extui %sign3A_54 : i1 to i32
    %sign3A_56 = arith.constant 0 : i32
    %sign3A_57 = arith.cmpi slt, %reduce_sum3A_52, %sign3A_56 : i32
    %sign3A_58 = arith.extui %sign3A_57 : i1 to i32
    %sign3A_59 = arith.subi %sign3A_55, %sign3A_58 : i32
    %sign3A_60 = arith.constant 0 : i32
    %sign3A_61 = arith.cmpi sgt, %jit3A_53, %sign3A_60 : i32
    %sign3A_62 = arith.extui %sign3A_61 : i1 to i32
    %sign3A_63 = arith.constant 0 : i32
    %sign3A_64 = arith.cmpi slt, %jit3A_53, %sign3A_63 : i32
    %sign3A_65 = arith.extui %sign3A_64 : i1 to i32
    %sign3A_66 = arith.subi %sign3A_62, %sign3A_65 : i32
    %ne3A = arith.cmpi ne, %sign3A_59, %sign3A_66 : i32
    %rem3A_67 = arith.remsi %reduce_sum3A_52, %jit3A_53 : i32
    %ne3A_68 = arith.constant 0 : i32
    %ne3A_69 = arith.cmpi ne, %rem3A_67, %ne3A_68 : i32
    %and3A = arith.andi %ne3A, %ne3A_69 : i1
    %sub3A = arith.constant 1 : i32
    %sub3A_70 = arith.subi %div3A, %sub3A : i32
    %select_n3A_71 = arith.select %and3A, %sub3A_70, %div3A : i32
    %mul3A_72 = arith.constant 128 : i32
    %mul3A_73 = arith.muli %select_n3A_71, %mul3A_72 : i32
    %multiple_of3A = tpu.assume_multiple %mul3A_73, 128 : i32
    %add3A_74 = arith.constant 0 : i32
    %add3A_75 = arith.addi %mul3A_46, %add3A_74 : i32
    %dma_start3A_76 = arith.constant 0 : i32
    %dma_start3A_77 = arith.constant 0 : i32
    %dma_start3A_78 = tpu.memref_slice %arg16[%add3A_75, %dma_start3A_76, %dma_start3A_77] : memref<32x16x128xf32, #tpu.memory_space<vmem>> -> memref<1x16x128xf32, #tpu.memory_space<vmem>>
    %dma_start3A_79 = tpu.memref_squeeze %dma_start3A_78 : memref<1x16x128xf32, #tpu.memory_space<vmem>> -> memref<16x128xf32, #tpu.memory_space<vmem>>
    %dma_start3A_80 = arith.constant 0 : i32
    %dma_start3A_81 = tpu.memref_slice %arg6[%dma_start3A_80, %multiple_of3A] : memref<16x1000000xf32, #tpu.memory_space<hbm>> -> memref<16x128xf32, #tpu.memory_space<hbm>>
    %dma_start3A_82 = arith.constant 0 : i32
    %dma_start3A_83 = arith.constant 0 : i32
    %dma_start3A_84 = tpu.memref_slice %arg16[%add3A_75, %dma_start3A_82, %dma_start3A_83] : memref<32x16x128xf32, #tpu.memory_space<vmem>> -> memref<1x16x128xf32, #tpu.memory_space<vmem>>
    %dma_start3A_85 = tpu.memref_squeeze %dma_start3A_84 : memref<1x16x128xf32, #tpu.memory_space<vmem>> -> memref<16x128xf32, #tpu.memory_space<vmem>>
    %dma_start3A_86 = arith.constant 0 : i32
    %dma_start3A_87 = tpu.memref_slice %arg6[%dma_start3A_86, %multiple_of3A] : memref<16x1000000xf32, #tpu.memory_space<hbm>> -> memref<16x128xf32, #tpu.memory_space<hbm>>
    tpu.enqueue_dma source(%dma_start3A_87 : memref<16x128xf32, #tpu.memory_space<hbm>>) target(%dma_start3A_85 : memref<16x128xf32, #tpu.memory_space<vmem>>) target_semaphore(%arg21 : memref<!tpu.dma_semaphore, #tpu.memory_space<semaphore_mem>>)
    %eq3A_88 = arith.constant 1 : i32
    %eq3A_89 = vector.broadcast %eq3A_88 : i32 to vector<16xi32>
    %eq3A_90 = arith.cmpi eq, %iota3A, %eq3A_89 : vector<16xi32>
    %jit3A_91 = arith.constant 0 : i32
    %broadcast_in_dim3A_92 = vector.broadcast %jit3A_91 : i32 to vector<16xi32>
    %select_n3A_93 = arith.select %eq3A_90, %get3A_42, %broadcast_in_dim3A_92 : vector<16xi1>, vector<16xi32>
    %reduce_sum3A_94 = arith.constant true
    %reduce_sum3A_95 = vector.broadcast %reduce_sum3A_94 : i1 to vector<16xi1>
    %reduce_sum3A_96 = tpu.scan <sum>, %select_n3A_93 masked %reduce_sum3A_95 : vector<16xi32>, vector<16xi1> -> vector<16xi32>
    %reduce_sum3A_97 = vector.extract %reduce_sum3A_96[15] : i32 from vector<16xi32>
    %jit3A_98 = arith.constant 128 : i32
    %div3A_99 = arith.divsi %reduce_sum3A_97, %jit3A_98 : i32
    %sign3A_100 = arith.constant 0 : i32
    %sign3A_101 = arith.cmpi sgt, %reduce_sum3A_97, %sign3A_100 : i32
    %sign3A_102 = arith.extui %sign3A_101 : i1 to i32
    %sign3A_103 = arith.constant 0 : i32
    %sign3A_104 = arith.cmpi slt, %reduce_sum3A_97, %sign3A_103 : i32
    %sign3A_105 = arith.extui %sign3A_104 : i1 to i32
    %sign3A_106 = arith.subi %sign3A_102, %sign3A_105 : i32
    %sign3A_107 = arith.constant 0 : i32
    %sign3A_108 = arith.cmpi sgt, %jit3A_98, %sign3A_107 : i32
    %sign3A_109 = arith.extui %sign3A_108 : i1 to i32
    %sign3A_110 = arith.constant 0 : i32
    %sign3A_111 = arith.cmpi slt, %jit3A_98, %sign3A_110 : i32
    %sign3A_112 = arith.extui %sign3A_111 : i1 to i32
    %sign3A_113 = arith.subi %sign3A_109, %sign3A_112 : i32
    %ne3A_114 = arith.cmpi ne, %sign3A_106, %sign3A_113 : i32
    %rem3A_115 = arith.remsi %reduce_sum3A_97, %jit3A_98 : i32
    %ne3A_116 = arith.constant 0 : i32
    %ne3A_117 = arith.cmpi ne, %rem3A_115, %ne3A_116 : i32
    %and3A_118 = arith.andi %ne3A_114, %ne3A_117 : i1
    %sub3A_119 = arith.constant 1 : i32
    %sub3A_120 = arith.subi %div3A_99, %sub3A_119 : i32
    %select_n3A_121 = arith.select %and3A_118, %sub3A_120, %div3A_99 : i32
    %mul3A_122 = arith.constant 128 : i32
    %mul3A_123 = arith.muli %select_n3A_121, %mul3A_122 : i32
    %multiple_of3A_124 = tpu.assume_multiple %mul3A_123, 128 : i32
    %add3A_125 = arith.constant 1 : i32
    %add3A_126 = arith.addi %mul3A_46, %add3A_125 : i32
    %dma_start3A_127 = arith.constant 0 : i32
    %dma_start3A_128 = arith.constant 0 : i32
    %dma_start3A_129 = tpu.memref_slice %arg16[%add3A_126, %dma_start3A_127, %dma_start3A_128] : memref<32x16x128xf32, #tpu.memory_space<vmem>> -> memref<1x16x128xf32, #tpu.memory_space<vmem>>
    %dma_start3A_130 = tpu.memref_squeeze %dma_start3A_129 : memref<1x16x128xf32, #tpu.memory_space<vmem>> -> memref<16x128xf32, #tpu.memory_space<vmem>>
    %dma_start3A_131 = arith.constant 0 : i32
    %dma_start3A_132 = tpu.memref_slice %arg6[%dma_start3A_131, %multiple_of3A_124] : memref<16x1000000xf32, #tpu.memory_space<hbm>> -> memref<16x128xf32, #tpu.memory_space<hbm>>
    %dma_start3A_133 = arith.constant 0 : i32
    %dma_start3A_134 = arith.constant 0 : i32
    %dma_start3A_135 = tpu.memref_slice %arg16[%add3A_126, %dma_start3A_133, %dma_start3A_134] : memref<32x16x128xf32, #tpu.memory_space<vmem>> -> memref<1x16x128xf32, #tpu.memory_space<vmem>>
    %dma_start3A_136 = tpu.memref_squeeze %dma_start3A_135 : memref<1x16x128xf32, #tpu.memory_space<vmem>> -> memref<16x128xf32, #tpu.memory_space<vmem>>
    %dma_start3A_137 = arith.constant 0 : i32
    %dma_start3A_138 = tpu.memref_slice %arg6[%dma_start3A_137, %multiple_of3A_124] : memref<16x1000000xf32, #tpu.memory_space<hbm>> -> memref<16x128xf32, #tpu.memory_space<hbm>>
    tpu.enqueue_dma source(%dma_start3A_138 : memref<16x128xf32, #tpu.memory_space<hbm>>) target(%dma_start3A_136 : memref<16x128xf32, #tpu.memory_space<vmem>>) target_semaphore(%arg21 : memref<!tpu.dma_semaphore, #tpu.memory_space<semaphore_mem>>)
    %eq3A_139 = arith.constant 2 : i32
    %eq3A_140 = vector.broadcast %eq3A_139 : i32 to vector<16xi32>
    %eq3A_141 = arith.cmpi eq, %iota3A, %eq3A_140 : vector<16xi32>
    %jit3A_142 = arith.constant 0 : i32
    %broadcast_in_dim3A_143 = vector.broadcast %jit3A_142 : i32 to vector<16xi32>
    %select_n3A_144 = arith.select %eq3A_141, %get3A_42, %broadcast_in_dim3A_143 : vector<16xi1>, vector<16xi32>
    %reduce_sum3A_145 = arith.constant true
    %reduce_sum3A_146 = vector.broadcast %reduce_sum3A_145 : i1 to vector<16xi1>
    %reduce_sum3A_147 = tpu.scan <sum>, %select_n3A_144 masked %reduce_sum3A_146 : vector<16xi32>, vector<16xi1> -> vector<16xi32>
    %reduce_sum3A_148 = vector.extract %reduce_sum3A_147[15] : i32 from vector<16xi32>
    %jit3A_149 = arith.constant 128 : i32
    %div3A_150 = arith.divsi %reduce_sum3A_148, %jit3A_149 : i32
    %sign3A_151 = arith.constant 0 : i32
    %sign3A_152 = arith.cmpi sgt, %reduce_sum3A_148, %sign3A_151 : i32
    %sign3A_153 = arith.extui %sign3A_152 : i1 to i32
    %sign3A_154 = arith.constant 0 : i32
    %sign3A_155 = arith.cmpi slt, %reduce_sum3A_148, %sign3A_154 : i32
    %sign3A_156 = arith.extui %sign3A_155 : i1 to i32
    %sign3A_157 = arith.subi %sign3A_153, %sign3A_156 : i32
    %sign3A_158 = arith.constant 0 : i32
    %sign3A_159 = arith.cmpi sgt, %jit3A_149, %sign3A_158 : i32
    %sign3A_160 = arith.extui %sign3A_159 : i1 to i32
    %sign3A_161 = arith.constant 0 : i32
    %sign3A_162 = arith.cmpi slt, %jit3A_149, %sign3A_161 : i32
    %sign3A_163 = arith.extui %sign3A_162 : i1 to i32
    %sign3A_164 = arith.subi %sign3A_160, %sign3A_163 : i32
    %ne3A_165 = arith.cmpi ne, %sign3A_157, %sign3A_164 : i32
    %rem3A_166 = arith.remsi %reduce_sum3A_148, %jit3A_149 : i32
    %ne3A_167 = arith.constant 0 : i32
    %ne3A_168 = arith.cmpi ne, %rem3A_166, %ne3A_167 : i32
    %and3A_169 = arith.andi %ne3A_165, %ne3A_168 : i1
    %sub3A_170 = arith.constant 1 : i32
    %sub3A_171 = arith.subi %div3A_150, %sub3A_170 : i32
    %select_n3A_172 = arith.select %and3A_169, %sub3A_171, %div3A_150 : i32
    %mul3A_173 = arith.constant 128 : i32
    %mul3A_174 = arith.muli %select_n3A_172, %mul3A_173 : i32
    %multiple_of3A_175 = tpu.assume_multiple %mul3A_174, 128 : i32
    %add3A_176 = arith.constant 2 : i32
    %add3A_177 = arith.addi %mul3A_46, %add3A_176 : i32
    %dma_start3A_178 = arith.constant 0 : i32
    %dma_start3A_179 = arith.constant 0 : i32
    %dma_start3A_180 = tpu.memref_slice %arg16[%add3A_177, %dma_start3A_178, %dma_start3A_179] : memref<32x16x128xf32, #tpu.memory_space<vmem>> -> memref<1x16x128xf32, #tpu.memory_space<vmem>>
    %dma_start3A_181 = tpu.memref_squeeze %dma_start3A_180 : memref<1x16x128xf32, #tpu.memory_space<vmem>> -> memref<16x128xf32, #tpu.memory_space<vmem>>
    %dma_start3A_182 = arith.constant 0 : i32
    %dma_start3A_183 = tpu.memref_slice %arg6[%dma_start3A_182, %multiple_of3A_175] : memref<16x1000000xf32, #tpu.memory_space<hbm>> -> memref<16x128xf32, #tpu.memory_space<hbm>>
    %dma_start3A_184 = arith.constant 0 : i32
    %dma_start3A_185 = arith.constant 0 : i32
    %dma_start3A_186 = tpu.memref_slice %arg16[%add3A_177, %dma_start3A_184, %dma_start3A_185] : memref<32x16x128xf32, #tpu.memory_space<vmem>> -> memref<1x16x128xf32, #tpu.memory_space<vmem>>
    %dma_start3A_187 = tpu.memref_squeeze %dma_start3A_186 : memref<1x16x128xf32, #tpu.memory_space<vmem>> -> memref<16x128xf32, #tpu.memory_space<vmem>>
    %dma_start3A_188 = arith.constant 0 : i32
    %dma_start3A_189 = tpu.memref_slice %arg6[%dma_start3A_188, %multiple_of3A_175] : memref<16x1000000xf32, #tpu.memory_space<hbm>> -> memref<16x128xf32, #tpu.memory_space<hbm>>
    tpu.enqueue_dma source(%dma_start3A_189 : memref<16x128xf32, #tpu.memory_space<hbm>>) target(%dma_start3A_187 : memref<16x128xf32, #tpu.memory_space<vmem>>) target_semaphore(%arg21 : memref<!tpu.dma_semaphore, #tpu.memory_space<semaphore_mem>>)
    %eq3A_190 = arith.constant 3 : i32
    %eq3A_191 = vector.broadcast %eq3A_190 : i32 to vector<16xi32>
    %eq3A_192 = arith.cmpi eq, %iota3A, %eq3A_191 : vector<16xi32>
    %jit3A_193 = arith.constant 0 : i32
    %broadcast_in_dim3A_194 = vector.broadcast %jit3A_193 : i32 to vector<16xi32>
    %select_n3A_195 = arith.select %eq3A_192, %get3A_42, %broadcast_in_dim3A_194 : vector<16xi1>, vector<16xi32>
    %reduce_sum3A_196 = arith.constant true
    %reduce_sum3A_197 = vector.broadcast %reduce_sum3A_196 : i1 to vector<16xi1>
    %reduce_sum3A_198 = tpu.scan <sum>, %select_n3A_195 masked %reduce_sum3A_197 : vector<16xi32>, vector<16xi1> -> vector<16xi32>
    %reduce_sum3A_199 = vector.extract %reduce_sum3A_198[15] : i32 from vector<16xi32>
    %jit3A_200 = arith.constant 128 : i32
    %div3A_201 = arith.divsi %reduce_sum3A_199, %jit3A_200 : i32
    %sign3A_202 = arith.constant 0 : i32
    %sign3A_203 = arith.cmpi sgt, %reduce_sum3A_199, %sign3A_202 : i32
    %sign3A_204 = arith.extui %sign3A_203 : i1 to i32
    %sign3A_205 = arith.constant 0 : i32
    %sign3A_206 = arith.cmpi slt, %reduce_sum3A_199, %sign3A_205 : i32
    %sign3A_207 = arith.extui %sign3A_206 : i1 to i32
    %sign3A_208 = arith.subi %sign3A_204, %sign3A_207 : i32
    %sign3A_209 = arith.constant 0 : i32
    %sign3A_210 = arith.cmpi sgt, %jit3A_200, %sign3A_209 : i32
    %sign3A_211 = arith.extui %sign3A_210 : i1 to i32
    %sign3A_212 = arith.constant 0 : i32
    %sign3A_213 = arith.cmpi slt, %jit3A_200, %sign3A_212 : i32
    %sign3A_214 = arith.extui %sign3A_213 : i1 to i32
    %sign3A_215 = arith.subi %sign3A_211, %sign3A_214 : i32
    %ne3A_216 = arith.cmpi ne, %sign3A_208, %sign3A_215 : i32
    %rem3A_217 = arith.remsi %reduce_sum3A_199, %jit3A_200 : i32
    %ne3A_218 = arith.constant 0 : i32
    %ne3A_219 = arith.cmpi ne, %rem3A_217, %ne3A_218 : i32
    %and3A_220 = arith.andi %ne3A_216, %ne3A_219 : i1
    %sub3A_221 = arith.constant 1 : i32
    %sub3A_222 = arith.subi %div3A_201, %sub3A_221 : i32
    %select_n3A_223 = arith.select %and3A_220, %sub3A_222, %div3A_201 : i32
    %mul3A_224 = arith.constant 128 : i32
    %mul3A_225 = arith.muli %select_n3A_223, %mul3A_224 : i32
    %multiple_of3A_226 = tpu.assume_multiple %mul3A_225, 128 : i32
    %add3A_227 = arith.constant 3 : i32
    %add3A_228 = arith.addi %mul3A_46, %add3A_227 : i32
    %dma_start3A_229 = arith.constant 0 : i32
    %dma_start3A_230 = arith.constant 0 : i32
    %dma_start3A_231 = tpu.memref_slice %arg16[%add3A_228, %dma_start3A_229, %dma_start3A_230] : memref<32x16x128xf32, #tpu.memory_space<vmem>> -> memref<1x16x128xf32, #tpu.memory_space<vmem>>
    %dma_start3A_232 = tpu.memref_squeeze %dma_start3A_231 : memref<1x16x128xf32, #tpu.memory_space<vmem>> -> memref<16x128xf32, #tpu.memory_space<vmem>>
    %dma_start3A_233 = arith.constant 0 : i32
    %dma_start3A_234 = tpu.memref_slice %arg6[%dma_start3A_233, %multiple_of3A_226] : memref<16x1000000xf32, #tpu.memory_space<hbm>> -> memref<16x128xf32, #tpu.memory_space<hbm>>
    %dma_start3A_235 = arith.constant 0 : i32
    %dma_start3A_236 = arith.constant 0 : i32
    %dma_start3A_237 = tpu.memref_slice %arg16[%add3A_228, %dma_start3A_235, %dma_start3A_236] : memref<32x16x128xf32, #tpu.memory_space<vmem>> -> memref<1x16x128xf32, #tpu.memory_space<vmem>>
    %dma_start3A_238 = tpu.memref_squeeze %dma_start3A_237 : memref<1x16x128xf32, #tpu.memory_space<vmem>> -> memref<16x128xf32, #tpu.memory_space<vmem>>
    %dma_start3A_239 = arith.constant 0 : i32
    %dma_start3A_240 = tpu.memref_slice %arg6[%dma_start3A_239, %multiple_of3A_226] : memref<16x1000000xf32, #tpu.memory_space<hbm>> -> memref<16x128xf32, #tpu.memory_space<hbm>>
    tpu.enqueue_dma source(%dma_start3A_240 : memref<16x128xf32, #tpu.memory_space<hbm>>) target(%dma_start3A_238 : memref<16x128xf32, #tpu.memory_space<vmem>>) target_semaphore(%arg21 : memref<!tpu.dma_semaphore, #tpu.memory_space<semaphore_mem>>)
    %eq3A_241 = arith.constant 4 : i32
    %eq3A_242 = vector.broadcast %eq3A_241 : i32 to vector<16xi32>
    %eq3A_243 = arith.cmpi eq, %iota3A, %eq3A_242 : vector<16xi32>
    %jit3A_244 = arith.constant 0 : i32
    %broadcast_in_dim3A_245 = vector.broadcast %jit3A_244 : i32 to vector<16xi32>
    %select_n3A_246 = arith.select %eq3A_243, %get3A_42, %broadcast_in_dim3A_245 : vector<16xi1>, vector<16xi32>
    %reduce_sum3A_247 = arith.constant true
    %reduce_sum3A_248 = vector.broadcast %reduce_sum3A_247 : i1 to vector<16xi1>
    %reduce_sum3A_249 = tpu.scan <sum>, %select_n3A_246 masked %reduce_sum3A_248 : vector<16xi32>, vector<16xi1> -> vector<16xi32>
    %reduce_sum3A_250 = vector.extract %reduce_sum3A_249[15] : i32 from vector<16xi32>
    %jit3A_251 = arith.constant 128 : i32
    %div3A_252 = arith.divsi %reduce_sum3A_250, %jit3A_251 : i32
    %sign3A_253 = arith.constant 0 : i32
    %sign3A_254 = arith.cmpi sgt, %reduce_sum3A_250, %sign3A_253 : i32
    %sign3A_255 = arith.extui %sign3A_254 : i1 to i32
    %sign3A_256 = arith.constant 0 : i32
    %sign3A_257 = arith.cmpi slt, %reduce_sum3A_250, %sign3A_256 : i32
    %sign3A_258 = arith.extui %sign3A_257 : i1 to i32
    %sign3A_259 = arith.subi %sign3A_255, %sign3A_258 : i32
    %sign3A_260 = arith.constant 0 : i32
    %sign3A_261 = arith.cmpi sgt, %jit3A_251, %sign3A_260 : i32
    %sign3A_262 = arith.extui %sign3A_261 : i1 to i32
    %sign3A_263 = arith.constant 0 : i32
    %sign3A_264 = arith.cmpi slt, %jit3A_251, %sign3A_263 : i32
    %sign3A_265 = arith.extui %sign3A_264 : i1 to i32
    %sign3A_266 = arith.subi %sign3A_262, %sign3A_265 : i32
    %ne3A_267 = arith.cmpi ne, %sign3A_259, %sign3A_266 : i32
    %rem3A_268 = arith.remsi %reduce_sum3A_250, %jit3A_251 : i32
    %ne3A_269 = arith.constant 0 : i32
    %ne3A_270 = arith.cmpi ne, %rem3A_268, %ne3A_269 : i32
    %and3A_271 = arith.andi %ne3A_267, %ne3A_270 : i1
    %sub3A_272 = arith.constant 1 : i32
    %sub3A_273 = arith.subi %div3A_252, %sub3A_272 : i32
    %select_n3A_274 = arith.select %and3A_271, %sub3A_273, %div3A_252 : i32
    %mul3A_275 = arith.constant 128 : i32
    %mul3A_276 = arith.muli %select_n3A_274, %mul3A_275 : i32
    %multiple_of3A_277 = tpu.assume_multiple %mul3A_276, 128 : i32
    %add3A_278 = arith.constant 4 : i32
    %add3A_279 = arith.addi %mul3A_46, %add3A_278 : i32
    %dma_start3A_280 = arith.constant 0 : i32
    %dma_start3A_281 = arith.constant 0 : i32
    %dma_start3A_282 = tpu.memref_slice %arg16[%add3A_279, %dma_start3A_280, %dma_start3A_281] : memref<32x16x128xf32, #tpu.memory_space<vmem>> -> memref<1x16x128xf32, #tpu.memory_space<vmem>>
    %dma_start3A_283 = tpu.memref_squeeze %dma_start3A_282 : memref<1x16x128xf32, #tpu.memory_space<vmem>> -> memref<16x128xf32, #tpu.memory_space<vmem>>
    %dma_start3A_284 = arith.constant 0 : i32
    %dma_start3A_285 = tpu.memref_slice %arg6[%dma_start3A_284, %multiple_of3A_277] : memref<16x1000000xf32, #tpu.memory_space<hbm>> -> memref<16x128xf32, #tpu.memory_space<hbm>>
    %dma_start3A_286 = arith.constant 0 : i32
    %dma_start3A_287 = arith.constant 0 : i32
    %dma_start3A_288 = tpu.memref_slice %arg16[%add3A_279, %dma_start3A_286, %dma_start3A_287] : memref<32x16x128xf32, #tpu.memory_space<vmem>> -> memref<1x16x128xf32, #tpu.memory_space<vmem>>
    %dma_start3A_289 = tpu.memref_squeeze %dma_start3A_288 : memref<1x16x128xf32, #tpu.memory_space<vmem>> -> memref<16x128xf32, #tpu.memory_space<vmem>>
    %dma_start3A_290 = arith.constant 0 : i32
    %dma_start3A_291 = tpu.memref_slice %arg6[%dma_start3A_290, %multiple_of3A_277] : memref<16x1000000xf32, #tpu.memory_space<hbm>> -> memref<16x128xf32, #tpu.memory_space<hbm>>
    tpu.enqueue_dma source(%dma_start3A_291 : memref<16x128xf32, #tpu.memory_space<hbm>>) target(%dma_start3A_289 : memref<16x128xf32, #tpu.memory_space<vmem>>) target_semaphore(%arg21 : memref<!tpu.dma_semaphore, #tpu.memory_space<semaphore_mem>>)
    %eq3A_292 = arith.constant 5 : i32
    %eq3A_293 = vector.broadcast %eq3A_292 : i32 to vector<16xi32>
    %eq3A_294 = arith.cmpi eq, %iota3A, %eq3A_293 : vector<16xi32>
    %jit3A_295 = arith.constant 0 : i32
    %broadcast_in_dim3A_296 = vector.broadcast %jit3A_295 : i32 to vector<16xi32>
    %select_n3A_297 = arith.select %eq3A_294, %get3A_42, %broadcast_in_dim3A_296 : vector<16xi1>, vector<16xi32>
    %reduce_sum3A_298 = arith.constant true
    %reduce_sum3A_299 = vector.broadcast %reduce_sum3A_298 : i1 to vector<16xi1>
    %reduce_sum3A_300 = tpu.scan <sum>, %select_n3A_297 masked %reduce_sum3A_299 : vector<16xi32>, vector<16xi1> -> vector<16xi32>
    %reduce_sum3A_301 = vector.extract %reduce_sum3A_300[15] : i32 from vector<16xi32>
    %jit3A_302 = arith.constant 128 : i32
    %div3A_303 = arith.divsi %reduce_sum3A_301, %jit3A_302 : i32
    %sign3A_304 = arith.constant 0 : i32
    %sign3A_305 = arith.cmpi sgt, %reduce_sum3A_301, %sign3A_304 : i32
    %sign3A_306 = arith.extui %sign3A_305 : i1 to i32
    %sign3A_307 = arith.constant 0 : i32
    %sign3A_308 = arith.cmpi slt, %reduce_sum3A_301, %sign3A_307 : i32
    %sign3A_309 = arith.extui %sign3A_308 : i1 to i32
    %sign3A_310 = arith.subi %sign3A_306, %sign3A_309 : i32
    %sign3A_311 = arith.constant 0 : i32
    %sign3A_312 = arith.cmpi sgt, %jit3A_302, %sign3A_311 : i32
    %sign3A_313 = arith.extui %sign3A_312 : i1 to i32
    %sign3A_314 = arith.constant 0 : i32
    %sign3A_315 = arith.cmpi slt, %jit3A_302, %sign3A_314 : i32
    %sign3A_316 = arith.extui %sign3A_315 : i1 to i32
    %sign3A_317 = arith.subi %sign3A_313, %sign3A_316 : i32
    %ne3A_318 = arith.cmpi ne, %sign3A_310, %sign3A_317 : i32
    %rem3A_319 = arith.remsi %reduce_sum3A_301, %jit3A_302 : i32
    %ne3A_320 = arith.constant 0 : i32
    %ne3A_321 = arith.cmpi ne, %rem3A_319, %ne3A_320 : i32
    %and3A_322 = arith.andi %ne3A_318, %ne3A_321 : i1
    %sub3A_323 = arith.constant 1 : i32
    %sub3A_324 = arith.subi %div3A_303, %sub3A_323 : i32
    %select_n3A_325 = arith.select %and3A_322, %sub3A_324, %div3A_303 : i32
    %mul3A_326 = arith.constant 128 : i32
    %mul3A_327 = arith.muli %select_n3A_325, %mul3A_326 : i32
    %multiple_of3A_328 = tpu.assume_multiple %mul3A_327, 128 : i32
    %add3A_329 = arith.constant 5 : i32
    %add3A_330 = arith.addi %mul3A_46, %add3A_329 : i32
    %dma_start3A_331 = arith.constant 0 : i32
    %dma_start3A_332 = arith.constant 0 : i32
    %dma_start3A_333 = tpu.memref_slice %arg16[%add3A_330, %dma_start3A_331, %dma_start3A_332] : memref<32x16x128xf32, #tpu.memory_space<vmem>> -> memref<1x16x128xf32, #tpu.memory_space<vmem>>
    %dma_start3A_334 = tpu.memref_squeeze %dma_start3A_333 : memref<1x16x128xf32, #tpu.memory_space<vmem>> -> memref<16x128xf32, #tpu.memory_space<vmem>>
    %dma_start3A_335 = arith.constant 0 : i32
    %dma_start3A_336 = tpu.memref_slice %arg6[%dma_start3A_335, %multiple_of3A_328] : memref<16x1000000xf32, #tpu.memory_space<hbm>> -> memref<16x128xf32, #tpu.memory_space<hbm>>
    %dma_start3A_337 = arith.constant 0 : i32
    %dma_start3A_338 = arith.constant 0 : i32
    %dma_start3A_339 = tpu.memref_slice %arg16[%add3A_330, %dma_start3A_337, %dma_start3A_338] : memref<32x16x128xf32, #tpu.memory_space<vmem>> -> memref<1x16x128xf32, #tpu.memory_space<vmem>>
    %dma_start3A_340 = tpu.memref_squeeze %dma_start3A_339 : memref<1x16x128xf32, #tpu.memory_space<vmem>> -> memref<16x128xf32, #tpu.memory_space<vmem>>
    %dma_start3A_341 = arith.constant 0 : i32
    %dma_start3A_342 = tpu.memref_slice %arg6[%dma_start3A_341, %multiple_of3A_328] : memref<16x1000000xf32, #tpu.memory_space<hbm>> -> memref<16x128xf32, #tpu.memory_space<hbm>>
    tpu.enqueue_dma source(%dma_start3A_342 : memref<16x128xf32, #tpu.memory_space<hbm>>) target(%dma_start3A_340 : memref<16x128xf32, #tpu.memory_space<vmem>>) target_semaphore(%arg21 : memref<!tpu.dma_semaphore, #tpu.memory_space<semaphore_mem>>)
    %eq3A_343 = arith.constant 6 : i32
    %eq3A_344 = vector.broadcast %eq3A_343 : i32 to vector<16xi32>
    %eq3A_345 = arith.cmpi eq, %iota3A, %eq3A_344 : vector<16xi32>
    %jit3A_346 = arith.constant 0 : i32
    %broadcast_in_dim3A_347 = vector.broadcast %jit3A_346 : i32 to vector<16xi32>
    %select_n3A_348 = arith.select %eq3A_345, %get3A_42, %broadcast_in_dim3A_347 : vector<16xi1>, vector<16xi32>
    %reduce_sum3A_349 = arith.constant true
    %reduce_sum3A_350 = vector.broadcast %reduce_sum3A_349 : i1 to vector<16xi1>
    %reduce_sum3A_351 = tpu.scan <sum>, %select_n3A_348 masked %reduce_sum3A_350 : vector<16xi32>, vector<16xi1> -> vector<16xi32>
    %reduce_sum3A_352 = vector.extract %reduce_sum3A_351[15] : i32 from vector<16xi32>
    %jit3A_353 = arith.constant 128 : i32
    %div3A_354 = arith.divsi %reduce_sum3A_352, %jit3A_353 : i32
    %sign3A_355 = arith.constant 0 : i32
    %sign3A_356 = arith.cmpi sgt, %reduce_sum3A_352, %sign3A_355 : i32
    %sign3A_357 = arith.extui %sign3A_356 : i1 to i32
    %sign3A_358 = arith.constant 0 : i32
    %sign3A_359 = arith.cmpi slt, %reduce_sum3A_352, %sign3A_358 : i32
    %sign3A_360 = arith.extui %sign3A_359 : i1 to i32
    %sign3A_361 = arith.subi %sign3A_357, %sign3A_360 : i32
    %sign3A_362 = arith.constant 0 : i32
    %sign3A_363 = arith.cmpi sgt, %jit3A_353, %sign3A_362 : i32
    %sign3A_364 = arith.extui %sign3A_363 : i1 to i32
    %sign3A_365 = arith.constant 0 : i32
    %sign3A_366 = arith.cmpi slt, %jit3A_353, %sign3A_365 : i32
    %sign3A_367 = arith.extui %sign3A_366 : i1 to i32
    %sign3A_368 = arith.subi %sign3A_364, %sign3A_367 : i32
    %ne3A_369 = arith.cmpi ne, %sign3A_361, %sign3A_368 : i32
    %rem3A_370 = arith.remsi %reduce_sum3A_352, %jit3A_353 : i32
    %ne3A_371 = arith.constant 0 : i32
    %ne3A_372 = arith.cmpi ne, %rem3A_370, %ne3A_371 : i32
    %and3A_373 = arith.andi %ne3A_369, %ne3A_372 : i1
    %sub3A_374 = arith.constant 1 : i32
    %sub3A_375 = arith.subi %div3A_354, %sub3A_374 : i32
    %select_n3A_376 = arith.select %and3A_373, %sub3A_375, %div3A_354 : i32
    %mul3A_377 = arith.constant 128 : i32
    %mul3A_378 = arith.muli %select_n3A_376, %mul3A_377 : i32
    %multiple_of3A_379 = tpu.assume_multiple %mul3A_378, 128 : i32
    %add3A_380 = arith.constant 6 : i32
    %add3A_381 = arith.addi %mul3A_46, %add3A_380 : i32
    %dma_start3A_382 = arith.constant 0 : i32
    %dma_start3A_383 = arith.constant 0 : i32
    %dma_start3A_384 = tpu.memref_slice %arg16[%add3A_381, %dma_start3A_382, %dma_start3A_383] : memref<32x16x128xf32, #tpu.memory_space<vmem>> -> memref<1x16x128xf32, #tpu.memory_space<vmem>>
    %dma_start3A_385 = tpu.memref_squeeze %dma_start3A_384 : memref<1x16x128xf32, #tpu.memory_space<vmem>> -> memref<16x128xf32, #tpu.memory_space<vmem>>
    %dma_start3A_386 = arith.constant 0 : i32
    %dma_start3A_387 = tpu.memref_slice %arg6[%dma_start3A_386, %multiple_of3A_379] : memref<16x1000000xf32, #tpu.memory_space<hbm>> -> memref<16x128xf32, #tpu.memory_space<hbm>>
    %dma_start3A_388 = arith.constant 0 : i32
    %dma_start3A_389 = arith.constant 0 : i32
    %dma_start3A_390 = tpu.memref_slice %arg16[%add3A_381, %dma_start3A_388, %dma_start3A_389] : memref<32x16x128xf32, #tpu.memory_space<vmem>> -> memref<1x16x128xf32, #tpu.memory_space<vmem>>
    %dma_start3A_391 = tpu.memref_squeeze %dma_start3A_390 : memref<1x16x128xf32, #tpu.memory_space<vmem>> -> memref<16x128xf32, #tpu.memory_space<vmem>>
    %dma_start3A_392 = arith.constant 0 : i32
    %dma_start3A_393 = tpu.memref_slice %arg6[%dma_start3A_392, %multiple_of3A_379] : memref<16x1000000xf32, #tpu.memory_space<hbm>> -> memref<16x128xf32, #tpu.memory_space<hbm>>
    tpu.enqueue_dma source(%dma_start3A_393 : memref<16x128xf32, #tpu.memory_space<hbm>>) target(%dma_start3A_391 : memref<16x128xf32, #tpu.memory_space<vmem>>) target_semaphore(%arg21 : memref<!tpu.dma_semaphore, #tpu.memory_space<semaphore_mem>>)
    %eq3A_394 = arith.constant 7 : i32
    %eq3A_395 = vector.broadcast %eq3A_394 : i32 to vector<16xi32>
    %eq3A_396 = arith.cmpi eq, %iota3A, %eq3A_395 : vector<16xi32>
    %jit3A_397 = arith.constant 0 : i32
    %broadcast_in_dim3A_398 = vector.broadcast %jit3A_397 : i32 to vector<16xi32>
    %select_n3A_399 = arith.select %eq3A_396, %get3A_42, %broadcast_in_dim3A_398 : vector<16xi1>, vector<16xi32>
    %reduce_sum3A_400 = arith.constant true
    %reduce_sum3A_401 = vector.broadcast %reduce_sum3A_400 : i1 to vector<16xi1>
    %reduce_sum3A_402 = tpu.scan <sum>, %select_n3A_399 masked %reduce_sum3A_401 : vector<16xi32>, vector<16xi1> -> vector<16xi32>
    %reduce_sum3A_403 = vector.extract %reduce_sum3A_402[15] : i32 from vector<16xi32>
    %jit3A_404 = arith.constant 128 : i32
    %div3A_405 = arith.divsi %reduce_sum3A_403, %jit3A_404 : i32
    %sign3A_406 = arith.constant 0 : i32
    %sign3A_407 = arith.cmpi sgt, %reduce_sum3A_403, %sign3A_406 : i32
    %sign3A_408 = arith.extui %sign3A_407 : i1 to i32
    %sign3A_409 = arith.constant 0 : i32
    %sign3A_410 = arith.cmpi slt, %reduce_sum3A_403, %sign3A_409 : i32
    %sign3A_411 = arith.extui %sign3A_410 : i1 to i32
    %sign3A_412 = arith.subi %sign3A_408, %sign3A_411 : i32
    %sign3A_413 = arith.constant 0 : i32
    %sign3A_414 = arith.cmpi sgt, %jit3A_404, %sign3A_413 : i32
    %sign3A_415 = arith.extui %sign3A_414 : i1 to i32
    %sign3A_416 = arith.constant 0 : i32
    %sign3A_417 = arith.cmpi slt, %jit3A_404, %sign3A_416 : i32
    %sign3A_418 = arith.extui %sign3A_417 : i1 to i32
    %sign3A_419 = arith.subi %sign3A_415, %sign3A_418 : i32
    %ne3A_420 = arith.cmpi ne, %sign3A_412, %sign3A_419 : i32
    %rem3A_421 = arith.remsi %reduce_sum3A_403, %jit3A_404 : i32
    %ne3A_422 = arith.constant 0 : i32
    %ne3A_423 = arith.cmpi ne, %rem3A_421, %ne3A_422 : i32
    %and3A_424 = arith.andi %ne3A_420, %ne3A_423 : i1
    %sub3A_425 = arith.constant 1 : i32
    %sub3A_426 = arith.subi %div3A_405, %sub3A_425 : i32
    %select_n3A_427 = arith.select %and3A_424, %sub3A_426, %div3A_405 : i32
    %mul3A_428 = arith.constant 128 : i32
    %mul3A_429 = arith.muli %select_n3A_427, %mul3A_428 : i32
    %multiple_of3A_430 = tpu.assume_multiple %mul3A_429, 128 : i32
    %add3A_431 = arith.constant 7 : i32
    %add3A_432 = arith.addi %mul3A_46, %add3A_431 : i32
    %dma_start3A_433 = arith.constant 0 : i32
    %dma_start3A_434 = arith.constant 0 : i32
    %dma_start3A_435 = tpu.memref_slice %arg16[%add3A_432, %dma_start3A_433, %dma_start3A_434] : memref<32x16x128xf32, #tpu.memory_space<vmem>> -> memref<1x16x128xf32, #tpu.memory_space<vmem>>
    %dma_start3A_436 = tpu.memref_squeeze %dma_start3A_435 : memref<1x16x128xf32, #tpu.memory_space<vmem>> -> memref<16x128xf32, #tpu.memory_space<vmem>>
    %dma_start3A_437 = arith.constant 0 : i32
    %dma_start3A_438 = tpu.memref_slice %arg6[%dma_start3A_437, %multiple_of3A_430] : memref<16x1000000xf32, #tpu.memory_space<hbm>> -> memref<16x128xf32, #tpu.memory_space<hbm>>
    %dma_start3A_439 = arith.constant 0 : i32
    %dma_start3A_440 = arith.constant 0 : i32
    %dma_start3A_441 = tpu.memref_slice %arg16[%add3A_432, %dma_start3A_439, %dma_start3A_440] : memref<32x16x128xf32, #tpu.memory_space<vmem>> -> memref<1x16x128xf32, #tpu.memory_space<vmem>>
    %dma_start3A_442 = tpu.memref_squeeze %dma_start3A_441 : memref<1x16x128xf32, #tpu.memory_space<vmem>> -> memref<16x128xf32, #tpu.memory_space<vmem>>
    %dma_start3A_443 = arith.constant 0 : i32
    %dma_start3A_444 = tpu.memref_slice %arg6[%dma_start3A_443, %multiple_of3A_430] : memref<16x1000000xf32, #tpu.memory_space<hbm>> -> memref<16x128xf32, #tpu.memory_space<hbm>>
    tpu.enqueue_dma source(%dma_start3A_444 : memref<16x128xf32, #tpu.memory_space<hbm>>) target(%dma_start3A_442 : memref<16x128xf32, #tpu.memory_space<vmem>>) target_semaphore(%arg21 : memref<!tpu.dma_semaphore, #tpu.memory_space<semaphore_mem>>)
    %eq3A_445 = arith.constant 8 : i32
    %eq3A_446 = vector.broadcast %eq3A_445 : i32 to vector<16xi32>
    %eq3A_447 = arith.cmpi eq, %iota3A, %eq3A_446 : vector<16xi32>
    %jit3A_448 = arith.constant 0 : i32
    %broadcast_in_dim3A_449 = vector.broadcast %jit3A_448 : i32 to vector<16xi32>
    %select_n3A_450 = arith.select %eq3A_447, %get3A_42, %broadcast_in_dim3A_449 : vector<16xi1>, vector<16xi32>
    %reduce_sum3A_451 = arith.constant true
    %reduce_sum3A_452 = vector.broadcast %reduce_sum3A_451 : i1 to vector<16xi1>
    %reduce_sum3A_453 = tpu.scan <sum>, %select_n3A_450 masked %reduce_sum3A_452 : vector<16xi32>, vector<16xi1> -> vector<16xi32>
    %reduce_sum3A_454 = vector.extract %reduce_sum3A_453[15] : i32 from vector<16xi32>
    %jit3A_455 = arith.constant 128 : i32
    %div3A_456 = arith.divsi %reduce_sum3A_454, %jit3A_455 : i32
    %sign3A_457 = arith.constant 0 : i32
    %sign3A_458 = arith.cmpi sgt, %reduce_sum3A_454, %sign3A_457 : i32
    %sign3A_459 = arith.extui %sign3A_458 : i1 to i32
    %sign3A_460 = arith.constant 0 : i32
    %sign3A_461 = arith.cmpi slt, %reduce_sum3A_454, %sign3A_460 : i32
    %sign3A_462 = arith.extui %sign3A_461 : i1 to i32
    %sign3A_463 = arith.subi %sign3A_459, %sign3A_462 : i32
    %sign3A_464 = arith.constant 0 : i32
    %sign3A_465 = arith.cmpi sgt, %jit3A_455, %sign3A_464 : i32
    %sign3A_466 = arith.extui %sign3A_465 : i1 to i32
    %sign3A_467 = arith.constant 0 : i32
    %sign3A_468 = arith.cmpi slt, %jit3A_455, %sign3A_467 : i32
    %sign3A_469 = arith.extui %sign3A_468 : i1 to i32
    %sign3A_470 = arith.subi %sign3A_466, %sign3A_469 : i32
    %ne3A_471 = arith.cmpi ne, %sign3A_463, %sign3A_470 : i32
    %rem3A_472 = arith.remsi %reduce_sum3A_454, %jit3A_455 : i32
    %ne3A_473 = arith.constant 0 : i32
    %ne3A_474 = arith.cmpi ne, %rem3A_472, %ne3A_473 : i32
    %and3A_475 = arith.andi %ne3A_471, %ne3A_474 : i1
    %sub3A_476 = arith.constant 1 : i32
    %sub3A_477 = arith.subi %div3A_456, %sub3A_476 : i32
    %select_n3A_478 = arith.select %and3A_475, %sub3A_477, %div3A_456 : i32
    %mul3A_479 = arith.constant 128 : i32
    %mul3A_480 = arith.muli %select_n3A_478, %mul3A_479 : i32
    %multiple_of3A_481 = tpu.assume_multiple %mul3A_480, 128 : i32
    %add3A_482 = arith.constant 8 : i32
    %add3A_483 = arith.addi %mul3A_46, %add3A_482 : i32
    %dma_start3A_484 = arith.constant 0 : i32
    %dma_start3A_485 = arith.constant 0 : i32
    %dma_start3A_486 = tpu.memref_slice %arg16[%add3A_483, %dma_start3A_484, %dma_start3A_485] : memref<32x16x128xf32, #tpu.memory_space<vmem>> -> memref<1x16x128xf32, #tpu.memory_space<vmem>>
    %dma_start3A_487 = tpu.memref_squeeze %dma_start3A_486 : memref<1x16x128xf32, #tpu.memory_space<vmem>> -> memref<16x128xf32, #tpu.memory_space<vmem>>
    %dma_start3A_488 = arith.constant 0 : i32
    %dma_start3A_489 = tpu.memref_slice %arg6[%dma_start3A_488, %multiple_of3A_481] : memref<16x1000000xf32, #tpu.memory_space<hbm>> -> memref<16x128xf32, #tpu.memory_space<hbm>>
    %dma_start3A_490 = arith.constant 0 : i32
    %dma_start3A_491 = arith.constant 0 : i32
    %dma_start3A_492 = tpu.memref_slice %arg16[%add3A_483, %dma_start3A_490, %dma_start3A_491] : memref<32x16x128xf32, #tpu.memory_space<vmem>> -> memref<1x16x128xf32, #tpu.memory_space<vmem>>
    %dma_start3A_493 = tpu.memref_squeeze %dma_start3A_492 : memref<1x16x128xf32, #tpu.memory_space<vmem>> -> memref<16x128xf32, #tpu.memory_space<vmem>>
    %dma_start3A_494 = arith.constant 0 : i32
    %dma_start3A_495 = tpu.memref_slice %arg6[%dma_start3A_494, %multiple_of3A_481] : memref<16x1000000xf32, #tpu.memory_space<hbm>> -> memref<16x128xf32, #tpu.memory_space<hbm>>
    tpu.enqueue_dma source(%dma_start3A_495 : memref<16x128xf32, #tpu.memory_space<hbm>>) target(%dma_start3A_493 : memref<16x128xf32, #tpu.memory_space<vmem>>) target_semaphore(%arg21 : memref<!tpu.dma_semaphore, #tpu.memory_space<semaphore_mem>>)
    %eq3A_496 = arith.constant 9 : i32
    %eq3A_497 = vector.broadcast %eq3A_496 : i32 to vector<16xi32>
    %eq3A_498 = arith.cmpi eq, %iota3A, %eq3A_497 : vector<16xi32>
    %jit3A_499 = arith.constant 0 : i32
    %broadcast_in_dim3A_500 = vector.broadcast %jit3A_499 : i32 to vector<16xi32>
    %select_n3A_501 = arith.select %eq3A_498, %get3A_42, %broadcast_in_dim3A_500 : vector<16xi1>, vector<16xi32>
    %reduce_sum3A_502 = arith.constant true
    %reduce_sum3A_503 = vector.broadcast %reduce_sum3A_502 : i1 to vector<16xi1>
    %reduce_sum3A_504 = tpu.scan <sum>, %select_n3A_501 masked %reduce_sum3A_503 : vector<16xi32>, vector<16xi1> -> vector<16xi32>
    %reduce_sum3A_505 = vector.extract %reduce_sum3A_504[15] : i32 from vector<16xi32>
    %jit3A_506 = arith.constant 128 : i32
    %div3A_507 = arith.divsi %reduce_sum3A_505, %jit3A_506 : i32
    %sign3A_508 = arith.constant 0 : i32
    %sign3A_509 = arith.cmpi sgt, %reduce_sum3A_505, %sign3A_508 : i32
    %sign3A_510 = arith.extui %sign3A_509 : i1 to i32
    %sign3A_511 = arith.constant 0 : i32
    %sign3A_512 = arith.cmpi slt, %reduce_sum3A_505, %sign3A_511 : i32
    %sign3A_513 = arith.extui %sign3A_512 : i1 to i32
    %sign3A_514 = arith.subi %sign3A_510, %sign3A_513 : i32
    %sign3A_515 = arith.constant 0 : i32
    %sign3A_516 = arith.cmpi sgt, %jit3A_506, %sign3A_515 : i32
    %sign3A_517 = arith.extui %sign3A_516 : i1 to i32
    %sign3A_518 = arith.constant 0 : i32
    %sign3A_519 = arith.cmpi slt, %jit3A_506, %sign3A_518 : i32
    %sign3A_520 = arith.extui %sign3A_519 : i1 to i32
    %sign3A_521 = arith.subi %sign3A_517, %sign3A_520 : i32
    %ne3A_522 = arith.cmpi ne, %sign3A_514, %sign3A_521 : i32
    %rem3A_523 = arith.remsi %reduce_sum3A_505, %jit3A_506 : i32
    %ne3A_524 = arith.constant 0 : i32
    %ne3A_525 = arith.cmpi ne, %rem3A_523, %ne3A_524 : i32
    %and3A_526 = arith.andi %ne3A_522, %ne3A_525 : i1
    %sub3A_527 = arith.constant 1 : i32
    %sub3A_528 = arith.subi %div3A_507, %sub3A_527 : i32
    %select_n3A_529 = arith.select %and3A_526, %sub3A_528, %div3A_507 : i32
    %mul3A_530 = arith.constant 128 : i32
    %mul3A_531 = arith.muli %select_n3A_529, %mul3A_530 : i32
    %multiple_of3A_532 = tpu.assume_multiple %mul3A_531, 128 : i32
    %add3A_533 = arith.constant 9 : i32
    %add3A_534 = arith.addi %mul3A_46, %add3A_533 : i32
    %dma_start3A_535 = arith.constant 0 : i32
    %dma_start3A_536 = arith.constant 0 : i32
    %dma_start3A_537 = tpu.memref_slice %arg16[%add3A_534, %dma_start3A_535, %dma_start3A_536] : memref<32x16x128xf32, #tpu.memory_space<vmem>> -> memref<1x16x128xf32, #tpu.memory_space<vmem>>
    %dma_start3A_538 = tpu.memref_squeeze %dma_start3A_537 : memref<1x16x128xf32, #tpu.memory_space<vmem>> -> memref<16x128xf32, #tpu.memory_space<vmem>>
    %dma_start3A_539 = arith.constant 0 : i32
    %dma_start3A_540 = tpu.memref_slice %arg6[%dma_start3A_539, %multiple_of3A_532] : memref<16x1000000xf32, #tpu.memory_space<hbm>> -> memref<16x128xf32, #tpu.memory_space<hbm>>
    %dma_start3A_541 = arith.constant 0 : i32
    %dma_start3A_542 = arith.constant 0 : i32
    %dma_start3A_543 = tpu.memref_slice %arg16[%add3A_534, %dma_start3A_541, %dma_start3A_542] : memref<32x16x128xf32, #tpu.memory_space<vmem>> -> memref<1x16x128xf32, #tpu.memory_space<vmem>>
    %dma_start3A_544 = tpu.memref_squeeze %dma_start3A_543 : memref<1x16x128xf32, #tpu.memory_space<vmem>> -> memref<16x128xf32, #tpu.memory_space<vmem>>
    %dma_start3A_545 = arith.constant 0 : i32
    %dma_start3A_546 = tpu.memref_slice %arg6[%dma_start3A_545, %multiple_of3A_532] : memref<16x1000000xf32, #tpu.memory_space<hbm>> -> memref<16x128xf32, #tpu.memory_space<hbm>>
    tpu.enqueue_dma source(%dma_start3A_546 : memref<16x128xf32, #tpu.memory_space<hbm>>) target(%dma_start3A_544 : memref<16x128xf32, #tpu.memory_space<vmem>>) target_semaphore(%arg21 : memref<!tpu.dma_semaphore, #tpu.memory_space<semaphore_mem>>)
    %eq3A_547 = arith.constant 10 : i32
    %eq3A_548 = vector.broadcast %eq3A_547 : i32 to vector<16xi32>
    %eq3A_549 = arith.cmpi eq, %iota3A, %eq3A_548 : vector<16xi32>
    %jit3A_550 = arith.constant 0 : i32
    %broadcast_in_dim3A_551 = vector.broadcast %jit3A_550 : i32 to vector<16xi32>
    %select_n3A_552 = arith.select %eq3A_549, %get3A_42, %broadcast_in_dim3A_551 : vector<16xi1>, vector<16xi32>
    %reduce_sum3A_553 = arith.constant true
    %reduce_sum3A_554 = vector.broadcast %reduce_sum3A_553 : i1 to vector<16xi1>
    %reduce_sum3A_555 = tpu.scan <sum>, %select_n3A_552 masked %reduce_sum3A_554 : vector<16xi32>, vector<16xi1> -> vector<16xi32>
    %reduce_sum3A_556 = vector.extract %reduce_sum3A_555[15] : i32 from vector<16xi32>
    %jit3A_557 = arith.constant 128 : i32
    %div3A_558 = arith.divsi %reduce_sum3A_556, %jit3A_557 : i32
    %sign3A_559 = arith.constant 0 : i32
    %sign3A_560 = arith.cmpi sgt, %reduce_sum3A_556, %sign3A_559 : i32
    %sign3A_561 = arith.extui %sign3A_560 : i1 to i32
    %sign3A_562 = arith.constant 0 : i32
    %sign3A_563 = arith.cmpi slt, %reduce_sum3A_556, %sign3A_562 : i32
    %sign3A_564 = arith.extui %sign3A_563 : i1 to i32
    %sign3A_565 = arith.subi %sign3A_561, %sign3A_564 : i32
    %sign3A_566 = arith.constant 0 : i32
    %sign3A_567 = arith.cmpi sgt, %jit3A_557, %sign3A_566 : i32
    %sign3A_568 = arith.extui %sign3A_567 : i1 to i32
    %sign3A_569 = arith.constant 0 : i32
    %sign3A_570 = arith.cmpi slt, %jit3A_557, %sign3A_569 : i32
    %sign3A_571 = arith.extui %sign3A_570 : i1 to i32
    %sign3A_572 = arith.subi %sign3A_568, %sign3A_571 : i32
    %ne3A_573 = arith.cmpi ne, %sign3A_565, %sign3A_572 : i32
    %rem3A_574 = arith.remsi %reduce_sum3A_556, %jit3A_557 : i32
    %ne3A_575 = arith.constant 0 : i32
    %ne3A_576 = arith.cmpi ne, %rem3A_574, %ne3A_575 : i32
    %and3A_577 = arith.andi %ne3A_573, %ne3A_576 : i1
    %sub3A_578 = arith.constant 1 : i32
    %sub3A_579 = arith.subi %div3A_558, %sub3A_578 : i32
    %select_n3A_580 = arith.select %and3A_577, %sub3A_579, %div3A_558 : i32
    %mul3A_581 = arith.constant 128 : i32
    %mul3A_582 = arith.muli %select_n3A_580, %mul3A_581 : i32
    %multiple_of3A_583 = tpu.assume_multiple %mul3A_582, 128 : i32
    %add3A_584 = arith.constant 10 : i32
    %add3A_585 = arith.addi %mul3A_46, %add3A_584 : i32
    %dma_start3A_586 = arith.constant 0 : i32
    %dma_start3A_587 = arith.constant 0 : i32
    %dma_start3A_588 = tpu.memref_slice %arg16[%add3A_585, %dma_start3A_586, %dma_start3A_587] : memref<32x16x128xf32, #tpu.memory_space<vmem>> -> memref<1x16x128xf32, #tpu.memory_space<vmem>>
    %dma_start3A_589 = tpu.memref_squeeze %dma_start3A_588 : memref<1x16x128xf32, #tpu.memory_space<vmem>> -> memref<16x128xf32, #tpu.memory_space<vmem>>
    %dma_start3A_590 = arith.constant 0 : i32
    %dma_start3A_591 = tpu.memref_slice %arg6[%dma_start3A_590, %multiple_of3A_583] : memref<16x1000000xf32, #tpu.memory_space<hbm>> -> memref<16x128xf32, #tpu.memory_space<hbm>>
    %dma_start3A_592 = arith.constant 0 : i32
    %dma_start3A_593 = arith.constant 0 : i32
    %dma_start3A_594 = tpu.memref_slice %arg16[%add3A_585, %dma_start3A_592, %dma_start3A_593] : memref<32x16x128xf32, #tpu.memory_space<vmem>> -> memref<1x16x128xf32, #tpu.memory_space<vmem>>
    %dma_start3A_595 = tpu.memref_squeeze %dma_start3A_594 : memref<1x16x128xf32, #tpu.memory_space<vmem>> -> memref<16x128xf32, #tpu.memory_space<vmem>>
    %dma_start3A_596 = arith.constant 0 : i32
    %dma_start3A_597 = tpu.memref_slice %arg6[%dma_start3A_596, %multiple_of3A_583] : memref<16x1000000xf32, #tpu.memory_space<hbm>> -> memref<16x128xf32, #tpu.memory_space<hbm>>
    tpu.enqueue_dma source(%dma_start3A_597 : memref<16x128xf32, #tpu.memory_space<hbm>>) target(%dma_start3A_595 : memref<16x128xf32, #tpu.memory_space<vmem>>) target_semaphore(%arg21 : memref<!tpu.dma_semaphore, #tpu.memory_space<semaphore_mem>>)
    %eq3A_598 = arith.constant 11 : i32
    %eq3A_599 = vector.broadcast %eq3A_598 : i32 to vector<16xi32>
    %eq3A_600 = arith.cmpi eq, %iota3A, %eq3A_599 : vector<16xi32>
    %jit3A_601 = arith.constant 0 : i32
    %broadcast_in_dim3A_602 = vector.broadcast %jit3A_601 : i32 to vector<16xi32>
    %select_n3A_603 = arith.select %eq3A_600, %get3A_42, %broadcast_in_dim3A_602 : vector<16xi1>, vector<16xi32>
    %reduce_sum3A_604 = arith.constant true
    %reduce_sum3A_605 = vector.broadcast %reduce_sum3A_604 : i1 to vector<16xi1>
    %reduce_sum3A_606 = tpu.scan <sum>, %select_n3A_603 masked %reduce_sum3A_605 : vector<16xi32>, vector<16xi1> -> vector<16xi32>
    %reduce_sum3A_607 = vector.extract %reduce_sum3A_606[15] : i32 from vector<16xi32>
    %jit3A_608 = arith.constant 128 : i32
    %div3A_609 = arith.divsi %reduce_sum3A_607, %jit3A_608 : i32
    %sign3A_610 = arith.constant 0 : i32
    %sign3A_611 = arith.cmpi sgt, %reduce_sum3A_607, %sign3A_610 : i32
    %sign3A_612 = arith.extui %sign3A_611 : i1 to i32
    %sign3A_613 = arith.constant 0 : i32
    %sign3A_614 = arith.cmpi slt, %reduce_sum3A_607, %sign3A_613 : i32
    %sign3A_615 = arith.extui %sign3A_614 : i1 to i32
    %sign3A_616 = arith.subi %sign3A_612, %sign3A_615 : i32
    %sign3A_617 = arith.constant 0 : i32
    %sign3A_618 = arith.cmpi sgt, %jit3A_608, %sign3A_617 : i32
    %sign3A_619 = arith.extui %sign3A_618 : i1 to i32
    %sign3A_620 = arith.constant 0 : i32
    %sign3A_621 = arith.cmpi slt, %jit3A_608, %sign3A_620 : i32
    %sign3A_622 = arith.extui %sign3A_621 : i1 to i32
    %sign3A_623 = arith.subi %sign3A_619, %sign3A_622 : i32
    %ne3A_624 = arith.cmpi ne, %sign3A_616, %sign3A_623 : i32
    %rem3A_625 = arith.remsi %reduce_sum3A_607, %jit3A_608 : i32
    %ne3A_626 = arith.constant 0 : i32
    %ne3A_627 = arith.cmpi ne, %rem3A_625, %ne3A_626 : i32
    %and3A_628 = arith.andi %ne3A_624, %ne3A_627 : i1
    %sub3A_629 = arith.constant 1 : i32
    %sub3A_630 = arith.subi %div3A_609, %sub3A_629 : i32
    %select_n3A_631 = arith.select %and3A_628, %sub3A_630, %div3A_609 : i32
    %mul3A_632 = arith.constant 128 : i32
    %mul3A_633 = arith.muli %select_n3A_631, %mul3A_632 : i32
    %multiple_of3A_634 = tpu.assume_multiple %mul3A_633, 128 : i32
    %add3A_635 = arith.constant 11 : i32
    %add3A_636 = arith.addi %mul3A_46, %add3A_635 : i32
    %dma_start3A_637 = arith.constant 0 : i32
    %dma_start3A_638 = arith.constant 0 : i32
    %dma_start3A_639 = tpu.memref_slice %arg16[%add3A_636, %dma_start3A_637, %dma_start3A_638] : memref<32x16x128xf32, #tpu.memory_space<vmem>> -> memref<1x16x128xf32, #tpu.memory_space<vmem>>
    %dma_start3A_640 = tpu.memref_squeeze %dma_start3A_639 : memref<1x16x128xf32, #tpu.memory_space<vmem>> -> memref<16x128xf32, #tpu.memory_space<vmem>>
    %dma_start3A_641 = arith.constant 0 : i32
    %dma_start3A_642 = tpu.memref_slice %arg6[%dma_start3A_641, %multiple_of3A_634] : memref<16x1000000xf32, #tpu.memory_space<hbm>> -> memref<16x128xf32, #tpu.memory_space<hbm>>
    %dma_start3A_643 = arith.constant 0 : i32
    %dma_start3A_644 = arith.constant 0 : i32
    %dma_start3A_645 = tpu.memref_slice %arg16[%add3A_636, %dma_start3A_643, %dma_start3A_644] : memref<32x16x128xf32, #tpu.memory_space<vmem>> -> memref<1x16x128xf32, #tpu.memory_space<vmem>>
    %dma_start3A_646 = tpu.memref_squeeze %dma_start3A_645 : memref<1x16x128xf32, #tpu.memory_space<vmem>> -> memref<16x128xf32, #tpu.memory_space<vmem>>
    %dma_start3A_647 = arith.constant 0 : i32
    %dma_start3A_648 = tpu.memref_slice %arg6[%dma_start3A_647, %multiple_of3A_634] : memref<16x1000000xf32, #tpu.memory_space<hbm>> -> memref<16x128xf32, #tpu.memory_space<hbm>>
    tpu.enqueue_dma source(%dma_start3A_648 : memref<16x128xf32, #tpu.memory_space<hbm>>) target(%dma_start3A_646 : memref<16x128xf32, #tpu.memory_space<vmem>>) target_semaphore(%arg21 : memref<!tpu.dma_semaphore, #tpu.memory_space<semaphore_mem>>)
    %eq3A_649 = arith.constant 12 : i32
    %eq3A_650 = vector.broadcast %eq3A_649 : i32 to vector<16xi32>
    %eq3A_651 = arith.cmpi eq, %iota3A, %eq3A_650 : vector<16xi32>
    %jit3A_652 = arith.constant 0 : i32
    %broadcast_in_dim3A_653 = vector.broadcast %jit3A_652 : i32 to vector<16xi32>
    %select_n3A_654 = arith.select %eq3A_651, %get3A_42, %broadcast_in_dim3A_653 : vector<16xi1>, vector<16xi32>
    %reduce_sum3A_655 = arith.constant true
    %reduce_sum3A_656 = vector.broadcast %reduce_sum3A_655 : i1 to vector<16xi1>
    %reduce_sum3A_657 = tpu.scan <sum>, %select_n3A_654 masked %reduce_sum3A_656 : vector<16xi32>, vector<16xi1> -> vector<16xi32>
    %reduce_sum3A_658 = vector.extract %reduce_sum3A_657[15] : i32 from vector<16xi32>
    %jit3A_659 = arith.constant 128 : i32
    %div3A_660 = arith.divsi %reduce_sum3A_658, %jit3A_659 : i32
    %sign3A_661 = arith.constant 0 : i32
    %sign3A_662 = arith.cmpi sgt, %reduce_sum3A_658, %sign3A_661 : i32
    %sign3A_663 = arith.extui %sign3A_662 : i1 to i32
    %sign3A_664 = arith.constant 0 : i32
    %sign3A_665 = arith.cmpi slt, %reduce_sum3A_658, %sign3A_664 : i32
    %sign3A_666 = arith.extui %sign3A_665 : i1 to i32
    %sign3A_667 = arith.subi %sign3A_663, %sign3A_666 : i32
    %sign3A_668 = arith.constant 0 : i32
    %sign3A_669 = arith.cmpi sgt, %jit3A_659, %sign3A_668 : i32
    %sign3A_670 = arith.extui %sign3A_669 : i1 to i32
    %sign3A_671 = arith.constant 0 : i32
    %sign3A_672 = arith.cmpi slt, %jit3A_659, %sign3A_671 : i32
    %sign3A_673 = arith.extui %sign3A_672 : i1 to i32
    %sign3A_674 = arith.subi %sign3A_670, %sign3A_673 : i32
    %ne3A_675 = arith.cmpi ne, %sign3A_667, %sign3A_674 : i32
    %rem3A_676 = arith.remsi %reduce_sum3A_658, %jit3A_659 : i32
    %ne3A_677 = arith.constant 0 : i32
    %ne3A_678 = arith.cmpi ne, %rem3A_676, %ne3A_677 : i32
    %and3A_679 = arith.andi %ne3A_675, %ne3A_678 : i1
    %sub3A_680 = arith.constant 1 : i32
    %sub3A_681 = arith.subi %div3A_660, %sub3A_680 : i32
    %select_n3A_682 = arith.select %and3A_679, %sub3A_681, %div3A_660 : i32
    %mul3A_683 = arith.constant 128 : i32
    %mul3A_684 = arith.muli %select_n3A_682, %mul3A_683 : i32
    %multiple_of3A_685 = tpu.assume_multiple %mul3A_684, 128 : i32
    %add3A_686 = arith.constant 12 : i32
    %add3A_687 = arith.addi %mul3A_46, %add3A_686 : i32
    %dma_start3A_688 = arith.constant 0 : i32
    %dma_start3A_689 = arith.constant 0 : i32
    %dma_start3A_690 = tpu.memref_slice %arg16[%add3A_687, %dma_start3A_688, %dma_start3A_689] : memref<32x16x128xf32, #tpu.memory_space<vmem>> -> memref<1x16x128xf32, #tpu.memory_space<vmem>>
    %dma_start3A_691 = tpu.memref_squeeze %dma_start3A_690 : memref<1x16x128xf32, #tpu.memory_space<vmem>> -> memref<16x128xf32, #tpu.memory_space<vmem>>
    %dma_start3A_692 = arith.constant 0 : i32
    %dma_start3A_693 = tpu.memref_slice %arg6[%dma_start3A_692, %multiple_of3A_685] : memref<16x1000000xf32, #tpu.memory_space<hbm>> -> memref<16x128xf32, #tpu.memory_space<hbm>>
    %dma_start3A_694 = arith.constant 0 : i32
    %dma_start3A_695 = arith.constant 0 : i32
    %dma_start3A_696 = tpu.memref_slice %arg16[%add3A_687, %dma_start3A_694, %dma_start3A_695] : memref<32x16x128xf32, #tpu.memory_space<vmem>> -> memref<1x16x128xf32, #tpu.memory_space<vmem>>
    %dma_start3A_697 = tpu.memref_squeeze %dma_start3A_696 : memref<1x16x128xf32, #tpu.memory_space<vmem>> -> memref<16x128xf32, #tpu.memory_space<vmem>>
    %dma_start3A_698 = arith.constant 0 : i32
    %dma_start3A_699 = tpu.memref_slice %arg6[%dma_start3A_698, %multiple_of3A_685] : memref<16x1000000xf32, #tpu.memory_space<hbm>> -> memref<16x128xf32, #tpu.memory_space<hbm>>
    tpu.enqueue_dma source(%dma_start3A_699 : memref<16x128xf32, #tpu.memory_space<hbm>>) target(%dma_start3A_697 : memref<16x128xf32, #tpu.memory_space<vmem>>) target_semaphore(%arg21 : memref<!tpu.dma_semaphore, #tpu.memory_space<semaphore_mem>>)
    %eq3A_700 = arith.constant 13 : i32
    %eq3A_701 = vector.broadcast %eq3A_700 : i32 to vector<16xi32>
    %eq3A_702 = arith.cmpi eq, %iota3A, %eq3A_701 : vector<16xi32>
    %jit3A_703 = arith.constant 0 : i32
    %broadcast_in_dim3A_704 = vector.broadcast %jit3A_703 : i32 to vector<16xi32>
    %select_n3A_705 = arith.select %eq3A_702, %get3A_42, %broadcast_in_dim3A_704 : vector<16xi1>, vector<16xi32>
    %reduce_sum3A_706 = arith.constant true
    %reduce_sum3A_707 = vector.broadcast %reduce_sum3A_706 : i1 to vector<16xi1>
    %reduce_sum3A_708 = tpu.scan <sum>, %select_n3A_705 masked %reduce_sum3A_707 : vector<16xi32>, vector<16xi1> -> vector<16xi32>
    %reduce_sum3A_709 = vector.extract %reduce_sum3A_708[15] : i32 from vector<16xi32>
    %jit3A_710 = arith.constant 128 : i32
    %div3A_711 = arith.divsi %reduce_sum3A_709, %jit3A_710 : i32
    %sign3A_712 = arith.constant 0 : i32
    %sign3A_713 = arith.cmpi sgt, %reduce_sum3A_709, %sign3A_712 : i32
    %sign3A_714 = arith.extui %sign3A_713 : i1 to i32
    %sign3A_715 = arith.constant 0 : i32
    %sign3A_716 = arith.cmpi slt, %reduce_sum3A_709, %sign3A_715 : i32
    %sign3A_717 = arith.extui %sign3A_716 : i1 to i32
    %sign3A_718 = arith.subi %sign3A_714, %sign3A_717 : i32
    %sign3A_719 = arith.constant 0 : i32
    %sign3A_720 = arith.cmpi sgt, %jit3A_710, %sign3A_719 : i32
    %sign3A_721 = arith.extui %sign3A_720 : i1 to i32
    %sign3A_722 = arith.constant 0 : i32
    %sign3A_723 = arith.cmpi slt, %jit3A_710, %sign3A_722 : i32
    %sign3A_724 = arith.extui %sign3A_723 : i1 to i32
    %sign3A_725 = arith.subi %sign3A_721, %sign3A_724 : i32
    %ne3A_726 = arith.cmpi ne, %sign3A_718, %sign3A_725 : i32
    %rem3A_727 = arith.remsi %reduce_sum3A_709, %jit3A_710 : i32
    %ne3A_728 = arith.constant 0 : i32
    %ne3A_729 = arith.cmpi ne, %rem3A_727, %ne3A_728 : i32
    %and3A_730 = arith.andi %ne3A_726, %ne3A_729 : i1
    %sub3A_731 = arith.constant 1 : i32
    %sub3A_732 = arith.subi %div3A_711, %sub3A_731 : i32
    %select_n3A_733 = arith.select %and3A_730, %sub3A_732, %div3A_711 : i32
    %mul3A_734 = arith.constant 128 : i32
    %mul3A_735 = arith.muli %select_n3A_733, %mul3A_734 : i32
    %multiple_of3A_736 = tpu.assume_multiple %mul3A_735, 128 : i32
    %add3A_737 = arith.constant 13 : i32
    %add3A_738 = arith.addi %mul3A_46, %add3A_737 : i32
    %dma_start3A_739 = arith.constant 0 : i32
    %dma_start3A_740 = arith.constant 0 : i32
    %dma_start3A_741 = tpu.memref_slice %arg16[%add3A_738, %dma_start3A_739, %dma_start3A_740] : memref<32x16x128xf32, #tpu.memory_space<vmem>> -> memref<1x16x128xf32, #tpu.memory_space<vmem>>
    %dma_start3A_742 = tpu.memref_squeeze %dma_start3A_741 : memref<1x16x128xf32, #tpu.memory_space<vmem>> -> memref<16x128xf32, #tpu.memory_space<vmem>>
    %dma_start3A_743 = arith.constant 0 : i32
    %dma_start3A_744 = tpu.memref_slice %arg6[%dma_start3A_743, %multiple_of3A_736] : memref<16x1000000xf32, #tpu.memory_space<hbm>> -> memref<16x128xf32, #tpu.memory_space<hbm>>
    %dma_start3A_745 = arith.constant 0 : i32
    %dma_start3A_746 = arith.constant 0 : i32
    %dma_start3A_747 = tpu.memref_slice %arg16[%add3A_738, %dma_start3A_745, %dma_start3A_746] : memref<32x16x128xf32, #tpu.memory_space<vmem>> -> memref<1x16x128xf32, #tpu.memory_space<vmem>>
    %dma_start3A_748 = tpu.memref_squeeze %dma_start3A_747 : memref<1x16x128xf32, #tpu.memory_space<vmem>> -> memref<16x128xf32, #tpu.memory_space<vmem>>
    %dma_start3A_749 = arith.constant 0 : i32
    %dma_start3A_750 = tpu.memref_slice %arg6[%dma_start3A_749, %multiple_of3A_736] : memref<16x1000000xf32, #tpu.memory_space<hbm>> -> memref<16x128xf32, #tpu.memory_space<hbm>>
    tpu.enqueue_dma source(%dma_start3A_750 : memref<16x128xf32, #tpu.memory_space<hbm>>) target(%dma_start3A_748 : memref<16x128xf32, #tpu.memory_space<vmem>>) target_semaphore(%arg21 : memref<!tpu.dma_semaphore, #tpu.memory_space<semaphore_mem>>)
    %eq3A_751 = arith.constant 14 : i32
    %eq3A_752 = vector.broadcast %eq3A_751 : i32 to vector<16xi32>
    %eq3A_753 = arith.cmpi eq, %iota3A, %eq3A_752 : vector<16xi32>
    %jit3A_754 = arith.constant 0 : i32
    %broadcast_in_dim3A_755 = vector.broadcast %jit3A_754 : i32 to vector<16xi32>
    %select_n3A_756 = arith.select %eq3A_753, %get3A_42, %broadcast_in_dim3A_755 : vector<16xi1>, vector<16xi32>
    %reduce_sum3A_757 = arith.constant true
    %reduce_sum3A_758 = vector.broadcast %reduce_sum3A_757 : i1 to vector<16xi1>
    %reduce_sum3A_759 = tpu.scan <sum>, %select_n3A_756 masked %reduce_sum3A_758 : vector<16xi32>, vector<16xi1> -> vector<16xi32>
    %reduce_sum3A_760 = vector.extract %reduce_sum3A_759[15] : i32 from vector<16xi32>
    %jit3A_761 = arith.constant 128 : i32
    %div3A_762 = arith.divsi %reduce_sum3A_760, %jit3A_761 : i32
    %sign3A_763 = arith.constant 0 : i32
    %sign3A_764 = arith.cmpi sgt, %reduce_sum3A_760, %sign3A_763 : i32
    %sign3A_765 = arith.extui %sign3A_764 : i1 to i32
    %sign3A_766 = arith.constant 0 : i32
    %sign3A_767 = arith.cmpi slt, %reduce_sum3A_760, %sign3A_766 : i32
    %sign3A_768 = arith.extui %sign3A_767 : i1 to i32
    %sign3A_769 = arith.subi %sign3A_765, %sign3A_768 : i32
    %sign3A_770 = arith.constant 0 : i32
    %sign3A_771 = arith.cmpi sgt, %jit3A_761, %sign3A_770 : i32
    %sign3A_772 = arith.extui %sign3A_771 : i1 to i32
    %sign3A_773 = arith.constant 0 : i32
    %sign3A_774 = arith.cmpi slt, %jit3A_761, %sign3A_773 : i32
    %sign3A_775 = arith.extui %sign3A_774 : i1 to i32
    %sign3A_776 = arith.subi %sign3A_772, %sign3A_775 : i32
    %ne3A_777 = arith.cmpi ne, %sign3A_769, %sign3A_776 : i32
    %rem3A_778 = arith.remsi %reduce_sum3A_760, %jit3A_761 : i32
    %ne3A_779 = arith.constant 0 : i32
    %ne3A_780 = arith.cmpi ne, %rem3A_778, %ne3A_779 : i32
    %and3A_781 = arith.andi %ne3A_777, %ne3A_780 : i1
    %sub3A_782 = arith.constant 1 : i32
    %sub3A_783 = arith.subi %div3A_762, %sub3A_782 : i32
    %select_n3A_784 = arith.select %and3A_781, %sub3A_783, %div3A_762 : i32
    %mul3A_785 = arith.constant 128 : i32
    %mul3A_786 = arith.muli %select_n3A_784, %mul3A_785 : i32
    %multiple_of3A_787 = tpu.assume_multiple %mul3A_786, 128 : i32
    %add3A_788 = arith.constant 14 : i32
    %add3A_789 = arith.addi %mul3A_46, %add3A_788 : i32
    %dma_start3A_790 = arith.constant 0 : i32
    %dma_start3A_791 = arith.constant 0 : i32
    %dma_start3A_792 = tpu.memref_slice %arg16[%add3A_789, %dma_start3A_790, %dma_start3A_791] : memref<32x16x128xf32, #tpu.memory_space<vmem>> -> memref<1x16x128xf32, #tpu.memory_space<vmem>>
    %dma_start3A_793 = tpu.memref_squeeze %dma_start3A_792 : memref<1x16x128xf32, #tpu.memory_space<vmem>> -> memref<16x128xf32, #tpu.memory_space<vmem>>
    %dma_start3A_794 = arith.constant 0 : i32
    %dma_start3A_795 = tpu.memref_slice %arg6[%dma_start3A_794, %multiple_of3A_787] : memref<16x1000000xf32, #tpu.memory_space<hbm>> -> memref<16x128xf32, #tpu.memory_space<hbm>>
    %dma_start3A_796 = arith.constant 0 : i32
    %dma_start3A_797 = arith.constant 0 : i32
    %dma_start3A_798 = tpu.memref_slice %arg16[%add3A_789, %dma_start3A_796, %dma_start3A_797] : memref<32x16x128xf32, #tpu.memory_space<vmem>> -> memref<1x16x128xf32, #tpu.memory_space<vmem>>
    %dma_start3A_799 = tpu.memref_squeeze %dma_start3A_798 : memref<1x16x128xf32, #tpu.memory_space<vmem>> -> memref<16x128xf32, #tpu.memory_space<vmem>>
    %dma_start3A_800 = arith.constant 0 : i32
    %dma_start3A_801 = tpu.memref_slice %arg6[%dma_start3A_800, %multiple_of3A_787] : memref<16x1000000xf32, #tpu.memory_space<hbm>> -> memref<16x128xf32, #tpu.memory_space<hbm>>
    tpu.enqueue_dma source(%dma_start3A_801 : memref<16x128xf32, #tpu.memory_space<hbm>>) target(%dma_start3A_799 : memref<16x128xf32, #tpu.memory_space<vmem>>) target_semaphore(%arg21 : memref<!tpu.dma_semaphore, #tpu.memory_space<semaphore_mem>>)
    %eq3A_802 = arith.constant 15 : i32
    %eq3A_803 = vector.broadcast %eq3A_802 : i32 to vector<16xi32>
    %eq3A_804 = arith.cmpi eq, %iota3A, %eq3A_803 : vector<16xi32>
    %jit3A_805 = arith.constant 0 : i32
    %broadcast_in_dim3A_806 = vector.broadcast %jit3A_805 : i32 to vector<16xi32>
    %select_n3A_807 = arith.select %eq3A_804, %get3A_42, %broadcast_in_dim3A_806 : vector<16xi1>, vector<16xi32>
    %reduce_sum3A_808 = arith.constant true
    %reduce_sum3A_809 = vector.broadcast %reduce_sum3A_808 : i1 to vector<16xi1>
    %reduce_sum3A_810 = tpu.scan <sum>, %select_n3A_807 masked %reduce_sum3A_809 : vector<16xi32>, vector<16xi1> -> vector<16xi32>
    %reduce_sum3A_811 = vector.extract %reduce_sum3A_810[15] : i32 from vector<16xi32>
    %jit3A_812 = arith.constant 128 : i32
    %div3A_813 = arith.divsi %reduce_sum3A_811, %jit3A_812 : i32
    %sign3A_814 = arith.constant 0 : i32
    %sign3A_815 = arith.cmpi sgt, %reduce_sum3A_811, %sign3A_814 : i32
    %sign3A_816 = arith.extui %sign3A_815 : i1 to i32
    %sign3A_817 = arith.constant 0 : i32
    %sign3A_818 = arith.cmpi slt, %reduce_sum3A_811, %sign3A_817 : i32
    %sign3A_819 = arith.extui %sign3A_818 : i1 to i32
    %sign3A_820 = arith.subi %sign3A_816, %sign3A_819 : i32
    %sign3A_821 = arith.constant 0 : i32
    %sign3A_822 = arith.cmpi sgt, %jit3A_812, %sign3A_821 : i32
    %sign3A_823 = arith.extui %sign3A_822 : i1 to i32
    %sign3A_824 = arith.constant 0 : i32
    %sign3A_825 = arith.cmpi slt, %jit3A_812, %sign3A_824 : i32
    %sign3A_826 = arith.extui %sign3A_825 : i1 to i32
    %sign3A_827 = arith.subi %sign3A_823, %sign3A_826 : i32
    %ne3A_828 = arith.cmpi ne, %sign3A_820, %sign3A_827 : i32
    %rem3A_829 = arith.remsi %reduce_sum3A_811, %jit3A_812 : i32
    %ne3A_830 = arith.constant 0 : i32
    %ne3A_831 = arith.cmpi ne, %rem3A_829, %ne3A_830 : i32
    %and3A_832 = arith.andi %ne3A_828, %ne3A_831 : i1
    %sub3A_833 = arith.constant 1 : i32
    %sub3A_834 = arith.subi %div3A_813, %sub3A_833 : i32
    %select_n3A_835 = arith.select %and3A_832, %sub3A_834, %div3A_813 : i32
    %mul3A_836 = arith.constant 128 : i32
    %mul3A_837 = arith.muli %select_n3A_835, %mul3A_836 : i32
    %multiple_of3A_838 = tpu.assume_multiple %mul3A_837, 128 : i32
    %add3A_839 = arith.constant 15 : i32
    %add3A_840 = arith.addi %mul3A_46, %add3A_839 : i32
    %dma_start3A_841 = arith.constant 0 : i32
    %dma_start3A_842 = arith.constant 0 : i32
    %dma_start3A_843 = tpu.memref_slice %arg16[%add3A_840, %dma_start3A_841, %dma_start3A_842] : memref<32x16x128xf32, #tpu.memory_space<vmem>> -> memref<1x16x128xf32, #tpu.memory_space<vmem>>
    %dma_start3A_844 = tpu.memref_squeeze %dma_start3A_843 : memref<1x16x128xf32, #tpu.memory_space<vmem>> -> memref<16x128xf32, #tpu.memory_space<vmem>>
    %dma_start3A_845 = arith.constant 0 : i32
    %dma_start3A_846 = tpu.memref_slice %arg6[%dma_start3A_845, %multiple_of3A_838] : memref<16x1000000xf32, #tpu.memory_space<hbm>> -> memref<16x128xf32, #tpu.memory_space<hbm>>
    %dma_start3A_847 = arith.constant 0 : i32
    %dma_start3A_848 = arith.constant 0 : i32
    %dma_start3A_849 = tpu.memref_slice %arg16[%add3A_840, %dma_start3A_847, %dma_start3A_848] : memref<32x16x128xf32, #tpu.memory_space<vmem>> -> memref<1x16x128xf32, #tpu.memory_space<vmem>>
    %dma_start3A_850 = tpu.memref_squeeze %dma_start3A_849 : memref<1x16x128xf32, #tpu.memory_space<vmem>> -> memref<16x128xf32, #tpu.memory_space<vmem>>
    %dma_start3A_851 = arith.constant 0 : i32
    %dma_start3A_852 = tpu.memref_slice %arg6[%dma_start3A_851, %multiple_of3A_838] : memref<16x1000000xf32, #tpu.memory_space<hbm>> -> memref<16x128xf32, #tpu.memory_space<hbm>>
    tpu.enqueue_dma source(%dma_start3A_852 : memref<16x128xf32, #tpu.memory_space<hbm>>) target(%dma_start3A_850 : memref<16x128xf32, #tpu.memory_space<vmem>>) target_semaphore(%arg21 : memref<!tpu.dma_semaphore, #tpu.memory_space<semaphore_mem>>)
    %dma_wait3A_853 = tpu.memref_slice %arg3[%mul3A_2] : memref<16384xi32, #tpu.memory_space<hbm>> -> memref<512xi32, #tpu.memory_space<hbm>>
    %dma_wait3A_854 = tpu.memref_slice %arg3[%mul3A_2] : memref<16384xi32, #tpu.memory_space<hbm>> -> memref<512xi32, #tpu.memory_space<hbm>>
    tpu.wait_dma2 semaphore(%arg22 : memref<!tpu.dma_semaphore, #tpu.memory_space<semaphore_mem>>) src(%dma_wait3A_854 : memref<512xi32, #tpu.memory_space<hbm>>) dst(%arg13 : memref<512xi32, #tpu.memory_space<vmem>>)
    %dma_wait3A_855 = tpu.memref_slice %arg4[%mul3A_2] : memref<16384xi32, #tpu.memory_space<hbm>> -> memref<512xi32, #tpu.memory_space<hbm>>
    %dma_wait3A_856 = tpu.memref_slice %arg4[%mul3A_2] : memref<16384xi32, #tpu.memory_space<hbm>> -> memref<512xi32, #tpu.memory_space<hbm>>
    tpu.wait_dma2 semaphore(%arg22 : memref<!tpu.dma_semaphore, #tpu.memory_space<semaphore_mem>>) src(%dma_wait3A_856 : memref<512xi32, #tpu.memory_space<hbm>>) dst(%arg14 : memref<512xi32, #tpu.memory_space<vmem>>)
    %dma_wait3A_857 = tpu.memref_slice %arg5[%mul3A_2] : memref<16384xi32, #tpu.memory_space<hbm>> -> memref<512xi32, #tpu.memory_space<hbm>>
    %dma_wait3A_858 = tpu.memref_slice %arg5[%mul3A_2] : memref<16384xi32, #tpu.memory_space<hbm>> -> memref<512xi32, #tpu.memory_space<hbm>>
    tpu.wait_dma2 semaphore(%arg22 : memref<!tpu.dma_semaphore, #tpu.memory_space<semaphore_mem>>) src(%dma_wait3A_858 : memref<512xi32, #tpu.memory_space<hbm>>) dst(%arg15 : memref<512xi32, #tpu.memory_space<vmem>>)
    tpu.wait_dma2 semaphore(%arg22 : memref<!tpu.dma_semaphore, #tpu.memory_space<semaphore_mem>>) src(%arg7 : memref<16x75xf32, #tpu.memory_space<hbm>>) dst(%arg18 : memref<16x75xf32, #tpu.memory_space<vmem>>)
    tpu.wait_dma2 semaphore(%arg22 : memref<!tpu.dma_semaphore, #tpu.memory_space<semaphore_mem>>) src(%arg8 : memref<16x48xf32, #tpu.memory_space<hbm>>) dst(%arg19 : memref<16x48xf32, #tpu.memory_space<vmem>>)
    tpu.wait_dma2 semaphore(%arg22 : memref<!tpu.dma_semaphore, #tpu.memory_space<semaphore_mem>>) src(%arg9 : memref<16x200xf32, #tpu.memory_space<hbm>>) dst(%arg20 : memref<16x200xf32, #tpu.memory_space<vmem>>)
    %scan3A = arith.constant 0 : i32
    %scan3A_859 = arith.constant 31 : i32
    %scan3A_860 = arith.addi %scan3A, %scan3A_859 : i32
    %scan3A_861 = arith.constant 1 : i32
    scf.for %scan3A_1602 = %scan3A to %scan3A_860 step %scan3A_861  : i32 {
      %mul3A_1603 = arith.constant 1 : i32
      %mul3A_1604 = arith.muli %scan3A_1602, %mul3A_1603 : i32
      %add3A_1605 = arith.constant 1 : i32
      %add3A_1606 = arith.addi %add3A_1605, %mul3A_1604 : i32
      %mul3A_1607 = arith.constant 16 : i32
      %mul3A_1608 = arith.muli %add3A_1606, %mul3A_1607 : i32
      %get3A_1609 = arith.index_cast %mul3A_1608 : i32 to index
      %get3A_1610 = tpu.vector_load %arg12[%get3A_1609] {strides = array<i32>} : memref<512xi32, #tpu.memory_space<vmem>>, vector<16xi32>,
      %rem3A_1611 = arith.constant 2 : i32
      %rem3A_1612 = arith.remsi %add3A_1606, %rem3A_1611 : i32
      %mul3A_1613 = arith.constant 16 : i32
      %mul3A_1614 = arith.muli %rem3A_1612, %mul3A_1613 : i32
      %eq3A_1615 = arith.constant 0 : i32
      %eq3A_1616 = vector.broadcast %eq3A_1615 : i32 to vector<16xi32>
      %eq3A_1617 = arith.cmpi eq, %iota3A, %eq3A_1616 : vector<16xi32>
      %jit3A_1618 = arith.constant 0 : i32
      %broadcast_in_dim3A_1619 = vector.broadcast %jit3A_1618 : i32 to vector<16xi32>
      %select_n3A_1620 = arith.select %eq3A_1617, %get3A_1610, %broadcast_in_dim3A_1619 : vector<16xi1>, vector<16xi32>
      %reduce_sum3A_1621 = arith.constant true
      %reduce_sum3A_1622 = vector.broadcast %reduce_sum3A_1621 : i1 to vector<16xi1>
      %reduce_sum3A_1623 = tpu.scan <sum>, %select_n3A_1620 masked %reduce_sum3A_1622 : vector<16xi32>, vector<16xi1> -> vector<16xi32>
      %reduce_sum3A_1624 = vector.extract %reduce_sum3A_1623[15] : i32 from vector<16xi32>
      %jit3A_1625 = arith.constant 128 : i32
      %div3A_1626 = arith.divsi %reduce_sum3A_1624, %jit3A_1625 : i32
      %sign3A_1627 = arith.constant 0 : i32
      %sign3A_1628 = arith.cmpi sgt, %reduce_sum3A_1624, %sign3A_1627 : i32
      %sign3A_1629 = arith.extui %sign3A_1628 : i1 to i32
      %sign3A_1630 = arith.constant 0 : i32
      %sign3A_1631 = arith.cmpi slt, %reduce_sum3A_1624, %sign3A_1630 : i32
      %sign3A_1632 = arith.extui %sign3A_1631 : i1 to i32
      %sign3A_1633 = arith.subi %sign3A_1629, %sign3A_1632 : i32
      %sign3A_1634 = arith.constant 0 : i32
      %sign3A_1635 = arith.cmpi sgt, %jit3A_1625, %sign3A_1634 : i32
      %sign3A_1636 = arith.extui %sign3A_1635 : i1 to i32
      %sign3A_1637 = arith.constant 0 : i32
      %sign3A_1638 = arith.cmpi slt, %jit3A_1625, %sign3A_1637 : i32
      %sign3A_1639 = arith.extui %sign3A_1638 : i1 to i32
      %sign3A_1640 = arith.subi %sign3A_1636, %sign3A_1639 : i32
      %ne3A_1641 = arith.cmpi ne, %sign3A_1633, %sign3A_1640 : i32
      %rem3A_1642 = arith.remsi %reduce_sum3A_1624, %jit3A_1625 : i32
      %ne3A_1643 = arith.constant 0 : i32
      %ne3A_1644 = arith.cmpi ne, %rem3A_1642, %ne3A_1643 : i32
      %and3A_1645 = arith.andi %ne3A_1641, %ne3A_1644 : i1
      %sub3A_1646 = arith.constant 1 : i32
      %sub3A_1647 = arith.subi %div3A_1626, %sub3A_1646 : i32
      %select_n3A_1648 = arith.select %and3A_1645, %sub3A_1647, %div3A_1626 : i32
      %mul3A_1649 = arith.constant 128 : i32
      %mul3A_1650 = arith.muli %select_n3A_1648, %mul3A_1649 : i32
      %multiple_of3A_1651 = tpu.assume_multiple %mul3A_1650, 128 : i32
      %add3A_1652 = arith.constant 0 : i32
      %add3A_1653 = arith.addi %mul3A_1614, %add3A_1652 : i32
      %dma_start3A_1654 = arith.constant 0 : i32
      %dma_start3A_1655 = arith.constant 0 : i32
      %dma_start3A_1656 = tpu.memref_slice %arg16[%add3A_1653, %dma_start3A_1654, %dma_start3A_1655] : memref<32x16x128xf32, #tpu.memory_space<vmem>> -> memref<1x16x128xf32, #tpu.memory_space<vmem>>
      %dma_start3A_1657 = tpu.memref_squeeze %dma_start3A_1656 : memref<1x16x128xf32, #tpu.memory_space<vmem>> -> memref<16x128xf32, #tpu.memory_space<vmem>>
      %dma_start3A_1658 = arith.constant 0 : i32
      %dma_start3A_1659 = tpu.memref_slice %arg6[%dma_start3A_1658, %multiple_of3A_1651] : memref<16x1000000xf32, #tpu.memory_space<hbm>> -> memref<16x128xf32, #tpu.memory_space<hbm>>
      %dma_start3A_1660 = arith.constant 0 : i32
      %dma_start3A_1661 = arith.constant 0 : i32
      %dma_start3A_1662 = tpu.memref_slice %arg16[%add3A_1653, %dma_start3A_1660, %dma_start3A_1661] : memref<32x16x128xf32, #tpu.memory_space<vmem>> -> memref<1x16x128xf32, #tpu.memory_space<vmem>>
      %dma_start3A_1663 = tpu.memref_squeeze %dma_start3A_1662 : memref<1x16x128xf32, #tpu.memory_space<vmem>> -> memref<16x128xf32, #tpu.memory_space<vmem>>
      %dma_start3A_1664 = arith.constant 0 : i32
      %dma_start3A_1665 = tpu.memref_slice %arg6[%dma_start3A_1664, %multiple_of3A_1651] : memref<16x1000000xf32, #tpu.memory_space<hbm>> -> memref<16x128xf32, #tpu.memory_space<hbm>>
      tpu.enqueue_dma source(%dma_start3A_1665 : memref<16x128xf32, #tpu.memory_space<hbm>>) target(%dma_start3A_1663 : memref<16x128xf32, #tpu.memory_space<vmem>>) target_semaphore(%arg21 : memref<!tpu.dma_semaphore, #tpu.memory_space<semaphore_mem>>)
      %eq3A_1666 = arith.constant 1 : i32
      %eq3A_1667 = vector.broadcast %eq3A_1666 : i32 to vector<16xi32>
      %eq3A_1668 = arith.cmpi eq, %iota3A, %eq3A_1667 : vector<16xi32>
      %jit3A_1669 = arith.constant 0 : i32
      %broadcast_in_dim3A_1670 = vector.broadcast %jit3A_1669 : i32 to vector<16xi32>
      %select_n3A_1671 = arith.select %eq3A_1668, %get3A_1610, %broadcast_in_dim3A_1670 : vector<16xi1>, vector<16xi32>
      %reduce_sum3A_1672 = arith.constant true
      %reduce_sum3A_1673 = vector.broadcast %reduce_sum3A_1672 : i1 to vector<16xi1>
      %reduce_sum3A_1674 = tpu.scan <sum>, %select_n3A_1671 masked %reduce_sum3A_1673 : vector<16xi32>, vector<16xi1> -> vector<16xi32>
      %reduce_sum3A_1675 = vector.extract %reduce_sum3A_1674[15] : i32 from vector<16xi32>
      %jit3A_1676 = arith.constant 128 : i32
      %div3A_1677 = arith.divsi %reduce_sum3A_1675, %jit3A_1676 : i32
      %sign3A_1678 = arith.constant 0 : i32
      %sign3A_1679 = arith.cmpi sgt, %reduce_sum3A_1675, %sign3A_1678 : i32
      %sign3A_1680 = arith.extui %sign3A_1679 : i1 to i32
      %sign3A_1681 = arith.constant 0 : i32
      %sign3A_1682 = arith.cmpi slt, %reduce_sum3A_1675, %sign3A_1681 : i32
      %sign3A_1683 = arith.extui %sign3A_1682 : i1 to i32
      %sign3A_1684 = arith.subi %sign3A_1680, %sign3A_1683 : i32
      %sign3A_1685 = arith.constant 0 : i32
      %sign3A_1686 = arith.cmpi sgt, %jit3A_1676, %sign3A_1685 : i32
      %sign3A_1687 = arith.extui %sign3A_1686 : i1 to i32
      %sign3A_1688 = arith.constant 0 : i32
      %sign3A_1689 = arith.cmpi slt, %jit3A_1676, %sign3A_1688 : i32
      %sign3A_1690 = arith.extui %sign3A_1689 : i1 to i32
      %sign3A_1691 = arith.subi %sign3A_1687, %sign3A_1690 : i32
      %ne3A_1692 = arith.cmpi ne, %sign3A_1684, %sign3A_1691 : i32
      %rem3A_1693 = arith.remsi %reduce_sum3A_1675, %jit3A_1676 : i32
      %ne3A_1694 = arith.constant 0 : i32
      %ne3A_1695 = arith.cmpi ne, %rem3A_1693, %ne3A_1694 : i32
      %and3A_1696 = arith.andi %ne3A_1692, %ne3A_1695 : i1
      %sub3A_1697 = arith.constant 1 : i32
      %sub3A_1698 = arith.subi %div3A_1677, %sub3A_1697 : i32
      %select_n3A_1699 = arith.select %and3A_1696, %sub3A_1698, %div3A_1677 : i32
      %mul3A_1700 = arith.constant 128 : i32
      %mul3A_1701 = arith.muli %select_n3A_1699, %mul3A_1700 : i32
      %multiple_of3A_1702 = tpu.assume_multiple %mul3A_1701, 128 : i32
      %add3A_1703 = arith.constant 1 : i32
      %add3A_1704 = arith.addi %mul3A_1614, %add3A_1703 : i32
      %dma_start3A_1705 = arith.constant 0 : i32
      %dma_start3A_1706 = arith.constant 0 : i32
      %dma_start3A_1707 = tpu.memref_slice %arg16[%add3A_1704, %dma_start3A_1705, %dma_start3A_1706] : memref<32x16x128xf32, #tpu.memory_space<vmem>> -> memref<1x16x128xf32, #tpu.memory_space<vmem>>
      %dma_start3A_1708 = tpu.memref_squeeze %dma_start3A_1707 : memref<1x16x128xf32, #tpu.memory_space<vmem>> -> memref<16x128xf32, #tpu.memory_space<vmem>>
      %dma_start3A_1709 = arith.constant 0 : i32
      %dma_start3A_1710 = tpu.memref_slice %arg6[%dma_start3A_1709, %multiple_of3A_1702] : memref<16x1000000xf32, #tpu.memory_space<hbm>> -> memref<16x128xf32, #tpu.memory_space<hbm>>
      %dma_start3A_1711 = arith.constant 0 : i32
      %dma_start3A_1712 = arith.constant 0 : i32
      %dma_start3A_1713 = tpu.memref_slice %arg16[%add3A_1704, %dma_start3A_1711, %dma_start3A_1712] : memref<32x16x128xf32, #tpu.memory_space<vmem>> -> memref<1x16x128xf32, #tpu.memory_space<vmem>>
      %dma_start3A_1714 = tpu.memref_squeeze %dma_start3A_1713 : memref<1x16x128xf32, #tpu.memory_space<vmem>> -> memref<16x128xf32, #tpu.memory_space<vmem>>
      %dma_start3A_1715 = arith.constant 0 : i32
      %dma_start3A_1716 = tpu.memref_slice %arg6[%dma_start3A_1715, %multiple_of3A_1702] : memref<16x1000000xf32, #tpu.memory_space<hbm>> -> memref<16x128xf32, #tpu.memory_space<hbm>>
      tpu.enqueue_dma source(%dma_start3A_1716 : memref<16x128xf32, #tpu.memory_space<hbm>>) target(%dma_start3A_1714 : memref<16x128xf32, #tpu.memory_space<vmem>>) target_semaphore(%arg21 : memref<!tpu.dma_semaphore, #tpu.memory_space<semaphore_mem>>)
      %eq3A_1717 = arith.constant 2 : i32
      %eq3A_1718 = vector.broadcast %eq3A_1717 : i32 to vector<16xi32>
      %eq3A_1719 = arith.cmpi eq, %iota3A, %eq3A_1718 : vector<16xi32>
      %jit3A_1720 = arith.constant 0 : i32
      %broadcast_in_dim3A_1721 = vector.broadcast %jit3A_1720 : i32 to vector<16xi32>
      %select_n3A_1722 = arith.select %eq3A_1719, %get3A_1610, %broadcast_in_dim3A_1721 : vector<16xi1>, vector<16xi32>
      %reduce_sum3A_1723 = arith.constant true
      %reduce_sum3A_1724 = vector.broadcast %reduce_sum3A_1723 : i1 to vector<16xi1>
      %reduce_sum3A_1725 = tpu.scan <sum>, %select_n3A_1722 masked %reduce_sum3A_1724 : vector<16xi32>, vector<16xi1> -> vector<16xi32>
      %reduce_sum3A_1726 = vector.extract %reduce_sum3A_1725[15] : i32 from vector<16xi32>
      %jit3A_1727 = arith.constant 128 : i32
      %div3A_1728 = arith.divsi %reduce_sum3A_1726, %jit3A_1727 : i32
      %sign3A_1729 = arith.constant 0 : i32
      %sign3A_1730 = arith.cmpi sgt, %reduce_sum3A_1726, %sign3A_1729 : i32
      %sign3A_1731 = arith.extui %sign3A_1730 : i1 to i32
      %sign3A_1732 = arith.constant 0 : i32
      %sign3A_1733 = arith.cmpi slt, %reduce_sum3A_1726, %sign3A_1732 : i32
      %sign3A_1734 = arith.extui %sign3A_1733 : i1 to i32
      %sign3A_1735 = arith.subi %sign3A_1731, %sign3A_1734 : i32
      %sign3A_1736 = arith.constant 0 : i32
      %sign3A_1737 = arith.cmpi sgt, %jit3A_1727, %sign3A_1736 : i32
      %sign3A_1738 = arith.extui %sign3A_1737 : i1 to i32
      %sign3A_1739 = arith.constant 0 : i32
      %sign3A_1740 = arith.cmpi slt, %jit3A_1727, %sign3A_1739 : i32
      %sign3A_1741 = arith.extui %sign3A_1740 : i1 to i32
      %sign3A_1742 = arith.subi %sign3A_1738, %sign3A_1741 : i32
      %ne3A_1743 = arith.cmpi ne, %sign3A_1735, %sign3A_1742 : i32
      %rem3A_1744 = arith.remsi %reduce_sum3A_1726, %jit3A_1727 : i32
      %ne3A_1745 = arith.constant 0 : i32
      %ne3A_1746 = arith.cmpi ne, %rem3A_1744, %ne3A_1745 : i32
      %and3A_1747 = arith.andi %ne3A_1743, %ne3A_1746 : i1
      %sub3A_1748 = arith.constant 1 : i32
      %sub3A_1749 = arith.subi %div3A_1728, %sub3A_1748 : i32
      %select_n3A_1750 = arith.select %and3A_1747, %sub3A_1749, %div3A_1728 : i32
      %mul3A_1751 = arith.constant 128 : i32
      %mul3A_1752 = arith.muli %select_n3A_1750, %mul3A_1751 : i32
      %multiple_of3A_1753 = tpu.assume_multiple %mul3A_1752, 128 : i32
      %add3A_1754 = arith.constant 2 : i32
      %add3A_1755 = arith.addi %mul3A_1614, %add3A_1754 : i32
      %dma_start3A_1756 = arith.constant 0 : i32
      %dma_start3A_1757 = arith.constant 0 : i32
      %dma_start3A_1758 = tpu.memref_slice %arg16[%add3A_1755, %dma_start3A_1756, %dma_start3A_1757] : memref<32x16x128xf32, #tpu.memory_space<vmem>> -> memref<1x16x128xf32, #tpu.memory_space<vmem>>
      %dma_start3A_1759 = tpu.memref_squeeze %dma_start3A_1758 : memref<1x16x128xf32, #tpu.memory_space<vmem>> -> memref<16x128xf32, #tpu.memory_space<vmem>>
      %dma_start3A_1760 = arith.constant 0 : i32
      %dma_start3A_1761 = tpu.memref_slice %arg6[%dma_start3A_1760, %multiple_of3A_1753] : memref<16x1000000xf32, #tpu.memory_space<hbm>> -> memref<16x128xf32, #tpu.memory_space<hbm>>
      %dma_start3A_1762 = arith.constant 0 : i32
      %dma_start3A_1763 = arith.constant 0 : i32
      %dma_start3A_1764 = tpu.memref_slice %arg16[%add3A_1755, %dma_start3A_1762, %dma_start3A_1763] : memref<32x16x128xf32, #tpu.memory_space<vmem>> -> memref<1x16x128xf32, #tpu.memory_space<vmem>>
      %dma_start3A_1765 = tpu.memref_squeeze %dma_start3A_1764 : memref<1x16x128xf32, #tpu.memory_space<vmem>> -> memref<16x128xf32, #tpu.memory_space<vmem>>
      %dma_start3A_1766 = arith.constant 0 : i32
      %dma_start3A_1767 = tpu.memref_slice %arg6[%dma_start3A_1766, %multiple_of3A_1753] : memref<16x1000000xf32, #tpu.memory_space<hbm>> -> memref<16x128xf32, #tpu.memory_space<hbm>>
      tpu.enqueue_dma source(%dma_start3A_1767 : memref<16x128xf32, #tpu.memory_space<hbm>>) target(%dma_start3A_1765 : memref<16x128xf32, #tpu.memory_space<vmem>>) target_semaphore(%arg21 : memref<!tpu.dma_semaphore, #tpu.memory_space<semaphore_mem>>)
      %eq3A_1768 = arith.constant 3 : i32
      %eq3A_1769 = vector.broadcast %eq3A_1768 : i32 to vector<16xi32>
      %eq3A_1770 = arith.cmpi eq, %iota3A, %eq3A_1769 : vector<16xi32>
      %jit3A_1771 = arith.constant 0 : i32
      %broadcast_in_dim3A_1772 = vector.broadcast %jit3A_1771 : i32 to vector<16xi32>
      %select_n3A_1773 = arith.select %eq3A_1770, %get3A_1610, %broadcast_in_dim3A_1772 : vector<16xi1>, vector<16xi32>
      %reduce_sum3A_1774 = arith.constant true
      %reduce_sum3A_1775 = vector.broadcast %reduce_sum3A_1774 : i1 to vector<16xi1>
      %reduce_sum3A_1776 = tpu.scan <sum>, %select_n3A_1773 masked %reduce_sum3A_1775 : vector<16xi32>, vector<16xi1> -> vector<16xi32>
      %reduce_sum3A_1777 = vector.extract %reduce_sum3A_1776[15] : i32 from vector<16xi32>
      %jit3A_1778 = arith.constant 128 : i32
      %div3A_1779 = arith.divsi %reduce_sum3A_1777, %jit3A_1778 : i32
      %sign3A_1780 = arith.constant 0 : i32
      %sign3A_1781 = arith.cmpi sgt, %reduce_sum3A_1777, %sign3A_1780 : i32
      %sign3A_1782 = arith.extui %sign3A_1781 : i1 to i32
      %sign3A_1783 = arith.constant 0 : i32
      %sign3A_1784 = arith.cmpi slt, %reduce_sum3A_1777, %sign3A_1783 : i32
      %sign3A_1785 = arith.extui %sign3A_1784 : i1 to i32
      %sign3A_1786 = arith.subi %sign3A_1782, %sign3A_1785 : i32
      %sign3A_1787 = arith.constant 0 : i32
      %sign3A_1788 = arith.cmpi sgt, %jit3A_1778, %sign3A_1787 : i32
      %sign3A_1789 = arith.extui %sign3A_1788 : i1 to i32
      %sign3A_1790 = arith.constant 0 : i32
      %sign3A_1791 = arith.cmpi slt, %jit3A_1778, %sign3A_1790 : i32
      %sign3A_1792 = arith.extui %sign3A_1791 : i1 to i32
      %sign3A_1793 = arith.subi %sign3A_1789, %sign3A_1792 : i32
      %ne3A_1794 = arith.cmpi ne, %sign3A_1786, %sign3A_1793 : i32
      %rem3A_1795 = arith.remsi %reduce_sum3A_1777, %jit3A_1778 : i32
      %ne3A_1796 = arith.constant 0 : i32
      %ne3A_1797 = arith.cmpi ne, %rem3A_1795, %ne3A_1796 : i32
      %and3A_1798 = arith.andi %ne3A_1794, %ne3A_1797 : i1
      %sub3A_1799 = arith.constant 1 : i32
      %sub3A_1800 = arith.subi %div3A_1779, %sub3A_1799 : i32
      %select_n3A_1801 = arith.select %and3A_1798, %sub3A_1800, %div3A_1779 : i32
      %mul3A_1802 = arith.constant 128 : i32
      %mul3A_1803 = arith.muli %select_n3A_1801, %mul3A_1802 : i32
      %multiple_of3A_1804 = tpu.assume_multiple %mul3A_1803, 128 : i32
      %add3A_1805 = arith.constant 3 : i32
      %add3A_1806 = arith.addi %mul3A_1614, %add3A_1805 : i32
      %dma_start3A_1807 = arith.constant 0 : i32
      %dma_start3A_1808 = arith.constant 0 : i32
      %dma_start3A_1809 = tpu.memref_slice %arg16[%add3A_1806, %dma_start3A_1807, %dma_start3A_1808] : memref<32x16x128xf32, #tpu.memory_space<vmem>> -> memref<1x16x128xf32, #tpu.memory_space<vmem>>
      %dma_start3A_1810 = tpu.memref_squeeze %dma_start3A_1809 : memref<1x16x128xf32, #tpu.memory_space<vmem>> -> memref<16x128xf32, #tpu.memory_space<vmem>>
      %dma_start3A_1811 = arith.constant 0 : i32
      %dma_start3A_1812 = tpu.memref_slice %arg6[%dma_start3A_1811, %multiple_of3A_1804] : memref<16x1000000xf32, #tpu.memory_space<hbm>> -> memref<16x128xf32, #tpu.memory_space<hbm>>
      %dma_start3A_1813 = arith.constant 0 : i32
      %dma_start3A_1814 = arith.constant 0 : i32
      %dma_start3A_1815 = tpu.memref_slice %arg16[%add3A_1806, %dma_start3A_1813, %dma_start3A_1814] : memref<32x16x128xf32, #tpu.memory_space<vmem>> -> memref<1x16x128xf32, #tpu.memory_space<vmem>>
      %dma_start3A_1816 = tpu.memref_squeeze %dma_start3A_1815 : memref<1x16x128xf32, #tpu.memory_space<vmem>> -> memref<16x128xf32, #tpu.memory_space<vmem>>
      %dma_start3A_1817 = arith.constant 0 : i32
      %dma_start3A_1818 = tpu.memref_slice %arg6[%dma_start3A_1817, %multiple_of3A_1804] : memref<16x1000000xf32, #tpu.memory_space<hbm>> -> memref<16x128xf32, #tpu.memory_space<hbm>>
      tpu.enqueue_dma source(%dma_start3A_1818 : memref<16x128xf32, #tpu.memory_space<hbm>>) target(%dma_start3A_1816 : memref<16x128xf32, #tpu.memory_space<vmem>>) target_semaphore(%arg21 : memref<!tpu.dma_semaphore, #tpu.memory_space<semaphore_mem>>)
      %eq3A_1819 = arith.constant 4 : i32
      %eq3A_1820 = vector.broadcast %eq3A_1819 : i32 to vector<16xi32>
      %eq3A_1821 = arith.cmpi eq, %iota3A, %eq3A_1820 : vector<16xi32>
      %jit3A_1822 = arith.constant 0 : i32
      %broadcast_in_dim3A_1823 = vector.broadcast %jit3A_1822 : i32 to vector<16xi32>
      %select_n3A_1824 = arith.select %eq3A_1821, %get3A_1610, %broadcast_in_dim3A_1823 : vector<16xi1>, vector<16xi32>
      %reduce_sum3A_1825 = arith.constant true
      %reduce_sum3A_1826 = vector.broadcast %reduce_sum3A_1825 : i1 to vector<16xi1>
      %reduce_sum3A_1827 = tpu.scan <sum>, %select_n3A_1824 masked %reduce_sum3A_1826 : vector<16xi32>, vector<16xi1> -> vector<16xi32>
      %reduce_sum3A_1828 = vector.extract %reduce_sum3A_1827[15] : i32 from vector<16xi32>
      %jit3A_1829 = arith.constant 128 : i32
      %div3A_1830 = arith.divsi %reduce_sum3A_1828, %jit3A_1829 : i32
      %sign3A_1831 = arith.constant 0 : i32
      %sign3A_1832 = arith.cmpi sgt, %reduce_sum3A_1828, %sign3A_1831 : i32
      %sign3A_1833 = arith.extui %sign3A_1832 : i1 to i32
      %sign3A_1834 = arith.constant 0 : i32
      %sign3A_1835 = arith.cmpi slt, %reduce_sum3A_1828, %sign3A_1834 : i32
      %sign3A_1836 = arith.extui %sign3A_1835 : i1 to i32
      %sign3A_1837 = arith.subi %sign3A_1833, %sign3A_1836 : i32
      %sign3A_1838 = arith.constant 0 : i32
      %sign3A_1839 = arith.cmpi sgt, %jit3A_1829, %sign3A_1838 : i32
      %sign3A_1840 = arith.extui %sign3A_1839 : i1 to i32
      %sign3A_1841 = arith.constant 0 : i32
      %sign3A_1842 = arith.cmpi slt, %jit3A_1829, %sign3A_1841 : i32
      %sign3A_1843 = arith.extui %sign3A_1842 : i1 to i32
      %sign3A_1844 = arith.subi %sign3A_1840, %sign3A_1843 : i32
      %ne3A_1845 = arith.cmpi ne, %sign3A_1837, %sign3A_1844 : i32
      %rem3A_1846 = arith.remsi %reduce_sum3A_1828, %jit3A_1829 : i32
      %ne3A_1847 = arith.constant 0 : i32
      %ne3A_1848 = arith.cmpi ne, %rem3A_1846, %ne3A_1847 : i32
      %and3A_1849 = arith.andi %ne3A_1845, %ne3A_1848 : i1
      %sub3A_1850 = arith.constant 1 : i32
      %sub3A_1851 = arith.subi %div3A_1830, %sub3A_1850 : i32
      %select_n3A_1852 = arith.select %and3A_1849, %sub3A_1851, %div3A_1830 : i32
      %mul3A_1853 = arith.constant 128 : i32
      %mul3A_1854 = arith.muli %select_n3A_1852, %mul3A_1853 : i32
      %multiple_of3A_1855 = tpu.assume_multiple %mul3A_1854, 128 : i32
      %add3A_1856 = arith.constant 4 : i32
      %add3A_1857 = arith.addi %mul3A_1614, %add3A_1856 : i32
      %dma_start3A_1858 = arith.constant 0 : i32
      %dma_start3A_1859 = arith.constant 0 : i32
      %dma_start3A_1860 = tpu.memref_slice %arg16[%add3A_1857, %dma_start3A_1858, %dma_start3A_1859] : memref<32x16x128xf32, #tpu.memory_space<vmem>> -> memref<1x16x128xf32, #tpu.memory_space<vmem>>
      %dma_start3A_1861 = tpu.memref_squeeze %dma_start3A_1860 : memref<1x16x128xf32, #tpu.memory_space<vmem>> -> memref<16x128xf32, #tpu.memory_space<vmem>>
      %dma_start3A_1862 = arith.constant 0 : i32
      %dma_start3A_1863 = tpu.memref_slice %arg6[%dma_start3A_1862, %multiple_of3A_1855] : memref<16x1000000xf32, #tpu.memory_space<hbm>> -> memref<16x128xf32, #tpu.memory_space<hbm>>
      %dma_start3A_1864 = arith.constant 0 : i32
      %dma_start3A_1865 = arith.constant 0 : i32
      %dma_start3A_1866 = tpu.memref_slice %arg16[%add3A_1857, %dma_start3A_1864, %dma_start3A_1865] : memref<32x16x128xf32, #tpu.memory_space<vmem>> -> memref<1x16x128xf32, #tpu.memory_space<vmem>>
      %dma_start3A_1867 = tpu.memref_squeeze %dma_start3A_1866 : memref<1x16x128xf32, #tpu.memory_space<vmem>> -> memref<16x128xf32, #tpu.memory_space<vmem>>
      %dma_start3A_1868 = arith.constant 0 : i32
      %dma_start3A_1869 = tpu.memref_slice %arg6[%dma_start3A_1868, %multiple_of3A_1855] : memref<16x1000000xf32, #tpu.memory_space<hbm>> -> memref<16x128xf32, #tpu.memory_space<hbm>>
      tpu.enqueue_dma source(%dma_start3A_1869 : memref<16x128xf32, #tpu.memory_space<hbm>>) target(%dma_start3A_1867 : memref<16x128xf32, #tpu.memory_space<vmem>>) target_semaphore(%arg21 : memref<!tpu.dma_semaphore, #tpu.memory_space<semaphore_mem>>)
      %eq3A_1870 = arith.constant 5 : i32
      %eq3A_1871 = vector.broadcast %eq3A_1870 : i32 to vector<16xi32>
      %eq3A_1872 = arith.cmpi eq, %iota3A, %eq3A_1871 : vector<16xi32>
      %jit3A_1873 = arith.constant 0 : i32
      %broadcast_in_dim3A_1874 = vector.broadcast %jit3A_1873 : i32 to vector<16xi32>
      %select_n3A_1875 = arith.select %eq3A_1872, %get3A_1610, %broadcast_in_dim3A_1874 : vector<16xi1>, vector<16xi32>
      %reduce_sum3A_1876 = arith.constant true
      %reduce_sum3A_1877 = vector.broadcast %reduce_sum3A_1876 : i1 to vector<16xi1>
      %reduce_sum3A_1878 = tpu.scan <sum>, %select_n3A_1875 masked %reduce_sum3A_1877 : vector<16xi32>, vector<16xi1> -> vector<16xi32>
      %reduce_sum3A_1879 = vector.extract %reduce_sum3A_1878[15] : i32 from vector<16xi32>
      %jit3A_1880 = arith.constant 128 : i32
      %div3A_1881 = arith.divsi %reduce_sum3A_1879, %jit3A_1880 : i32
      %sign3A_1882 = arith.constant 0 : i32
      %sign3A_1883 = arith.cmpi sgt, %reduce_sum3A_1879, %sign3A_1882 : i32
      %sign3A_1884 = arith.extui %sign3A_1883 : i1 to i32
      %sign3A_1885 = arith.constant 0 : i32
      %sign3A_1886 = arith.cmpi slt, %reduce_sum3A_1879, %sign3A_1885 : i32
      %sign3A_1887 = arith.extui %sign3A_1886 : i1 to i32
      %sign3A_1888 = arith.subi %sign3A_1884, %sign3A_1887 : i32
      %sign3A_1889 = arith.constant 0 : i32
      %sign3A_1890 = arith.cmpi sgt, %jit3A_1880, %sign3A_1889 : i32
      %sign3A_1891 = arith.extui %sign3A_1890 : i1 to i32
      %sign3A_1892 = arith.constant 0 : i32
      %sign3A_1893 = arith.cmpi slt, %jit3A_1880, %sign3A_1892 : i32
      %sign3A_1894 = arith.extui %sign3A_1893 : i1 to i32
      %sign3A_1895 = arith.subi %sign3A_1891, %sign3A_1894 : i32
      %ne3A_1896 = arith.cmpi ne, %sign3A_1888, %sign3A_1895 : i32
      %rem3A_1897 = arith.remsi %reduce_sum3A_1879, %jit3A_1880 : i32
      %ne3A_1898 = arith.constant 0 : i32
      %ne3A_1899 = arith.cmpi ne, %rem3A_1897, %ne3A_1898 : i32
      %and3A_1900 = arith.andi %ne3A_1896, %ne3A_1899 : i1
      %sub3A_1901 = arith.constant 1 : i32
      %sub3A_1902 = arith.subi %div3A_1881, %sub3A_1901 : i32
      %select_n3A_1903 = arith.select %and3A_1900, %sub3A_1902, %div3A_1881 : i32
      %mul3A_1904 = arith.constant 128 : i32
      %mul3A_1905 = arith.muli %select_n3A_1903, %mul3A_1904 : i32
      %multiple_of3A_1906 = tpu.assume_multiple %mul3A_1905, 128 : i32
      %add3A_1907 = arith.constant 5 : i32
      %add3A_1908 = arith.addi %mul3A_1614, %add3A_1907 : i32
      %dma_start3A_1909 = arith.constant 0 : i32
      %dma_start3A_1910 = arith.constant 0 : i32
      %dma_start3A_1911 = tpu.memref_slice %arg16[%add3A_1908, %dma_start3A_1909, %dma_start3A_1910] : memref<32x16x128xf32, #tpu.memory_space<vmem>> -> memref<1x16x128xf32, #tpu.memory_space<vmem>>
      %dma_start3A_1912 = tpu.memref_squeeze %dma_start3A_1911 : memref<1x16x128xf32, #tpu.memory_space<vmem>> -> memref<16x128xf32, #tpu.memory_space<vmem>>
      %dma_start3A_1913 = arith.constant 0 : i32
      %dma_start3A_1914 = tpu.memref_slice %arg6[%dma_start3A_1913, %multiple_of3A_1906] : memref<16x1000000xf32, #tpu.memory_space<hbm>> -> memref<16x128xf32, #tpu.memory_space<hbm>>
      %dma_start3A_1915 = arith.constant 0 : i32
      %dma_start3A_1916 = arith.constant 0 : i32
      %dma_start3A_1917 = tpu.memref_slice %arg16[%add3A_1908, %dma_start3A_1915, %dma_start3A_1916] : memref<32x16x128xf32, #tpu.memory_space<vmem>> -> memref<1x16x128xf32, #tpu.memory_space<vmem>>
      %dma_start3A_1918 = tpu.memref_squeeze %dma_start3A_1917 : memref<1x16x128xf32, #tpu.memory_space<vmem>> -> memref<16x128xf32, #tpu.memory_space<vmem>>
      %dma_start3A_1919 = arith.constant 0 : i32
      %dma_start3A_1920 = tpu.memref_slice %arg6[%dma_start3A_1919, %multiple_of3A_1906] : memref<16x1000000xf32, #tpu.memory_space<hbm>> -> memref<16x128xf32, #tpu.memory_space<hbm>>
      tpu.enqueue_dma source(%dma_start3A_1920 : memref<16x128xf32, #tpu.memory_space<hbm>>) target(%dma_start3A_1918 : memref<16x128xf32, #tpu.memory_space<vmem>>) target_semaphore(%arg21 : memref<!tpu.dma_semaphore, #tpu.memory_space<semaphore_mem>>)
      %eq3A_1921 = arith.constant 6 : i32
      %eq3A_1922 = vector.broadcast %eq3A_1921 : i32 to vector<16xi32>
      %eq3A_1923 = arith.cmpi eq, %iota3A, %eq3A_1922 : vector<16xi32>
      %jit3A_1924 = arith.constant 0 : i32
      %broadcast_in_dim3A_1925 = vector.broadcast %jit3A_1924 : i32 to vector<16xi32>
      %select_n3A_1926 = arith.select %eq3A_1923, %get3A_1610, %broadcast_in_dim3A_1925 : vector<16xi1>, vector<16xi32>
      %reduce_sum3A_1927 = arith.constant true
      %reduce_sum3A_1928 = vector.broadcast %reduce_sum3A_1927 : i1 to vector<16xi1>
      %reduce_sum3A_1929 = tpu.scan <sum>, %select_n3A_1926 masked %reduce_sum3A_1928 : vector<16xi32>, vector<16xi1> -> vector<16xi32>
      %reduce_sum3A_1930 = vector.extract %reduce_sum3A_1929[15] : i32 from vector<16xi32>
      %jit3A_1931 = arith.constant 128 : i32
      %div3A_1932 = arith.divsi %reduce_sum3A_1930, %jit3A_1931 : i32
      %sign3A_1933 = arith.constant 0 : i32
      %sign3A_1934 = arith.cmpi sgt, %reduce_sum3A_1930, %sign3A_1933 : i32
      %sign3A_1935 = arith.extui %sign3A_1934 : i1 to i32
      %sign3A_1936 = arith.constant 0 : i32
      %sign3A_1937 = arith.cmpi slt, %reduce_sum3A_1930, %sign3A_1936 : i32
      %sign3A_1938 = arith.extui %sign3A_1937 : i1 to i32
      %sign3A_1939 = arith.subi %sign3A_1935, %sign3A_1938 : i32
      %sign3A_1940 = arith.constant 0 : i32
      %sign3A_1941 = arith.cmpi sgt, %jit3A_1931, %sign3A_1940 : i32
      %sign3A_1942 = arith.extui %sign3A_1941 : i1 to i32
      %sign3A_1943 = arith.constant 0 : i32
      %sign3A_1944 = arith.cmpi slt, %jit3A_1931, %sign3A_1943 : i32
      %sign3A_1945 = arith.extui %sign3A_1944 : i1 to i32
      %sign3A_1946 = arith.subi %sign3A_1942, %sign3A_1945 : i32
      %ne3A_1947 = arith.cmpi ne, %sign3A_1939, %sign3A_1946 : i32
      %rem3A_1948 = arith.remsi %reduce_sum3A_1930, %jit3A_1931 : i32
      %ne3A_1949 = arith.constant 0 : i32
      %ne3A_1950 = arith.cmpi ne, %rem3A_1948, %ne3A_1949 : i32
      %and3A_1951 = arith.andi %ne3A_1947, %ne3A_1950 : i1
      %sub3A_1952 = arith.constant 1 : i32
      %sub3A_1953 = arith.subi %div3A_1932, %sub3A_1952 : i32
      %select_n3A_1954 = arith.select %and3A_1951, %sub3A_1953, %div3A_1932 : i32
      %mul3A_1955 = arith.constant 128 : i32
      %mul3A_1956 = arith.muli %select_n3A_1954, %mul3A_1955 : i32
      %multiple_of3A_1957 = tpu.assume_multiple %mul3A_1956, 128 : i32
      %add3A_1958 = arith.constant 6 : i32
      %add3A_1959 = arith.addi %mul3A_1614, %add3A_1958 : i32
      %dma_start3A_1960 = arith.constant 0 : i32
      %dma_start3A_1961 = arith.constant 0 : i32
      %dma_start3A_1962 = tpu.memref_slice %arg16[%add3A_1959, %dma_start3A_1960, %dma_start3A_1961] : memref<32x16x128xf32, #tpu.memory_space<vmem>> -> memref<1x16x128xf32, #tpu.memory_space<vmem>>
      %dma_start3A_1963 = tpu.memref_squeeze %dma_start3A_1962 : memref<1x16x128xf32, #tpu.memory_space<vmem>> -> memref<16x128xf32, #tpu.memory_space<vmem>>
      %dma_start3A_1964 = arith.constant 0 : i32
      %dma_start3A_1965 = tpu.memref_slice %arg6[%dma_start3A_1964, %multiple_of3A_1957] : memref<16x1000000xf32, #tpu.memory_space<hbm>> -> memref<16x128xf32, #tpu.memory_space<hbm>>
      %dma_start3A_1966 = arith.constant 0 : i32
      %dma_start3A_1967 = arith.constant 0 : i32
      %dma_start3A_1968 = tpu.memref_slice %arg16[%add3A_1959, %dma_start3A_1966, %dma_start3A_1967] : memref<32x16x128xf32, #tpu.memory_space<vmem>> -> memref<1x16x128xf32, #tpu.memory_space<vmem>>
      %dma_start3A_1969 = tpu.memref_squeeze %dma_start3A_1968 : memref<1x16x128xf32, #tpu.memory_space<vmem>> -> memref<16x128xf32, #tpu.memory_space<vmem>>
      %dma_start3A_1970 = arith.constant 0 : i32
      %dma_start3A_1971 = tpu.memref_slice %arg6[%dma_start3A_1970, %multiple_of3A_1957] : memref<16x1000000xf32, #tpu.memory_space<hbm>> -> memref<16x128xf32, #tpu.memory_space<hbm>>
      tpu.enqueue_dma source(%dma_start3A_1971 : memref<16x128xf32, #tpu.memory_space<hbm>>) target(%dma_start3A_1969 : memref<16x128xf32, #tpu.memory_space<vmem>>) target_semaphore(%arg21 : memref<!tpu.dma_semaphore, #tpu.memory_space<semaphore_mem>>)
      %eq3A_1972 = arith.constant 7 : i32
      %eq3A_1973 = vector.broadcast %eq3A_1972 : i32 to vector<16xi32>
      %eq3A_1974 = arith.cmpi eq, %iota3A, %eq3A_1973 : vector<16xi32>
      %jit3A_1975 = arith.constant 0 : i32
      %broadcast_in_dim3A_1976 = vector.broadcast %jit3A_1975 : i32 to vector<16xi32>
      %select_n3A_1977 = arith.select %eq3A_1974, %get3A_1610, %broadcast_in_dim3A_1976 : vector<16xi1>, vector<16xi32>
      %reduce_sum3A_1978 = arith.constant true
      %reduce_sum3A_1979 = vector.broadcast %reduce_sum3A_1978 : i1 to vector<16xi1>
      %reduce_sum3A_1980 = tpu.scan <sum>, %select_n3A_1977 masked %reduce_sum3A_1979 : vector<16xi32>, vector<16xi1> -> vector<16xi32>
      %reduce_sum3A_1981 = vector.extract %reduce_sum3A_1980[15] : i32 from vector<16xi32>
      %jit3A_1982 = arith.constant 128 : i32
      %div3A_1983 = arith.divsi %reduce_sum3A_1981, %jit3A_1982 : i32
      %sign3A_1984 = arith.constant 0 : i32
      %sign3A_1985 = arith.cmpi sgt, %reduce_sum3A_1981, %sign3A_1984 : i32
      %sign3A_1986 = arith.extui %sign3A_1985 : i1 to i32
      %sign3A_1987 = arith.constant 0 : i32
      %sign3A_1988 = arith.cmpi slt, %reduce_sum3A_1981, %sign3A_1987 : i32
      %sign3A_1989 = arith.extui %sign3A_1988 : i1 to i32
      %sign3A_1990 = arith.subi %sign3A_1986, %sign3A_1989 : i32
      %sign3A_1991 = arith.constant 0 : i32
      %sign3A_1992 = arith.cmpi sgt, %jit3A_1982, %sign3A_1991 : i32
      %sign3A_1993 = arith.extui %sign3A_1992 : i1 to i32
      %sign3A_1994 = arith.constant 0 : i32
      %sign3A_1995 = arith.cmpi slt, %jit3A_1982, %sign3A_1994 : i32
      %sign3A_1996 = arith.extui %sign3A_1995 : i1 to i32
      %sign3A_1997 = arith.subi %sign3A_1993, %sign3A_1996 : i32
      %ne3A_1998 = arith.cmpi ne, %sign3A_1990, %sign3A_1997 : i32
      %rem3A_1999 = arith.remsi %reduce_sum3A_1981, %jit3A_1982 : i32
      %ne3A_2000 = arith.constant 0 : i32
      %ne3A_2001 = arith.cmpi ne, %rem3A_1999, %ne3A_2000 : i32
      %and3A_2002 = arith.andi %ne3A_1998, %ne3A_2001 : i1
      %sub3A_2003 = arith.constant 1 : i32
      %sub3A_2004 = arith.subi %div3A_1983, %sub3A_2003 : i32
      %select_n3A_2005 = arith.select %and3A_2002, %sub3A_2004, %div3A_1983 : i32
      %mul3A_2006 = arith.constant 128 : i32
      %mul3A_2007 = arith.muli %select_n3A_2005, %mul3A_2006 : i32
      %multiple_of3A_2008 = tpu.assume_multiple %mul3A_2007, 128 : i32
      %add3A_2009 = arith.constant 7 : i32
      %add3A_2010 = arith.addi %mul3A_1614, %add3A_2009 : i32
      %dma_start3A_2011 = arith.constant 0 : i32
      %dma_start3A_2012 = arith.constant 0 : i32
      %dma_start3A_2013 = tpu.memref_slice %arg16[%add3A_2010, %dma_start3A_2011, %dma_start3A_2012] : memref<32x16x128xf32, #tpu.memory_space<vmem>> -> memref<1x16x128xf32, #tpu.memory_space<vmem>>
      %dma_start3A_2014 = tpu.memref_squeeze %dma_start3A_2013 : memref<1x16x128xf32, #tpu.memory_space<vmem>> -> memref<16x128xf32, #tpu.memory_space<vmem>>
      %dma_start3A_2015 = arith.constant 0 : i32
      %dma_start3A_2016 = tpu.memref_slice %arg6[%dma_start3A_2015, %multiple_of3A_2008] : memref<16x1000000xf32, #tpu.memory_space<hbm>> -> memref<16x128xf32, #tpu.memory_space<hbm>>
      %dma_start3A_2017 = arith.constant 0 : i32
      %dma_start3A_2018 = arith.constant 0 : i32
      %dma_start3A_2019 = tpu.memref_slice %arg16[%add3A_2010, %dma_start3A_2017, %dma_start3A_2018] : memref<32x16x128xf32, #tpu.memory_space<vmem>> -> memref<1x16x128xf32, #tpu.memory_space<vmem>>
      %dma_start3A_2020 = tpu.memref_squeeze %dma_start3A_2019 : memref<1x16x128xf32, #tpu.memory_space<vmem>> -> memref<16x128xf32, #tpu.memory_space<vmem>>
      %dma_start3A_2021 = arith.constant 0 : i32
      %dma_start3A_2022 = tpu.memref_slice %arg6[%dma_start3A_2021, %multiple_of3A_2008] : memref<16x1000000xf32, #tpu.memory_space<hbm>> -> memref<16x128xf32, #tpu.memory_space<hbm>>
      tpu.enqueue_dma source(%dma_start3A_2022 : memref<16x128xf32, #tpu.memory_space<hbm>>) target(%dma_start3A_2020 : memref<16x128xf32, #tpu.memory_space<vmem>>) target_semaphore(%arg21 : memref<!tpu.dma_semaphore, #tpu.memory_space<semaphore_mem>>)
      %eq3A_2023 = arith.constant 8 : i32
      %eq3A_2024 = vector.broadcast %eq3A_2023 : i32 to vector<16xi32>
      %eq3A_2025 = arith.cmpi eq, %iota3A, %eq3A_2024 : vector<16xi32>
      %jit3A_2026 = arith.constant 0 : i32
      %broadcast_in_dim3A_2027 = vector.broadcast %jit3A_2026 : i32 to vector<16xi32>
      %select_n3A_2028 = arith.select %eq3A_2025, %get3A_1610, %broadcast_in_dim3A_2027 : vector<16xi1>, vector<16xi32>
      %reduce_sum3A_2029 = arith.constant true
      %reduce_sum3A_2030 = vector.broadcast %reduce_sum3A_2029 : i1 to vector<16xi1>
      %reduce_sum3A_2031 = tpu.scan <sum>, %select_n3A_2028 masked %reduce_sum3A_2030 : vector<16xi32>, vector<16xi1> -> vector<16xi32>
      %reduce_sum3A_2032 = vector.extract %reduce_sum3A_2031[15] : i32 from vector<16xi32>
      %jit3A_2033 = arith.constant 128 : i32
      %div3A_2034 = arith.divsi %reduce_sum3A_2032, %jit3A_2033 : i32
      %sign3A_2035 = arith.constant 0 : i32
      %sign3A_2036 = arith.cmpi sgt, %reduce_sum3A_2032, %sign3A_2035 : i32
      %sign3A_2037 = arith.extui %sign3A_2036 : i1 to i32
      %sign3A_2038 = arith.constant 0 : i32
      %sign3A_2039 = arith.cmpi slt, %reduce_sum3A_2032, %sign3A_2038 : i32
      %sign3A_2040 = arith.extui %sign3A_2039 : i1 to i32
      %sign3A_2041 = arith.subi %sign3A_2037, %sign3A_2040 : i32
      %sign3A_2042 = arith.constant 0 : i32
      %sign3A_2043 = arith.cmpi sgt, %jit3A_2033, %sign3A_2042 : i32
      %sign3A_2044 = arith.extui %sign3A_2043 : i1 to i32
      %sign3A_2045 = arith.constant 0 : i32
      %sign3A_2046 = arith.cmpi slt, %jit3A_2033, %sign3A_2045 : i32
      %sign3A_2047 = arith.extui %sign3A_2046 : i1 to i32
      %sign3A_2048 = arith.subi %sign3A_2044, %sign3A_2047 : i32
      %ne3A_2049 = arith.cmpi ne, %sign3A_2041, %sign3A_2048 : i32
      %rem3A_2050 = arith.remsi %reduce_sum3A_2032, %jit3A_2033 : i32
      %ne3A_2051 = arith.constant 0 : i32
      %ne3A_2052 = arith.cmpi ne, %rem3A_2050, %ne3A_2051 : i32
      %and3A_2053 = arith.andi %ne3A_2049, %ne3A_2052 : i1
      %sub3A_2054 = arith.constant 1 : i32
      %sub3A_2055 = arith.subi %div3A_2034, %sub3A_2054 : i32
      %select_n3A_2056 = arith.select %and3A_2053, %sub3A_2055, %div3A_2034 : i32
      %mul3A_2057 = arith.constant 128 : i32
      %mul3A_2058 = arith.muli %select_n3A_2056, %mul3A_2057 : i32
      %multiple_of3A_2059 = tpu.assume_multiple %mul3A_2058, 128 : i32
      %add3A_2060 = arith.constant 8 : i32
      %add3A_2061 = arith.addi %mul3A_1614, %add3A_2060 : i32
      %dma_start3A_2062 = arith.constant 0 : i32
      %dma_start3A_2063 = arith.constant 0 : i32
      %dma_start3A_2064 = tpu.memref_slice %arg16[%add3A_2061, %dma_start3A_2062, %dma_start3A_2063] : memref<32x16x128xf32, #tpu.memory_space<vmem>> -> memref<1x16x128xf32, #tpu.memory_space<vmem>>
      %dma_start3A_2065 = tpu.memref_squeeze %dma_start3A_2064 : memref<1x16x128xf32, #tpu.memory_space<vmem>> -> memref<16x128xf32, #tpu.memory_space<vmem>>
      %dma_start3A_2066 = arith.constant 0 : i32
      %dma_start3A_2067 = tpu.memref_slice %arg6[%dma_start3A_2066, %multiple_of3A_2059] : memref<16x1000000xf32, #tpu.memory_space<hbm>> -> memref<16x128xf32, #tpu.memory_space<hbm>>
      %dma_start3A_2068 = arith.constant 0 : i32
      %dma_start3A_2069 = arith.constant 0 : i32
      %dma_start3A_2070 = tpu.memref_slice %arg16[%add3A_2061, %dma_start3A_2068, %dma_start3A_2069] : memref<32x16x128xf32, #tpu.memory_space<vmem>> -> memref<1x16x128xf32, #tpu.memory_space<vmem>>
      %dma_start3A_2071 = tpu.memref_squeeze %dma_start3A_2070 : memref<1x16x128xf32, #tpu.memory_space<vmem>> -> memref<16x128xf32, #tpu.memory_space<vmem>>
      %dma_start3A_2072 = arith.constant 0 : i32
      %dma_start3A_2073 = tpu.memref_slice %arg6[%dma_start3A_2072, %multiple_of3A_2059] : memref<16x1000000xf32, #tpu.memory_space<hbm>> -> memref<16x128xf32, #tpu.memory_space<hbm>>
      tpu.enqueue_dma source(%dma_start3A_2073 : memref<16x128xf32, #tpu.memory_space<hbm>>) target(%dma_start3A_2071 : memref<16x128xf32, #tpu.memory_space<vmem>>) target_semaphore(%arg21 : memref<!tpu.dma_semaphore, #tpu.memory_space<semaphore_mem>>)
      %eq3A_2074 = arith.constant 9 : i32
      %eq3A_2075 = vector.broadcast %eq3A_2074 : i32 to vector<16xi32>
      %eq3A_2076 = arith.cmpi eq, %iota3A, %eq3A_2075 : vector<16xi32>
      %jit3A_2077 = arith.constant 0 : i32
      %broadcast_in_dim3A_2078 = vector.broadcast %jit3A_2077 : i32 to vector<16xi32>
      %select_n3A_2079 = arith.select %eq3A_2076, %get3A_1610, %broadcast_in_dim3A_2078 : vector<16xi1>, vector<16xi32>
      %reduce_sum3A_2080 = arith.constant true
      %reduce_sum3A_2081 = vector.broadcast %reduce_sum3A_2080 : i1 to vector<16xi1>
      %reduce_sum3A_2082 = tpu.scan <sum>, %select_n3A_2079 masked %reduce_sum3A_2081 : vector<16xi32>, vector<16xi1> -> vector<16xi32>
      %reduce_sum3A_2083 = vector.extract %reduce_sum3A_2082[15] : i32 from vector<16xi32>
      %jit3A_2084 = arith.constant 128 : i32
      %div3A_2085 = arith.divsi %reduce_sum3A_2083, %jit3A_2084 : i32
      %sign3A_2086 = arith.constant 0 : i32
      %sign3A_2087 = arith.cmpi sgt, %reduce_sum3A_2083, %sign3A_2086 : i32
      %sign3A_2088 = arith.extui %sign3A_2087 : i1 to i32
      %sign3A_2089 = arith.constant 0 : i32
      %sign3A_2090 = arith.cmpi slt, %reduce_sum3A_2083, %sign3A_2089 : i32
      %sign3A_2091 = arith.extui %sign3A_2090 : i1 to i32
      %sign3A_2092 = arith.subi %sign3A_2088, %sign3A_2091 : i32
      %sign3A_2093 = arith.constant 0 : i32
      %sign3A_2094 = arith.cmpi sgt, %jit3A_2084, %sign3A_2093 : i32
      %sign3A_2095 = arith.extui %sign3A_2094 : i1 to i32
      %sign3A_2096 = arith.constant 0 : i32
      %sign3A_2097 = arith.cmpi slt, %jit3A_2084, %sign3A_2096 : i32
      %sign3A_2098 = arith.extui %sign3A_2097 : i1 to i32
      %sign3A_2099 = arith.subi %sign3A_2095, %sign3A_2098 : i32
      %ne3A_2100 = arith.cmpi ne, %sign3A_2092, %sign3A_2099 : i32
      %rem3A_2101 = arith.remsi %reduce_sum3A_2083, %jit3A_2084 : i32
      %ne3A_2102 = arith.constant 0 : i32
      %ne3A_2103 = arith.cmpi ne, %rem3A_2101, %ne3A_2102 : i32
      %and3A_2104 = arith.andi %ne3A_2100, %ne3A_2103 : i1
      %sub3A_2105 = arith.constant 1 : i32
      %sub3A_2106 = arith.subi %div3A_2085, %sub3A_2105 : i32
      %select_n3A_2107 = arith.select %and3A_2104, %sub3A_2106, %div3A_2085 : i32
      %mul3A_2108 = arith.constant 128 : i32
      %mul3A_2109 = arith.muli %select_n3A_2107, %mul3A_2108 : i32
      %multiple_of3A_2110 = tpu.assume_multiple %mul3A_2109, 128 : i32
      %add3A_2111 = arith.constant 9 : i32
      %add3A_2112 = arith.addi %mul3A_1614, %add3A_2111 : i32
      %dma_start3A_2113 = arith.constant 0 : i32
      %dma_start3A_2114 = arith.constant 0 : i32
      %dma_start3A_2115 = tpu.memref_slice %arg16[%add3A_2112, %dma_start3A_2113, %dma_start3A_2114] : memref<32x16x128xf32, #tpu.memory_space<vmem>> -> memref<1x16x128xf32, #tpu.memory_space<vmem>>
      %dma_start3A_2116 = tpu.memref_squeeze %dma_start3A_2115 : memref<1x16x128xf32, #tpu.memory_space<vmem>> -> memref<16x128xf32, #tpu.memory_space<vmem>>
      %dma_start3A_2117 = arith.constant 0 : i32
      %dma_start3A_2118 = tpu.memref_slice %arg6[%dma_start3A_2117, %multiple_of3A_2110] : memref<16x1000000xf32, #tpu.memory_space<hbm>> -> memref<16x128xf32, #tpu.memory_space<hbm>>
      %dma_start3A_2119 = arith.constant 0 : i32
      %dma_start3A_2120 = arith.constant 0 : i32
      %dma_start3A_2121 = tpu.memref_slice %arg16[%add3A_2112, %dma_start3A_2119, %dma_start3A_2120] : memref<32x16x128xf32, #tpu.memory_space<vmem>> -> memref<1x16x128xf32, #tpu.memory_space<vmem>>
      %dma_start3A_2122 = tpu.memref_squeeze %dma_start3A_2121 : memref<1x16x128xf32, #tpu.memory_space<vmem>> -> memref<16x128xf32, #tpu.memory_space<vmem>>
      %dma_start3A_2123 = arith.constant 0 : i32
      %dma_start3A_2124 = tpu.memref_slice %arg6[%dma_start3A_2123, %multiple_of3A_2110] : memref<16x1000000xf32, #tpu.memory_space<hbm>> -> memref<16x128xf32, #tpu.memory_space<hbm>>
      tpu.enqueue_dma source(%dma_start3A_2124 : memref<16x128xf32, #tpu.memory_space<hbm>>) target(%dma_start3A_2122 : memref<16x128xf32, #tpu.memory_space<vmem>>) target_semaphore(%arg21 : memref<!tpu.dma_semaphore, #tpu.memory_space<semaphore_mem>>)
      %eq3A_2125 = arith.constant 10 : i32
      %eq3A_2126 = vector.broadcast %eq3A_2125 : i32 to vector<16xi32>
      %eq3A_2127 = arith.cmpi eq, %iota3A, %eq3A_2126 : vector<16xi32>
      %jit3A_2128 = arith.constant 0 : i32
      %broadcast_in_dim3A_2129 = vector.broadcast %jit3A_2128 : i32 to vector<16xi32>
      %select_n3A_2130 = arith.select %eq3A_2127, %get3A_1610, %broadcast_in_dim3A_2129 : vector<16xi1>, vector<16xi32>
      %reduce_sum3A_2131 = arith.constant true
      %reduce_sum3A_2132 = vector.broadcast %reduce_sum3A_2131 : i1 to vector<16xi1>
      %reduce_sum3A_2133 = tpu.scan <sum>, %select_n3A_2130 masked %reduce_sum3A_2132 : vector<16xi32>, vector<16xi1> -> vector<16xi32>
      %reduce_sum3A_2134 = vector.extract %reduce_sum3A_2133[15] : i32 from vector<16xi32>
      %jit3A_2135 = arith.constant 128 : i32
      %div3A_2136 = arith.divsi %reduce_sum3A_2134, %jit3A_2135 : i32
      %sign3A_2137 = arith.constant 0 : i32
      %sign3A_2138 = arith.cmpi sgt, %reduce_sum3A_2134, %sign3A_2137 : i32
      %sign3A_2139 = arith.extui %sign3A_2138 : i1 to i32
      %sign3A_2140 = arith.constant 0 : i32
      %sign3A_2141 = arith.cmpi slt, %reduce_sum3A_2134, %sign3A_2140 : i32
      %sign3A_2142 = arith.extui %sign3A_2141 : i1 to i32
      %sign3A_2143 = arith.subi %sign3A_2139, %sign3A_2142 : i32
      %sign3A_2144 = arith.constant 0 : i32
      %sign3A_2145 = arith.cmpi sgt, %jit3A_2135, %sign3A_2144 : i32
      %sign3A_2146 = arith.extui %sign3A_2145 : i1 to i32
      %sign3A_2147 = arith.constant 0 : i32
      %sign3A_2148 = arith.cmpi slt, %jit3A_2135, %sign3A_2147 : i32
      %sign3A_2149 = arith.extui %sign3A_2148 : i1 to i32
      %sign3A_2150 = arith.subi %sign3A_2146, %sign3A_2149 : i32
      %ne3A_2151 = arith.cmpi ne, %sign3A_2143, %sign3A_2150 : i32
      %rem3A_2152 = arith.remsi %reduce_sum3A_2134, %jit3A_2135 : i32
      %ne3A_2153 = arith.constant 0 : i32
      %ne3A_2154 = arith.cmpi ne, %rem3A_2152, %ne3A_2153 : i32
      %and3A_2155 = arith.andi %ne3A_2151, %ne3A_2154 : i1
      %sub3A_2156 = arith.constant 1 : i32
      %sub3A_2157 = arith.subi %div3A_2136, %sub3A_2156 : i32
      %select_n3A_2158 = arith.select %and3A_2155, %sub3A_2157, %div3A_2136 : i32
      %mul3A_2159 = arith.constant 128 : i32
      %mul3A_2160 = arith.muli %select_n3A_2158, %mul3A_2159 : i32
      %multiple_of3A_2161 = tpu.assume_multiple %mul3A_2160, 128 : i32
      %add3A_2162 = arith.constant 10 : i32
      %add3A_2163 = arith.addi %mul3A_1614, %add3A_2162 : i32
      %dma_start3A_2164 = arith.constant 0 : i32
      %dma_start3A_2165 = arith.constant 0 : i32
      %dma_start3A_2166 = tpu.memref_slice %arg16[%add3A_2163, %dma_start3A_2164, %dma_start3A_2165] : memref<32x16x128xf32, #tpu.memory_space<vmem>> -> memref<1x16x128xf32, #tpu.memory_space<vmem>>
      %dma_start3A_2167 = tpu.memref_squeeze %dma_start3A_2166 : memref<1x16x128xf32, #tpu.memory_space<vmem>> -> memref<16x128xf32, #tpu.memory_space<vmem>>
      %dma_start3A_2168 = arith.constant 0 : i32
      %dma_start3A_2169 = tpu.memref_slice %arg6[%dma_start3A_2168, %multiple_of3A_2161] : memref<16x1000000xf32, #tpu.memory_space<hbm>> -> memref<16x128xf32, #tpu.memory_space<hbm>>
      %dma_start3A_2170 = arith.constant 0 : i32
      %dma_start3A_2171 = arith.constant 0 : i32
      %dma_start3A_2172 = tpu.memref_slice %arg16[%add3A_2163, %dma_start3A_2170, %dma_start3A_2171] : memref<32x16x128xf32, #tpu.memory_space<vmem>> -> memref<1x16x128xf32, #tpu.memory_space<vmem>>
      %dma_start3A_2173 = tpu.memref_squeeze %dma_start3A_2172 : memref<1x16x128xf32, #tpu.memory_space<vmem>> -> memref<16x128xf32, #tpu.memory_space<vmem>>
      %dma_start3A_2174 = arith.constant 0 : i32
      %dma_start3A_2175 = tpu.memref_slice %arg6[%dma_start3A_2174, %multiple_of3A_2161] : memref<16x1000000xf32, #tpu.memory_space<hbm>> -> memref<16x128xf32, #tpu.memory_space<hbm>>
      tpu.enqueue_dma source(%dma_start3A_2175 : memref<16x128xf32, #tpu.memory_space<hbm>>) target(%dma_start3A_2173 : memref<16x128xf32, #tpu.memory_space<vmem>>) target_semaphore(%arg21 : memref<!tpu.dma_semaphore, #tpu.memory_space<semaphore_mem>>)
      %eq3A_2176 = arith.constant 11 : i32
      %eq3A_2177 = vector.broadcast %eq3A_2176 : i32 to vector<16xi32>
      %eq3A_2178 = arith.cmpi eq, %iota3A, %eq3A_2177 : vector<16xi32>
      %jit3A_2179 = arith.constant 0 : i32
      %broadcast_in_dim3A_2180 = vector.broadcast %jit3A_2179 : i32 to vector<16xi32>
      %select_n3A_2181 = arith.select %eq3A_2178, %get3A_1610, %broadcast_in_dim3A_2180 : vector<16xi1>, vector<16xi32>
      %reduce_sum3A_2182 = arith.constant true
      %reduce_sum3A_2183 = vector.broadcast %reduce_sum3A_2182 : i1 to vector<16xi1>
      %reduce_sum3A_2184 = tpu.scan <sum>, %select_n3A_2181 masked %reduce_sum3A_2183 : vector<16xi32>, vector<16xi1> -> vector<16xi32>
      %reduce_sum3A_2185 = vector.extract %reduce_sum3A_2184[15] : i32 from vector<16xi32>
      %jit3A_2186 = arith.constant 128 : i32
      %div3A_2187 = arith.divsi %reduce_sum3A_2185, %jit3A_2186 : i32
      %sign3A_2188 = arith.constant 0 : i32
      %sign3A_2189 = arith.cmpi sgt, %reduce_sum3A_2185, %sign3A_2188 : i32
      %sign3A_2190 = arith.extui %sign3A_2189 : i1 to i32
      %sign3A_2191 = arith.constant 0 : i32
      %sign3A_2192 = arith.cmpi slt, %reduce_sum3A_2185, %sign3A_2191 : i32
      %sign3A_2193 = arith.extui %sign3A_2192 : i1 to i32
      %sign3A_2194 = arith.subi %sign3A_2190, %sign3A_2193 : i32
      %sign3A_2195 = arith.constant 0 : i32
      %sign3A_2196 = arith.cmpi sgt, %jit3A_2186, %sign3A_2195 : i32
      %sign3A_2197 = arith.extui %sign3A_2196 : i1 to i32
      %sign3A_2198 = arith.constant 0 : i32
      %sign3A_2199 = arith.cmpi slt, %jit3A_2186, %sign3A_2198 : i32
      %sign3A_2200 = arith.extui %sign3A_2199 : i1 to i32
      %sign3A_2201 = arith.subi %sign3A_2197, %sign3A_2200 : i32
      %ne3A_2202 = arith.cmpi ne, %sign3A_2194, %sign3A_2201 : i32
      %rem3A_2203 = arith.remsi %reduce_sum3A_2185, %jit3A_2186 : i32
      %ne3A_2204 = arith.constant 0 : i32
      %ne3A_2205 = arith.cmpi ne, %rem3A_2203, %ne3A_2204 : i32
      %and3A_2206 = arith.andi %ne3A_2202, %ne3A_2205 : i1
      %sub3A_2207 = arith.constant 1 : i32
      %sub3A_2208 = arith.subi %div3A_2187, %sub3A_2207 : i32
      %select_n3A_2209 = arith.select %and3A_2206, %sub3A_2208, %div3A_2187 : i32
      %mul3A_2210 = arith.constant 128 : i32
      %mul3A_2211 = arith.muli %select_n3A_2209, %mul3A_2210 : i32
      %multiple_of3A_2212 = tpu.assume_multiple %mul3A_2211, 128 : i32
      %add3A_2213 = arith.constant 11 : i32
      %add3A_2214 = arith.addi %mul3A_1614, %add3A_2213 : i32
      %dma_start3A_2215 = arith.constant 0 : i32
      %dma_start3A_2216 = arith.constant 0 : i32
      %dma_start3A_2217 = tpu.memref_slice %arg16[%add3A_2214, %dma_start3A_2215, %dma_start3A_2216] : memref<32x16x128xf32, #tpu.memory_space<vmem>> -> memref<1x16x128xf32, #tpu.memory_space<vmem>>
      %dma_start3A_2218 = tpu.memref_squeeze %dma_start3A_2217 : memref<1x16x128xf32, #tpu.memory_space<vmem>> -> memref<16x128xf32, #tpu.memory_space<vmem>>
      %dma_start3A_2219 = arith.constant 0 : i32
      %dma_start3A_2220 = tpu.memref_slice %arg6[%dma_start3A_2219, %multiple_of3A_2212] : memref<16x1000000xf32, #tpu.memory_space<hbm>> -> memref<16x128xf32, #tpu.memory_space<hbm>>
      %dma_start3A_2221 = arith.constant 0 : i32
      %dma_start3A_2222 = arith.constant 0 : i32
      %dma_start3A_2223 = tpu.memref_slice %arg16[%add3A_2214, %dma_start3A_2221, %dma_start3A_2222] : memref<32x16x128xf32, #tpu.memory_space<vmem>> -> memref<1x16x128xf32, #tpu.memory_space<vmem>>
      %dma_start3A_2224 = tpu.memref_squeeze %dma_start3A_2223 : memref<1x16x128xf32, #tpu.memory_space<vmem>> -> memref<16x128xf32, #tpu.memory_space<vmem>>
      %dma_start3A_2225 = arith.constant 0 : i32
      %dma_start3A_2226 = tpu.memref_slice %arg6[%dma_start3A_2225, %multiple_of3A_2212] : memref<16x1000000xf32, #tpu.memory_space<hbm>> -> memref<16x128xf32, #tpu.memory_space<hbm>>
      tpu.enqueue_dma source(%dma_start3A_2226 : memref<16x128xf32, #tpu.memory_space<hbm>>) target(%dma_start3A_2224 : memref<16x128xf32, #tpu.memory_space<vmem>>) target_semaphore(%arg21 : memref<!tpu.dma_semaphore, #tpu.memory_space<semaphore_mem>>)
      %eq3A_2227 = arith.constant 12 : i32
      %eq3A_2228 = vector.broadcast %eq3A_2227 : i32 to vector<16xi32>
      %eq3A_2229 = arith.cmpi eq, %iota3A, %eq3A_2228 : vector<16xi32>
      %jit3A_2230 = arith.constant 0 : i32
      %broadcast_in_dim3A_2231 = vector.broadcast %jit3A_2230 : i32 to vector<16xi32>
      %select_n3A_2232 = arith.select %eq3A_2229, %get3A_1610, %broadcast_in_dim3A_2231 : vector<16xi1>, vector<16xi32>
      %reduce_sum3A_2233 = arith.constant true
      %reduce_sum3A_2234 = vector.broadcast %reduce_sum3A_2233 : i1 to vector<16xi1>
      %reduce_sum3A_2235 = tpu.scan <sum>, %select_n3A_2232 masked %reduce_sum3A_2234 : vector<16xi32>, vector<16xi1> -> vector<16xi32>
      %reduce_sum3A_2236 = vector.extract %reduce_sum3A_2235[15] : i32 from vector<16xi32>
      %jit3A_2237 = arith.constant 128 : i32
      %div3A_2238 = arith.divsi %reduce_sum3A_2236, %jit3A_2237 : i32
      %sign3A_2239 = arith.constant 0 : i32
      %sign3A_2240 = arith.cmpi sgt, %reduce_sum3A_2236, %sign3A_2239 : i32
      %sign3A_2241 = arith.extui %sign3A_2240 : i1 to i32
      %sign3A_2242 = arith.constant 0 : i32
      %sign3A_2243 = arith.cmpi slt, %reduce_sum3A_2236, %sign3A_2242 : i32
      %sign3A_2244 = arith.extui %sign3A_2243 : i1 to i32
      %sign3A_2245 = arith.subi %sign3A_2241, %sign3A_2244 : i32
      %sign3A_2246 = arith.constant 0 : i32
      %sign3A_2247 = arith.cmpi sgt, %jit3A_2237, %sign3A_2246 : i32
      %sign3A_2248 = arith.extui %sign3A_2247 : i1 to i32
      %sign3A_2249 = arith.constant 0 : i32
      %sign3A_2250 = arith.cmpi slt, %jit3A_2237, %sign3A_2249 : i32
      %sign3A_2251 = arith.extui %sign3A_2250 : i1 to i32
      %sign3A_2252 = arith.subi %sign3A_2248, %sign3A_2251 : i32
      %ne3A_2253 = arith.cmpi ne, %sign3A_2245, %sign3A_2252 : i32
      %rem3A_2254 = arith.remsi %reduce_sum3A_2236, %jit3A_2237 : i32
      %ne3A_2255 = arith.constant 0 : i32
      %ne3A_2256 = arith.cmpi ne, %rem3A_2254, %ne3A_2255 : i32
      %and3A_2257 = arith.andi %ne3A_2253, %ne3A_2256 : i1
      %sub3A_2258 = arith.constant 1 : i32
      %sub3A_2259 = arith.subi %div3A_2238, %sub3A_2258 : i32
      %select_n3A_2260 = arith.select %and3A_2257, %sub3A_2259, %div3A_2238 : i32
      %mul3A_2261 = arith.constant 128 : i32
      %mul3A_2262 = arith.muli %select_n3A_2260, %mul3A_2261 : i32
      %multiple_of3A_2263 = tpu.assume_multiple %mul3A_2262, 128 : i32
      %add3A_2264 = arith.constant 12 : i32
      %add3A_2265 = arith.addi %mul3A_1614, %add3A_2264 : i32
      %dma_start3A_2266 = arith.constant 0 : i32
      %dma_start3A_2267 = arith.constant 0 : i32
      %dma_start3A_2268 = tpu.memref_slice %arg16[%add3A_2265, %dma_start3A_2266, %dma_start3A_2267] : memref<32x16x128xf32, #tpu.memory_space<vmem>> -> memref<1x16x128xf32, #tpu.memory_space<vmem>>
      %dma_start3A_2269 = tpu.memref_squeeze %dma_start3A_2268 : memref<1x16x128xf32, #tpu.memory_space<vmem>> -> memref<16x128xf32, #tpu.memory_space<vmem>>
      %dma_start3A_2270 = arith.constant 0 : i32
      %dma_start3A_2271 = tpu.memref_slice %arg6[%dma_start3A_2270, %multiple_of3A_2263] : memref<16x1000000xf32, #tpu.memory_space<hbm>> -> memref<16x128xf32, #tpu.memory_space<hbm>>
      %dma_start3A_2272 = arith.constant 0 : i32
      %dma_start3A_2273 = arith.constant 0 : i32
      %dma_start3A_2274 = tpu.memref_slice %arg16[%add3A_2265, %dma_start3A_2272, %dma_start3A_2273] : memref<32x16x128xf32, #tpu.memory_space<vmem>> -> memref<1x16x128xf32, #tpu.memory_space<vmem>>
      %dma_start3A_2275 = tpu.memref_squeeze %dma_start3A_2274 : memref<1x16x128xf32, #tpu.memory_space<vmem>> -> memref<16x128xf32, #tpu.memory_space<vmem>>
      %dma_start3A_2276 = arith.constant 0 : i32
      %dma_start3A_2277 = tpu.memref_slice %arg6[%dma_start3A_2276, %multiple_of3A_2263] : memref<16x1000000xf32, #tpu.memory_space<hbm>> -> memref<16x128xf32, #tpu.memory_space<hbm>>
      tpu.enqueue_dma source(%dma_start3A_2277 : memref<16x128xf32, #tpu.memory_space<hbm>>) target(%dma_start3A_2275 : memref<16x128xf32, #tpu.memory_space<vmem>>) target_semaphore(%arg21 : memref<!tpu.dma_semaphore, #tpu.memory_space<semaphore_mem>>)
      %eq3A_2278 = arith.constant 13 : i32
      %eq3A_2279 = vector.broadcast %eq3A_2278 : i32 to vector<16xi32>
      %eq3A_2280 = arith.cmpi eq, %iota3A, %eq3A_2279 : vector<16xi32>
      %jit3A_2281 = arith.constant 0 : i32
      %broadcast_in_dim3A_2282 = vector.broadcast %jit3A_2281 : i32 to vector<16xi32>
      %select_n3A_2283 = arith.select %eq3A_2280, %get3A_1610, %broadcast_in_dim3A_2282 : vector<16xi1>, vector<16xi32>
      %reduce_sum3A_2284 = arith.constant true
      %reduce_sum3A_2285 = vector.broadcast %reduce_sum3A_2284 : i1 to vector<16xi1>
      %reduce_sum3A_2286 = tpu.scan <sum>, %select_n3A_2283 masked %reduce_sum3A_2285 : vector<16xi32>, vector<16xi1> -> vector<16xi32>
      %reduce_sum3A_2287 = vector.extract %reduce_sum3A_2286[15] : i32 from vector<16xi32>
      %jit3A_2288 = arith.constant 128 : i32
      %div3A_2289 = arith.divsi %reduce_sum3A_2287, %jit3A_2288 : i32
      %sign3A_2290 = arith.constant 0 : i32
      %sign3A_2291 = arith.cmpi sgt, %reduce_sum3A_2287, %sign3A_2290 : i32
      %sign3A_2292 = arith.extui %sign3A_2291 : i1 to i32
      %sign3A_2293 = arith.constant 0 : i32
      %sign3A_2294 = arith.cmpi slt, %reduce_sum3A_2287, %sign3A_2293 : i32
      %sign3A_2295 = arith.extui %sign3A_2294 : i1 to i32
      %sign3A_2296 = arith.subi %sign3A_2292, %sign3A_2295 : i32
      %sign3A_2297 = arith.constant 0 : i32
      %sign3A_2298 = arith.cmpi sgt, %jit3A_2288, %sign3A_2297 : i32
      %sign3A_2299 = arith.extui %sign3A_2298 : i1 to i32
      %sign3A_2300 = arith.constant 0 : i32
      %sign3A_2301 = arith.cmpi slt, %jit3A_2288, %sign3A_2300 : i32
      %sign3A_2302 = arith.extui %sign3A_2301 : i1 to i32
      %sign3A_2303 = arith.subi %sign3A_2299, %sign3A_2302 : i32
      %ne3A_2304 = arith.cmpi ne, %sign3A_2296, %sign3A_2303 : i32
      %rem3A_2305 = arith.remsi %reduce_sum3A_2287, %jit3A_2288 : i32
      %ne3A_2306 = arith.constant 0 : i32
      %ne3A_2307 = arith.cmpi ne, %rem3A_2305, %ne3A_2306 : i32
      %and3A_2308 = arith.andi %ne3A_2304, %ne3A_2307 : i1
      %sub3A_2309 = arith.constant 1 : i32
      %sub3A_2310 = arith.subi %div3A_2289, %sub3A_2309 : i32
      %select_n3A_2311 = arith.select %and3A_2308, %sub3A_2310, %div3A_2289 : i32
      %mul3A_2312 = arith.constant 128 : i32
      %mul3A_2313 = arith.muli %select_n3A_2311, %mul3A_2312 : i32
      %multiple_of3A_2314 = tpu.assume_multiple %mul3A_2313, 128 : i32
      %add3A_2315 = arith.constant 13 : i32
      %add3A_2316 = arith.addi %mul3A_1614, %add3A_2315 : i32
      %dma_start3A_2317 = arith.constant 0 : i32
      %dma_start3A_2318 = arith.constant 0 : i32
      %dma_start3A_2319 = tpu.memref_slice %arg16[%add3A_2316, %dma_start3A_2317, %dma_start3A_2318] : memref<32x16x128xf32, #tpu.memory_space<vmem>> -> memref<1x16x128xf32, #tpu.memory_space<vmem>>
      %dma_start3A_2320 = tpu.memref_squeeze %dma_start3A_2319 : memref<1x16x128xf32, #tpu.memory_space<vmem>> -> memref<16x128xf32, #tpu.memory_space<vmem>>
      %dma_start3A_2321 = arith.constant 0 : i32
      %dma_start3A_2322 = tpu.memref_slice %arg6[%dma_start3A_2321, %multiple_of3A_2314] : memref<16x1000000xf32, #tpu.memory_space<hbm>> -> memref<16x128xf32, #tpu.memory_space<hbm>>
      %dma_start3A_2323 = arith.constant 0 : i32
      %dma_start3A_2324 = arith.constant 0 : i32
      %dma_start3A_2325 = tpu.memref_slice %arg16[%add3A_2316, %dma_start3A_2323, %dma_start3A_2324] : memref<32x16x128xf32, #tpu.memory_space<vmem>> -> memref<1x16x128xf32, #tpu.memory_space<vmem>>
      %dma_start3A_2326 = tpu.memref_squeeze %dma_start3A_2325 : memref<1x16x128xf32, #tpu.memory_space<vmem>> -> memref<16x128xf32, #tpu.memory_space<vmem>>
      %dma_start3A_2327 = arith.constant 0 : i32
      %dma_start3A_2328 = tpu.memref_slice %arg6[%dma_start3A_2327, %multiple_of3A_2314] : memref<16x1000000xf32, #tpu.memory_space<hbm>> -> memref<16x128xf32, #tpu.memory_space<hbm>>
      tpu.enqueue_dma source(%dma_start3A_2328 : memref<16x128xf32, #tpu.memory_space<hbm>>) target(%dma_start3A_2326 : memref<16x128xf32, #tpu.memory_space<vmem>>) target_semaphore(%arg21 : memref<!tpu.dma_semaphore, #tpu.memory_space<semaphore_mem>>)
      %eq3A_2329 = arith.constant 14 : i32
      %eq3A_2330 = vector.broadcast %eq3A_2329 : i32 to vector<16xi32>
      %eq3A_2331 = arith.cmpi eq, %iota3A, %eq3A_2330 : vector<16xi32>
      %jit3A_2332 = arith.constant 0 : i32
      %broadcast_in_dim3A_2333 = vector.broadcast %jit3A_2332 : i32 to vector<16xi32>
      %select_n3A_2334 = arith.select %eq3A_2331, %get3A_1610, %broadcast_in_dim3A_2333 : vector<16xi1>, vector<16xi32>
      %reduce_sum3A_2335 = arith.constant true
      %reduce_sum3A_2336 = vector.broadcast %reduce_sum3A_2335 : i1 to vector<16xi1>
      %reduce_sum3A_2337 = tpu.scan <sum>, %select_n3A_2334 masked %reduce_sum3A_2336 : vector<16xi32>, vector<16xi1> -> vector<16xi32>
      %reduce_sum3A_2338 = vector.extract %reduce_sum3A_2337[15] : i32 from vector<16xi32>
      %jit3A_2339 = arith.constant 128 : i32
      %div3A_2340 = arith.divsi %reduce_sum3A_2338, %jit3A_2339 : i32
      %sign3A_2341 = arith.constant 0 : i32
      %sign3A_2342 = arith.cmpi sgt, %reduce_sum3A_2338, %sign3A_2341 : i32
      %sign3A_2343 = arith.extui %sign3A_2342 : i1 to i32
      %sign3A_2344 = arith.constant 0 : i32
      %sign3A_2345 = arith.cmpi slt, %reduce_sum3A_2338, %sign3A_2344 : i32
      %sign3A_2346 = arith.extui %sign3A_2345 : i1 to i32
      %sign3A_2347 = arith.subi %sign3A_2343, %sign3A_2346 : i32
      %sign3A_2348 = arith.constant 0 : i32
      %sign3A_2349 = arith.cmpi sgt, %jit3A_2339, %sign3A_2348 : i32
      %sign3A_2350 = arith.extui %sign3A_2349 : i1 to i32
      %sign3A_2351 = arith.constant 0 : i32
      %sign3A_2352 = arith.cmpi slt, %jit3A_2339, %sign3A_2351 : i32
      %sign3A_2353 = arith.extui %sign3A_2352 : i1 to i32
      %sign3A_2354 = arith.subi %sign3A_2350, %sign3A_2353 : i32
      %ne3A_2355 = arith.cmpi ne, %sign3A_2347, %sign3A_2354 : i32
      %rem3A_2356 = arith.remsi %reduce_sum3A_2338, %jit3A_2339 : i32
      %ne3A_2357 = arith.constant 0 : i32
      %ne3A_2358 = arith.cmpi ne, %rem3A_2356, %ne3A_2357 : i32
      %and3A_2359 = arith.andi %ne3A_2355, %ne3A_2358 : i1
      %sub3A_2360 = arith.constant 1 : i32
      %sub3A_2361 = arith.subi %div3A_2340, %sub3A_2360 : i32
      %select_n3A_2362 = arith.select %and3A_2359, %sub3A_2361, %div3A_2340 : i32
      %mul3A_2363 = arith.constant 128 : i32
      %mul3A_2364 = arith.muli %select_n3A_2362, %mul3A_2363 : i32
      %multiple_of3A_2365 = tpu.assume_multiple %mul3A_2364, 128 : i32
      %add3A_2366 = arith.constant 14 : i32
      %add3A_2367 = arith.addi %mul3A_1614, %add3A_2366 : i32
      %dma_start3A_2368 = arith.constant 0 : i32
      %dma_start3A_2369 = arith.constant 0 : i32
      %dma_start3A_2370 = tpu.memref_slice %arg16[%add3A_2367, %dma_start3A_2368, %dma_start3A_2369] : memref<32x16x128xf32, #tpu.memory_space<vmem>> -> memref<1x16x128xf32, #tpu.memory_space<vmem>>
      %dma_start3A_2371 = tpu.memref_squeeze %dma_start3A_2370 : memref<1x16x128xf32, #tpu.memory_space<vmem>> -> memref<16x128xf32, #tpu.memory_space<vmem>>
      %dma_start3A_2372 = arith.constant 0 : i32
      %dma_start3A_2373 = tpu.memref_slice %arg6[%dma_start3A_2372, %multiple_of3A_2365] : memref<16x1000000xf32, #tpu.memory_space<hbm>> -> memref<16x128xf32, #tpu.memory_space<hbm>>
      %dma_start3A_2374 = arith.constant 0 : i32
      %dma_start3A_2375 = arith.constant 0 : i32
      %dma_start3A_2376 = tpu.memref_slice %arg16[%add3A_2367, %dma_start3A_2374, %dma_start3A_2375] : memref<32x16x128xf32, #tpu.memory_space<vmem>> -> memref<1x16x128xf32, #tpu.memory_space<vmem>>
      %dma_start3A_2377 = tpu.memref_squeeze %dma_start3A_2376 : memref<1x16x128xf32, #tpu.memory_space<vmem>> -> memref<16x128xf32, #tpu.memory_space<vmem>>
      %dma_start3A_2378 = arith.constant 0 : i32
      %dma_start3A_2379 = tpu.memref_slice %arg6[%dma_start3A_2378, %multiple_of3A_2365] : memref<16x1000000xf32, #tpu.memory_space<hbm>> -> memref<16x128xf32, #tpu.memory_space<hbm>>
      tpu.enqueue_dma source(%dma_start3A_2379 : memref<16x128xf32, #tpu.memory_space<hbm>>) target(%dma_start3A_2377 : memref<16x128xf32, #tpu.memory_space<vmem>>) target_semaphore(%arg21 : memref<!tpu.dma_semaphore, #tpu.memory_space<semaphore_mem>>)
      %eq3A_2380 = arith.constant 15 : i32
      %eq3A_2381 = vector.broadcast %eq3A_2380 : i32 to vector<16xi32>
      %eq3A_2382 = arith.cmpi eq, %iota3A, %eq3A_2381 : vector<16xi32>
      %jit3A_2383 = arith.constant 0 : i32
      %broadcast_in_dim3A_2384 = vector.broadcast %jit3A_2383 : i32 to vector<16xi32>
      %select_n3A_2385 = arith.select %eq3A_2382, %get3A_1610, %broadcast_in_dim3A_2384 : vector<16xi1>, vector<16xi32>
      %reduce_sum3A_2386 = arith.constant true
      %reduce_sum3A_2387 = vector.broadcast %reduce_sum3A_2386 : i1 to vector<16xi1>
      %reduce_sum3A_2388 = tpu.scan <sum>, %select_n3A_2385 masked %reduce_sum3A_2387 : vector<16xi32>, vector<16xi1> -> vector<16xi32>
      %reduce_sum3A_2389 = vector.extract %reduce_sum3A_2388[15] : i32 from vector<16xi32>
      %jit3A_2390 = arith.constant 128 : i32
      %div3A_2391 = arith.divsi %reduce_sum3A_2389, %jit3A_2390 : i32
      %sign3A_2392 = arith.constant 0 : i32
      %sign3A_2393 = arith.cmpi sgt, %reduce_sum3A_2389, %sign3A_2392 : i32
      %sign3A_2394 = arith.extui %sign3A_2393 : i1 to i32
      %sign3A_2395 = arith.constant 0 : i32
      %sign3A_2396 = arith.cmpi slt, %reduce_sum3A_2389, %sign3A_2395 : i32
      %sign3A_2397 = arith.extui %sign3A_2396 : i1 to i32
      %sign3A_2398 = arith.subi %sign3A_2394, %sign3A_2397 : i32
      %sign3A_2399 = arith.constant 0 : i32
      %sign3A_2400 = arith.cmpi sgt, %jit3A_2390, %sign3A_2399 : i32
      %sign3A_2401 = arith.extui %sign3A_2400 : i1 to i32
      %sign3A_2402 = arith.constant 0 : i32
      %sign3A_2403 = arith.cmpi slt, %jit3A_2390, %sign3A_2402 : i32
      %sign3A_2404 = arith.extui %sign3A_2403 : i1 to i32
      %sign3A_2405 = arith.subi %sign3A_2401, %sign3A_2404 : i32
      %ne3A_2406 = arith.cmpi ne, %sign3A_2398, %sign3A_2405 : i32
      %rem3A_2407 = arith.remsi %reduce_sum3A_2389, %jit3A_2390 : i32
      %ne3A_2408 = arith.constant 0 : i32
      %ne3A_2409 = arith.cmpi ne, %rem3A_2407, %ne3A_2408 : i32
      %and3A_2410 = arith.andi %ne3A_2406, %ne3A_2409 : i1
      %sub3A_2411 = arith.constant 1 : i32
      %sub3A_2412 = arith.subi %div3A_2391, %sub3A_2411 : i32
      %select_n3A_2413 = arith.select %and3A_2410, %sub3A_2412, %div3A_2391 : i32
      %mul3A_2414 = arith.constant 128 : i32
      %mul3A_2415 = arith.muli %select_n3A_2413, %mul3A_2414 : i32
      %multiple_of3A_2416 = tpu.assume_multiple %mul3A_2415, 128 : i32
      %add3A_2417 = arith.constant 15 : i32
      %add3A_2418 = arith.addi %mul3A_1614, %add3A_2417 : i32
      %dma_start3A_2419 = arith.constant 0 : i32
      %dma_start3A_2420 = arith.constant 0 : i32
      %dma_start3A_2421 = tpu.memref_slice %arg16[%add3A_2418, %dma_start3A_2419, %dma_start3A_2420] : memref<32x16x128xf32, #tpu.memory_space<vmem>> -> memref<1x16x128xf32, #tpu.memory_space<vmem>>
      %dma_start3A_2422 = tpu.memref_squeeze %dma_start3A_2421 : memref<1x16x128xf32, #tpu.memory_space<vmem>> -> memref<16x128xf32, #tpu.memory_space<vmem>>
      %dma_start3A_2423 = arith.constant 0 : i32
      %dma_start3A_2424 = tpu.memref_slice %arg6[%dma_start3A_2423, %multiple_of3A_2416] : memref<16x1000000xf32, #tpu.memory_space<hbm>> -> memref<16x128xf32, #tpu.memory_space<hbm>>
      %dma_start3A_2425 = arith.constant 0 : i32
      %dma_start3A_2426 = arith.constant 0 : i32
      %dma_start3A_2427 = tpu.memref_slice %arg16[%add3A_2418, %dma_start3A_2425, %dma_start3A_2426] : memref<32x16x128xf32, #tpu.memory_space<vmem>> -> memref<1x16x128xf32, #tpu.memory_space<vmem>>
      %dma_start3A_2428 = tpu.memref_squeeze %dma_start3A_2427 : memref<1x16x128xf32, #tpu.memory_space<vmem>> -> memref<16x128xf32, #tpu.memory_space<vmem>>
      %dma_start3A_2429 = arith.constant 0 : i32
      %dma_start3A_2430 = tpu.memref_slice %arg6[%dma_start3A_2429, %multiple_of3A_2416] : memref<16x1000000xf32, #tpu.memory_space<hbm>> -> memref<16x128xf32, #tpu.memory_space<hbm>>
      tpu.enqueue_dma source(%dma_start3A_2430 : memref<16x128xf32, #tpu.memory_space<hbm>>) target(%dma_start3A_2428 : memref<16x128xf32, #tpu.memory_space<vmem>>) target_semaphore(%arg21 : memref<!tpu.dma_semaphore, #tpu.memory_space<semaphore_mem>>)
      %sub3A_2431 = arith.constant 1 : i32
      %sub3A_2432 = arith.subi %add3A_1606, %sub3A_2431 : i32
      %mul3A_2433 = arith.constant 16 : i32
      %mul3A_2434 = arith.muli %sub3A_2432, %mul3A_2433 : i32
      %add3A_2435 = vector.broadcast %mul3A_2434 : i32 to vector<16xi32>
      %add3A_2436 = arith.addi %iota3A, %add3A_2435 : vector<16xi32>
      %mul3A_2437 = arith.constant 16 : i32
      %mul3A_2438 = arith.muli %sub3A_2432, %mul3A_2437 : i32
      %get3A_2439 = arith.index_cast %mul3A_2438 : i32 to index
      %get3A_2440 = tpu.vector_load %arg13[%get3A_2439] {strides = array<i32>} : memref<512xi32, #tpu.memory_space<vmem>>, vector<16xi32>,
      %gather3A_2441 = tpu.vector_load_idx %arg18[%broadcast_in_dim3A_10, %get3A_2440] : memref<16x75xf32, #tpu.memory_space<vmem>>[vector<16xi32>, vector<16xi32>], vector<16xf32>,
      %broadcast_in_dim3A_2442 = arith.constant 16 : i32
      %broadcast_in_dim3A_2443 = vector.broadcast %broadcast_in_dim3A_2442 : i32 to vector<16xi32>
      tpu.vector_store_idx %arg17[%broadcast_in_dim3A_2443, %add3A_2436], %gather3A_2441 : memref<74x512xf32, #tpu.memory_space<vmem>>[vector<16xi32>, vector<16xi32>], vector<16xf32>,
      %gather3A_2444 = tpu.vector_load_idx %arg18[%broadcast_in_dim3A_12, %get3A_2440] : memref<16x75xf32, #tpu.memory_space<vmem>>[vector<16xi32>, vector<16xi32>], vector<16xf32>,
      %broadcast_in_dim3A_2445 = arith.constant 17 : i32
      %broadcast_in_dim3A_2446 = vector.broadcast %broadcast_in_dim3A_2445 : i32 to vector<16xi32>
      tpu.vector_store_idx %arg17[%broadcast_in_dim3A_2446, %add3A_2436], %gather3A_2444 : memref<74x512xf32, #tpu.memory_space<vmem>>[vector<16xi32>, vector<16xi32>], vector<16xf32>,
      %gather3A_2447 = tpu.vector_load_idx %arg18[%broadcast_in_dim3A_14, %get3A_2440] : memref<16x75xf32, #tpu.memory_space<vmem>>[vector<16xi32>, vector<16xi32>], vector<16xf32>,
      %broadcast_in_dim3A_2448 = arith.constant 18 : i32
      %broadcast_in_dim3A_2449 = vector.broadcast %broadcast_in_dim3A_2448 : i32 to vector<16xi32>
      tpu.vector_store_idx %arg17[%broadcast_in_dim3A_2449, %add3A_2436], %gather3A_2447 : memref<74x512xf32, #tpu.memory_space<vmem>>[vector<16xi32>, vector<16xi32>], vector<16xf32>,
      %gather3A_2450 = tpu.vector_load_idx %arg18[%broadcast_in_dim3A_16, %get3A_2440] : memref<16x75xf32, #tpu.memory_space<vmem>>[vector<16xi32>, vector<16xi32>], vector<16xf32>,
      %broadcast_in_dim3A_2451 = arith.constant 19 : i32
      %broadcast_in_dim3A_2452 = vector.broadcast %broadcast_in_dim3A_2451 : i32 to vector<16xi32>
      tpu.vector_store_idx %arg17[%broadcast_in_dim3A_2452, %add3A_2436], %gather3A_2450 : memref<74x512xf32, #tpu.memory_space<vmem>>[vector<16xi32>, vector<16xi32>], vector<16xf32>,
      %gather3A_2453 = tpu.vector_load_idx %arg18[%broadcast_in_dim3A_18, %get3A_2440] : memref<16x75xf32, #tpu.memory_space<vmem>>[vector<16xi32>, vector<16xi32>], vector<16xf32>,
      %broadcast_in_dim3A_2454 = arith.constant 20 : i32
      %broadcast_in_dim3A_2455 = vector.broadcast %broadcast_in_dim3A_2454 : i32 to vector<16xi32>
      tpu.vector_store_idx %arg17[%broadcast_in_dim3A_2455, %add3A_2436], %gather3A_2453 : memref<74x512xf32, #tpu.memory_space<vmem>>[vector<16xi32>, vector<16xi32>], vector<16xf32>,
      %gather3A_2456 = tpu.vector_load_idx %arg18[%broadcast_in_dim3A_20, %get3A_2440] : memref<16x75xf32, #tpu.memory_space<vmem>>[vector<16xi32>, vector<16xi32>], vector<16xf32>,
      %broadcast_in_dim3A_2457 = arith.constant 21 : i32
      %broadcast_in_dim3A_2458 = vector.broadcast %broadcast_in_dim3A_2457 : i32 to vector<16xi32>
      tpu.vector_store_idx %arg17[%broadcast_in_dim3A_2458, %add3A_2436], %gather3A_2456 : memref<74x512xf32, #tpu.memory_space<vmem>>[vector<16xi32>, vector<16xi32>], vector<16xf32>,
      %gather3A_2459 = tpu.vector_load_idx %arg18[%broadcast_in_dim3A_22, %get3A_2440] : memref<16x75xf32, #tpu.memory_space<vmem>>[vector<16xi32>, vector<16xi32>], vector<16xf32>,
      %broadcast_in_dim3A_2460 = arith.constant 22 : i32
      %broadcast_in_dim3A_2461 = vector.broadcast %broadcast_in_dim3A_2460 : i32 to vector<16xi32>
      tpu.vector_store_idx %arg17[%broadcast_in_dim3A_2461, %add3A_2436], %gather3A_2459 : memref<74x512xf32, #tpu.memory_space<vmem>>[vector<16xi32>, vector<16xi32>], vector<16xf32>,
      %gather3A_2462 = tpu.vector_load_idx %arg18[%broadcast_in_dim3A_24, %get3A_2440] : memref<16x75xf32, #tpu.memory_space<vmem>>[vector<16xi32>, vector<16xi32>], vector<16xf32>,
      %broadcast_in_dim3A_2463 = arith.constant 23 : i32
      %broadcast_in_dim3A_2464 = vector.broadcast %broadcast_in_dim3A_2463 : i32 to vector<16xi32>
      tpu.vector_store_idx %arg17[%broadcast_in_dim3A_2464, %add3A_2436], %gather3A_2462 : memref<74x512xf32, #tpu.memory_space<vmem>>[vector<16xi32>, vector<16xi32>], vector<16xf32>,
      %gather3A_2465 = tpu.vector_load_idx %arg18[%broadcast_in_dim3A_26, %get3A_2440] : memref<16x75xf32, #tpu.memory_space<vmem>>[vector<16xi32>, vector<16xi32>], vector<16xf32>,
      %broadcast_in_dim3A_2466 = arith.constant 24 : i32
      %broadcast_in_dim3A_2467 = vector.broadcast %broadcast_in_dim3A_2466 : i32 to vector<16xi32>
      tpu.vector_store_idx %arg17[%broadcast_in_dim3A_2467, %add3A_2436], %gather3A_2465 : memref<74x512xf32, #tpu.memory_space<vmem>>[vector<16xi32>, vector<16xi32>], vector<16xf32>,
      %gather3A_2468 = tpu.vector_load_idx %arg18[%broadcast_in_dim3A_28, %get3A_2440] : memref<16x75xf32, #tpu.memory_space<vmem>>[vector<16xi32>, vector<16xi32>], vector<16xf32>,
      %broadcast_in_dim3A_2469 = arith.constant 25 : i32
      %broadcast_in_dim3A_2470 = vector.broadcast %broadcast_in_dim3A_2469 : i32 to vector<16xi32>
      tpu.vector_store_idx %arg17[%broadcast_in_dim3A_2470, %add3A_2436], %gather3A_2468 : memref<74x512xf32, #tpu.memory_space<vmem>>[vector<16xi32>, vector<16xi32>], vector<16xf32>,
      %gather3A_2471 = tpu.vector_load_idx %arg18[%broadcast_in_dim3A_30, %get3A_2440] : memref<16x75xf32, #tpu.memory_space<vmem>>[vector<16xi32>, vector<16xi32>], vector<16xf32>,
      %broadcast_in_dim3A_2472 = arith.constant 26 : i32
      %broadcast_in_dim3A_2473 = vector.broadcast %broadcast_in_dim3A_2472 : i32 to vector<16xi32>
      tpu.vector_store_idx %arg17[%broadcast_in_dim3A_2473, %add3A_2436], %gather3A_2471 : memref<74x512xf32, #tpu.memory_space<vmem>>[vector<16xi32>, vector<16xi32>], vector<16xf32>,
      %gather3A_2474 = tpu.vector_load_idx %arg18[%broadcast_in_dim3A_32, %get3A_2440] : memref<16x75xf32, #tpu.memory_space<vmem>>[vector<16xi32>, vector<16xi32>], vector<16xf32>,
      %broadcast_in_dim3A_2475 = arith.constant 27 : i32
      %broadcast_in_dim3A_2476 = vector.broadcast %broadcast_in_dim3A_2475 : i32 to vector<16xi32>
      tpu.vector_store_idx %arg17[%broadcast_in_dim3A_2476, %add3A_2436], %gather3A_2474 : memref<74x512xf32, #tpu.memory_space<vmem>>[vector<16xi32>, vector<16xi32>], vector<16xf32>,
      %gather3A_2477 = tpu.vector_load_idx %arg18[%broadcast_in_dim3A_34, %get3A_2440] : memref<16x75xf32, #tpu.memory_space<vmem>>[vector<16xi32>, vector<16xi32>], vector<16xf32>,
      %broadcast_in_dim3A_2478 = arith.constant 28 : i32
      %broadcast_in_dim3A_2479 = vector.broadcast %broadcast_in_dim3A_2478 : i32 to vector<16xi32>
      tpu.vector_store_idx %arg17[%broadcast_in_dim3A_2479, %add3A_2436], %gather3A_2477 : memref<74x512xf32, #tpu.memory_space<vmem>>[vector<16xi32>, vector<16xi32>], vector<16xf32>,
      %gather3A_2480 = tpu.vector_load_idx %arg18[%broadcast_in_dim3A_36, %get3A_2440] : memref<16x75xf32, #tpu.memory_space<vmem>>[vector<16xi32>, vector<16xi32>], vector<16xf32>,
      %broadcast_in_dim3A_2481 = arith.constant 29 : i32
      %broadcast_in_dim3A_2482 = vector.broadcast %broadcast_in_dim3A_2481 : i32 to vector<16xi32>
      tpu.vector_store_idx %arg17[%broadcast_in_dim3A_2482, %add3A_2436], %gather3A_2480 : memref<74x512xf32, #tpu.memory_space<vmem>>[vector<16xi32>, vector<16xi32>], vector<16xf32>,
      %gather3A_2483 = tpu.vector_load_idx %arg18[%broadcast_in_dim3A_38, %get3A_2440] : memref<16x75xf32, #tpu.memory_space<vmem>>[vector<16xi32>, vector<16xi32>], vector<16xf32>,
      %broadcast_in_dim3A_2484 = arith.constant 30 : i32
      %broadcast_in_dim3A_2485 = vector.broadcast %broadcast_in_dim3A_2484 : i32 to vector<16xi32>
      tpu.vector_store_idx %arg17[%broadcast_in_dim3A_2485, %add3A_2436], %gather3A_2483 : memref<74x512xf32, #tpu.memory_space<vmem>>[vector<16xi32>, vector<16xi32>], vector<16xf32>,
      %gather3A_2486 = tpu.vector_load_idx %arg18[%broadcast_in_dim3A_40, %get3A_2440] : memref<16x75xf32, #tpu.memory_space<vmem>>[vector<16xi32>, vector<16xi32>], vector<16xf32>,
      %broadcast_in_dim3A_2487 = arith.constant 31 : i32
      %broadcast_in_dim3A_2488 = vector.broadcast %broadcast_in_dim3A_2487 : i32 to vector<16xi32>
      tpu.vector_store_idx %arg17[%broadcast_in_dim3A_2488, %add3A_2436], %gather3A_2486 : memref<74x512xf32, #tpu.memory_space<vmem>>[vector<16xi32>, vector<16xi32>], vector<16xf32>,
      %mul3A_2489 = arith.constant 16 : i32
      %mul3A_2490 = arith.muli %sub3A_2432, %mul3A_2489 : i32
      %get3A_2491 = arith.index_cast %mul3A_2490 : i32 to index
      %get3A_2492 = tpu.vector_load %arg14[%get3A_2491] {strides = array<i32>} : memref<512xi32, #tpu.memory_space<vmem>>, vector<16xi32>,
      %gather3A_2493 = tpu.vector_load_idx %arg19[%broadcast_in_dim3A_10, %get3A_2492] : memref<16x48xf32, #tpu.memory_space<vmem>>[vector<16xi32>, vector<16xi32>], vector<16xf32>,
      %broadcast_in_dim3A_2494 = arith.constant 32 : i32
      %broadcast_in_dim3A_2495 = vector.broadcast %broadcast_in_dim3A_2494 : i32 to vector<16xi32>
      tpu.vector_store_idx %arg17[%broadcast_in_dim3A_2495, %add3A_2436], %gather3A_2493 : memref<74x512xf32, #tpu.memory_space<vmem>>[vector<16xi32>, vector<16xi32>], vector<16xf32>,
      %gather3A_2496 = tpu.vector_load_idx %arg19[%broadcast_in_dim3A_12, %get3A_2492] : memref<16x48xf32, #tpu.memory_space<vmem>>[vector<16xi32>, vector<16xi32>], vector<16xf32>,
      %broadcast_in_dim3A_2497 = arith.constant 33 : i32
      %broadcast_in_dim3A_2498 = vector.broadcast %broadcast_in_dim3A_2497 : i32 to vector<16xi32>
      tpu.vector_store_idx %arg17[%broadcast_in_dim3A_2498, %add3A_2436], %gather3A_2496 : memref<74x512xf32, #tpu.memory_space<vmem>>[vector<16xi32>, vector<16xi32>], vector<16xf32>,
      %gather3A_2499 = tpu.vector_load_idx %arg19[%broadcast_in_dim3A_14, %get3A_2492] : memref<16x48xf32, #tpu.memory_space<vmem>>[vector<16xi32>, vector<16xi32>], vector<16xf32>,
      %broadcast_in_dim3A_2500 = arith.constant 34 : i32
      %broadcast_in_dim3A_2501 = vector.broadcast %broadcast_in_dim3A_2500 : i32 to vector<16xi32>
      tpu.vector_store_idx %arg17[%broadcast_in_dim3A_2501, %add3A_2436], %gather3A_2499 : memref<74x512xf32, #tpu.memory_space<vmem>>[vector<16xi32>, vector<16xi32>], vector<16xf32>,
      %gather3A_2502 = tpu.vector_load_idx %arg19[%broadcast_in_dim3A_16, %get3A_2492] : memref<16x48xf32, #tpu.memory_space<vmem>>[vector<16xi32>, vector<16xi32>], vector<16xf32>,
      %broadcast_in_dim3A_2503 = arith.constant 35 : i32
      %broadcast_in_dim3A_2504 = vector.broadcast %broadcast_in_dim3A_2503 : i32 to vector<16xi32>
      tpu.vector_store_idx %arg17[%broadcast_in_dim3A_2504, %add3A_2436], %gather3A_2502 : memref<74x512xf32, #tpu.memory_space<vmem>>[vector<16xi32>, vector<16xi32>], vector<16xf32>,
      %gather3A_2505 = tpu.vector_load_idx %arg19[%broadcast_in_dim3A_18, %get3A_2492] : memref<16x48xf32, #tpu.memory_space<vmem>>[vector<16xi32>, vector<16xi32>], vector<16xf32>,
      %broadcast_in_dim3A_2506 = arith.constant 36 : i32
      %broadcast_in_dim3A_2507 = vector.broadcast %broadcast_in_dim3A_2506 : i32 to vector<16xi32>
      tpu.vector_store_idx %arg17[%broadcast_in_dim3A_2507, %add3A_2436], %gather3A_2505 : memref<74x512xf32, #tpu.memory_space<vmem>>[vector<16xi32>, vector<16xi32>], vector<16xf32>,
      %gather3A_2508 = tpu.vector_load_idx %arg19[%broadcast_in_dim3A_20, %get3A_2492] : memref<16x48xf32, #tpu.memory_space<vmem>>[vector<16xi32>, vector<16xi32>], vector<16xf32>,
      %broadcast_in_dim3A_2509 = arith.constant 37 : i32
      %broadcast_in_dim3A_2510 = vector.broadcast %broadcast_in_dim3A_2509 : i32 to vector<16xi32>
      tpu.vector_store_idx %arg17[%broadcast_in_dim3A_2510, %add3A_2436], %gather3A_2508 : memref<74x512xf32, #tpu.memory_space<vmem>>[vector<16xi32>, vector<16xi32>], vector<16xf32>,
      %gather3A_2511 = tpu.vector_load_idx %arg19[%broadcast_in_dim3A_22, %get3A_2492] : memref<16x48xf32, #tpu.memory_space<vmem>>[vector<16xi32>, vector<16xi32>], vector<16xf32>,
      %broadcast_in_dim3A_2512 = arith.constant 38 : i32
      %broadcast_in_dim3A_2513 = vector.broadcast %broadcast_in_dim3A_2512 : i32 to vector<16xi32>
      tpu.vector_store_idx %arg17[%broadcast_in_dim3A_2513, %add3A_2436], %gather3A_2511 : memref<74x512xf32, #tpu.memory_space<vmem>>[vector<16xi32>, vector<16xi32>], vector<16xf32>,
      %gather3A_2514 = tpu.vector_load_idx %arg19[%broadcast_in_dim3A_24, %get3A_2492] : memref<16x48xf32, #tpu.memory_space<vmem>>[vector<16xi32>, vector<16xi32>], vector<16xf32>,
      %broadcast_in_dim3A_2515 = arith.constant 39 : i32
      %broadcast_in_dim3A_2516 = vector.broadcast %broadcast_in_dim3A_2515 : i32 to vector<16xi32>
      tpu.vector_store_idx %arg17[%broadcast_in_dim3A_2516, %add3A_2436], %gather3A_2514 : memref<74x512xf32, #tpu.memory_space<vmem>>[vector<16xi32>, vector<16xi32>], vector<16xf32>,
      %gather3A_2517 = tpu.vector_load_idx %arg19[%broadcast_in_dim3A_26, %get3A_2492] : memref<16x48xf32, #tpu.memory_space<vmem>>[vector<16xi32>, vector<16xi32>], vector<16xf32>,
      %broadcast_in_dim3A_2518 = arith.constant 40 : i32
      %broadcast_in_dim3A_2519 = vector.broadcast %broadcast_in_dim3A_2518 : i32 to vector<16xi32>
      tpu.vector_store_idx %arg17[%broadcast_in_dim3A_2519, %add3A_2436], %gather3A_2517 : memref<74x512xf32, #tpu.memory_space<vmem>>[vector<16xi32>, vector<16xi32>], vector<16xf32>,
      %gather3A_2520 = tpu.vector_load_idx %arg19[%broadcast_in_dim3A_28, %get3A_2492] : memref<16x48xf32, #tpu.memory_space<vmem>>[vector<16xi32>, vector<16xi32>], vector<16xf32>,
      %broadcast_in_dim3A_2521 = arith.constant 41 : i32
      %broadcast_in_dim3A_2522 = vector.broadcast %broadcast_in_dim3A_2521 : i32 to vector<16xi32>
      tpu.vector_store_idx %arg17[%broadcast_in_dim3A_2522, %add3A_2436], %gather3A_2520 : memref<74x512xf32, #tpu.memory_space<vmem>>[vector<16xi32>, vector<16xi32>], vector<16xf32>,
      %gather3A_2523 = tpu.vector_load_idx %arg19[%broadcast_in_dim3A_30, %get3A_2492] : memref<16x48xf32, #tpu.memory_space<vmem>>[vector<16xi32>, vector<16xi32>], vector<16xf32>,
      %broadcast_in_dim3A_2524 = arith.constant 42 : i32
      %broadcast_in_dim3A_2525 = vector.broadcast %broadcast_in_dim3A_2524 : i32 to vector<16xi32>
      tpu.vector_store_idx %arg17[%broadcast_in_dim3A_2525, %add3A_2436], %gather3A_2523 : memref<74x512xf32, #tpu.memory_space<vmem>>[vector<16xi32>, vector<16xi32>], vector<16xf32>,
      %gather3A_2526 = tpu.vector_load_idx %arg19[%broadcast_in_dim3A_32, %get3A_2492] : memref<16x48xf32, #tpu.memory_space<vmem>>[vector<16xi32>, vector<16xi32>], vector<16xf32>,
      %broadcast_in_dim3A_2527 = arith.constant 43 : i32
      %broadcast_in_dim3A_2528 = vector.broadcast %broadcast_in_dim3A_2527 : i32 to vector<16xi32>
      tpu.vector_store_idx %arg17[%broadcast_in_dim3A_2528, %add3A_2436], %gather3A_2526 : memref<74x512xf32, #tpu.memory_space<vmem>>[vector<16xi32>, vector<16xi32>], vector<16xf32>,
      %gather3A_2529 = tpu.vector_load_idx %arg19[%broadcast_in_dim3A_34, %get3A_2492] : memref<16x48xf32, #tpu.memory_space<vmem>>[vector<16xi32>, vector<16xi32>], vector<16xf32>,
      %broadcast_in_dim3A_2530 = arith.constant 44 : i32
      %broadcast_in_dim3A_2531 = vector.broadcast %broadcast_in_dim3A_2530 : i32 to vector<16xi32>
      tpu.vector_store_idx %arg17[%broadcast_in_dim3A_2531, %add3A_2436], %gather3A_2529 : memref<74x512xf32, #tpu.memory_space<vmem>>[vector<16xi32>, vector<16xi32>], vector<16xf32>,
      %gather3A_2532 = tpu.vector_load_idx %arg19[%broadcast_in_dim3A_36, %get3A_2492] : memref<16x48xf32, #tpu.memory_space<vmem>>[vector<16xi32>, vector<16xi32>], vector<16xf32>,
      %broadcast_in_dim3A_2533 = arith.constant 45 : i32
      %broadcast_in_dim3A_2534 = vector.broadcast %broadcast_in_dim3A_2533 : i32 to vector<16xi32>
      tpu.vector_store_idx %arg17[%broadcast_in_dim3A_2534, %add3A_2436], %gather3A_2532 : memref<74x512xf32, #tpu.memory_space<vmem>>[vector<16xi32>, vector<16xi32>], vector<16xf32>,
      %gather3A_2535 = tpu.vector_load_idx %arg19[%broadcast_in_dim3A_38, %get3A_2492] : memref<16x48xf32, #tpu.memory_space<vmem>>[vector<16xi32>, vector<16xi32>], vector<16xf32>,
      %broadcast_in_dim3A_2536 = arith.constant 46 : i32
      %broadcast_in_dim3A_2537 = vector.broadcast %broadcast_in_dim3A_2536 : i32 to vector<16xi32>
      tpu.vector_store_idx %arg17[%broadcast_in_dim3A_2537, %add3A_2436], %gather3A_2535 : memref<74x512xf32, #tpu.memory_space<vmem>>[vector<16xi32>, vector<16xi32>], vector<16xf32>,
      %gather3A_2538 = tpu.vector_load_idx %arg19[%broadcast_in_dim3A_40, %get3A_2492] : memref<16x48xf32, #tpu.memory_space<vmem>>[vector<16xi32>, vector<16xi32>], vector<16xf32>,
      %broadcast_in_dim3A_2539 = arith.constant 47 : i32
      %broadcast_in_dim3A_2540 = vector.broadcast %broadcast_in_dim3A_2539 : i32 to vector<16xi32>
      tpu.vector_store_idx %arg17[%broadcast_in_dim3A_2540, %add3A_2436], %gather3A_2538 : memref<74x512xf32, #tpu.memory_space<vmem>>[vector<16xi32>, vector<16xi32>], vector<16xf32>,
      %mul3A_2541 = arith.constant 16 : i32
      %mul3A_2542 = arith.muli %sub3A_2432, %mul3A_2541 : i32
      %get3A_2543 = arith.index_cast %mul3A_2542 : i32 to index
      %get3A_2544 = tpu.vector_load %arg15[%get3A_2543] {strides = array<i32>} : memref<512xi32, #tpu.memory_space<vmem>>, vector<16xi32>,
      %gather3A_2545 = tpu.vector_load_idx %arg20[%broadcast_in_dim3A_10, %get3A_2544] : memref<16x200xf32, #tpu.memory_space<vmem>>[vector<16xi32>, vector<16xi32>], vector<16xf32>,
      %broadcast_in_dim3A_2546 = arith.constant 48 : i32
      %broadcast_in_dim3A_2547 = vector.broadcast %broadcast_in_dim3A_2546 : i32 to vector<16xi32>
      tpu.vector_store_idx %arg17[%broadcast_in_dim3A_2547, %add3A_2436], %gather3A_2545 : memref<74x512xf32, #tpu.memory_space<vmem>>[vector<16xi32>, vector<16xi32>], vector<16xf32>,
      %gather3A_2548 = tpu.vector_load_idx %arg20[%broadcast_in_dim3A_12, %get3A_2544] : memref<16x200xf32, #tpu.memory_space<vmem>>[vector<16xi32>, vector<16xi32>], vector<16xf32>,
      %broadcast_in_dim3A_2549 = arith.constant 49 : i32
      %broadcast_in_dim3A_2550 = vector.broadcast %broadcast_in_dim3A_2549 : i32 to vector<16xi32>
      tpu.vector_store_idx %arg17[%broadcast_in_dim3A_2550, %add3A_2436], %gather3A_2548 : memref<74x512xf32, #tpu.memory_space<vmem>>[vector<16xi32>, vector<16xi32>], vector<16xf32>,
      %gather3A_2551 = tpu.vector_load_idx %arg20[%broadcast_in_dim3A_14, %get3A_2544] : memref<16x200xf32, #tpu.memory_space<vmem>>[vector<16xi32>, vector<16xi32>], vector<16xf32>,
      %broadcast_in_dim3A_2552 = arith.constant 50 : i32
      %broadcast_in_dim3A_2553 = vector.broadcast %broadcast_in_dim3A_2552 : i32 to vector<16xi32>
      tpu.vector_store_idx %arg17[%broadcast_in_dim3A_2553, %add3A_2436], %gather3A_2551 : memref<74x512xf32, #tpu.memory_space<vmem>>[vector<16xi32>, vector<16xi32>], vector<16xf32>,
      %gather3A_2554 = tpu.vector_load_idx %arg20[%broadcast_in_dim3A_16, %get3A_2544] : memref<16x200xf32, #tpu.memory_space<vmem>>[vector<16xi32>, vector<16xi32>], vector<16xf32>,
      %broadcast_in_dim3A_2555 = arith.constant 51 : i32
      %broadcast_in_dim3A_2556 = vector.broadcast %broadcast_in_dim3A_2555 : i32 to vector<16xi32>
      tpu.vector_store_idx %arg17[%broadcast_in_dim3A_2556, %add3A_2436], %gather3A_2554 : memref<74x512xf32, #tpu.memory_space<vmem>>[vector<16xi32>, vector<16xi32>], vector<16xf32>,
      %gather3A_2557 = tpu.vector_load_idx %arg20[%broadcast_in_dim3A_18, %get3A_2544] : memref<16x200xf32, #tpu.memory_space<vmem>>[vector<16xi32>, vector<16xi32>], vector<16xf32>,
      %broadcast_in_dim3A_2558 = arith.constant 52 : i32
      %broadcast_in_dim3A_2559 = vector.broadcast %broadcast_in_dim3A_2558 : i32 to vector<16xi32>
      tpu.vector_store_idx %arg17[%broadcast_in_dim3A_2559, %add3A_2436], %gather3A_2557 : memref<74x512xf32, #tpu.memory_space<vmem>>[vector<16xi32>, vector<16xi32>], vector<16xf32>,
      %gather3A_2560 = tpu.vector_load_idx %arg20[%broadcast_in_dim3A_20, %get3A_2544] : memref<16x200xf32, #tpu.memory_space<vmem>>[vector<16xi32>, vector<16xi32>], vector<16xf32>,
      %broadcast_in_dim3A_2561 = arith.constant 53 : i32
      %broadcast_in_dim3A_2562 = vector.broadcast %broadcast_in_dim3A_2561 : i32 to vector<16xi32>
      tpu.vector_store_idx %arg17[%broadcast_in_dim3A_2562, %add3A_2436], %gather3A_2560 : memref<74x512xf32, #tpu.memory_space<vmem>>[vector<16xi32>, vector<16xi32>], vector<16xf32>,
      %gather3A_2563 = tpu.vector_load_idx %arg20[%broadcast_in_dim3A_22, %get3A_2544] : memref<16x200xf32, #tpu.memory_space<vmem>>[vector<16xi32>, vector<16xi32>], vector<16xf32>,
      %broadcast_in_dim3A_2564 = arith.constant 54 : i32
      %broadcast_in_dim3A_2565 = vector.broadcast %broadcast_in_dim3A_2564 : i32 to vector<16xi32>
      tpu.vector_store_idx %arg17[%broadcast_in_dim3A_2565, %add3A_2436], %gather3A_2563 : memref<74x512xf32, #tpu.memory_space<vmem>>[vector<16xi32>, vector<16xi32>], vector<16xf32>,
      %gather3A_2566 = tpu.vector_load_idx %arg20[%broadcast_in_dim3A_24, %get3A_2544] : memref<16x200xf32, #tpu.memory_space<vmem>>[vector<16xi32>, vector<16xi32>], vector<16xf32>,
      %broadcast_in_dim3A_2567 = arith.constant 55 : i32
      %broadcast_in_dim3A_2568 = vector.broadcast %broadcast_in_dim3A_2567 : i32 to vector<16xi32>
      tpu.vector_store_idx %arg17[%broadcast_in_dim3A_2568, %add3A_2436], %gather3A_2566 : memref<74x512xf32, #tpu.memory_space<vmem>>[vector<16xi32>, vector<16xi32>], vector<16xf32>,
      %gather3A_2569 = tpu.vector_load_idx %arg20[%broadcast_in_dim3A_26, %get3A_2544] : memref<16x200xf32, #tpu.memory_space<vmem>>[vector<16xi32>, vector<16xi32>], vector<16xf32>,
      %broadcast_in_dim3A_2570 = arith.constant 56 : i32
      %broadcast_in_dim3A_2571 = vector.broadcast %broadcast_in_dim3A_2570 : i32 to vector<16xi32>
      tpu.vector_store_idx %arg17[%broadcast_in_dim3A_2571, %add3A_2436], %gather3A_2569 : memref<74x512xf32, #tpu.memory_space<vmem>>[vector<16xi32>, vector<16xi32>], vector<16xf32>,
      %gather3A_2572 = tpu.vector_load_idx %arg20[%broadcast_in_dim3A_28, %get3A_2544] : memref<16x200xf32, #tpu.memory_space<vmem>>[vector<16xi32>, vector<16xi32>], vector<16xf32>,
      %broadcast_in_dim3A_2573 = arith.constant 57 : i32
      %broadcast_in_dim3A_2574 = vector.broadcast %broadcast_in_dim3A_2573 : i32 to vector<16xi32>
      tpu.vector_store_idx %arg17[%broadcast_in_dim3A_2574, %add3A_2436], %gather3A_2572 : memref<74x512xf32, #tpu.memory_space<vmem>>[vector<16xi32>, vector<16xi32>], vector<16xf32>,
      %gather3A_2575 = tpu.vector_load_idx %arg20[%broadcast_in_dim3A_30, %get3A_2544] : memref<16x200xf32, #tpu.memory_space<vmem>>[vector<16xi32>, vector<16xi32>], vector<16xf32>,
      %broadcast_in_dim3A_2576 = arith.constant 58 : i32
      %broadcast_in_dim3A_2577 = vector.broadcast %broadcast_in_dim3A_2576 : i32 to vector<16xi32>
      tpu.vector_store_idx %arg17[%broadcast_in_dim3A_2577, %add3A_2436], %gather3A_2575 : memref<74x512xf32, #tpu.memory_space<vmem>>[vector<16xi32>, vector<16xi32>], vector<16xf32>,
      %gather3A_2578 = tpu.vector_load_idx %arg20[%broadcast_in_dim3A_32, %get3A_2544] : memref<16x200xf32, #tpu.memory_space<vmem>>[vector<16xi32>, vector<16xi32>], vector<16xf32>,
      %broadcast_in_dim3A_2579 = arith.constant 59 : i32
      %broadcast_in_dim3A_2580 = vector.broadcast %broadcast_in_dim3A_2579 : i32 to vector<16xi32>
      tpu.vector_store_idx %arg17[%broadcast_in_dim3A_2580, %add3A_2436], %gather3A_2578 : memref<74x512xf32, #tpu.memory_space<vmem>>[vector<16xi32>, vector<16xi32>], vector<16xf32>,
      %gather3A_2581 = tpu.vector_load_idx %arg20[%broadcast_in_dim3A_34, %get3A_2544] : memref<16x200xf32, #tpu.memory_space<vmem>>[vector<16xi32>, vector<16xi32>], vector<16xf32>,
      %broadcast_in_dim3A_2582 = arith.constant 60 : i32
      %broadcast_in_dim3A_2583 = vector.broadcast %broadcast_in_dim3A_2582 : i32 to vector<16xi32>
      tpu.vector_store_idx %arg17[%broadcast_in_dim3A_2583, %add3A_2436], %gather3A_2581 : memref<74x512xf32, #tpu.memory_space<vmem>>[vector<16xi32>, vector<16xi32>], vector<16xf32>,
      %gather3A_2584 = tpu.vector_load_idx %arg20[%broadcast_in_dim3A_36, %get3A_2544] : memref<16x200xf32, #tpu.memory_space<vmem>>[vector<16xi32>, vector<16xi32>], vector<16xf32>,
      %broadcast_in_dim3A_2585 = arith.constant 61 : i32
      %broadcast_in_dim3A_2586 = vector.broadcast %broadcast_in_dim3A_2585 : i32 to vector<16xi32>
      tpu.vector_store_idx %arg17[%broadcast_in_dim3A_2586, %add3A_2436], %gather3A_2584 : memref<74x512xf32, #tpu.memory_space<vmem>>[vector<16xi32>, vector<16xi32>], vector<16xf32>,
      %gather3A_2587 = tpu.vector_load_idx %arg20[%broadcast_in_dim3A_38, %get3A_2544] : memref<16x200xf32, #tpu.memory_space<vmem>>[vector<16xi32>, vector<16xi32>], vector<16xf32>,
      %broadcast_in_dim3A_2588 = arith.constant 62 : i32
      %broadcast_in_dim3A_2589 = vector.broadcast %broadcast_in_dim3A_2588 : i32 to vector<16xi32>
      tpu.vector_store_idx %arg17[%broadcast_in_dim3A_2589, %add3A_2436], %gather3A_2587 : memref<74x512xf32, #tpu.memory_space<vmem>>[vector<16xi32>, vector<16xi32>], vector<16xf32>,
      %gather3A_2590 = tpu.vector_load_idx %arg20[%broadcast_in_dim3A_40, %get3A_2544] : memref<16x200xf32, #tpu.memory_space<vmem>>[vector<16xi32>, vector<16xi32>], vector<16xf32>,
      %broadcast_in_dim3A_2591 = arith.constant 63 : i32
      %broadcast_in_dim3A_2592 = vector.broadcast %broadcast_in_dim3A_2591 : i32 to vector<16xi32>
      tpu.vector_store_idx %arg17[%broadcast_in_dim3A_2592, %add3A_2436], %gather3A_2590 : memref<74x512xf32, #tpu.memory_space<vmem>>[vector<16xi32>, vector<16xi32>], vector<16xf32>,
      %sub3A_2593 = arith.constant 1 : i32
      %sub3A_2594 = arith.subi %add3A_1606, %sub3A_2593 : i32
      %mul3A_2595 = arith.constant 16 : i32
      %mul3A_2596 = arith.muli %sub3A_2594, %mul3A_2595 : i32
      %get3A_2597 = arith.index_cast %mul3A_2596 : i32 to index
      %get3A_2598 = tpu.vector_load %arg12[%get3A_2597] {strides = array<i32>} : memref<512xi32, #tpu.memory_space<vmem>>, vector<16xi32>,
      %rem3A_2599 = arith.constant 2 : i32
      %rem3A_2600 = arith.remsi %sub3A_2594, %rem3A_2599 : i32
      %mul3A_2601 = arith.constant 16 : i32
      %mul3A_2602 = arith.muli %rem3A_2600, %mul3A_2601 : i32
      %add3A_2603 = arith.constant 0 : i32
      %add3A_2604 = arith.addi %mul3A_2602, %add3A_2603 : i32
      %dma_wait3A_2605 = arith.constant 0 : i32
      %dma_wait3A_2606 = arith.constant 0 : i32
      %dma_wait3A_2607 = tpu.memref_slice %arg16[%add3A_2604, %dma_wait3A_2605, %dma_wait3A_2606] : memref<32x16x128xf32, #tpu.memory_space<vmem>> -> memref<1x16x128xf32, #tpu.memory_space<vmem>>
      %dma_wait3A_2608 = tpu.memref_squeeze %dma_wait3A_2607 : memref<1x16x128xf32, #tpu.memory_space<vmem>> -> memref<16x128xf32, #tpu.memory_space<vmem>>
      %dma_wait3A_2609 = arith.constant 0 : i32
      %dma_wait3A_2610 = arith.constant 0 : i32
      %dma_wait3A_2611 = tpu.memref_slice %arg6[%dma_wait3A_2609, %dma_wait3A_2610] : memref<16x1000000xf32, #tpu.memory_space<hbm>> -> memref<16x128xf32, #tpu.memory_space<hbm>>
      %dma_wait3A_2612 = arith.constant 0 : i32
      %dma_wait3A_2613 = arith.constant 0 : i32
      %dma_wait3A_2614 = tpu.memref_slice %arg16[%add3A_2604, %dma_wait3A_2612, %dma_wait3A_2613] : memref<32x16x128xf32, #tpu.memory_space<vmem>> -> memref<1x16x128xf32, #tpu.memory_space<vmem>>
      %dma_wait3A_2615 = tpu.memref_squeeze %dma_wait3A_2614 : memref<1x16x128xf32, #tpu.memory_space<vmem>> -> memref<16x128xf32, #tpu.memory_space<vmem>>
      %dma_wait3A_2616 = arith.constant 0 : i32
      %dma_wait3A_2617 = arith.constant 0 : i32
      %dma_wait3A_2618 = tpu.memref_slice %arg6[%dma_wait3A_2616, %dma_wait3A_2617] : memref<16x1000000xf32, #tpu.memory_space<hbm>> -> memref<16x128xf32, #tpu.memory_space<hbm>>
      tpu.wait_dma2 semaphore(%arg21 : memref<!tpu.dma_semaphore, #tpu.memory_space<semaphore_mem>>) src(%dma_wait3A_2618 : memref<16x128xf32, #tpu.memory_space<hbm>>) dst(%dma_wait3A_2615 : memref<16x128xf32, #tpu.memory_space<vmem>>)
      %add3A_2619 = arith.constant 1 : i32
      %add3A_2620 = arith.addi %mul3A_2602, %add3A_2619 : i32
      %dma_wait3A_2621 = arith.constant 0 : i32
      %dma_wait3A_2622 = arith.constant 0 : i32
      %dma_wait3A_2623 = tpu.memref_slice %arg16[%add3A_2620, %dma_wait3A_2621, %dma_wait3A_2622] : memref<32x16x128xf32, #tpu.memory_space<vmem>> -> memref<1x16x128xf32, #tpu.memory_space<vmem>>
      %dma_wait3A_2624 = tpu.memref_squeeze %dma_wait3A_2623 : memref<1x16x128xf32, #tpu.memory_space<vmem>> -> memref<16x128xf32, #tpu.memory_space<vmem>>
      %dma_wait3A_2625 = arith.constant 0 : i32
      %dma_wait3A_2626 = arith.constant 0 : i32
      %dma_wait3A_2627 = tpu.memref_slice %arg6[%dma_wait3A_2625, %dma_wait3A_2626] : memref<16x1000000xf32, #tpu.memory_space<hbm>> -> memref<16x128xf32, #tpu.memory_space<hbm>>
      %dma_wait3A_2628 = arith.constant 0 : i32
      %dma_wait3A_2629 = arith.constant 0 : i32
      %dma_wait3A_2630 = tpu.memref_slice %arg16[%add3A_2620, %dma_wait3A_2628, %dma_wait3A_2629] : memref<32x16x128xf32, #tpu.memory_space<vmem>> -> memref<1x16x128xf32, #tpu.memory_space<vmem>>
      %dma_wait3A_2631 = tpu.memref_squeeze %dma_wait3A_2630 : memref<1x16x128xf32, #tpu.memory_space<vmem>> -> memref<16x128xf32, #tpu.memory_space<vmem>>
      %dma_wait3A_2632 = arith.constant 0 : i32
      %dma_wait3A_2633 = arith.constant 0 : i32
      %dma_wait3A_2634 = tpu.memref_slice %arg6[%dma_wait3A_2632, %dma_wait3A_2633] : memref<16x1000000xf32, #tpu.memory_space<hbm>> -> memref<16x128xf32, #tpu.memory_space<hbm>>
      tpu.wait_dma2 semaphore(%arg21 : memref<!tpu.dma_semaphore, #tpu.memory_space<semaphore_mem>>) src(%dma_wait3A_2634 : memref<16x128xf32, #tpu.memory_space<hbm>>) dst(%dma_wait3A_2631 : memref<16x128xf32, #tpu.memory_space<vmem>>)
      %add3A_2635 = arith.constant 2 : i32
      %add3A_2636 = arith.addi %mul3A_2602, %add3A_2635 : i32
      %dma_wait3A_2637 = arith.constant 0 : i32
      %dma_wait3A_2638 = arith.constant 0 : i32
      %dma_wait3A_2639 = tpu.memref_slice %arg16[%add3A_2636, %dma_wait3A_2637, %dma_wait3A_2638] : memref<32x16x128xf32, #tpu.memory_space<vmem>> -> memref<1x16x128xf32, #tpu.memory_space<vmem>>
      %dma_wait3A_2640 = tpu.memref_squeeze %dma_wait3A_2639 : memref<1x16x128xf32, #tpu.memory_space<vmem>> -> memref<16x128xf32, #tpu.memory_space<vmem>>
      %dma_wait3A_2641 = arith.constant 0 : i32
      %dma_wait3A_2642 = arith.constant 0 : i32
      %dma_wait3A_2643 = tpu.memref_slice %arg6[%dma_wait3A_2641, %dma_wait3A_2642] : memref<16x1000000xf32, #tpu.memory_space<hbm>> -> memref<16x128xf32, #tpu.memory_space<hbm>>
      %dma_wait3A_2644 = arith.constant 0 : i32
      %dma_wait3A_2645 = arith.constant 0 : i32
      %dma_wait3A_2646 = tpu.memref_slice %arg16[%add3A_2636, %dma_wait3A_2644, %dma_wait3A_2645] : memref<32x16x128xf32, #tpu.memory_space<vmem>> -> memref<1x16x128xf32, #tpu.memory_space<vmem>>
      %dma_wait3A_2647 = tpu.memref_squeeze %dma_wait3A_2646 : memref<1x16x128xf32, #tpu.memory_space<vmem>> -> memref<16x128xf32, #tpu.memory_space<vmem>>
      %dma_wait3A_2648 = arith.constant 0 : i32
      %dma_wait3A_2649 = arith.constant 0 : i32
      %dma_wait3A_2650 = tpu.memref_slice %arg6[%dma_wait3A_2648, %dma_wait3A_2649] : memref<16x1000000xf32, #tpu.memory_space<hbm>> -> memref<16x128xf32, #tpu.memory_space<hbm>>
      tpu.wait_dma2 semaphore(%arg21 : memref<!tpu.dma_semaphore, #tpu.memory_space<semaphore_mem>>) src(%dma_wait3A_2650 : memref<16x128xf32, #tpu.memory_space<hbm>>) dst(%dma_wait3A_2647 : memref<16x128xf32, #tpu.memory_space<vmem>>)
      %add3A_2651 = arith.constant 3 : i32
      %add3A_2652 = arith.addi %mul3A_2602, %add3A_2651 : i32
      %dma_wait3A_2653 = arith.constant 0 : i32
      %dma_wait3A_2654 = arith.constant 0 : i32
      %dma_wait3A_2655 = tpu.memref_slice %arg16[%add3A_2652, %dma_wait3A_2653, %dma_wait3A_2654] : memref<32x16x128xf32, #tpu.memory_space<vmem>> -> memref<1x16x128xf32, #tpu.memory_space<vmem>>
      %dma_wait3A_2656 = tpu.memref_squeeze %dma_wait3A_2655 : memref<1x16x128xf32, #tpu.memory_space<vmem>> -> memref<16x128xf32, #tpu.memory_space<vmem>>
      %dma_wait3A_2657 = arith.constant 0 : i32
      %dma_wait3A_2658 = arith.constant 0 : i32
      %dma_wait3A_2659 = tpu.memref_slice %arg6[%dma_wait3A_2657, %dma_wait3A_2658] : memref<16x1000000xf32, #tpu.memory_space<hbm>> -> memref<16x128xf32, #tpu.memory_space<hbm>>
      %dma_wait3A_2660 = arith.constant 0 : i32
      %dma_wait3A_2661 = arith.constant 0 : i32
      %dma_wait3A_2662 = tpu.memref_slice %arg16[%add3A_2652, %dma_wait3A_2660, %dma_wait3A_2661] : memref<32x16x128xf32, #tpu.memory_space<vmem>> -> memref<1x16x128xf32, #tpu.memory_space<vmem>>
      %dma_wait3A_2663 = tpu.memref_squeeze %dma_wait3A_2662 : memref<1x16x128xf32, #tpu.memory_space<vmem>> -> memref<16x128xf32, #tpu.memory_space<vmem>>
      %dma_wait3A_2664 = arith.constant 0 : i32
      %dma_wait3A_2665 = arith.constant 0 : i32
      %dma_wait3A_2666 = tpu.memref_slice %arg6[%dma_wait3A_2664, %dma_wait3A_2665] : memref<16x1000000xf32, #tpu.memory_space<hbm>> -> memref<16x128xf32, #tpu.memory_space<hbm>>
      tpu.wait_dma2 semaphore(%arg21 : memref<!tpu.dma_semaphore, #tpu.memory_space<semaphore_mem>>) src(%dma_wait3A_2666 : memref<16x128xf32, #tpu.memory_space<hbm>>) dst(%dma_wait3A_2663 : memref<16x128xf32, #tpu.memory_space<vmem>>)
      %add3A_2667 = arith.constant 4 : i32
      %add3A_2668 = arith.addi %mul3A_2602, %add3A_2667 : i32
      %dma_wait3A_2669 = arith.constant 0 : i32
      %dma_wait3A_2670 = arith.constant 0 : i32
      %dma_wait3A_2671 = tpu.memref_slice %arg16[%add3A_2668, %dma_wait3A_2669, %dma_wait3A_2670] : memref<32x16x128xf32, #tpu.memory_space<vmem>> -> memref<1x16x128xf32, #tpu.memory_space<vmem>>
      %dma_wait3A_2672 = tpu.memref_squeeze %dma_wait3A_2671 : memref<1x16x128xf32, #tpu.memory_space<vmem>> -> memref<16x128xf32, #tpu.memory_space<vmem>>
      %dma_wait3A_2673 = arith.constant 0 : i32
      %dma_wait3A_2674 = arith.constant 0 : i32
      %dma_wait3A_2675 = tpu.memref_slice %arg6[%dma_wait3A_2673, %dma_wait3A_2674] : memref<16x1000000xf32, #tpu.memory_space<hbm>> -> memref<16x128xf32, #tpu.memory_space<hbm>>
      %dma_wait3A_2676 = arith.constant 0 : i32
      %dma_wait3A_2677 = arith.constant 0 : i32
      %dma_wait3A_2678 = tpu.memref_slice %arg16[%add3A_2668, %dma_wait3A_2676, %dma_wait3A_2677] : memref<32x16x128xf32, #tpu.memory_space<vmem>> -> memref<1x16x128xf32, #tpu.memory_space<vmem>>
      %dma_wait3A_2679 = tpu.memref_squeeze %dma_wait3A_2678 : memref<1x16x128xf32, #tpu.memory_space<vmem>> -> memref<16x128xf32, #tpu.memory_space<vmem>>
      %dma_wait3A_2680 = arith.constant 0 : i32
      %dma_wait3A_2681 = arith.constant 0 : i32
      %dma_wait3A_2682 = tpu.memref_slice %arg6[%dma_wait3A_2680, %dma_wait3A_2681] : memref<16x1000000xf32, #tpu.memory_space<hbm>> -> memref<16x128xf32, #tpu.memory_space<hbm>>
      tpu.wait_dma2 semaphore(%arg21 : memref<!tpu.dma_semaphore, #tpu.memory_space<semaphore_mem>>) src(%dma_wait3A_2682 : memref<16x128xf32, #tpu.memory_space<hbm>>) dst(%dma_wait3A_2679 : memref<16x128xf32, #tpu.memory_space<vmem>>)
      %add3A_2683 = arith.constant 5 : i32
      %add3A_2684 = arith.addi %mul3A_2602, %add3A_2683 : i32
      %dma_wait3A_2685 = arith.constant 0 : i32
      %dma_wait3A_2686 = arith.constant 0 : i32
      %dma_wait3A_2687 = tpu.memref_slice %arg16[%add3A_2684, %dma_wait3A_2685, %dma_wait3A_2686] : memref<32x16x128xf32, #tpu.memory_space<vmem>> -> memref<1x16x128xf32, #tpu.memory_space<vmem>>
      %dma_wait3A_2688 = tpu.memref_squeeze %dma_wait3A_2687 : memref<1x16x128xf32, #tpu.memory_space<vmem>> -> memref<16x128xf32, #tpu.memory_space<vmem>>
      %dma_wait3A_2689 = arith.constant 0 : i32
      %dma_wait3A_2690 = arith.constant 0 : i32
      %dma_wait3A_2691 = tpu.memref_slice %arg6[%dma_wait3A_2689, %dma_wait3A_2690] : memref<16x1000000xf32, #tpu.memory_space<hbm>> -> memref<16x128xf32, #tpu.memory_space<hbm>>
      %dma_wait3A_2692 = arith.constant 0 : i32
      %dma_wait3A_2693 = arith.constant 0 : i32
      %dma_wait3A_2694 = tpu.memref_slice %arg16[%add3A_2684, %dma_wait3A_2692, %dma_wait3A_2693] : memref<32x16x128xf32, #tpu.memory_space<vmem>> -> memref<1x16x128xf32, #tpu.memory_space<vmem>>
      %dma_wait3A_2695 = tpu.memref_squeeze %dma_wait3A_2694 : memref<1x16x128xf32, #tpu.memory_space<vmem>> -> memref<16x128xf32, #tpu.memory_space<vmem>>
      %dma_wait3A_2696 = arith.constant 0 : i32
      %dma_wait3A_2697 = arith.constant 0 : i32
      %dma_wait3A_2698 = tpu.memref_slice %arg6[%dma_wait3A_2696, %dma_wait3A_2697] : memref<16x1000000xf32, #tpu.memory_space<hbm>> -> memref<16x128xf32, #tpu.memory_space<hbm>>
      tpu.wait_dma2 semaphore(%arg21 : memref<!tpu.dma_semaphore, #tpu.memory_space<semaphore_mem>>) src(%dma_wait3A_2698 : memref<16x128xf32, #tpu.memory_space<hbm>>) dst(%dma_wait3A_2695 : memref<16x128xf32, #tpu.memory_space<vmem>>)
      %add3A_2699 = arith.constant 6 : i32
      %add3A_2700 = arith.addi %mul3A_2602, %add3A_2699 : i32
      %dma_wait3A_2701 = arith.constant 0 : i32
      %dma_wait3A_2702 = arith.constant 0 : i32
      %dma_wait3A_2703 = tpu.memref_slice %arg16[%add3A_2700, %dma_wait3A_2701, %dma_wait3A_2702] : memref<32x16x128xf32, #tpu.memory_space<vmem>> -> memref<1x16x128xf32, #tpu.memory_space<vmem>>
      %dma_wait3A_2704 = tpu.memref_squeeze %dma_wait3A_2703 : memref<1x16x128xf32, #tpu.memory_space<vmem>> -> memref<16x128xf32, #tpu.memory_space<vmem>>
      %dma_wait3A_2705 = arith.constant 0 : i32
      %dma_wait3A_2706 = arith.constant 0 : i32
      %dma_wait3A_2707 = tpu.memref_slice %arg6[%dma_wait3A_2705, %dma_wait3A_2706] : memref<16x1000000xf32, #tpu.memory_space<hbm>> -> memref<16x128xf32, #tpu.memory_space<hbm>>
      %dma_wait3A_2708 = arith.constant 0 : i32
      %dma_wait3A_2709 = arith.constant 0 : i32
      %dma_wait3A_2710 = tpu.memref_slice %arg16[%add3A_2700, %dma_wait3A_2708, %dma_wait3A_2709] : memref<32x16x128xf32, #tpu.memory_space<vmem>> -> memref<1x16x128xf32, #tpu.memory_space<vmem>>
      %dma_wait3A_2711 = tpu.memref_squeeze %dma_wait3A_2710 : memref<1x16x128xf32, #tpu.memory_space<vmem>> -> memref<16x128xf32, #tpu.memory_space<vmem>>
      %dma_wait3A_2712 = arith.constant 0 : i32
      %dma_wait3A_2713 = arith.constant 0 : i32
      %dma_wait3A_2714 = tpu.memref_slice %arg6[%dma_wait3A_2712, %dma_wait3A_2713] : memref<16x1000000xf32, #tpu.memory_space<hbm>> -> memref<16x128xf32, #tpu.memory_space<hbm>>
      tpu.wait_dma2 semaphore(%arg21 : memref<!tpu.dma_semaphore, #tpu.memory_space<semaphore_mem>>) src(%dma_wait3A_2714 : memref<16x128xf32, #tpu.memory_space<hbm>>) dst(%dma_wait3A_2711 : memref<16x128xf32, #tpu.memory_space<vmem>>)
      %add3A_2715 = arith.constant 7 : i32
      %add3A_2716 = arith.addi %mul3A_2602, %add3A_2715 : i32
      %dma_wait3A_2717 = arith.constant 0 : i32
      %dma_wait3A_2718 = arith.constant 0 : i32
      %dma_wait3A_2719 = tpu.memref_slice %arg16[%add3A_2716, %dma_wait3A_2717, %dma_wait3A_2718] : memref<32x16x128xf32, #tpu.memory_space<vmem>> -> memref<1x16x128xf32, #tpu.memory_space<vmem>>
      %dma_wait3A_2720 = tpu.memref_squeeze %dma_wait3A_2719 : memref<1x16x128xf32, #tpu.memory_space<vmem>> -> memref<16x128xf32, #tpu.memory_space<vmem>>
      %dma_wait3A_2721 = arith.constant 0 : i32
      %dma_wait3A_2722 = arith.constant 0 : i32
      %dma_wait3A_2723 = tpu.memref_slice %arg6[%dma_wait3A_2721, %dma_wait3A_2722] : memref<16x1000000xf32, #tpu.memory_space<hbm>> -> memref<16x128xf32, #tpu.memory_space<hbm>>
      %dma_wait3A_2724 = arith.constant 0 : i32
      %dma_wait3A_2725 = arith.constant 0 : i32
      %dma_wait3A_2726 = tpu.memref_slice %arg16[%add3A_2716, %dma_wait3A_2724, %dma_wait3A_2725] : memref<32x16x128xf32, #tpu.memory_space<vmem>> -> memref<1x16x128xf32, #tpu.memory_space<vmem>>
      %dma_wait3A_2727 = tpu.memref_squeeze %dma_wait3A_2726 : memref<1x16x128xf32, #tpu.memory_space<vmem>> -> memref<16x128xf32, #tpu.memory_space<vmem>>
      %dma_wait3A_2728 = arith.constant 0 : i32
      %dma_wait3A_2729 = arith.constant 0 : i32
      %dma_wait3A_2730 = tpu.memref_slice %arg6[%dma_wait3A_2728, %dma_wait3A_2729] : memref<16x1000000xf32, #tpu.memory_space<hbm>> -> memref<16x128xf32, #tpu.memory_space<hbm>>
      tpu.wait_dma2 semaphore(%arg21 : memref<!tpu.dma_semaphore, #tpu.memory_space<semaphore_mem>>) src(%dma_wait3A_2730 : memref<16x128xf32, #tpu.memory_space<hbm>>) dst(%dma_wait3A_2727 : memref<16x128xf32, #tpu.memory_space<vmem>>)
      %add3A_2731 = arith.constant 8 : i32
      %add3A_2732 = arith.addi %mul3A_2602, %add3A_2731 : i32
      %dma_wait3A_2733 = arith.constant 0 : i32
      %dma_wait3A_2734 = arith.constant 0 : i32
      %dma_wait3A_2735 = tpu.memref_slice %arg16[%add3A_2732, %dma_wait3A_2733, %dma_wait3A_2734] : memref<32x16x128xf32, #tpu.memory_space<vmem>> -> memref<1x16x128xf32, #tpu.memory_space<vmem>>
      %dma_wait3A_2736 = tpu.memref_squeeze %dma_wait3A_2735 : memref<1x16x128xf32, #tpu.memory_space<vmem>> -> memref<16x128xf32, #tpu.memory_space<vmem>>
      %dma_wait3A_2737 = arith.constant 0 : i32
      %dma_wait3A_2738 = arith.constant 0 : i32
      %dma_wait3A_2739 = tpu.memref_slice %arg6[%dma_wait3A_2737, %dma_wait3A_2738] : memref<16x1000000xf32, #tpu.memory_space<hbm>> -> memref<16x128xf32, #tpu.memory_space<hbm>>
      %dma_wait3A_2740 = arith.constant 0 : i32
      %dma_wait3A_2741 = arith.constant 0 : i32
      %dma_wait3A_2742 = tpu.memref_slice %arg16[%add3A_2732, %dma_wait3A_2740, %dma_wait3A_2741] : memref<32x16x128xf32, #tpu.memory_space<vmem>> -> memref<1x16x128xf32, #tpu.memory_space<vmem>>
      %dma_wait3A_2743 = tpu.memref_squeeze %dma_wait3A_2742 : memref<1x16x128xf32, #tpu.memory_space<vmem>> -> memref<16x128xf32, #tpu.memory_space<vmem>>
      %dma_wait3A_2744 = arith.constant 0 : i32
      %dma_wait3A_2745 = arith.constant 0 : i32
      %dma_wait3A_2746 = tpu.memref_slice %arg6[%dma_wait3A_2744, %dma_wait3A_2745] : memref<16x1000000xf32, #tpu.memory_space<hbm>> -> memref<16x128xf32, #tpu.memory_space<hbm>>
      tpu.wait_dma2 semaphore(%arg21 : memref<!tpu.dma_semaphore, #tpu.memory_space<semaphore_mem>>) src(%dma_wait3A_2746 : memref<16x128xf32, #tpu.memory_space<hbm>>) dst(%dma_wait3A_2743 : memref<16x128xf32, #tpu.memory_space<vmem>>)
      %add3A_2747 = arith.constant 9 : i32
      %add3A_2748 = arith.addi %mul3A_2602, %add3A_2747 : i32
      %dma_wait3A_2749 = arith.constant 0 : i32
      %dma_wait3A_2750 = arith.constant 0 : i32
      %dma_wait3A_2751 = tpu.memref_slice %arg16[%add3A_2748, %dma_wait3A_2749, %dma_wait3A_2750] : memref<32x16x128xf32, #tpu.memory_space<vmem>> -> memref<1x16x128xf32, #tpu.memory_space<vmem>>
      %dma_wait3A_2752 = tpu.memref_squeeze %dma_wait3A_2751 : memref<1x16x128xf32, #tpu.memory_space<vmem>> -> memref<16x128xf32, #tpu.memory_space<vmem>>
      %dma_wait3A_2753 = arith.constant 0 : i32
      %dma_wait3A_2754 = arith.constant 0 : i32
      %dma_wait3A_2755 = tpu.memref_slice %arg6[%dma_wait3A_2753, %dma_wait3A_2754] : memref<16x1000000xf32, #tpu.memory_space<hbm>> -> memref<16x128xf32, #tpu.memory_space<hbm>>
      %dma_wait3A_2756 = arith.constant 0 : i32
      %dma_wait3A_2757 = arith.constant 0 : i32
      %dma_wait3A_2758 = tpu.memref_slice %arg16[%add3A_2748, %dma_wait3A_2756, %dma_wait3A_2757] : memref<32x16x128xf32, #tpu.memory_space<vmem>> -> memref<1x16x128xf32, #tpu.memory_space<vmem>>
      %dma_wait3A_2759 = tpu.memref_squeeze %dma_wait3A_2758 : memref<1x16x128xf32, #tpu.memory_space<vmem>> -> memref<16x128xf32, #tpu.memory_space<vmem>>
      %dma_wait3A_2760 = arith.constant 0 : i32
      %dma_wait3A_2761 = arith.constant 0 : i32
      %dma_wait3A_2762 = tpu.memref_slice %arg6[%dma_wait3A_2760, %dma_wait3A_2761] : memref<16x1000000xf32, #tpu.memory_space<hbm>> -> memref<16x128xf32, #tpu.memory_space<hbm>>
      tpu.wait_dma2 semaphore(%arg21 : memref<!tpu.dma_semaphore, #tpu.memory_space<semaphore_mem>>) src(%dma_wait3A_2762 : memref<16x128xf32, #tpu.memory_space<hbm>>) dst(%dma_wait3A_2759 : memref<16x128xf32, #tpu.memory_space<vmem>>)
      %add3A_2763 = arith.constant 10 : i32
      %add3A_2764 = arith.addi %mul3A_2602, %add3A_2763 : i32
      %dma_wait3A_2765 = arith.constant 0 : i32
      %dma_wait3A_2766 = arith.constant 0 : i32
      %dma_wait3A_2767 = tpu.memref_slice %arg16[%add3A_2764, %dma_wait3A_2765, %dma_wait3A_2766] : memref<32x16x128xf32, #tpu.memory_space<vmem>> -> memref<1x16x128xf32, #tpu.memory_space<vmem>>
      %dma_wait3A_2768 = tpu.memref_squeeze %dma_wait3A_2767 : memref<1x16x128xf32, #tpu.memory_space<vmem>> -> memref<16x128xf32, #tpu.memory_space<vmem>>
      %dma_wait3A_2769 = arith.constant 0 : i32
      %dma_wait3A_2770 = arith.constant 0 : i32
      %dma_wait3A_2771 = tpu.memref_slice %arg6[%dma_wait3A_2769, %dma_wait3A_2770] : memref<16x1000000xf32, #tpu.memory_space<hbm>> -> memref<16x128xf32, #tpu.memory_space<hbm>>
      %dma_wait3A_2772 = arith.constant 0 : i32
      %dma_wait3A_2773 = arith.constant 0 : i32
      %dma_wait3A_2774 = tpu.memref_slice %arg16[%add3A_2764, %dma_wait3A_2772, %dma_wait3A_2773] : memref<32x16x128xf32, #tpu.memory_space<vmem>> -> memref<1x16x128xf32, #tpu.memory_space<vmem>>
      %dma_wait3A_2775 = tpu.memref_squeeze %dma_wait3A_2774 : memref<1x16x128xf32, #tpu.memory_space<vmem>> -> memref<16x128xf32, #tpu.memory_space<vmem>>
      %dma_wait3A_2776 = arith.constant 0 : i32
      %dma_wait3A_2777 = arith.constant 0 : i32
      %dma_wait3A_2778 = tpu.memref_slice %arg6[%dma_wait3A_2776, %dma_wait3A_2777] : memref<16x1000000xf32, #tpu.memory_space<hbm>> -> memref<16x128xf32, #tpu.memory_space<hbm>>
      tpu.wait_dma2 semaphore(%arg21 : memref<!tpu.dma_semaphore, #tpu.memory_space<semaphore_mem>>) src(%dma_wait3A_2778 : memref<16x128xf32, #tpu.memory_space<hbm>>) dst(%dma_wait3A_2775 : memref<16x128xf32, #tpu.memory_space<vmem>>)
      %add3A_2779 = arith.constant 11 : i32
      %add3A_2780 = arith.addi %mul3A_2602, %add3A_2779 : i32
      %dma_wait3A_2781 = arith.constant 0 : i32
      %dma_wait3A_2782 = arith.constant 0 : i32
      %dma_wait3A_2783 = tpu.memref_slice %arg16[%add3A_2780, %dma_wait3A_2781, %dma_wait3A_2782] : memref<32x16x128xf32, #tpu.memory_space<vmem>> -> memref<1x16x128xf32, #tpu.memory_space<vmem>>
      %dma_wait3A_2784 = tpu.memref_squeeze %dma_wait3A_2783 : memref<1x16x128xf32, #tpu.memory_space<vmem>> -> memref<16x128xf32, #tpu.memory_space<vmem>>
      %dma_wait3A_2785 = arith.constant 0 : i32
      %dma_wait3A_2786 = arith.constant 0 : i32
      %dma_wait3A_2787 = tpu.memref_slice %arg6[%dma_wait3A_2785, %dma_wait3A_2786] : memref<16x1000000xf32, #tpu.memory_space<hbm>> -> memref<16x128xf32, #tpu.memory_space<hbm>>
      %dma_wait3A_2788 = arith.constant 0 : i32
      %dma_wait3A_2789 = arith.constant 0 : i32
      %dma_wait3A_2790 = tpu.memref_slice %arg16[%add3A_2780, %dma_wait3A_2788, %dma_wait3A_2789] : memref<32x16x128xf32, #tpu.memory_space<vmem>> -> memref<1x16x128xf32, #tpu.memory_space<vmem>>
      %dma_wait3A_2791 = tpu.memref_squeeze %dma_wait3A_2790 : memref<1x16x128xf32, #tpu.memory_space<vmem>> -> memref<16x128xf32, #tpu.memory_space<vmem>>
      %dma_wait3A_2792 = arith.constant 0 : i32
      %dma_wait3A_2793 = arith.constant 0 : i32
      %dma_wait3A_2794 = tpu.memref_slice %arg6[%dma_wait3A_2792, %dma_wait3A_2793] : memref<16x1000000xf32, #tpu.memory_space<hbm>> -> memref<16x128xf32, #tpu.memory_space<hbm>>
      tpu.wait_dma2 semaphore(%arg21 : memref<!tpu.dma_semaphore, #tpu.memory_space<semaphore_mem>>) src(%dma_wait3A_2794 : memref<16x128xf32, #tpu.memory_space<hbm>>) dst(%dma_wait3A_2791 : memref<16x128xf32, #tpu.memory_space<vmem>>)
      %add3A_2795 = arith.constant 12 : i32
      %add3A_2796 = arith.addi %mul3A_2602, %add3A_2795 : i32
      %dma_wait3A_2797 = arith.constant 0 : i32
      %dma_wait3A_2798 = arith.constant 0 : i32
      %dma_wait3A_2799 = tpu.memref_slice %arg16[%add3A_2796, %dma_wait3A_2797, %dma_wait3A_2798] : memref<32x16x128xf32, #tpu.memory_space<vmem>> -> memref<1x16x128xf32, #tpu.memory_space<vmem>>
      %dma_wait3A_2800 = tpu.memref_squeeze %dma_wait3A_2799 : memref<1x16x128xf32, #tpu.memory_space<vmem>> -> memref<16x128xf32, #tpu.memory_space<vmem>>
      %dma_wait3A_2801 = arith.constant 0 : i32
      %dma_wait3A_2802 = arith.constant 0 : i32
      %dma_wait3A_2803 = tpu.memref_slice %arg6[%dma_wait3A_2801, %dma_wait3A_2802] : memref<16x1000000xf32, #tpu.memory_space<hbm>> -> memref<16x128xf32, #tpu.memory_space<hbm>>
      %dma_wait3A_2804 = arith.constant 0 : i32
      %dma_wait3A_2805 = arith.constant 0 : i32
      %dma_wait3A_2806 = tpu.memref_slice %arg16[%add3A_2796, %dma_wait3A_2804, %dma_wait3A_2805] : memref<32x16x128xf32, #tpu.memory_space<vmem>> -> memref<1x16x128xf32, #tpu.memory_space<vmem>>
      %dma_wait3A_2807 = tpu.memref_squeeze %dma_wait3A_2806 : memref<1x16x128xf32, #tpu.memory_space<vmem>> -> memref<16x128xf32, #tpu.memory_space<vmem>>
      %dma_wait3A_2808 = arith.constant 0 : i32
      %dma_wait3A_2809 = arith.constant 0 : i32
      %dma_wait3A_2810 = tpu.memref_slice %arg6[%dma_wait3A_2808, %dma_wait3A_2809] : memref<16x1000000xf32, #tpu.memory_space<hbm>> -> memref<16x128xf32, #tpu.memory_space<hbm>>
      tpu.wait_dma2 semaphore(%arg21 : memref<!tpu.dma_semaphore, #tpu.memory_space<semaphore_mem>>) src(%dma_wait3A_2810 : memref<16x128xf32, #tpu.memory_space<hbm>>) dst(%dma_wait3A_2807 : memref<16x128xf32, #tpu.memory_space<vmem>>)
      %add3A_2811 = arith.constant 13 : i32
      %add3A_2812 = arith.addi %mul3A_2602, %add3A_2811 : i32
      %dma_wait3A_2813 = arith.constant 0 : i32
      %dma_wait3A_2814 = arith.constant 0 : i32
      %dma_wait3A_2815 = tpu.memref_slice %arg16[%add3A_2812, %dma_wait3A_2813, %dma_wait3A_2814] : memref<32x16x128xf32, #tpu.memory_space<vmem>> -> memref<1x16x128xf32, #tpu.memory_space<vmem>>
      %dma_wait3A_2816 = tpu.memref_squeeze %dma_wait3A_2815 : memref<1x16x128xf32, #tpu.memory_space<vmem>> -> memref<16x128xf32, #tpu.memory_space<vmem>>
      %dma_wait3A_2817 = arith.constant 0 : i32
      %dma_wait3A_2818 = arith.constant 0 : i32
      %dma_wait3A_2819 = tpu.memref_slice %arg6[%dma_wait3A_2817, %dma_wait3A_2818] : memref<16x1000000xf32, #tpu.memory_space<hbm>> -> memref<16x128xf32, #tpu.memory_space<hbm>>
      %dma_wait3A_2820 = arith.constant 0 : i32
      %dma_wait3A_2821 = arith.constant 0 : i32
      %dma_wait3A_2822 = tpu.memref_slice %arg16[%add3A_2812, %dma_wait3A_2820, %dma_wait3A_2821] : memref<32x16x128xf32, #tpu.memory_space<vmem>> -> memref<1x16x128xf32, #tpu.memory_space<vmem>>
      %dma_wait3A_2823 = tpu.memref_squeeze %dma_wait3A_2822 : memref<1x16x128xf32, #tpu.memory_space<vmem>> -> memref<16x128xf32, #tpu.memory_space<vmem>>
      %dma_wait3A_2824 = arith.constant 0 : i32
      %dma_wait3A_2825 = arith.constant 0 : i32
      %dma_wait3A_2826 = tpu.memref_slice %arg6[%dma_wait3A_2824, %dma_wait3A_2825] : memref<16x1000000xf32, #tpu.memory_space<hbm>> -> memref<16x128xf32, #tpu.memory_space<hbm>>
      tpu.wait_dma2 semaphore(%arg21 : memref<!tpu.dma_semaphore, #tpu.memory_space<semaphore_mem>>) src(%dma_wait3A_2826 : memref<16x128xf32, #tpu.memory_space<hbm>>) dst(%dma_wait3A_2823 : memref<16x128xf32, #tpu.memory_space<vmem>>)
      %add3A_2827 = arith.constant 14 : i32
      %add3A_2828 = arith.addi %mul3A_2602, %add3A_2827 : i32
      %dma_wait3A_2829 = arith.constant 0 : i32
      %dma_wait3A_2830 = arith.constant 0 : i32
      %dma_wait3A_2831 = tpu.memref_slice %arg16[%add3A_2828, %dma_wait3A_2829, %dma_wait3A_2830] : memref<32x16x128xf32, #tpu.memory_space<vmem>> -> memref<1x16x128xf32, #tpu.memory_space<vmem>>
      %dma_wait3A_2832 = tpu.memref_squeeze %dma_wait3A_2831 : memref<1x16x128xf32, #tpu.memory_space<vmem>> -> memref<16x128xf32, #tpu.memory_space<vmem>>
      %dma_wait3A_2833 = arith.constant 0 : i32
      %dma_wait3A_2834 = arith.constant 0 : i32
      %dma_wait3A_2835 = tpu.memref_slice %arg6[%dma_wait3A_2833, %dma_wait3A_2834] : memref<16x1000000xf32, #tpu.memory_space<hbm>> -> memref<16x128xf32, #tpu.memory_space<hbm>>
      %dma_wait3A_2836 = arith.constant 0 : i32
      %dma_wait3A_2837 = arith.constant 0 : i32
      %dma_wait3A_2838 = tpu.memref_slice %arg16[%add3A_2828, %dma_wait3A_2836, %dma_wait3A_2837] : memref<32x16x128xf32, #tpu.memory_space<vmem>> -> memref<1x16x128xf32, #tpu.memory_space<vmem>>
      %dma_wait3A_2839 = tpu.memref_squeeze %dma_wait3A_2838 : memref<1x16x128xf32, #tpu.memory_space<vmem>> -> memref<16x128xf32, #tpu.memory_space<vmem>>
      %dma_wait3A_2840 = arith.constant 0 : i32
      %dma_wait3A_2841 = arith.constant 0 : i32
      %dma_wait3A_2842 = tpu.memref_slice %arg6[%dma_wait3A_2840, %dma_wait3A_2841] : memref<16x1000000xf32, #tpu.memory_space<hbm>> -> memref<16x128xf32, #tpu.memory_space<hbm>>
      tpu.wait_dma2 semaphore(%arg21 : memref<!tpu.dma_semaphore, #tpu.memory_space<semaphore_mem>>) src(%dma_wait3A_2842 : memref<16x128xf32, #tpu.memory_space<hbm>>) dst(%dma_wait3A_2839 : memref<16x128xf32, #tpu.memory_space<vmem>>)
      %add3A_2843 = arith.constant 15 : i32
      %add3A_2844 = arith.addi %mul3A_2602, %add3A_2843 : i32
      %dma_wait3A_2845 = arith.constant 0 : i32
      %dma_wait3A_2846 = arith.constant 0 : i32
      %dma_wait3A_2847 = tpu.memref_slice %arg16[%add3A_2844, %dma_wait3A_2845, %dma_wait3A_2846] : memref<32x16x128xf32, #tpu.memory_space<vmem>> -> memref<1x16x128xf32, #tpu.memory_space<vmem>>
      %dma_wait3A_2848 = tpu.memref_squeeze %dma_wait3A_2847 : memref<1x16x128xf32, #tpu.memory_space<vmem>> -> memref<16x128xf32, #tpu.memory_space<vmem>>
      %dma_wait3A_2849 = arith.constant 0 : i32
      %dma_wait3A_2850 = arith.constant 0 : i32
      %dma_wait3A_2851 = tpu.memref_slice %arg6[%dma_wait3A_2849, %dma_wait3A_2850] : memref<16x1000000xf32, #tpu.memory_space<hbm>> -> memref<16x128xf32, #tpu.memory_space<hbm>>
      %dma_wait3A_2852 = arith.constant 0 : i32
      %dma_wait3A_2853 = arith.constant 0 : i32
      %dma_wait3A_2854 = tpu.memref_slice %arg16[%add3A_2844, %dma_wait3A_2852, %dma_wait3A_2853] : memref<32x16x128xf32, #tpu.memory_space<vmem>> -> memref<1x16x128xf32, #tpu.memory_space<vmem>>
      %dma_wait3A_2855 = tpu.memref_squeeze %dma_wait3A_2854 : memref<1x16x128xf32, #tpu.memory_space<vmem>> -> memref<16x128xf32, #tpu.memory_space<vmem>>
      %dma_wait3A_2856 = arith.constant 0 : i32
      %dma_wait3A_2857 = arith.constant 0 : i32
      %dma_wait3A_2858 = tpu.memref_slice %arg6[%dma_wait3A_2856, %dma_wait3A_2857] : memref<16x1000000xf32, #tpu.memory_space<hbm>> -> memref<16x128xf32, #tpu.memory_space<hbm>>
      tpu.wait_dma2 semaphore(%arg21 : memref<!tpu.dma_semaphore, #tpu.memory_space<semaphore_mem>>) src(%dma_wait3A_2858 : memref<16x128xf32, #tpu.memory_space<hbm>>) dst(%dma_wait3A_2855 : memref<16x128xf32, #tpu.memory_space<vmem>>)
      %eq3A_2859 = arith.constant 0 : i32
      %eq3A_2860 = vector.broadcast %eq3A_2859 : i32 to vector<16xi32>
      %eq3A_2861 = arith.cmpi eq, %iota3A, %eq3A_2860 : vector<16xi32>
      %jit3A_2862 = arith.constant 0 : i32
      %broadcast_in_dim3A_2863 = vector.broadcast %jit3A_2862 : i32 to vector<16xi32>
      %select_n3A_2864 = arith.select %eq3A_2861, %get3A_2598, %broadcast_in_dim3A_2863 : vector<16xi1>, vector<16xi32>
      %reduce_sum3A_2865 = arith.constant true
      %reduce_sum3A_2866 = vector.broadcast %reduce_sum3A_2865 : i1 to vector<16xi1>
      %reduce_sum3A_2867 = tpu.scan <sum>, %select_n3A_2864 masked %reduce_sum3A_2866 : vector<16xi32>, vector<16xi1> -> vector<16xi32>
      %reduce_sum3A_2868 = vector.extract %reduce_sum3A_2867[15] : i32 from vector<16xi32>
      %rem3A_2869 = arith.constant 128 : i32
      %rem3A_2870 = arith.remsi %reduce_sum3A_2868, %rem3A_2869 : i32
      %broadcast_in_dim3A_2871 = vector.broadcast %rem3A_2870 : i32 to vector<16xi32>
      %add3A_2872 = arith.constant 0 : i32
      %add3A_2873 = arith.addi %mul3A_2602, %add3A_2872 : i32
      %broadcast_in_dim3A_2874 = vector.broadcast %add3A_2873 : i32 to vector<16xi32>
      %gather3A_2875 = tpu.vector_load_idx %arg16[%broadcast_in_dim3A_2874, %iota3A, %broadcast_in_dim3A_2871] : memref<32x16x128xf32, #tpu.memory_space<vmem>>[vector<16xi32>, vector<16xi32>, vector<16xi32>], vector<16xf32>,
      %mul3A_2876 = arith.constant 16 : i32
      %mul3A_2877 = arith.muli %sub3A_2594, %mul3A_2876 : i32
      %add3A_2878 = arith.constant 0 : i32
      %add3A_2879 = arith.addi %mul3A_2877, %add3A_2878 : i32
      %broadcast_in_dim3A_2880 = vector.broadcast %add3A_2879 : i32 to vector<16xi32>
      tpu.vector_store_idx %arg17[%iota3A, %broadcast_in_dim3A_2880], %gather3A_2875 : memref<74x512xf32, #tpu.memory_space<vmem>>[vector<16xi32>, vector<16xi32>], vector<16xf32>,
      %eq3A_2881 = arith.constant 1 : i32
      %eq3A_2882 = vector.broadcast %eq3A_2881 : i32 to vector<16xi32>
      %eq3A_2883 = arith.cmpi eq, %iota3A, %eq3A_2882 : vector<16xi32>
      %jit3A_2884 = arith.constant 0 : i32
      %broadcast_in_dim3A_2885 = vector.broadcast %jit3A_2884 : i32 to vector<16xi32>
      %select_n3A_2886 = arith.select %eq3A_2883, %get3A_2598, %broadcast_in_dim3A_2885 : vector<16xi1>, vector<16xi32>
      %reduce_sum3A_2887 = arith.constant true
      %reduce_sum3A_2888 = vector.broadcast %reduce_sum3A_2887 : i1 to vector<16xi1>
      %reduce_sum3A_2889 = tpu.scan <sum>, %select_n3A_2886 masked %reduce_sum3A_2888 : vector<16xi32>, vector<16xi1> -> vector<16xi32>
      %reduce_sum3A_2890 = vector.extract %reduce_sum3A_2889[15] : i32 from vector<16xi32>
      %rem3A_2891 = arith.constant 128 : i32
      %rem3A_2892 = arith.remsi %reduce_sum3A_2890, %rem3A_2891 : i32
      %broadcast_in_dim3A_2893 = vector.broadcast %rem3A_2892 : i32 to vector<16xi32>
      %add3A_2894 = arith.constant 1 : i32
      %add3A_2895 = arith.addi %mul3A_2602, %add3A_2894 : i32
      %broadcast_in_dim3A_2896 = vector.broadcast %add3A_2895 : i32 to vector<16xi32>
      %gather3A_2897 = tpu.vector_load_idx %arg16[%broadcast_in_dim3A_2896, %iota3A, %broadcast_in_dim3A_2893] : memref<32x16x128xf32, #tpu.memory_space<vmem>>[vector<16xi32>, vector<16xi32>, vector<16xi32>], vector<16xf32>,
      %mul3A_2898 = arith.constant 16 : i32
      %mul3A_2899 = arith.muli %sub3A_2594, %mul3A_2898 : i32
      %add3A_2900 = arith.constant 1 : i32
      %add3A_2901 = arith.addi %mul3A_2899, %add3A_2900 : i32
      %broadcast_in_dim3A_2902 = vector.broadcast %add3A_2901 : i32 to vector<16xi32>
      tpu.vector_store_idx %arg17[%iota3A, %broadcast_in_dim3A_2902], %gather3A_2897 : memref<74x512xf32, #tpu.memory_space<vmem>>[vector<16xi32>, vector<16xi32>], vector<16xf32>,
      %eq3A_2903 = arith.constant 2 : i32
      %eq3A_2904 = vector.broadcast %eq3A_2903 : i32 to vector<16xi32>
      %eq3A_2905 = arith.cmpi eq, %iota3A, %eq3A_2904 : vector<16xi32>
      %jit3A_2906 = arith.constant 0 : i32
      %broadcast_in_dim3A_2907 = vector.broadcast %jit3A_2906 : i32 to vector<16xi32>
      %select_n3A_2908 = arith.select %eq3A_2905, %get3A_2598, %broadcast_in_dim3A_2907 : vector<16xi1>, vector<16xi32>
      %reduce_sum3A_2909 = arith.constant true
      %reduce_sum3A_2910 = vector.broadcast %reduce_sum3A_2909 : i1 to vector<16xi1>
      %reduce_sum3A_2911 = tpu.scan <sum>, %select_n3A_2908 masked %reduce_sum3A_2910 : vector<16xi32>, vector<16xi1> -> vector<16xi32>
      %reduce_sum3A_2912 = vector.extract %reduce_sum3A_2911[15] : i32 from vector<16xi32>
      %rem3A_2913 = arith.constant 128 : i32
      %rem3A_2914 = arith.remsi %reduce_sum3A_2912, %rem3A_2913 : i32
      %broadcast_in_dim3A_2915 = vector.broadcast %rem3A_2914 : i32 to vector<16xi32>
      %add3A_2916 = arith.constant 2 : i32
      %add3A_2917 = arith.addi %mul3A_2602, %add3A_2916 : i32
      %broadcast_in_dim3A_2918 = vector.broadcast %add3A_2917 : i32 to vector<16xi32>
      %gather3A_2919 = tpu.vector_load_idx %arg16[%broadcast_in_dim3A_2918, %iota3A, %broadcast_in_dim3A_2915] : memref<32x16x128xf32, #tpu.memory_space<vmem>>[vector<16xi32>, vector<16xi32>, vector<16xi32>], vector<16xf32>,
      %mul3A_2920 = arith.constant 16 : i32
      %mul3A_2921 = arith.muli %sub3A_2594, %mul3A_2920 : i32
      %add3A_2922 = arith.constant 2 : i32
      %add3A_2923 = arith.addi %mul3A_2921, %add3A_2922 : i32
      %broadcast_in_dim3A_2924 = vector.broadcast %add3A_2923 : i32 to vector<16xi32>
      tpu.vector_store_idx %arg17[%iota3A, %broadcast_in_dim3A_2924], %gather3A_2919 : memref<74x512xf32, #tpu.memory_space<vmem>>[vector<16xi32>, vector<16xi32>], vector<16xf32>,
      %eq3A_2925 = arith.constant 3 : i32
      %eq3A_2926 = vector.broadcast %eq3A_2925 : i32 to vector<16xi32>
      %eq3A_2927 = arith.cmpi eq, %iota3A, %eq3A_2926 : vector<16xi32>
      %jit3A_2928 = arith.constant 0 : i32
      %broadcast_in_dim3A_2929 = vector.broadcast %jit3A_2928 : i32 to vector<16xi32>
      %select_n3A_2930 = arith.select %eq3A_2927, %get3A_2598, %broadcast_in_dim3A_2929 : vector<16xi1>, vector<16xi32>
      %reduce_sum3A_2931 = arith.constant true
      %reduce_sum3A_2932 = vector.broadcast %reduce_sum3A_2931 : i1 to vector<16xi1>
      %reduce_sum3A_2933 = tpu.scan <sum>, %select_n3A_2930 masked %reduce_sum3A_2932 : vector<16xi32>, vector<16xi1> -> vector<16xi32>
      %reduce_sum3A_2934 = vector.extract %reduce_sum3A_2933[15] : i32 from vector<16xi32>
      %rem3A_2935 = arith.constant 128 : i32
      %rem3A_2936 = arith.remsi %reduce_sum3A_2934, %rem3A_2935 : i32
      %broadcast_in_dim3A_2937 = vector.broadcast %rem3A_2936 : i32 to vector<16xi32>
      %add3A_2938 = arith.constant 3 : i32
      %add3A_2939 = arith.addi %mul3A_2602, %add3A_2938 : i32
      %broadcast_in_dim3A_2940 = vector.broadcast %add3A_2939 : i32 to vector<16xi32>
      %gather3A_2941 = tpu.vector_load_idx %arg16[%broadcast_in_dim3A_2940, %iota3A, %broadcast_in_dim3A_2937] : memref<32x16x128xf32, #tpu.memory_space<vmem>>[vector<16xi32>, vector<16xi32>, vector<16xi32>], vector<16xf32>,
      %mul3A_2942 = arith.constant 16 : i32
      %mul3A_2943 = arith.muli %sub3A_2594, %mul3A_2942 : i32
      %add3A_2944 = arith.constant 3 : i32
      %add3A_2945 = arith.addi %mul3A_2943, %add3A_2944 : i32
      %broadcast_in_dim3A_2946 = vector.broadcast %add3A_2945 : i32 to vector<16xi32>
      tpu.vector_store_idx %arg17[%iota3A, %broadcast_in_dim3A_2946], %gather3A_2941 : memref<74x512xf32, #tpu.memory_space<vmem>>[vector<16xi32>, vector<16xi32>], vector<16xf32>,
      %eq3A_2947 = arith.constant 4 : i32
      %eq3A_2948 = vector.broadcast %eq3A_2947 : i32 to vector<16xi32>
      %eq3A_2949 = arith.cmpi eq, %iota3A, %eq3A_2948 : vector<16xi32>
      %jit3A_2950 = arith.constant 0 : i32
      %broadcast_in_dim3A_2951 = vector.broadcast %jit3A_2950 : i32 to vector<16xi32>
      %select_n3A_2952 = arith.select %eq3A_2949, %get3A_2598, %broadcast_in_dim3A_2951 : vector<16xi1>, vector<16xi32>
      %reduce_sum3A_2953 = arith.constant true
      %reduce_sum3A_2954 = vector.broadcast %reduce_sum3A_2953 : i1 to vector<16xi1>
      %reduce_sum3A_2955 = tpu.scan <sum>, %select_n3A_2952 masked %reduce_sum3A_2954 : vector<16xi32>, vector<16xi1> -> vector<16xi32>
      %reduce_sum3A_2956 = vector.extract %reduce_sum3A_2955[15] : i32 from vector<16xi32>
      %rem3A_2957 = arith.constant 128 : i32
      %rem3A_2958 = arith.remsi %reduce_sum3A_2956, %rem3A_2957 : i32
      %broadcast_in_dim3A_2959 = vector.broadcast %rem3A_2958 : i32 to vector<16xi32>
      %add3A_2960 = arith.constant 4 : i32
      %add3A_2961 = arith.addi %mul3A_2602, %add3A_2960 : i32
      %broadcast_in_dim3A_2962 = vector.broadcast %add3A_2961 : i32 to vector<16xi32>
      %gather3A_2963 = tpu.vector_load_idx %arg16[%broadcast_in_dim3A_2962, %iota3A, %broadcast_in_dim3A_2959] : memref<32x16x128xf32, #tpu.memory_space<vmem>>[vector<16xi32>, vector<16xi32>, vector<16xi32>], vector<16xf32>,
      %mul3A_2964 = arith.constant 16 : i32
      %mul3A_2965 = arith.muli %sub3A_2594, %mul3A_2964 : i32
      %add3A_2966 = arith.constant 4 : i32
      %add3A_2967 = arith.addi %mul3A_2965, %add3A_2966 : i32
      %broadcast_in_dim3A_2968 = vector.broadcast %add3A_2967 : i32 to vector<16xi32>
      tpu.vector_store_idx %arg17[%iota3A, %broadcast_in_dim3A_2968], %gather3A_2963 : memref<74x512xf32, #tpu.memory_space<vmem>>[vector<16xi32>, vector<16xi32>], vector<16xf32>,
      %eq3A_2969 = arith.constant 5 : i32
      %eq3A_2970 = vector.broadcast %eq3A_2969 : i32 to vector<16xi32>
      %eq3A_2971 = arith.cmpi eq, %iota3A, %eq3A_2970 : vector<16xi32>
      %jit3A_2972 = arith.constant 0 : i32
      %broadcast_in_dim3A_2973 = vector.broadcast %jit3A_2972 : i32 to vector<16xi32>
      %select_n3A_2974 = arith.select %eq3A_2971, %get3A_2598, %broadcast_in_dim3A_2973 : vector<16xi1>, vector<16xi32>
      %reduce_sum3A_2975 = arith.constant true
      %reduce_sum3A_2976 = vector.broadcast %reduce_sum3A_2975 : i1 to vector<16xi1>
      %reduce_sum3A_2977 = tpu.scan <sum>, %select_n3A_2974 masked %reduce_sum3A_2976 : vector<16xi32>, vector<16xi1> -> vector<16xi32>
      %reduce_sum3A_2978 = vector.extract %reduce_sum3A_2977[15] : i32 from vector<16xi32>
      %rem3A_2979 = arith.constant 128 : i32
      %rem3A_2980 = arith.remsi %reduce_sum3A_2978, %rem3A_2979 : i32
      %broadcast_in_dim3A_2981 = vector.broadcast %rem3A_2980 : i32 to vector<16xi32>
      %add3A_2982 = arith.constant 5 : i32
      %add3A_2983 = arith.addi %mul3A_2602, %add3A_2982 : i32
      %broadcast_in_dim3A_2984 = vector.broadcast %add3A_2983 : i32 to vector<16xi32>
      %gather3A_2985 = tpu.vector_load_idx %arg16[%broadcast_in_dim3A_2984, %iota3A, %broadcast_in_dim3A_2981] : memref<32x16x128xf32, #tpu.memory_space<vmem>>[vector<16xi32>, vector<16xi32>, vector<16xi32>], vector<16xf32>,
      %mul3A_2986 = arith.constant 16 : i32
      %mul3A_2987 = arith.muli %sub3A_2594, %mul3A_2986 : i32
      %add3A_2988 = arith.constant 5 : i32
      %add3A_2989 = arith.addi %mul3A_2987, %add3A_2988 : i32
      %broadcast_in_dim3A_2990 = vector.broadcast %add3A_2989 : i32 to vector<16xi32>
      tpu.vector_store_idx %arg17[%iota3A, %broadcast_in_dim3A_2990], %gather3A_2985 : memref<74x512xf32, #tpu.memory_space<vmem>>[vector<16xi32>, vector<16xi32>], vector<16xf32>,
      %eq3A_2991 = arith.constant 6 : i32
      %eq3A_2992 = vector.broadcast %eq3A_2991 : i32 to vector<16xi32>
      %eq3A_2993 = arith.cmpi eq, %iota3A, %eq3A_2992 : vector<16xi32>
      %jit3A_2994 = arith.constant 0 : i32
      %broadcast_in_dim3A_2995 = vector.broadcast %jit3A_2994 : i32 to vector<16xi32>
      %select_n3A_2996 = arith.select %eq3A_2993, %get3A_2598, %broadcast_in_dim3A_2995 : vector<16xi1>, vector<16xi32>
      %reduce_sum3A_2997 = arith.constant true
      %reduce_sum3A_2998 = vector.broadcast %reduce_sum3A_2997 : i1 to vector<16xi1>
      %reduce_sum3A_2999 = tpu.scan <sum>, %select_n3A_2996 masked %reduce_sum3A_2998 : vector<16xi32>, vector<16xi1> -> vector<16xi32>
      %reduce_sum3A_3000 = vector.extract %reduce_sum3A_2999[15] : i32 from vector<16xi32>
      %rem3A_3001 = arith.constant 128 : i32
      %rem3A_3002 = arith.remsi %reduce_sum3A_3000, %rem3A_3001 : i32
      %broadcast_in_dim3A_3003 = vector.broadcast %rem3A_3002 : i32 to vector<16xi32>
      %add3A_3004 = arith.constant 6 : i32
      %add3A_3005 = arith.addi %mul3A_2602, %add3A_3004 : i32
      %broadcast_in_dim3A_3006 = vector.broadcast %add3A_3005 : i32 to vector<16xi32>
      %gather3A_3007 = tpu.vector_load_idx %arg16[%broadcast_in_dim3A_3006, %iota3A, %broadcast_in_dim3A_3003] : memref<32x16x128xf32, #tpu.memory_space<vmem>>[vector<16xi32>, vector<16xi32>, vector<16xi32>], vector<16xf32>,
      %mul3A_3008 = arith.constant 16 : i32
      %mul3A_3009 = arith.muli %sub3A_2594, %mul3A_3008 : i32
      %add3A_3010 = arith.constant 6 : i32
      %add3A_3011 = arith.addi %mul3A_3009, %add3A_3010 : i32
      %broadcast_in_dim3A_3012 = vector.broadcast %add3A_3011 : i32 to vector<16xi32>
      tpu.vector_store_idx %arg17[%iota3A, %broadcast_in_dim3A_3012], %gather3A_3007 : memref<74x512xf32, #tpu.memory_space<vmem>>[vector<16xi32>, vector<16xi32>], vector<16xf32>,
      %eq3A_3013 = arith.constant 7 : i32
      %eq3A_3014 = vector.broadcast %eq3A_3013 : i32 to vector<16xi32>
      %eq3A_3015 = arith.cmpi eq, %iota3A, %eq3A_3014 : vector<16xi32>
      %jit3A_3016 = arith.constant 0 : i32
      %broadcast_in_dim3A_3017 = vector.broadcast %jit3A_3016 : i32 to vector<16xi32>
      %select_n3A_3018 = arith.select %eq3A_3015, %get3A_2598, %broadcast_in_dim3A_3017 : vector<16xi1>, vector<16xi32>
      %reduce_sum3A_3019 = arith.constant true
      %reduce_sum3A_3020 = vector.broadcast %reduce_sum3A_3019 : i1 to vector<16xi1>
      %reduce_sum3A_3021 = tpu.scan <sum>, %select_n3A_3018 masked %reduce_sum3A_3020 : vector<16xi32>, vector<16xi1> -> vector<16xi32>
      %reduce_sum3A_3022 = vector.extract %reduce_sum3A_3021[15] : i32 from vector<16xi32>
      %rem3A_3023 = arith.constant 128 : i32
      %rem3A_3024 = arith.remsi %reduce_sum3A_3022, %rem3A_3023 : i32
      %broadcast_in_dim3A_3025 = vector.broadcast %rem3A_3024 : i32 to vector<16xi32>
      %add3A_3026 = arith.constant 7 : i32
      %add3A_3027 = arith.addi %mul3A_2602, %add3A_3026 : i32
      %broadcast_in_dim3A_3028 = vector.broadcast %add3A_3027 : i32 to vector<16xi32>
      %gather3A_3029 = tpu.vector_load_idx %arg16[%broadcast_in_dim3A_3028, %iota3A, %broadcast_in_dim3A_3025] : memref<32x16x128xf32, #tpu.memory_space<vmem>>[vector<16xi32>, vector<16xi32>, vector<16xi32>], vector<16xf32>,
      %mul3A_3030 = arith.constant 16 : i32
      %mul3A_3031 = arith.muli %sub3A_2594, %mul3A_3030 : i32
      %add3A_3032 = arith.constant 7 : i32
      %add3A_3033 = arith.addi %mul3A_3031, %add3A_3032 : i32
      %broadcast_in_dim3A_3034 = vector.broadcast %add3A_3033 : i32 to vector<16xi32>
      tpu.vector_store_idx %arg17[%iota3A, %broadcast_in_dim3A_3034], %gather3A_3029 : memref<74x512xf32, #tpu.memory_space<vmem>>[vector<16xi32>, vector<16xi32>], vector<16xf32>,
      %eq3A_3035 = arith.constant 8 : i32
      %eq3A_3036 = vector.broadcast %eq3A_3035 : i32 to vector<16xi32>
      %eq3A_3037 = arith.cmpi eq, %iota3A, %eq3A_3036 : vector<16xi32>
      %jit3A_3038 = arith.constant 0 : i32
      %broadcast_in_dim3A_3039 = vector.broadcast %jit3A_3038 : i32 to vector<16xi32>
      %select_n3A_3040 = arith.select %eq3A_3037, %get3A_2598, %broadcast_in_dim3A_3039 : vector<16xi1>, vector<16xi32>
      %reduce_sum3A_3041 = arith.constant true
      %reduce_sum3A_3042 = vector.broadcast %reduce_sum3A_3041 : i1 to vector<16xi1>
      %reduce_sum3A_3043 = tpu.scan <sum>, %select_n3A_3040 masked %reduce_sum3A_3042 : vector<16xi32>, vector<16xi1> -> vector<16xi32>
      %reduce_sum3A_3044 = vector.extract %reduce_sum3A_3043[15] : i32 from vector<16xi32>
      %rem3A_3045 = arith.constant 128 : i32
      %rem3A_3046 = arith.remsi %reduce_sum3A_3044, %rem3A_3045 : i32
      %broadcast_in_dim3A_3047 = vector.broadcast %rem3A_3046 : i32 to vector<16xi32>
      %add3A_3048 = arith.constant 8 : i32
      %add3A_3049 = arith.addi %mul3A_2602, %add3A_3048 : i32
      %broadcast_in_dim3A_3050 = vector.broadcast %add3A_3049 : i32 to vector<16xi32>
      %gather3A_3051 = tpu.vector_load_idx %arg16[%broadcast_in_dim3A_3050, %iota3A, %broadcast_in_dim3A_3047] : memref<32x16x128xf32, #tpu.memory_space<vmem>>[vector<16xi32>, vector<16xi32>, vector<16xi32>], vector<16xf32>,
      %mul3A_3052 = arith.constant 16 : i32
      %mul3A_3053 = arith.muli %sub3A_2594, %mul3A_3052 : i32
      %add3A_3054 = arith.constant 8 : i32
      %add3A_3055 = arith.addi %mul3A_3053, %add3A_3054 : i32
      %broadcast_in_dim3A_3056 = vector.broadcast %add3A_3055 : i32 to vector<16xi32>
      tpu.vector_store_idx %arg17[%iota3A, %broadcast_in_dim3A_3056], %gather3A_3051 : memref<74x512xf32, #tpu.memory_space<vmem>>[vector<16xi32>, vector<16xi32>], vector<16xf32>,
      %eq3A_3057 = arith.constant 9 : i32
      %eq3A_3058 = vector.broadcast %eq3A_3057 : i32 to vector<16xi32>
      %eq3A_3059 = arith.cmpi eq, %iota3A, %eq3A_3058 : vector<16xi32>
      %jit3A_3060 = arith.constant 0 : i32
      %broadcast_in_dim3A_3061 = vector.broadcast %jit3A_3060 : i32 to vector<16xi32>
      %select_n3A_3062 = arith.select %eq3A_3059, %get3A_2598, %broadcast_in_dim3A_3061 : vector<16xi1>, vector<16xi32>
      %reduce_sum3A_3063 = arith.constant true
      %reduce_sum3A_3064 = vector.broadcast %reduce_sum3A_3063 : i1 to vector<16xi1>
      %reduce_sum3A_3065 = tpu.scan <sum>, %select_n3A_3062 masked %reduce_sum3A_3064 : vector<16xi32>, vector<16xi1> -> vector<16xi32>
      %reduce_sum3A_3066 = vector.extract %reduce_sum3A_3065[15] : i32 from vector<16xi32>
      %rem3A_3067 = arith.constant 128 : i32
      %rem3A_3068 = arith.remsi %reduce_sum3A_3066, %rem3A_3067 : i32
      %broadcast_in_dim3A_3069 = vector.broadcast %rem3A_3068 : i32 to vector<16xi32>
      %add3A_3070 = arith.constant 9 : i32
      %add3A_3071 = arith.addi %mul3A_2602, %add3A_3070 : i32
      %broadcast_in_dim3A_3072 = vector.broadcast %add3A_3071 : i32 to vector<16xi32>
      %gather3A_3073 = tpu.vector_load_idx %arg16[%broadcast_in_dim3A_3072, %iota3A, %broadcast_in_dim3A_3069] : memref<32x16x128xf32, #tpu.memory_space<vmem>>[vector<16xi32>, vector<16xi32>, vector<16xi32>], vector<16xf32>,
      %mul3A_3074 = arith.constant 16 : i32
      %mul3A_3075 = arith.muli %sub3A_2594, %mul3A_3074 : i32
      %add3A_3076 = arith.constant 9 : i32
      %add3A_3077 = arith.addi %mul3A_3075, %add3A_3076 : i32
      %broadcast_in_dim3A_3078 = vector.broadcast %add3A_3077 : i32 to vector<16xi32>
      tpu.vector_store_idx %arg17[%iota3A, %broadcast_in_dim3A_3078], %gather3A_3073 : memref<74x512xf32, #tpu.memory_space<vmem>>[vector<16xi32>, vector<16xi32>], vector<16xf32>,
      %eq3A_3079 = arith.constant 10 : i32
      %eq3A_3080 = vector.broadcast %eq3A_3079 : i32 to vector<16xi32>
      %eq3A_3081 = arith.cmpi eq, %iota3A, %eq3A_3080 : vector<16xi32>
      %jit3A_3082 = arith.constant 0 : i32
      %broadcast_in_dim3A_3083 = vector.broadcast %jit3A_3082 : i32 to vector<16xi32>
      %select_n3A_3084 = arith.select %eq3A_3081, %get3A_2598, %broadcast_in_dim3A_3083 : vector<16xi1>, vector<16xi32>
      %reduce_sum3A_3085 = arith.constant true
      %reduce_sum3A_3086 = vector.broadcast %reduce_sum3A_3085 : i1 to vector<16xi1>
      %reduce_sum3A_3087 = tpu.scan <sum>, %select_n3A_3084 masked %reduce_sum3A_3086 : vector<16xi32>, vector<16xi1> -> vector<16xi32>
      %reduce_sum3A_3088 = vector.extract %reduce_sum3A_3087[15] : i32 from vector<16xi32>
      %rem3A_3089 = arith.constant 128 : i32
      %rem3A_3090 = arith.remsi %reduce_sum3A_3088, %rem3A_3089 : i32
      %broadcast_in_dim3A_3091 = vector.broadcast %rem3A_3090 : i32 to vector<16xi32>
      %add3A_3092 = arith.constant 10 : i32
      %add3A_3093 = arith.addi %mul3A_2602, %add3A_3092 : i32
      %broadcast_in_dim3A_3094 = vector.broadcast %add3A_3093 : i32 to vector<16xi32>
      %gather3A_3095 = tpu.vector_load_idx %arg16[%broadcast_in_dim3A_3094, %iota3A, %broadcast_in_dim3A_3091] : memref<32x16x128xf32, #tpu.memory_space<vmem>>[vector<16xi32>, vector<16xi32>, vector<16xi32>], vector<16xf32>,
      %mul3A_3096 = arith.constant 16 : i32
      %mul3A_3097 = arith.muli %sub3A_2594, %mul3A_3096 : i32
      %add3A_3098 = arith.constant 10 : i32
      %add3A_3099 = arith.addi %mul3A_3097, %add3A_3098 : i32
      %broadcast_in_dim3A_3100 = vector.broadcast %add3A_3099 : i32 to vector<16xi32>
      tpu.vector_store_idx %arg17[%iota3A, %broadcast_in_dim3A_3100], %gather3A_3095 : memref<74x512xf32, #tpu.memory_space<vmem>>[vector<16xi32>, vector<16xi32>], vector<16xf32>,
      %eq3A_3101 = arith.constant 11 : i32
      %eq3A_3102 = vector.broadcast %eq3A_3101 : i32 to vector<16xi32>
      %eq3A_3103 = arith.cmpi eq, %iota3A, %eq3A_3102 : vector<16xi32>
      %jit3A_3104 = arith.constant 0 : i32
      %broadcast_in_dim3A_3105 = vector.broadcast %jit3A_3104 : i32 to vector<16xi32>
      %select_n3A_3106 = arith.select %eq3A_3103, %get3A_2598, %broadcast_in_dim3A_3105 : vector<16xi1>, vector<16xi32>
      %reduce_sum3A_3107 = arith.constant true
      %reduce_sum3A_3108 = vector.broadcast %reduce_sum3A_3107 : i1 to vector<16xi1>
      %reduce_sum3A_3109 = tpu.scan <sum>, %select_n3A_3106 masked %reduce_sum3A_3108 : vector<16xi32>, vector<16xi1> -> vector<16xi32>
      %reduce_sum3A_3110 = vector.extract %reduce_sum3A_3109[15] : i32 from vector<16xi32>
      %rem3A_3111 = arith.constant 128 : i32
      %rem3A_3112 = arith.remsi %reduce_sum3A_3110, %rem3A_3111 : i32
      %broadcast_in_dim3A_3113 = vector.broadcast %rem3A_3112 : i32 to vector<16xi32>
      %add3A_3114 = arith.constant 11 : i32
      %add3A_3115 = arith.addi %mul3A_2602, %add3A_3114 : i32
      %broadcast_in_dim3A_3116 = vector.broadcast %add3A_3115 : i32 to vector<16xi32>
      %gather3A_3117 = tpu.vector_load_idx %arg16[%broadcast_in_dim3A_3116, %iota3A, %broadcast_in_dim3A_3113] : memref<32x16x128xf32, #tpu.memory_space<vmem>>[vector<16xi32>, vector<16xi32>, vector<16xi32>], vector<16xf32>,
      %mul3A_3118 = arith.constant 16 : i32
      %mul3A_3119 = arith.muli %sub3A_2594, %mul3A_3118 : i32
      %add3A_3120 = arith.constant 11 : i32
      %add3A_3121 = arith.addi %mul3A_3119, %add3A_3120 : i32
      %broadcast_in_dim3A_3122 = vector.broadcast %add3A_3121 : i32 to vector<16xi32>
      tpu.vector_store_idx %arg17[%iota3A, %broadcast_in_dim3A_3122], %gather3A_3117 : memref<74x512xf32, #tpu.memory_space<vmem>>[vector<16xi32>, vector<16xi32>], vector<16xf32>,
      %eq3A_3123 = arith.constant 12 : i32
      %eq3A_3124 = vector.broadcast %eq3A_3123 : i32 to vector<16xi32>
      %eq3A_3125 = arith.cmpi eq, %iota3A, %eq3A_3124 : vector<16xi32>
      %jit3A_3126 = arith.constant 0 : i32
      %broadcast_in_dim3A_3127 = vector.broadcast %jit3A_3126 : i32 to vector<16xi32>
      %select_n3A_3128 = arith.select %eq3A_3125, %get3A_2598, %broadcast_in_dim3A_3127 : vector<16xi1>, vector<16xi32>
      %reduce_sum3A_3129 = arith.constant true
      %reduce_sum3A_3130 = vector.broadcast %reduce_sum3A_3129 : i1 to vector<16xi1>
      %reduce_sum3A_3131 = tpu.scan <sum>, %select_n3A_3128 masked %reduce_sum3A_3130 : vector<16xi32>, vector<16xi1> -> vector<16xi32>
      %reduce_sum3A_3132 = vector.extract %reduce_sum3A_3131[15] : i32 from vector<16xi32>
      %rem3A_3133 = arith.constant 128 : i32
      %rem3A_3134 = arith.remsi %reduce_sum3A_3132, %rem3A_3133 : i32
      %broadcast_in_dim3A_3135 = vector.broadcast %rem3A_3134 : i32 to vector<16xi32>
      %add3A_3136 = arith.constant 12 : i32
      %add3A_3137 = arith.addi %mul3A_2602, %add3A_3136 : i32
      %broadcast_in_dim3A_3138 = vector.broadcast %add3A_3137 : i32 to vector<16xi32>
      %gather3A_3139 = tpu.vector_load_idx %arg16[%broadcast_in_dim3A_3138, %iota3A, %broadcast_in_dim3A_3135] : memref<32x16x128xf32, #tpu.memory_space<vmem>>[vector<16xi32>, vector<16xi32>, vector<16xi32>], vector<16xf32>,
      %mul3A_3140 = arith.constant 16 : i32
      %mul3A_3141 = arith.muli %sub3A_2594, %mul3A_3140 : i32
      %add3A_3142 = arith.constant 12 : i32
      %add3A_3143 = arith.addi %mul3A_3141, %add3A_3142 : i32
      %broadcast_in_dim3A_3144 = vector.broadcast %add3A_3143 : i32 to vector<16xi32>
      tpu.vector_store_idx %arg17[%iota3A, %broadcast_in_dim3A_3144], %gather3A_3139 : memref<74x512xf32, #tpu.memory_space<vmem>>[vector<16xi32>, vector<16xi32>], vector<16xf32>,
      %eq3A_3145 = arith.constant 13 : i32
      %eq3A_3146 = vector.broadcast %eq3A_3145 : i32 to vector<16xi32>
      %eq3A_3147 = arith.cmpi eq, %iota3A, %eq3A_3146 : vector<16xi32>
      %jit3A_3148 = arith.constant 0 : i32
      %broadcast_in_dim3A_3149 = vector.broadcast %jit3A_3148 : i32 to vector<16xi32>
      %select_n3A_3150 = arith.select %eq3A_3147, %get3A_2598, %broadcast_in_dim3A_3149 : vector<16xi1>, vector<16xi32>
      %reduce_sum3A_3151 = arith.constant true
      %reduce_sum3A_3152 = vector.broadcast %reduce_sum3A_3151 : i1 to vector<16xi1>
      %reduce_sum3A_3153 = tpu.scan <sum>, %select_n3A_3150 masked %reduce_sum3A_3152 : vector<16xi32>, vector<16xi1> -> vector<16xi32>
      %reduce_sum3A_3154 = vector.extract %reduce_sum3A_3153[15] : i32 from vector<16xi32>
      %rem3A_3155 = arith.constant 128 : i32
      %rem3A_3156 = arith.remsi %reduce_sum3A_3154, %rem3A_3155 : i32
      %broadcast_in_dim3A_3157 = vector.broadcast %rem3A_3156 : i32 to vector<16xi32>
      %add3A_3158 = arith.constant 13 : i32
      %add3A_3159 = arith.addi %mul3A_2602, %add3A_3158 : i32
      %broadcast_in_dim3A_3160 = vector.broadcast %add3A_3159 : i32 to vector<16xi32>
      %gather3A_3161 = tpu.vector_load_idx %arg16[%broadcast_in_dim3A_3160, %iota3A, %broadcast_in_dim3A_3157] : memref<32x16x128xf32, #tpu.memory_space<vmem>>[vector<16xi32>, vector<16xi32>, vector<16xi32>], vector<16xf32>,
      %mul3A_3162 = arith.constant 16 : i32
      %mul3A_3163 = arith.muli %sub3A_2594, %mul3A_3162 : i32
      %add3A_3164 = arith.constant 13 : i32
      %add3A_3165 = arith.addi %mul3A_3163, %add3A_3164 : i32
      %broadcast_in_dim3A_3166 = vector.broadcast %add3A_3165 : i32 to vector<16xi32>
      tpu.vector_store_idx %arg17[%iota3A, %broadcast_in_dim3A_3166], %gather3A_3161 : memref<74x512xf32, #tpu.memory_space<vmem>>[vector<16xi32>, vector<16xi32>], vector<16xf32>,
      %eq3A_3167 = arith.constant 14 : i32
      %eq3A_3168 = vector.broadcast %eq3A_3167 : i32 to vector<16xi32>
      %eq3A_3169 = arith.cmpi eq, %iota3A, %eq3A_3168 : vector<16xi32>
      %jit3A_3170 = arith.constant 0 : i32
      %broadcast_in_dim3A_3171 = vector.broadcast %jit3A_3170 : i32 to vector<16xi32>
      %select_n3A_3172 = arith.select %eq3A_3169, %get3A_2598, %broadcast_in_dim3A_3171 : vector<16xi1>, vector<16xi32>
      %reduce_sum3A_3173 = arith.constant true
      %reduce_sum3A_3174 = vector.broadcast %reduce_sum3A_3173 : i1 to vector<16xi1>
      %reduce_sum3A_3175 = tpu.scan <sum>, %select_n3A_3172 masked %reduce_sum3A_3174 : vector<16xi32>, vector<16xi1> -> vector<16xi32>
      %reduce_sum3A_3176 = vector.extract %reduce_sum3A_3175[15] : i32 from vector<16xi32>
      %rem3A_3177 = arith.constant 128 : i32
      %rem3A_3178 = arith.remsi %reduce_sum3A_3176, %rem3A_3177 : i32
      %broadcast_in_dim3A_3179 = vector.broadcast %rem3A_3178 : i32 to vector<16xi32>
      %add3A_3180 = arith.constant 14 : i32
      %add3A_3181 = arith.addi %mul3A_2602, %add3A_3180 : i32
      %broadcast_in_dim3A_3182 = vector.broadcast %add3A_3181 : i32 to vector<16xi32>
      %gather3A_3183 = tpu.vector_load_idx %arg16[%broadcast_in_dim3A_3182, %iota3A, %broadcast_in_dim3A_3179] : memref<32x16x128xf32, #tpu.memory_space<vmem>>[vector<16xi32>, vector<16xi32>, vector<16xi32>], vector<16xf32>,
      %mul3A_3184 = arith.constant 16 : i32
      %mul3A_3185 = arith.muli %sub3A_2594, %mul3A_3184 : i32
      %add3A_3186 = arith.constant 14 : i32
      %add3A_3187 = arith.addi %mul3A_3185, %add3A_3186 : i32
      %broadcast_in_dim3A_3188 = vector.broadcast %add3A_3187 : i32 to vector<16xi32>
      tpu.vector_store_idx %arg17[%iota3A, %broadcast_in_dim3A_3188], %gather3A_3183 : memref<74x512xf32, #tpu.memory_space<vmem>>[vector<16xi32>, vector<16xi32>], vector<16xf32>,
      %eq3A_3189 = arith.constant 15 : i32
      %eq3A_3190 = vector.broadcast %eq3A_3189 : i32 to vector<16xi32>
      %eq3A_3191 = arith.cmpi eq, %iota3A, %eq3A_3190 : vector<16xi32>
      %jit3A_3192 = arith.constant 0 : i32
      %broadcast_in_dim3A_3193 = vector.broadcast %jit3A_3192 : i32 to vector<16xi32>
      %select_n3A_3194 = arith.select %eq3A_3191, %get3A_2598, %broadcast_in_dim3A_3193 : vector<16xi1>, vector<16xi32>
      %reduce_sum3A_3195 = arith.constant true
      %reduce_sum3A_3196 = vector.broadcast %reduce_sum3A_3195 : i1 to vector<16xi1>
      %reduce_sum3A_3197 = tpu.scan <sum>, %select_n3A_3194 masked %reduce_sum3A_3196 : vector<16xi32>, vector<16xi1> -> vector<16xi32>
      %reduce_sum3A_3198 = vector.extract %reduce_sum3A_3197[15] : i32 from vector<16xi32>
      %rem3A_3199 = arith.constant 128 : i32
      %rem3A_3200 = arith.remsi %reduce_sum3A_3198, %rem3A_3199 : i32
      %broadcast_in_dim3A_3201 = vector.broadcast %rem3A_3200 : i32 to vector<16xi32>
      %add3A_3202 = arith.constant 15 : i32
      %add3A_3203 = arith.addi %mul3A_2602, %add3A_3202 : i32
      %broadcast_in_dim3A_3204 = vector.broadcast %add3A_3203 : i32 to vector<16xi32>
      %gather3A_3205 = tpu.vector_load_idx %arg16[%broadcast_in_dim3A_3204, %iota3A, %broadcast_in_dim3A_3201] : memref<32x16x128xf32, #tpu.memory_space<vmem>>[vector<16xi32>, vector<16xi32>, vector<16xi32>], vector<16xf32>,
      %mul3A_3206 = arith.constant 16 : i32
      %mul3A_3207 = arith.muli %sub3A_2594, %mul3A_3206 : i32
      %add3A_3208 = arith.constant 15 : i32
      %add3A_3209 = arith.addi %mul3A_3207, %add3A_3208 : i32
      %broadcast_in_dim3A_3210 = vector.broadcast %add3A_3209 : i32 to vector<16xi32>
      tpu.vector_store_idx %arg17[%iota3A, %broadcast_in_dim3A_3210], %gather3A_3205 : memref<74x512xf32, #tpu.memory_space<vmem>>[vector<16xi32>, vector<16xi32>], vector<16xf32>,
    }
    %scan3A_862 = arith.constant 31 : i32
    %dma_start3A_863 = arith.constant 64 : i32
    %dma_start3A_864 = arith.constant 0 : i32
    %dma_start3A_865 = tpu.memref_slice %arg17[%dma_start3A_863, %dma_start3A_864] : memref<74x512xf32, #tpu.memory_space<vmem>> -> memref<10x512xf32, #tpu.memory_space<vmem>>
    %dma_start3A_866 = arith.constant 0 : i32
    %dma_start3A_867 = tpu.memref_slice %arg10[%dma_start3A_866, %mul3A_2] : memref<10x16384xf32, #tpu.memory_space<hbm>> -> memref<10x512xf32, #tpu.memory_space<hbm>>
    %dma_start3A_868 = arith.constant 64 : i32
    %dma_start3A_869 = arith.constant 0 : i32
    %dma_start3A_870 = tpu.memref_slice %arg17[%dma_start3A_868, %dma_start3A_869] : memref<74x512xf32, #tpu.memory_space<vmem>> -> memref<10x512xf32, #tpu.memory_space<vmem>>
    %dma_start3A_871 = arith.constant 0 : i32
    %dma_start3A_872 = tpu.memref_slice %arg10[%dma_start3A_871, %mul3A_2] : memref<10x16384xf32, #tpu.memory_space<hbm>> -> memref<10x512xf32, #tpu.memory_space<hbm>>
    tpu.enqueue_dma source(%dma_start3A_872 : memref<10x512xf32, #tpu.memory_space<hbm>>) target(%dma_start3A_870 : memref<10x512xf32, #tpu.memory_space<vmem>>) target_semaphore(%arg22 : memref<!tpu.dma_semaphore, #tpu.memory_space<semaphore_mem>>)
    %add3A_873 = arith.constant 496 : i32
    %add3A_874 = vector.broadcast %add3A_873 : i32 to vector<16xi32>
    %add3A_875 = arith.addi %iota3A, %add3A_874 : vector<16xi32>
    %get3A_876 = arith.constant 496 : index
    %get3A_877 = tpu.vector_load %arg13[%get3A_876] {strides = array<i32>} : memref<512xi32, #tpu.memory_space<vmem>>, vector<16xi32>,
    %gather3A = tpu.vector_load_idx %arg18[%broadcast_in_dim3A_10, %get3A_877] : memref<16x75xf32, #tpu.memory_space<vmem>>[vector<16xi32>, vector<16xi32>], vector<16xf32>,
    %broadcast_in_dim3A_878 = arith.constant 16 : i32
    %broadcast_in_dim3A_879 = vector.broadcast %broadcast_in_dim3A_878 : i32 to vector<16xi32>
    tpu.vector_store_idx %arg17[%broadcast_in_dim3A_879, %add3A_875], %gather3A : memref<74x512xf32, #tpu.memory_space<vmem>>[vector<16xi32>, vector<16xi32>], vector<16xf32>,
    %gather3A_880 = tpu.vector_load_idx %arg18[%broadcast_in_dim3A_12, %get3A_877] : memref<16x75xf32, #tpu.memory_space<vmem>>[vector<16xi32>, vector<16xi32>], vector<16xf32>,
    %broadcast_in_dim3A_881 = arith.constant 17 : i32
    %broadcast_in_dim3A_882 = vector.broadcast %broadcast_in_dim3A_881 : i32 to vector<16xi32>
    tpu.vector_store_idx %arg17[%broadcast_in_dim3A_882, %add3A_875], %gather3A_880 : memref<74x512xf32, #tpu.memory_space<vmem>>[vector<16xi32>, vector<16xi32>], vector<16xf32>,
    %gather3A_883 = tpu.vector_load_idx %arg18[%broadcast_in_dim3A_14, %get3A_877] : memref<16x75xf32, #tpu.memory_space<vmem>>[vector<16xi32>, vector<16xi32>], vector<16xf32>,
    %broadcast_in_dim3A_884 = arith.constant 18 : i32
    %broadcast_in_dim3A_885 = vector.broadcast %broadcast_in_dim3A_884 : i32 to vector<16xi32>
    tpu.vector_store_idx %arg17[%broadcast_in_dim3A_885, %add3A_875], %gather3A_883 : memref<74x512xf32, #tpu.memory_space<vmem>>[vector<16xi32>, vector<16xi32>], vector<16xf32>,
    %gather3A_886 = tpu.vector_load_idx %arg18[%broadcast_in_dim3A_16, %get3A_877] : memref<16x75xf32, #tpu.memory_space<vmem>>[vector<16xi32>, vector<16xi32>], vector<16xf32>,
    %broadcast_in_dim3A_887 = arith.constant 19 : i32
    %broadcast_in_dim3A_888 = vector.broadcast %broadcast_in_dim3A_887 : i32 to vector<16xi32>
    tpu.vector_store_idx %arg17[%broadcast_in_dim3A_888, %add3A_875], %gather3A_886 : memref<74x512xf32, #tpu.memory_space<vmem>>[vector<16xi32>, vector<16xi32>], vector<16xf32>,
    %gather3A_889 = tpu.vector_load_idx %arg18[%broadcast_in_dim3A_18, %get3A_877] : memref<16x75xf32, #tpu.memory_space<vmem>>[vector<16xi32>, vector<16xi32>], vector<16xf32>,
    %broadcast_in_dim3A_890 = arith.constant 20 : i32
    %broadcast_in_dim3A_891 = vector.broadcast %broadcast_in_dim3A_890 : i32 to vector<16xi32>
    tpu.vector_store_idx %arg17[%broadcast_in_dim3A_891, %add3A_875], %gather3A_889 : memref<74x512xf32, #tpu.memory_space<vmem>>[vector<16xi32>, vector<16xi32>], vector<16xf32>,
    %gather3A_892 = tpu.vector_load_idx %arg18[%broadcast_in_dim3A_20, %get3A_877] : memref<16x75xf32, #tpu.memory_space<vmem>>[vector<16xi32>, vector<16xi32>], vector<16xf32>,
    %broadcast_in_dim3A_893 = arith.constant 21 : i32
    %broadcast_in_dim3A_894 = vector.broadcast %broadcast_in_dim3A_893 : i32 to vector<16xi32>
    tpu.vector_store_idx %arg17[%broadcast_in_dim3A_894, %add3A_875], %gather3A_892 : memref<74x512xf32, #tpu.memory_space<vmem>>[vector<16xi32>, vector<16xi32>], vector<16xf32>,
    %gather3A_895 = tpu.vector_load_idx %arg18[%broadcast_in_dim3A_22, %get3A_877] : memref<16x75xf32, #tpu.memory_space<vmem>>[vector<16xi32>, vector<16xi32>], vector<16xf32>,
    %broadcast_in_dim3A_896 = arith.constant 22 : i32
    %broadcast_in_dim3A_897 = vector.broadcast %broadcast_in_dim3A_896 : i32 to vector<16xi32>
    tpu.vector_store_idx %arg17[%broadcast_in_dim3A_897, %add3A_875], %gather3A_895 : memref<74x512xf32, #tpu.memory_space<vmem>>[vector<16xi32>, vector<16xi32>], vector<16xf32>,
    %gather3A_898 = tpu.vector_load_idx %arg18[%broadcast_in_dim3A_24, %get3A_877] : memref<16x75xf32, #tpu.memory_space<vmem>>[vector<16xi32>, vector<16xi32>], vector<16xf32>,
    %broadcast_in_dim3A_899 = arith.constant 23 : i32
    %broadcast_in_dim3A_900 = vector.broadcast %broadcast_in_dim3A_899 : i32 to vector<16xi32>
    tpu.vector_store_idx %arg17[%broadcast_in_dim3A_900, %add3A_875], %gather3A_898 : memref<74x512xf32, #tpu.memory_space<vmem>>[vector<16xi32>, vector<16xi32>], vector<16xf32>,
    %gather3A_901 = tpu.vector_load_idx %arg18[%broadcast_in_dim3A_26, %get3A_877] : memref<16x75xf32, #tpu.memory_space<vmem>>[vector<16xi32>, vector<16xi32>], vector<16xf32>,
    %broadcast_in_dim3A_902 = arith.constant 24 : i32
    %broadcast_in_dim3A_903 = vector.broadcast %broadcast_in_dim3A_902 : i32 to vector<16xi32>
    tpu.vector_store_idx %arg17[%broadcast_in_dim3A_903, %add3A_875], %gather3A_901 : memref<74x512xf32, #tpu.memory_space<vmem>>[vector<16xi32>, vector<16xi32>], vector<16xf32>,
    %gather3A_904 = tpu.vector_load_idx %arg18[%broadcast_in_dim3A_28, %get3A_877] : memref<16x75xf32, #tpu.memory_space<vmem>>[vector<16xi32>, vector<16xi32>], vector<16xf32>,
    %broadcast_in_dim3A_905 = arith.constant 25 : i32
    %broadcast_in_dim3A_906 = vector.broadcast %broadcast_in_dim3A_905 : i32 to vector<16xi32>
    tpu.vector_store_idx %arg17[%broadcast_in_dim3A_906, %add3A_875], %gather3A_904 : memref<74x512xf32, #tpu.memory_space<vmem>>[vector<16xi32>, vector<16xi32>], vector<16xf32>,
    %gather3A_907 = tpu.vector_load_idx %arg18[%broadcast_in_dim3A_30, %get3A_877] : memref<16x75xf32, #tpu.memory_space<vmem>>[vector<16xi32>, vector<16xi32>], vector<16xf32>,
    %broadcast_in_dim3A_908 = arith.constant 26 : i32
    %broadcast_in_dim3A_909 = vector.broadcast %broadcast_in_dim3A_908 : i32 to vector<16xi32>
    tpu.vector_store_idx %arg17[%broadcast_in_dim3A_909, %add3A_875], %gather3A_907 : memref<74x512xf32, #tpu.memory_space<vmem>>[vector<16xi32>, vector<16xi32>], vector<16xf32>,
    %gather3A_910 = tpu.vector_load_idx %arg18[%broadcast_in_dim3A_32, %get3A_877] : memref<16x75xf32, #tpu.memory_space<vmem>>[vector<16xi32>, vector<16xi32>], vector<16xf32>,
    %broadcast_in_dim3A_911 = arith.constant 27 : i32
    %broadcast_in_dim3A_912 = vector.broadcast %broadcast_in_dim3A_911 : i32 to vector<16xi32>
    tpu.vector_store_idx %arg17[%broadcast_in_dim3A_912, %add3A_875], %gather3A_910 : memref<74x512xf32, #tpu.memory_space<vmem>>[vector<16xi32>, vector<16xi32>], vector<16xf32>,
    %gather3A_913 = tpu.vector_load_idx %arg18[%broadcast_in_dim3A_34, %get3A_877] : memref<16x75xf32, #tpu.memory_space<vmem>>[vector<16xi32>, vector<16xi32>], vector<16xf32>,
    %broadcast_in_dim3A_914 = arith.constant 28 : i32
    %broadcast_in_dim3A_915 = vector.broadcast %broadcast_in_dim3A_914 : i32 to vector<16xi32>
    tpu.vector_store_idx %arg17[%broadcast_in_dim3A_915, %add3A_875], %gather3A_913 : memref<74x512xf32, #tpu.memory_space<vmem>>[vector<16xi32>, vector<16xi32>], vector<16xf32>,
    %gather3A_916 = tpu.vector_load_idx %arg18[%broadcast_in_dim3A_36, %get3A_877] : memref<16x75xf32, #tpu.memory_space<vmem>>[vector<16xi32>, vector<16xi32>], vector<16xf32>,
    %broadcast_in_dim3A_917 = arith.constant 29 : i32
    %broadcast_in_dim3A_918 = vector.broadcast %broadcast_in_dim3A_917 : i32 to vector<16xi32>
    tpu.vector_store_idx %arg17[%broadcast_in_dim3A_918, %add3A_875], %gather3A_916 : memref<74x512xf32, #tpu.memory_space<vmem>>[vector<16xi32>, vector<16xi32>], vector<16xf32>,
    %gather3A_919 = tpu.vector_load_idx %arg18[%broadcast_in_dim3A_38, %get3A_877] : memref<16x75xf32, #tpu.memory_space<vmem>>[vector<16xi32>, vector<16xi32>], vector<16xf32>,
    %broadcast_in_dim3A_920 = arith.constant 30 : i32
    %broadcast_in_dim3A_921 = vector.broadcast %broadcast_in_dim3A_920 : i32 to vector<16xi32>
    tpu.vector_store_idx %arg17[%broadcast_in_dim3A_921, %add3A_875], %gather3A_919 : memref<74x512xf32, #tpu.memory_space<vmem>>[vector<16xi32>, vector<16xi32>], vector<16xf32>,
    %gather3A_922 = tpu.vector_load_idx %arg18[%broadcast_in_dim3A_40, %get3A_877] : memref<16x75xf32, #tpu.memory_space<vmem>>[vector<16xi32>, vector<16xi32>], vector<16xf32>,
    %broadcast_in_dim3A_923 = arith.constant 31 : i32
    %broadcast_in_dim3A_924 = vector.broadcast %broadcast_in_dim3A_923 : i32 to vector<16xi32>
    tpu.vector_store_idx %arg17[%broadcast_in_dim3A_924, %add3A_875], %gather3A_922 : memref<74x512xf32, #tpu.memory_space<vmem>>[vector<16xi32>, vector<16xi32>], vector<16xf32>,
    %get3A_925 = arith.constant 496 : index
    %get3A_926 = tpu.vector_load %arg14[%get3A_925] {strides = array<i32>} : memref<512xi32, #tpu.memory_space<vmem>>, vector<16xi32>,
    %gather3A_927 = tpu.vector_load_idx %arg19[%broadcast_in_dim3A_10, %get3A_926] : memref<16x48xf32, #tpu.memory_space<vmem>>[vector<16xi32>, vector<16xi32>], vector<16xf32>,
    %broadcast_in_dim3A_928 = arith.constant 32 : i32
    %broadcast_in_dim3A_929 = vector.broadcast %broadcast_in_dim3A_928 : i32 to vector<16xi32>
    tpu.vector_store_idx %arg17[%broadcast_in_dim3A_929, %add3A_875], %gather3A_927 : memref<74x512xf32, #tpu.memory_space<vmem>>[vector<16xi32>, vector<16xi32>], vector<16xf32>,
    %gather3A_930 = tpu.vector_load_idx %arg19[%broadcast_in_dim3A_12, %get3A_926] : memref<16x48xf32, #tpu.memory_space<vmem>>[vector<16xi32>, vector<16xi32>], vector<16xf32>,
    %broadcast_in_dim3A_931 = arith.constant 33 : i32
    %broadcast_in_dim3A_932 = vector.broadcast %broadcast_in_dim3A_931 : i32 to vector<16xi32>
    tpu.vector_store_idx %arg17[%broadcast_in_dim3A_932, %add3A_875], %gather3A_930 : memref<74x512xf32, #tpu.memory_space<vmem>>[vector<16xi32>, vector<16xi32>], vector<16xf32>,
    %gather3A_933 = tpu.vector_load_idx %arg19[%broadcast_in_dim3A_14, %get3A_926] : memref<16x48xf32, #tpu.memory_space<vmem>>[vector<16xi32>, vector<16xi32>], vector<16xf32>,
    %broadcast_in_dim3A_934 = arith.constant 34 : i32
    %broadcast_in_dim3A_935 = vector.broadcast %broadcast_in_dim3A_934 : i32 to vector<16xi32>
    tpu.vector_store_idx %arg17[%broadcast_in_dim3A_935, %add3A_875], %gather3A_933 : memref<74x512xf32, #tpu.memory_space<vmem>>[vector<16xi32>, vector<16xi32>], vector<16xf32>,
    %gather3A_936 = tpu.vector_load_idx %arg19[%broadcast_in_dim3A_16, %get3A_926] : memref<16x48xf32, #tpu.memory_space<vmem>>[vector<16xi32>, vector<16xi32>], vector<16xf32>,
    %broadcast_in_dim3A_937 = arith.constant 35 : i32
    %broadcast_in_dim3A_938 = vector.broadcast %broadcast_in_dim3A_937 : i32 to vector<16xi32>
    tpu.vector_store_idx %arg17[%broadcast_in_dim3A_938, %add3A_875], %gather3A_936 : memref<74x512xf32, #tpu.memory_space<vmem>>[vector<16xi32>, vector<16xi32>], vector<16xf32>,
    %gather3A_939 = tpu.vector_load_idx %arg19[%broadcast_in_dim3A_18, %get3A_926] : memref<16x48xf32, #tpu.memory_space<vmem>>[vector<16xi32>, vector<16xi32>], vector<16xf32>,
    %broadcast_in_dim3A_940 = arith.constant 36 : i32
    %broadcast_in_dim3A_941 = vector.broadcast %broadcast_in_dim3A_940 : i32 to vector<16xi32>
    tpu.vector_store_idx %arg17[%broadcast_in_dim3A_941, %add3A_875], %gather3A_939 : memref<74x512xf32, #tpu.memory_space<vmem>>[vector<16xi32>, vector<16xi32>], vector<16xf32>,
    %gather3A_942 = tpu.vector_load_idx %arg19[%broadcast_in_dim3A_20, %get3A_926] : memref<16x48xf32, #tpu.memory_space<vmem>>[vector<16xi32>, vector<16xi32>], vector<16xf32>,
    %broadcast_in_dim3A_943 = arith.constant 37 : i32
    %broadcast_in_dim3A_944 = vector.broadcast %broadcast_in_dim3A_943 : i32 to vector<16xi32>
    tpu.vector_store_idx %arg17[%broadcast_in_dim3A_944, %add3A_875], %gather3A_942 : memref<74x512xf32, #tpu.memory_space<vmem>>[vector<16xi32>, vector<16xi32>], vector<16xf32>,
    %gather3A_945 = tpu.vector_load_idx %arg19[%broadcast_in_dim3A_22, %get3A_926] : memref<16x48xf32, #tpu.memory_space<vmem>>[vector<16xi32>, vector<16xi32>], vector<16xf32>,
    %broadcast_in_dim3A_946 = arith.constant 38 : i32
    %broadcast_in_dim3A_947 = vector.broadcast %broadcast_in_dim3A_946 : i32 to vector<16xi32>
    tpu.vector_store_idx %arg17[%broadcast_in_dim3A_947, %add3A_875], %gather3A_945 : memref<74x512xf32, #tpu.memory_space<vmem>>[vector<16xi32>, vector<16xi32>], vector<16xf32>,
    %gather3A_948 = tpu.vector_load_idx %arg19[%broadcast_in_dim3A_24, %get3A_926] : memref<16x48xf32, #tpu.memory_space<vmem>>[vector<16xi32>, vector<16xi32>], vector<16xf32>,
    %broadcast_in_dim3A_949 = arith.constant 39 : i32
    %broadcast_in_dim3A_950 = vector.broadcast %broadcast_in_dim3A_949 : i32 to vector<16xi32>
    tpu.vector_store_idx %arg17[%broadcast_in_dim3A_950, %add3A_875], %gather3A_948 : memref<74x512xf32, #tpu.memory_space<vmem>>[vector<16xi32>, vector<16xi32>], vector<16xf32>,
    %gather3A_951 = tpu.vector_load_idx %arg19[%broadcast_in_dim3A_26, %get3A_926] : memref<16x48xf32, #tpu.memory_space<vmem>>[vector<16xi32>, vector<16xi32>], vector<16xf32>,
    %broadcast_in_dim3A_952 = arith.constant 40 : i32
    %broadcast_in_dim3A_953 = vector.broadcast %broadcast_in_dim3A_952 : i32 to vector<16xi32>
    tpu.vector_store_idx %arg17[%broadcast_in_dim3A_953, %add3A_875], %gather3A_951 : memref<74x512xf32, #tpu.memory_space<vmem>>[vector<16xi32>, vector<16xi32>], vector<16xf32>,
    %gather3A_954 = tpu.vector_load_idx %arg19[%broadcast_in_dim3A_28, %get3A_926] : memref<16x48xf32, #tpu.memory_space<vmem>>[vector<16xi32>, vector<16xi32>], vector<16xf32>,
    %broadcast_in_dim3A_955 = arith.constant 41 : i32
    %broadcast_in_dim3A_956 = vector.broadcast %broadcast_in_dim3A_955 : i32 to vector<16xi32>
    tpu.vector_store_idx %arg17[%broadcast_in_dim3A_956, %add3A_875], %gather3A_954 : memref<74x512xf32, #tpu.memory_space<vmem>>[vector<16xi32>, vector<16xi32>], vector<16xf32>,
    %gather3A_957 = tpu.vector_load_idx %arg19[%broadcast_in_dim3A_30, %get3A_926] : memref<16x48xf32, #tpu.memory_space<vmem>>[vector<16xi32>, vector<16xi32>], vector<16xf32>,
    %broadcast_in_dim3A_958 = arith.constant 42 : i32
    %broadcast_in_dim3A_959 = vector.broadcast %broadcast_in_dim3A_958 : i32 to vector<16xi32>
    tpu.vector_store_idx %arg17[%broadcast_in_dim3A_959, %add3A_875], %gather3A_957 : memref<74x512xf32, #tpu.memory_space<vmem>>[vector<16xi32>, vector<16xi32>], vector<16xf32>,
    %gather3A_960 = tpu.vector_load_idx %arg19[%broadcast_in_dim3A_32, %get3A_926] : memref<16x48xf32, #tpu.memory_space<vmem>>[vector<16xi32>, vector<16xi32>], vector<16xf32>,
    %broadcast_in_dim3A_961 = arith.constant 43 : i32
    %broadcast_in_dim3A_962 = vector.broadcast %broadcast_in_dim3A_961 : i32 to vector<16xi32>
    tpu.vector_store_idx %arg17[%broadcast_in_dim3A_962, %add3A_875], %gather3A_960 : memref<74x512xf32, #tpu.memory_space<vmem>>[vector<16xi32>, vector<16xi32>], vector<16xf32>,
    %gather3A_963 = tpu.vector_load_idx %arg19[%broadcast_in_dim3A_34, %get3A_926] : memref<16x48xf32, #tpu.memory_space<vmem>>[vector<16xi32>, vector<16xi32>], vector<16xf32>,
    %broadcast_in_dim3A_964 = arith.constant 44 : i32
    %broadcast_in_dim3A_965 = vector.broadcast %broadcast_in_dim3A_964 : i32 to vector<16xi32>
    tpu.vector_store_idx %arg17[%broadcast_in_dim3A_965, %add3A_875], %gather3A_963 : memref<74x512xf32, #tpu.memory_space<vmem>>[vector<16xi32>, vector<16xi32>], vector<16xf32>,
    %gather3A_966 = tpu.vector_load_idx %arg19[%broadcast_in_dim3A_36, %get3A_926] : memref<16x48xf32, #tpu.memory_space<vmem>>[vector<16xi32>, vector<16xi32>], vector<16xf32>,
    %broadcast_in_dim3A_967 = arith.constant 45 : i32
    %broadcast_in_dim3A_968 = vector.broadcast %broadcast_in_dim3A_967 : i32 to vector<16xi32>
    tpu.vector_store_idx %arg17[%broadcast_in_dim3A_968, %add3A_875], %gather3A_966 : memref<74x512xf32, #tpu.memory_space<vmem>>[vector<16xi32>, vector<16xi32>], vector<16xf32>,
    %gather3A_969 = tpu.vector_load_idx %arg19[%broadcast_in_dim3A_38, %get3A_926] : memref<16x48xf32, #tpu.memory_space<vmem>>[vector<16xi32>, vector<16xi32>], vector<16xf32>,
    %broadcast_in_dim3A_970 = arith.constant 46 : i32
    %broadcast_in_dim3A_971 = vector.broadcast %broadcast_in_dim3A_970 : i32 to vector<16xi32>
    tpu.vector_store_idx %arg17[%broadcast_in_dim3A_971, %add3A_875], %gather3A_969 : memref<74x512xf32, #tpu.memory_space<vmem>>[vector<16xi32>, vector<16xi32>], vector<16xf32>,
    %gather3A_972 = tpu.vector_load_idx %arg19[%broadcast_in_dim3A_40, %get3A_926] : memref<16x48xf32, #tpu.memory_space<vmem>>[vector<16xi32>, vector<16xi32>], vector<16xf32>,
    %broadcast_in_dim3A_973 = arith.constant 47 : i32
    %broadcast_in_dim3A_974 = vector.broadcast %broadcast_in_dim3A_973 : i32 to vector<16xi32>
    tpu.vector_store_idx %arg17[%broadcast_in_dim3A_974, %add3A_875], %gather3A_972 : memref<74x512xf32, #tpu.memory_space<vmem>>[vector<16xi32>, vector<16xi32>], vector<16xf32>,
    %get3A_975 = arith.constant 496 : index
    %get3A_976 = tpu.vector_load %arg15[%get3A_975] {strides = array<i32>} : memref<512xi32, #tpu.memory_space<vmem>>, vector<16xi32>,
    %gather3A_977 = tpu.vector_load_idx %arg20[%broadcast_in_dim3A_10, %get3A_976] : memref<16x200xf32, #tpu.memory_space<vmem>>[vector<16xi32>, vector<16xi32>], vector<16xf32>,
    %broadcast_in_dim3A_978 = arith.constant 48 : i32
    %broadcast_in_dim3A_979 = vector.broadcast %broadcast_in_dim3A_978 : i32 to vector<16xi32>
    tpu.vector_store_idx %arg17[%broadcast_in_dim3A_979, %add3A_875], %gather3A_977 : memref<74x512xf32, #tpu.memory_space<vmem>>[vector<16xi32>, vector<16xi32>], vector<16xf32>,
    %gather3A_980 = tpu.vector_load_idx %arg20[%broadcast_in_dim3A_12, %get3A_976] : memref<16x200xf32, #tpu.memory_space<vmem>>[vector<16xi32>, vector<16xi32>], vector<16xf32>,
    %broadcast_in_dim3A_981 = arith.constant 49 : i32
    %broadcast_in_dim3A_982 = vector.broadcast %broadcast_in_dim3A_981 : i32 to vector<16xi32>
    tpu.vector_store_idx %arg17[%broadcast_in_dim3A_982, %add3A_875], %gather3A_980 : memref<74x512xf32, #tpu.memory_space<vmem>>[vector<16xi32>, vector<16xi32>], vector<16xf32>,
    %gather3A_983 = tpu.vector_load_idx %arg20[%broadcast_in_dim3A_14, %get3A_976] : memref<16x200xf32, #tpu.memory_space<vmem>>[vector<16xi32>, vector<16xi32>], vector<16xf32>,
    %broadcast_in_dim3A_984 = arith.constant 50 : i32
    %broadcast_in_dim3A_985 = vector.broadcast %broadcast_in_dim3A_984 : i32 to vector<16xi32>
    tpu.vector_store_idx %arg17[%broadcast_in_dim3A_985, %add3A_875], %gather3A_983 : memref<74x512xf32, #tpu.memory_space<vmem>>[vector<16xi32>, vector<16xi32>], vector<16xf32>,
    %gather3A_986 = tpu.vector_load_idx %arg20[%broadcast_in_dim3A_16, %get3A_976] : memref<16x200xf32, #tpu.memory_space<vmem>>[vector<16xi32>, vector<16xi32>], vector<16xf32>,
    %broadcast_in_dim3A_987 = arith.constant 51 : i32
    %broadcast_in_dim3A_988 = vector.broadcast %broadcast_in_dim3A_987 : i32 to vector<16xi32>
    tpu.vector_store_idx %arg17[%broadcast_in_dim3A_988, %add3A_875], %gather3A_986 : memref<74x512xf32, #tpu.memory_space<vmem>>[vector<16xi32>, vector<16xi32>], vector<16xf32>,
    %gather3A_989 = tpu.vector_load_idx %arg20[%broadcast_in_dim3A_18, %get3A_976] : memref<16x200xf32, #tpu.memory_space<vmem>>[vector<16xi32>, vector<16xi32>], vector<16xf32>,
    %broadcast_in_dim3A_990 = arith.constant 52 : i32
    %broadcast_in_dim3A_991 = vector.broadcast %broadcast_in_dim3A_990 : i32 to vector<16xi32>
    tpu.vector_store_idx %arg17[%broadcast_in_dim3A_991, %add3A_875], %gather3A_989 : memref<74x512xf32, #tpu.memory_space<vmem>>[vector<16xi32>, vector<16xi32>], vector<16xf32>,
    %gather3A_992 = tpu.vector_load_idx %arg20[%broadcast_in_dim3A_20, %get3A_976] : memref<16x200xf32, #tpu.memory_space<vmem>>[vector<16xi32>, vector<16xi32>], vector<16xf32>,
    %broadcast_in_dim3A_993 = arith.constant 53 : i32
    %broadcast_in_dim3A_994 = vector.broadcast %broadcast_in_dim3A_993 : i32 to vector<16xi32>
    tpu.vector_store_idx %arg17[%broadcast_in_dim3A_994, %add3A_875], %gather3A_992 : memref<74x512xf32, #tpu.memory_space<vmem>>[vector<16xi32>, vector<16xi32>], vector<16xf32>,
    %gather3A_995 = tpu.vector_load_idx %arg20[%broadcast_in_dim3A_22, %get3A_976] : memref<16x200xf32, #tpu.memory_space<vmem>>[vector<16xi32>, vector<16xi32>], vector<16xf32>,
    %broadcast_in_dim3A_996 = arith.constant 54 : i32
    %broadcast_in_dim3A_997 = vector.broadcast %broadcast_in_dim3A_996 : i32 to vector<16xi32>
    tpu.vector_store_idx %arg17[%broadcast_in_dim3A_997, %add3A_875], %gather3A_995 : memref<74x512xf32, #tpu.memory_space<vmem>>[vector<16xi32>, vector<16xi32>], vector<16xf32>,
    %gather3A_998 = tpu.vector_load_idx %arg20[%broadcast_in_dim3A_24, %get3A_976] : memref<16x200xf32, #tpu.memory_space<vmem>>[vector<16xi32>, vector<16xi32>], vector<16xf32>,
    %broadcast_in_dim3A_999 = arith.constant 55 : i32
    %broadcast_in_dim3A_1000 = vector.broadcast %broadcast_in_dim3A_999 : i32 to vector<16xi32>
    tpu.vector_store_idx %arg17[%broadcast_in_dim3A_1000, %add3A_875], %gather3A_998 : memref<74x512xf32, #tpu.memory_space<vmem>>[vector<16xi32>, vector<16xi32>], vector<16xf32>,
    %gather3A_1001 = tpu.vector_load_idx %arg20[%broadcast_in_dim3A_26, %get3A_976] : memref<16x200xf32, #tpu.memory_space<vmem>>[vector<16xi32>, vector<16xi32>], vector<16xf32>,
    %broadcast_in_dim3A_1002 = arith.constant 56 : i32
    %broadcast_in_dim3A_1003 = vector.broadcast %broadcast_in_dim3A_1002 : i32 to vector<16xi32>
    tpu.vector_store_idx %arg17[%broadcast_in_dim3A_1003, %add3A_875], %gather3A_1001 : memref<74x512xf32, #tpu.memory_space<vmem>>[vector<16xi32>, vector<16xi32>], vector<16xf32>,
    %gather3A_1004 = tpu.vector_load_idx %arg20[%broadcast_in_dim3A_28, %get3A_976] : memref<16x200xf32, #tpu.memory_space<vmem>>[vector<16xi32>, vector<16xi32>], vector<16xf32>,
    %broadcast_in_dim3A_1005 = arith.constant 57 : i32
    %broadcast_in_dim3A_1006 = vector.broadcast %broadcast_in_dim3A_1005 : i32 to vector<16xi32>
    tpu.vector_store_idx %arg17[%broadcast_in_dim3A_1006, %add3A_875], %gather3A_1004 : memref<74x512xf32, #tpu.memory_space<vmem>>[vector<16xi32>, vector<16xi32>], vector<16xf32>,
    %gather3A_1007 = tpu.vector_load_idx %arg20[%broadcast_in_dim3A_30, %get3A_976] : memref<16x200xf32, #tpu.memory_space<vmem>>[vector<16xi32>, vector<16xi32>], vector<16xf32>,
    %broadcast_in_dim3A_1008 = arith.constant 58 : i32
    %broadcast_in_dim3A_1009 = vector.broadcast %broadcast_in_dim3A_1008 : i32 to vector<16xi32>
    tpu.vector_store_idx %arg17[%broadcast_in_dim3A_1009, %add3A_875], %gather3A_1007 : memref<74x512xf32, #tpu.memory_space<vmem>>[vector<16xi32>, vector<16xi32>], vector<16xf32>,
    %gather3A_1010 = tpu.vector_load_idx %arg20[%broadcast_in_dim3A_32, %get3A_976] : memref<16x200xf32, #tpu.memory_space<vmem>>[vector<16xi32>, vector<16xi32>], vector<16xf32>,
    %broadcast_in_dim3A_1011 = arith.constant 59 : i32
    %broadcast_in_dim3A_1012 = vector.broadcast %broadcast_in_dim3A_1011 : i32 to vector<16xi32>
    tpu.vector_store_idx %arg17[%broadcast_in_dim3A_1012, %add3A_875], %gather3A_1010 : memref<74x512xf32, #tpu.memory_space<vmem>>[vector<16xi32>, vector<16xi32>], vector<16xf32>,
    %gather3A_1013 = tpu.vector_load_idx %arg20[%broadcast_in_dim3A_34, %get3A_976] : memref<16x200xf32, #tpu.memory_space<vmem>>[vector<16xi32>, vector<16xi32>], vector<16xf32>,
    %broadcast_in_dim3A_1014 = arith.constant 60 : i32
    %broadcast_in_dim3A_1015 = vector.broadcast %broadcast_in_dim3A_1014 : i32 to vector<16xi32>
    tpu.vector_store_idx %arg17[%broadcast_in_dim3A_1015, %add3A_875], %gather3A_1013 : memref<74x512xf32, #tpu.memory_space<vmem>>[vector<16xi32>, vector<16xi32>], vector<16xf32>,
    %gather3A_1016 = tpu.vector_load_idx %arg20[%broadcast_in_dim3A_36, %get3A_976] : memref<16x200xf32, #tpu.memory_space<vmem>>[vector<16xi32>, vector<16xi32>], vector<16xf32>,
    %broadcast_in_dim3A_1017 = arith.constant 61 : i32
    %broadcast_in_dim3A_1018 = vector.broadcast %broadcast_in_dim3A_1017 : i32 to vector<16xi32>
    tpu.vector_store_idx %arg17[%broadcast_in_dim3A_1018, %add3A_875], %gather3A_1016 : memref<74x512xf32, #tpu.memory_space<vmem>>[vector<16xi32>, vector<16xi32>], vector<16xf32>,
    %gather3A_1019 = tpu.vector_load_idx %arg20[%broadcast_in_dim3A_38, %get3A_976] : memref<16x200xf32, #tpu.memory_space<vmem>>[vector<16xi32>, vector<16xi32>], vector<16xf32>,
    %broadcast_in_dim3A_1020 = arith.constant 62 : i32
    %broadcast_in_dim3A_1021 = vector.broadcast %broadcast_in_dim3A_1020 : i32 to vector<16xi32>
    tpu.vector_store_idx %arg17[%broadcast_in_dim3A_1021, %add3A_875], %gather3A_1019 : memref<74x512xf32, #tpu.memory_space<vmem>>[vector<16xi32>, vector<16xi32>], vector<16xf32>,
    %gather3A_1022 = tpu.vector_load_idx %arg20[%broadcast_in_dim3A_40, %get3A_976] : memref<16x200xf32, #tpu.memory_space<vmem>>[vector<16xi32>, vector<16xi32>], vector<16xf32>,
    %broadcast_in_dim3A_1023 = arith.constant 63 : i32
    %broadcast_in_dim3A_1024 = vector.broadcast %broadcast_in_dim3A_1023 : i32 to vector<16xi32>
    tpu.vector_store_idx %arg17[%broadcast_in_dim3A_1024, %add3A_875], %gather3A_1022 : memref<74x512xf32, #tpu.memory_space<vmem>>[vector<16xi32>, vector<16xi32>], vector<16xf32>,
    %get3A_1025 = arith.constant 496 : index
    %get3A_1026 = tpu.vector_load %arg12[%get3A_1025] {strides = array<i32>} : memref<512xi32, #tpu.memory_space<vmem>>, vector<16xi32>,
    %rem3A_1027 = arith.constant 31 : i32
    %rem3A_1028 = arith.constant 2 : i32
    %rem3A_1029 = arith.remsi %rem3A_1027, %rem3A_1028 : i32
    %mul3A_1030 = arith.constant 16 : i32
    %mul3A_1031 = arith.muli %rem3A_1029, %mul3A_1030 : i32
    %add3A_1032 = arith.constant 0 : i32
    %add3A_1033 = arith.addi %mul3A_1031, %add3A_1032 : i32
    %dma_wait3A_1034 = arith.constant 0 : i32
    %dma_wait3A_1035 = arith.constant 0 : i32
    %dma_wait3A_1036 = tpu.memref_slice %arg16[%add3A_1033, %dma_wait3A_1034, %dma_wait3A_1035] : memref<32x16x128xf32, #tpu.memory_space<vmem>> -> memref<1x16x128xf32, #tpu.memory_space<vmem>>
    %dma_wait3A_1037 = tpu.memref_squeeze %dma_wait3A_1036 : memref<1x16x128xf32, #tpu.memory_space<vmem>> -> memref<16x128xf32, #tpu.memory_space<vmem>>
    %dma_wait3A_1038 = arith.constant 0 : i32
    %dma_wait3A_1039 = arith.constant 0 : i32
    %dma_wait3A_1040 = tpu.memref_slice %arg6[%dma_wait3A_1038, %dma_wait3A_1039] : memref<16x1000000xf32, #tpu.memory_space<hbm>> -> memref<16x128xf32, #tpu.memory_space<hbm>>
    %dma_wait3A_1041 = arith.constant 0 : i32
    %dma_wait3A_1042 = arith.constant 0 : i32
    %dma_wait3A_1043 = tpu.memref_slice %arg16[%add3A_1033, %dma_wait3A_1041, %dma_wait3A_1042] : memref<32x16x128xf32, #tpu.memory_space<vmem>> -> memref<1x16x128xf32, #tpu.memory_space<vmem>>
    %dma_wait3A_1044 = tpu.memref_squeeze %dma_wait3A_1043 : memref<1x16x128xf32, #tpu.memory_space<vmem>> -> memref<16x128xf32, #tpu.memory_space<vmem>>
    %dma_wait3A_1045 = arith.constant 0 : i32
    %dma_wait3A_1046 = arith.constant 0 : i32
    %dma_wait3A_1047 = tpu.memref_slice %arg6[%dma_wait3A_1045, %dma_wait3A_1046] : memref<16x1000000xf32, #tpu.memory_space<hbm>> -> memref<16x128xf32, #tpu.memory_space<hbm>>
    tpu.wait_dma2 semaphore(%arg21 : memref<!tpu.dma_semaphore, #tpu.memory_space<semaphore_mem>>) src(%dma_wait3A_1047 : memref<16x128xf32, #tpu.memory_space<hbm>>) dst(%dma_wait3A_1044 : memref<16x128xf32, #tpu.memory_space<vmem>>)
    %add3A_1048 = arith.constant 1 : i32
    %add3A_1049 = arith.addi %mul3A_1031, %add3A_1048 : i32
    %dma_wait3A_1050 = arith.constant 0 : i32
    %dma_wait3A_1051 = arith.constant 0 : i32
    %dma_wait3A_1052 = tpu.memref_slice %arg16[%add3A_1049, %dma_wait3A_1050, %dma_wait3A_1051] : memref<32x16x128xf32, #tpu.memory_space<vmem>> -> memref<1x16x128xf32, #tpu.memory_space<vmem>>
    %dma_wait3A_1053 = tpu.memref_squeeze %dma_wait3A_1052 : memref<1x16x128xf32, #tpu.memory_space<vmem>> -> memref<16x128xf32, #tpu.memory_space<vmem>>
    %dma_wait3A_1054 = arith.constant 0 : i32
    %dma_wait3A_1055 = arith.constant 0 : i32
    %dma_wait3A_1056 = tpu.memref_slice %arg6[%dma_wait3A_1054, %dma_wait3A_1055] : memref<16x1000000xf32, #tpu.memory_space<hbm>> -> memref<16x128xf32, #tpu.memory_space<hbm>>
    %dma_wait3A_1057 = arith.constant 0 : i32
    %dma_wait3A_1058 = arith.constant 0 : i32
    %dma_wait3A_1059 = tpu.memref_slice %arg16[%add3A_1049, %dma_wait3A_1057, %dma_wait3A_1058] : memref<32x16x128xf32, #tpu.memory_space<vmem>> -> memref<1x16x128xf32, #tpu.memory_space<vmem>>
    %dma_wait3A_1060 = tpu.memref_squeeze %dma_wait3A_1059 : memref<1x16x128xf32, #tpu.memory_space<vmem>> -> memref<16x128xf32, #tpu.memory_space<vmem>>
    %dma_wait3A_1061 = arith.constant 0 : i32
    %dma_wait3A_1062 = arith.constant 0 : i32
    %dma_wait3A_1063 = tpu.memref_slice %arg6[%dma_wait3A_1061, %dma_wait3A_1062] : memref<16x1000000xf32, #tpu.memory_space<hbm>> -> memref<16x128xf32, #tpu.memory_space<hbm>>
    tpu.wait_dma2 semaphore(%arg21 : memref<!tpu.dma_semaphore, #tpu.memory_space<semaphore_mem>>) src(%dma_wait3A_1063 : memref<16x128xf32, #tpu.memory_space<hbm>>) dst(%dma_wait3A_1060 : memref<16x128xf32, #tpu.memory_space<vmem>>)
    %add3A_1064 = arith.constant 2 : i32
    %add3A_1065 = arith.addi %mul3A_1031, %add3A_1064 : i32
    %dma_wait3A_1066 = arith.constant 0 : i32
    %dma_wait3A_1067 = arith.constant 0 : i32
    %dma_wait3A_1068 = tpu.memref_slice %arg16[%add3A_1065, %dma_wait3A_1066, %dma_wait3A_1067] : memref<32x16x128xf32, #tpu.memory_space<vmem>> -> memref<1x16x128xf32, #tpu.memory_space<vmem>>
    %dma_wait3A_1069 = tpu.memref_squeeze %dma_wait3A_1068 : memref<1x16x128xf32, #tpu.memory_space<vmem>> -> memref<16x128xf32, #tpu.memory_space<vmem>>
    %dma_wait3A_1070 = arith.constant 0 : i32
    %dma_wait3A_1071 = arith.constant 0 : i32
    %dma_wait3A_1072 = tpu.memref_slice %arg6[%dma_wait3A_1070, %dma_wait3A_1071] : memref<16x1000000xf32, #tpu.memory_space<hbm>> -> memref<16x128xf32, #tpu.memory_space<hbm>>
    %dma_wait3A_1073 = arith.constant 0 : i32
    %dma_wait3A_1074 = arith.constant 0 : i32
    %dma_wait3A_1075 = tpu.memref_slice %arg16[%add3A_1065, %dma_wait3A_1073, %dma_wait3A_1074] : memref<32x16x128xf32, #tpu.memory_space<vmem>> -> memref<1x16x128xf32, #tpu.memory_space<vmem>>
    %dma_wait3A_1076 = tpu.memref_squeeze %dma_wait3A_1075 : memref<1x16x128xf32, #tpu.memory_space<vmem>> -> memref<16x128xf32, #tpu.memory_space<vmem>>
    %dma_wait3A_1077 = arith.constant 0 : i32
    %dma_wait3A_1078 = arith.constant 0 : i32
    %dma_wait3A_1079 = tpu.memref_slice %arg6[%dma_wait3A_1077, %dma_wait3A_1078] : memref<16x1000000xf32, #tpu.memory_space<hbm>> -> memref<16x128xf32, #tpu.memory_space<hbm>>
    tpu.wait_dma2 semaphore(%arg21 : memref<!tpu.dma_semaphore, #tpu.memory_space<semaphore_mem>>) src(%dma_wait3A_1079 : memref<16x128xf32, #tpu.memory_space<hbm>>) dst(%dma_wait3A_1076 : memref<16x128xf32, #tpu.memory_space<vmem>>)
    %add3A_1080 = arith.constant 3 : i32
    %add3A_1081 = arith.addi %mul3A_1031, %add3A_1080 : i32
    %dma_wait3A_1082 = arith.constant 0 : i32
    %dma_wait3A_1083 = arith.constant 0 : i32
    %dma_wait3A_1084 = tpu.memref_slice %arg16[%add3A_1081, %dma_wait3A_1082, %dma_wait3A_1083] : memref<32x16x128xf32, #tpu.memory_space<vmem>> -> memref<1x16x128xf32, #tpu.memory_space<vmem>>
    %dma_wait3A_1085 = tpu.memref_squeeze %dma_wait3A_1084 : memref<1x16x128xf32, #tpu.memory_space<vmem>> -> memref<16x128xf32, #tpu.memory_space<vmem>>
    %dma_wait3A_1086 = arith.constant 0 : i32
    %dma_wait3A_1087 = arith.constant 0 : i32
    %dma_wait3A_1088 = tpu.memref_slice %arg6[%dma_wait3A_1086, %dma_wait3A_1087] : memref<16x1000000xf32, #tpu.memory_space<hbm>> -> memref<16x128xf32, #tpu.memory_space<hbm>>
    %dma_wait3A_1089 = arith.constant 0 : i32
    %dma_wait3A_1090 = arith.constant 0 : i32
    %dma_wait3A_1091 = tpu.memref_slice %arg16[%add3A_1081, %dma_wait3A_1089, %dma_wait3A_1090] : memref<32x16x128xf32, #tpu.memory_space<vmem>> -> memref<1x16x128xf32, #tpu.memory_space<vmem>>
    %dma_wait3A_1092 = tpu.memref_squeeze %dma_wait3A_1091 : memref<1x16x128xf32, #tpu.memory_space<vmem>> -> memref<16x128xf32, #tpu.memory_space<vmem>>
    %dma_wait3A_1093 = arith.constant 0 : i32
    %dma_wait3A_1094 = arith.constant 0 : i32
    %dma_wait3A_1095 = tpu.memref_slice %arg6[%dma_wait3A_1093, %dma_wait3A_1094] : memref<16x1000000xf32, #tpu.memory_space<hbm>> -> memref<16x128xf32, #tpu.memory_space<hbm>>
    tpu.wait_dma2 semaphore(%arg21 : memref<!tpu.dma_semaphore, #tpu.memory_space<semaphore_mem>>) src(%dma_wait3A_1095 : memref<16x128xf32, #tpu.memory_space<hbm>>) dst(%dma_wait3A_1092 : memref<16x128xf32, #tpu.memory_space<vmem>>)
    %add3A_1096 = arith.constant 4 : i32
    %add3A_1097 = arith.addi %mul3A_1031, %add3A_1096 : i32
    %dma_wait3A_1098 = arith.constant 0 : i32
    %dma_wait3A_1099 = arith.constant 0 : i32
    %dma_wait3A_1100 = tpu.memref_slice %arg16[%add3A_1097, %dma_wait3A_1098, %dma_wait3A_1099] : memref<32x16x128xf32, #tpu.memory_space<vmem>> -> memref<1x16x128xf32, #tpu.memory_space<vmem>>
    %dma_wait3A_1101 = tpu.memref_squeeze %dma_wait3A_1100 : memref<1x16x128xf32, #tpu.memory_space<vmem>> -> memref<16x128xf32, #tpu.memory_space<vmem>>
    %dma_wait3A_1102 = arith.constant 0 : i32
    %dma_wait3A_1103 = arith.constant 0 : i32
    %dma_wait3A_1104 = tpu.memref_slice %arg6[%dma_wait3A_1102, %dma_wait3A_1103] : memref<16x1000000xf32, #tpu.memory_space<hbm>> -> memref<16x128xf32, #tpu.memory_space<hbm>>
    %dma_wait3A_1105 = arith.constant 0 : i32
    %dma_wait3A_1106 = arith.constant 0 : i32
    %dma_wait3A_1107 = tpu.memref_slice %arg16[%add3A_1097, %dma_wait3A_1105, %dma_wait3A_1106] : memref<32x16x128xf32, #tpu.memory_space<vmem>> -> memref<1x16x128xf32, #tpu.memory_space<vmem>>
    %dma_wait3A_1108 = tpu.memref_squeeze %dma_wait3A_1107 : memref<1x16x128xf32, #tpu.memory_space<vmem>> -> memref<16x128xf32, #tpu.memory_space<vmem>>
    %dma_wait3A_1109 = arith.constant 0 : i32
    %dma_wait3A_1110 = arith.constant 0 : i32
    %dma_wait3A_1111 = tpu.memref_slice %arg6[%dma_wait3A_1109, %dma_wait3A_1110] : memref<16x1000000xf32, #tpu.memory_space<hbm>> -> memref<16x128xf32, #tpu.memory_space<hbm>>
    tpu.wait_dma2 semaphore(%arg21 : memref<!tpu.dma_semaphore, #tpu.memory_space<semaphore_mem>>) src(%dma_wait3A_1111 : memref<16x128xf32, #tpu.memory_space<hbm>>) dst(%dma_wait3A_1108 : memref<16x128xf32, #tpu.memory_space<vmem>>)
    %add3A_1112 = arith.constant 5 : i32
    %add3A_1113 = arith.addi %mul3A_1031, %add3A_1112 : i32
    %dma_wait3A_1114 = arith.constant 0 : i32
    %dma_wait3A_1115 = arith.constant 0 : i32
    %dma_wait3A_1116 = tpu.memref_slice %arg16[%add3A_1113, %dma_wait3A_1114, %dma_wait3A_1115] : memref<32x16x128xf32, #tpu.memory_space<vmem>> -> memref<1x16x128xf32, #tpu.memory_space<vmem>>
    %dma_wait3A_1117 = tpu.memref_squeeze %dma_wait3A_1116 : memref<1x16x128xf32, #tpu.memory_space<vmem>> -> memref<16x128xf32, #tpu.memory_space<vmem>>
    %dma_wait3A_1118 = arith.constant 0 : i32
    %dma_wait3A_1119 = arith.constant 0 : i32
    %dma_wait3A_1120 = tpu.memref_slice %arg6[%dma_wait3A_1118, %dma_wait3A_1119] : memref<16x1000000xf32, #tpu.memory_space<hbm>> -> memref<16x128xf32, #tpu.memory_space<hbm>>
    %dma_wait3A_1121 = arith.constant 0 : i32
    %dma_wait3A_1122 = arith.constant 0 : i32
    %dma_wait3A_1123 = tpu.memref_slice %arg16[%add3A_1113, %dma_wait3A_1121, %dma_wait3A_1122] : memref<32x16x128xf32, #tpu.memory_space<vmem>> -> memref<1x16x128xf32, #tpu.memory_space<vmem>>
    %dma_wait3A_1124 = tpu.memref_squeeze %dma_wait3A_1123 : memref<1x16x128xf32, #tpu.memory_space<vmem>> -> memref<16x128xf32, #tpu.memory_space<vmem>>
    %dma_wait3A_1125 = arith.constant 0 : i32
    %dma_wait3A_1126 = arith.constant 0 : i32
    %dma_wait3A_1127 = tpu.memref_slice %arg6[%dma_wait3A_1125, %dma_wait3A_1126] : memref<16x1000000xf32, #tpu.memory_space<hbm>> -> memref<16x128xf32, #tpu.memory_space<hbm>>
    tpu.wait_dma2 semaphore(%arg21 : memref<!tpu.dma_semaphore, #tpu.memory_space<semaphore_mem>>) src(%dma_wait3A_1127 : memref<16x128xf32, #tpu.memory_space<hbm>>) dst(%dma_wait3A_1124 : memref<16x128xf32, #tpu.memory_space<vmem>>)
    %add3A_1128 = arith.constant 6 : i32
    %add3A_1129 = arith.addi %mul3A_1031, %add3A_1128 : i32
    %dma_wait3A_1130 = arith.constant 0 : i32
    %dma_wait3A_1131 = arith.constant 0 : i32
    %dma_wait3A_1132 = tpu.memref_slice %arg16[%add3A_1129, %dma_wait3A_1130, %dma_wait3A_1131] : memref<32x16x128xf32, #tpu.memory_space<vmem>> -> memref<1x16x128xf32, #tpu.memory_space<vmem>>
    %dma_wait3A_1133 = tpu.memref_squeeze %dma_wait3A_1132 : memref<1x16x128xf32, #tpu.memory_space<vmem>> -> memref<16x128xf32, #tpu.memory_space<vmem>>
    %dma_wait3A_1134 = arith.constant 0 : i32
    %dma_wait3A_1135 = arith.constant 0 : i32
    %dma_wait3A_1136 = tpu.memref_slice %arg6[%dma_wait3A_1134, %dma_wait3A_1135] : memref<16x1000000xf32, #tpu.memory_space<hbm>> -> memref<16x128xf32, #tpu.memory_space<hbm>>
    %dma_wait3A_1137 = arith.constant 0 : i32
    %dma_wait3A_1138 = arith.constant 0 : i32
    %dma_wait3A_1139 = tpu.memref_slice %arg16[%add3A_1129, %dma_wait3A_1137, %dma_wait3A_1138] : memref<32x16x128xf32, #tpu.memory_space<vmem>> -> memref<1x16x128xf32, #tpu.memory_space<vmem>>
    %dma_wait3A_1140 = tpu.memref_squeeze %dma_wait3A_1139 : memref<1x16x128xf32, #tpu.memory_space<vmem>> -> memref<16x128xf32, #tpu.memory_space<vmem>>
    %dma_wait3A_1141 = arith.constant 0 : i32
    %dma_wait3A_1142 = arith.constant 0 : i32
    %dma_wait3A_1143 = tpu.memref_slice %arg6[%dma_wait3A_1141, %dma_wait3A_1142] : memref<16x1000000xf32, #tpu.memory_space<hbm>> -> memref<16x128xf32, #tpu.memory_space<hbm>>
    tpu.wait_dma2 semaphore(%arg21 : memref<!tpu.dma_semaphore, #tpu.memory_space<semaphore_mem>>) src(%dma_wait3A_1143 : memref<16x128xf32, #tpu.memory_space<hbm>>) dst(%dma_wait3A_1140 : memref<16x128xf32, #tpu.memory_space<vmem>>)
    %add3A_1144 = arith.constant 7 : i32
    %add3A_1145 = arith.addi %mul3A_1031, %add3A_1144 : i32
    %dma_wait3A_1146 = arith.constant 0 : i32
    %dma_wait3A_1147 = arith.constant 0 : i32
    %dma_wait3A_1148 = tpu.memref_slice %arg16[%add3A_1145, %dma_wait3A_1146, %dma_wait3A_1147] : memref<32x16x128xf32, #tpu.memory_space<vmem>> -> memref<1x16x128xf32, #tpu.memory_space<vmem>>
    %dma_wait3A_1149 = tpu.memref_squeeze %dma_wait3A_1148 : memref<1x16x128xf32, #tpu.memory_space<vmem>> -> memref<16x128xf32, #tpu.memory_space<vmem>>
    %dma_wait3A_1150 = arith.constant 0 : i32
    %dma_wait3A_1151 = arith.constant 0 : i32
    %dma_wait3A_1152 = tpu.memref_slice %arg6[%dma_wait3A_1150, %dma_wait3A_1151] : memref<16x1000000xf32, #tpu.memory_space<hbm>> -> memref<16x128xf32, #tpu.memory_space<hbm>>
    %dma_wait3A_1153 = arith.constant 0 : i32
    %dma_wait3A_1154 = arith.constant 0 : i32
    %dma_wait3A_1155 = tpu.memref_slice %arg16[%add3A_1145, %dma_wait3A_1153, %dma_wait3A_1154] : memref<32x16x128xf32, #tpu.memory_space<vmem>> -> memref<1x16x128xf32, #tpu.memory_space<vmem>>
    %dma_wait3A_1156 = tpu.memref_squeeze %dma_wait3A_1155 : memref<1x16x128xf32, #tpu.memory_space<vmem>> -> memref<16x128xf32, #tpu.memory_space<vmem>>
    %dma_wait3A_1157 = arith.constant 0 : i32
    %dma_wait3A_1158 = arith.constant 0 : i32
    %dma_wait3A_1159 = tpu.memref_slice %arg6[%dma_wait3A_1157, %dma_wait3A_1158] : memref<16x1000000xf32, #tpu.memory_space<hbm>> -> memref<16x128xf32, #tpu.memory_space<hbm>>
    tpu.wait_dma2 semaphore(%arg21 : memref<!tpu.dma_semaphore, #tpu.memory_space<semaphore_mem>>) src(%dma_wait3A_1159 : memref<16x128xf32, #tpu.memory_space<hbm>>) dst(%dma_wait3A_1156 : memref<16x128xf32, #tpu.memory_space<vmem>>)
    %add3A_1160 = arith.constant 8 : i32
    %add3A_1161 = arith.addi %mul3A_1031, %add3A_1160 : i32
    %dma_wait3A_1162 = arith.constant 0 : i32
    %dma_wait3A_1163 = arith.constant 0 : i32
    %dma_wait3A_1164 = tpu.memref_slice %arg16[%add3A_1161, %dma_wait3A_1162, %dma_wait3A_1163] : memref<32x16x128xf32, #tpu.memory_space<vmem>> -> memref<1x16x128xf32, #tpu.memory_space<vmem>>
    %dma_wait3A_1165 = tpu.memref_squeeze %dma_wait3A_1164 : memref<1x16x128xf32, #tpu.memory_space<vmem>> -> memref<16x128xf32, #tpu.memory_space<vmem>>
    %dma_wait3A_1166 = arith.constant 0 : i32
    %dma_wait3A_1167 = arith.constant 0 : i32
    %dma_wait3A_1168 = tpu.memref_slice %arg6[%dma_wait3A_1166, %dma_wait3A_1167] : memref<16x1000000xf32, #tpu.memory_space<hbm>> -> memref<16x128xf32, #tpu.memory_space<hbm>>
    %dma_wait3A_1169 = arith.constant 0 : i32
    %dma_wait3A_1170 = arith.constant 0 : i32
    %dma_wait3A_1171 = tpu.memref_slice %arg16[%add3A_1161, %dma_wait3A_1169, %dma_wait3A_1170] : memref<32x16x128xf32, #tpu.memory_space<vmem>> -> memref<1x16x128xf32, #tpu.memory_space<vmem>>
    %dma_wait3A_1172 = tpu.memref_squeeze %dma_wait3A_1171 : memref<1x16x128xf32, #tpu.memory_space<vmem>> -> memref<16x128xf32, #tpu.memory_space<vmem>>
    %dma_wait3A_1173 = arith.constant 0 : i32
    %dma_wait3A_1174 = arith.constant 0 : i32
    %dma_wait3A_1175 = tpu.memref_slice %arg6[%dma_wait3A_1173, %dma_wait3A_1174] : memref<16x1000000xf32, #tpu.memory_space<hbm>> -> memref<16x128xf32, #tpu.memory_space<hbm>>
    tpu.wait_dma2 semaphore(%arg21 : memref<!tpu.dma_semaphore, #tpu.memory_space<semaphore_mem>>) src(%dma_wait3A_1175 : memref<16x128xf32, #tpu.memory_space<hbm>>) dst(%dma_wait3A_1172 : memref<16x128xf32, #tpu.memory_space<vmem>>)
    %add3A_1176 = arith.constant 9 : i32
    %add3A_1177 = arith.addi %mul3A_1031, %add3A_1176 : i32
    %dma_wait3A_1178 = arith.constant 0 : i32
    %dma_wait3A_1179 = arith.constant 0 : i32
    %dma_wait3A_1180 = tpu.memref_slice %arg16[%add3A_1177, %dma_wait3A_1178, %dma_wait3A_1179] : memref<32x16x128xf32, #tpu.memory_space<vmem>> -> memref<1x16x128xf32, #tpu.memory_space<vmem>>
    %dma_wait3A_1181 = tpu.memref_squeeze %dma_wait3A_1180 : memref<1x16x128xf32, #tpu.memory_space<vmem>> -> memref<16x128xf32, #tpu.memory_space<vmem>>
    %dma_wait3A_1182 = arith.constant 0 : i32
    %dma_wait3A_1183 = arith.constant 0 : i32
    %dma_wait3A_1184 = tpu.memref_slice %arg6[%dma_wait3A_1182, %dma_wait3A_1183] : memref<16x1000000xf32, #tpu.memory_space<hbm>> -> memref<16x128xf32, #tpu.memory_space<hbm>>
    %dma_wait3A_1185 = arith.constant 0 : i32
    %dma_wait3A_1186 = arith.constant 0 : i32
    %dma_wait3A_1187 = tpu.memref_slice %arg16[%add3A_1177, %dma_wait3A_1185, %dma_wait3A_1186] : memref<32x16x128xf32, #tpu.memory_space<vmem>> -> memref<1x16x128xf32, #tpu.memory_space<vmem>>
    %dma_wait3A_1188 = tpu.memref_squeeze %dma_wait3A_1187 : memref<1x16x128xf32, #tpu.memory_space<vmem>> -> memref<16x128xf32, #tpu.memory_space<vmem>>
    %dma_wait3A_1189 = arith.constant 0 : i32
    %dma_wait3A_1190 = arith.constant 0 : i32
    %dma_wait3A_1191 = tpu.memref_slice %arg6[%dma_wait3A_1189, %dma_wait3A_1190] : memref<16x1000000xf32, #tpu.memory_space<hbm>> -> memref<16x128xf32, #tpu.memory_space<hbm>>
    tpu.wait_dma2 semaphore(%arg21 : memref<!tpu.dma_semaphore, #tpu.memory_space<semaphore_mem>>) src(%dma_wait3A_1191 : memref<16x128xf32, #tpu.memory_space<hbm>>) dst(%dma_wait3A_1188 : memref<16x128xf32, #tpu.memory_space<vmem>>)
    %add3A_1192 = arith.constant 10 : i32
    %add3A_1193 = arith.addi %mul3A_1031, %add3A_1192 : i32
    %dma_wait3A_1194 = arith.constant 0 : i32
    %dma_wait3A_1195 = arith.constant 0 : i32
    %dma_wait3A_1196 = tpu.memref_slice %arg16[%add3A_1193, %dma_wait3A_1194, %dma_wait3A_1195] : memref<32x16x128xf32, #tpu.memory_space<vmem>> -> memref<1x16x128xf32, #tpu.memory_space<vmem>>
    %dma_wait3A_1197 = tpu.memref_squeeze %dma_wait3A_1196 : memref<1x16x128xf32, #tpu.memory_space<vmem>> -> memref<16x128xf32, #tpu.memory_space<vmem>>
    %dma_wait3A_1198 = arith.constant 0 : i32
    %dma_wait3A_1199 = arith.constant 0 : i32
    %dma_wait3A_1200 = tpu.memref_slice %arg6[%dma_wait3A_1198, %dma_wait3A_1199] : memref<16x1000000xf32, #tpu.memory_space<hbm>> -> memref<16x128xf32, #tpu.memory_space<hbm>>
    %dma_wait3A_1201 = arith.constant 0 : i32
    %dma_wait3A_1202 = arith.constant 0 : i32
    %dma_wait3A_1203 = tpu.memref_slice %arg16[%add3A_1193, %dma_wait3A_1201, %dma_wait3A_1202] : memref<32x16x128xf32, #tpu.memory_space<vmem>> -> memref<1x16x128xf32, #tpu.memory_space<vmem>>
    %dma_wait3A_1204 = tpu.memref_squeeze %dma_wait3A_1203 : memref<1x16x128xf32, #tpu.memory_space<vmem>> -> memref<16x128xf32, #tpu.memory_space<vmem>>
    %dma_wait3A_1205 = arith.constant 0 : i32
    %dma_wait3A_1206 = arith.constant 0 : i32
    %dma_wait3A_1207 = tpu.memref_slice %arg6[%dma_wait3A_1205, %dma_wait3A_1206] : memref<16x1000000xf32, #tpu.memory_space<hbm>> -> memref<16x128xf32, #tpu.memory_space<hbm>>
    tpu.wait_dma2 semaphore(%arg21 : memref<!tpu.dma_semaphore, #tpu.memory_space<semaphore_mem>>) src(%dma_wait3A_1207 : memref<16x128xf32, #tpu.memory_space<hbm>>) dst(%dma_wait3A_1204 : memref<16x128xf32, #tpu.memory_space<vmem>>)
    %add3A_1208 = arith.constant 11 : i32
    %add3A_1209 = arith.addi %mul3A_1031, %add3A_1208 : i32
    %dma_wait3A_1210 = arith.constant 0 : i32
    %dma_wait3A_1211 = arith.constant 0 : i32
    %dma_wait3A_1212 = tpu.memref_slice %arg16[%add3A_1209, %dma_wait3A_1210, %dma_wait3A_1211] : memref<32x16x128xf32, #tpu.memory_space<vmem>> -> memref<1x16x128xf32, #tpu.memory_space<vmem>>
    %dma_wait3A_1213 = tpu.memref_squeeze %dma_wait3A_1212 : memref<1x16x128xf32, #tpu.memory_space<vmem>> -> memref<16x128xf32, #tpu.memory_space<vmem>>
    %dma_wait3A_1214 = arith.constant 0 : i32
    %dma_wait3A_1215 = arith.constant 0 : i32
    %dma_wait3A_1216 = tpu.memref_slice %arg6[%dma_wait3A_1214, %dma_wait3A_1215] : memref<16x1000000xf32, #tpu.memory_space<hbm>> -> memref<16x128xf32, #tpu.memory_space<hbm>>
    %dma_wait3A_1217 = arith.constant 0 : i32
    %dma_wait3A_1218 = arith.constant 0 : i32
    %dma_wait3A_1219 = tpu.memref_slice %arg16[%add3A_1209, %dma_wait3A_1217, %dma_wait3A_1218] : memref<32x16x128xf32, #tpu.memory_space<vmem>> -> memref<1x16x128xf32, #tpu.memory_space<vmem>>
    %dma_wait3A_1220 = tpu.memref_squeeze %dma_wait3A_1219 : memref<1x16x128xf32, #tpu.memory_space<vmem>> -> memref<16x128xf32, #tpu.memory_space<vmem>>
    %dma_wait3A_1221 = arith.constant 0 : i32
    %dma_wait3A_1222 = arith.constant 0 : i32
    %dma_wait3A_1223 = tpu.memref_slice %arg6[%dma_wait3A_1221, %dma_wait3A_1222] : memref<16x1000000xf32, #tpu.memory_space<hbm>> -> memref<16x128xf32, #tpu.memory_space<hbm>>
    tpu.wait_dma2 semaphore(%arg21 : memref<!tpu.dma_semaphore, #tpu.memory_space<semaphore_mem>>) src(%dma_wait3A_1223 : memref<16x128xf32, #tpu.memory_space<hbm>>) dst(%dma_wait3A_1220 : memref<16x128xf32, #tpu.memory_space<vmem>>)
    %add3A_1224 = arith.constant 12 : i32
    %add3A_1225 = arith.addi %mul3A_1031, %add3A_1224 : i32
    %dma_wait3A_1226 = arith.constant 0 : i32
    %dma_wait3A_1227 = arith.constant 0 : i32
    %dma_wait3A_1228 = tpu.memref_slice %arg16[%add3A_1225, %dma_wait3A_1226, %dma_wait3A_1227] : memref<32x16x128xf32, #tpu.memory_space<vmem>> -> memref<1x16x128xf32, #tpu.memory_space<vmem>>
    %dma_wait3A_1229 = tpu.memref_squeeze %dma_wait3A_1228 : memref<1x16x128xf32, #tpu.memory_space<vmem>> -> memref<16x128xf32, #tpu.memory_space<vmem>>
    %dma_wait3A_1230 = arith.constant 0 : i32
    %dma_wait3A_1231 = arith.constant 0 : i32
    %dma_wait3A_1232 = tpu.memref_slice %arg6[%dma_wait3A_1230, %dma_wait3A_1231] : memref<16x1000000xf32, #tpu.memory_space<hbm>> -> memref<16x128xf32, #tpu.memory_space<hbm>>
    %dma_wait3A_1233 = arith.constant 0 : i32
    %dma_wait3A_1234 = arith.constant 0 : i32
    %dma_wait3A_1235 = tpu.memref_slice %arg16[%add3A_1225, %dma_wait3A_1233, %dma_wait3A_1234] : memref<32x16x128xf32, #tpu.memory_space<vmem>> -> memref<1x16x128xf32, #tpu.memory_space<vmem>>
    %dma_wait3A_1236 = tpu.memref_squeeze %dma_wait3A_1235 : memref<1x16x128xf32, #tpu.memory_space<vmem>> -> memref<16x128xf32, #tpu.memory_space<vmem>>
    %dma_wait3A_1237 = arith.constant 0 : i32
    %dma_wait3A_1238 = arith.constant 0 : i32
    %dma_wait3A_1239 = tpu.memref_slice %arg6[%dma_wait3A_1237, %dma_wait3A_1238] : memref<16x1000000xf32, #tpu.memory_space<hbm>> -> memref<16x128xf32, #tpu.memory_space<hbm>>
    tpu.wait_dma2 semaphore(%arg21 : memref<!tpu.dma_semaphore, #tpu.memory_space<semaphore_mem>>) src(%dma_wait3A_1239 : memref<16x128xf32, #tpu.memory_space<hbm>>) dst(%dma_wait3A_1236 : memref<16x128xf32, #tpu.memory_space<vmem>>)
    %add3A_1240 = arith.constant 13 : i32
    %add3A_1241 = arith.addi %mul3A_1031, %add3A_1240 : i32
    %dma_wait3A_1242 = arith.constant 0 : i32
    %dma_wait3A_1243 = arith.constant 0 : i32
    %dma_wait3A_1244 = tpu.memref_slice %arg16[%add3A_1241, %dma_wait3A_1242, %dma_wait3A_1243] : memref<32x16x128xf32, #tpu.memory_space<vmem>> -> memref<1x16x128xf32, #tpu.memory_space<vmem>>
    %dma_wait3A_1245 = tpu.memref_squeeze %dma_wait3A_1244 : memref<1x16x128xf32, #tpu.memory_space<vmem>> -> memref<16x128xf32, #tpu.memory_space<vmem>>
    %dma_wait3A_1246 = arith.constant 0 : i32
    %dma_wait3A_1247 = arith.constant 0 : i32
    %dma_wait3A_1248 = tpu.memref_slice %arg6[%dma_wait3A_1246, %dma_wait3A_1247] : memref<16x1000000xf32, #tpu.memory_space<hbm>> -> memref<16x128xf32, #tpu.memory_space<hbm>>
    %dma_wait3A_1249 = arith.constant 0 : i32
    %dma_wait3A_1250 = arith.constant 0 : i32
    %dma_wait3A_1251 = tpu.memref_slice %arg16[%add3A_1241, %dma_wait3A_1249, %dma_wait3A_1250] : memref<32x16x128xf32, #tpu.memory_space<vmem>> -> memref<1x16x128xf32, #tpu.memory_space<vmem>>
    %dma_wait3A_1252 = tpu.memref_squeeze %dma_wait3A_1251 : memref<1x16x128xf32, #tpu.memory_space<vmem>> -> memref<16x128xf32, #tpu.memory_space<vmem>>
    %dma_wait3A_1253 = arith.constant 0 : i32
    %dma_wait3A_1254 = arith.constant 0 : i32
    %dma_wait3A_1255 = tpu.memref_slice %arg6[%dma_wait3A_1253, %dma_wait3A_1254] : memref<16x1000000xf32, #tpu.memory_space<hbm>> -> memref<16x128xf32, #tpu.memory_space<hbm>>
    tpu.wait_dma2 semaphore(%arg21 : memref<!tpu.dma_semaphore, #tpu.memory_space<semaphore_mem>>) src(%dma_wait3A_1255 : memref<16x128xf32, #tpu.memory_space<hbm>>) dst(%dma_wait3A_1252 : memref<16x128xf32, #tpu.memory_space<vmem>>)
    %add3A_1256 = arith.constant 14 : i32
    %add3A_1257 = arith.addi %mul3A_1031, %add3A_1256 : i32
    %dma_wait3A_1258 = arith.constant 0 : i32
    %dma_wait3A_1259 = arith.constant 0 : i32
    %dma_wait3A_1260 = tpu.memref_slice %arg16[%add3A_1257, %dma_wait3A_1258, %dma_wait3A_1259] : memref<32x16x128xf32, #tpu.memory_space<vmem>> -> memref<1x16x128xf32, #tpu.memory_space<vmem>>
    %dma_wait3A_1261 = tpu.memref_squeeze %dma_wait3A_1260 : memref<1x16x128xf32, #tpu.memory_space<vmem>> -> memref<16x128xf32, #tpu.memory_space<vmem>>
    %dma_wait3A_1262 = arith.constant 0 : i32
    %dma_wait3A_1263 = arith.constant 0 : i32
    %dma_wait3A_1264 = tpu.memref_slice %arg6[%dma_wait3A_1262, %dma_wait3A_1263] : memref<16x1000000xf32, #tpu.memory_space<hbm>> -> memref<16x128xf32, #tpu.memory_space<hbm>>
    %dma_wait3A_1265 = arith.constant 0 : i32
    %dma_wait3A_1266 = arith.constant 0 : i32
    %dma_wait3A_1267 = tpu.memref_slice %arg16[%add3A_1257, %dma_wait3A_1265, %dma_wait3A_1266] : memref<32x16x128xf32, #tpu.memory_space<vmem>> -> memref<1x16x128xf32, #tpu.memory_space<vmem>>
    %dma_wait3A_1268 = tpu.memref_squeeze %dma_wait3A_1267 : memref<1x16x128xf32, #tpu.memory_space<vmem>> -> memref<16x128xf32, #tpu.memory_space<vmem>>
    %dma_wait3A_1269 = arith.constant 0 : i32
    %dma_wait3A_1270 = arith.constant 0 : i32
    %dma_wait3A_1271 = tpu.memref_slice %arg6[%dma_wait3A_1269, %dma_wait3A_1270] : memref<16x1000000xf32, #tpu.memory_space<hbm>> -> memref<16x128xf32, #tpu.memory_space<hbm>>
    tpu.wait_dma2 semaphore(%arg21 : memref<!tpu.dma_semaphore, #tpu.memory_space<semaphore_mem>>) src(%dma_wait3A_1271 : memref<16x128xf32, #tpu.memory_space<hbm>>) dst(%dma_wait3A_1268 : memref<16x128xf32, #tpu.memory_space<vmem>>)
    %add3A_1272 = arith.constant 15 : i32
    %add3A_1273 = arith.addi %mul3A_1031, %add3A_1272 : i32
    %dma_wait3A_1274 = arith.constant 0 : i32
    %dma_wait3A_1275 = arith.constant 0 : i32
    %dma_wait3A_1276 = tpu.memref_slice %arg16[%add3A_1273, %dma_wait3A_1274, %dma_wait3A_1275] : memref<32x16x128xf32, #tpu.memory_space<vmem>> -> memref<1x16x128xf32, #tpu.memory_space<vmem>>
    %dma_wait3A_1277 = tpu.memref_squeeze %dma_wait3A_1276 : memref<1x16x128xf32, #tpu.memory_space<vmem>> -> memref<16x128xf32, #tpu.memory_space<vmem>>
    %dma_wait3A_1278 = arith.constant 0 : i32
    %dma_wait3A_1279 = arith.constant 0 : i32
    %dma_wait3A_1280 = tpu.memref_slice %arg6[%dma_wait3A_1278, %dma_wait3A_1279] : memref<16x1000000xf32, #tpu.memory_space<hbm>> -> memref<16x128xf32, #tpu.memory_space<hbm>>
    %dma_wait3A_1281 = arith.constant 0 : i32
    %dma_wait3A_1282 = arith.constant 0 : i32
    %dma_wait3A_1283 = tpu.memref_slice %arg16[%add3A_1273, %dma_wait3A_1281, %dma_wait3A_1282] : memref<32x16x128xf32, #tpu.memory_space<vmem>> -> memref<1x16x128xf32, #tpu.memory_space<vmem>>
    %dma_wait3A_1284 = tpu.memref_squeeze %dma_wait3A_1283 : memref<1x16x128xf32, #tpu.memory_space<vmem>> -> memref<16x128xf32, #tpu.memory_space<vmem>>
    %dma_wait3A_1285 = arith.constant 0 : i32
    %dma_wait3A_1286 = arith.constant 0 : i32
    %dma_wait3A_1287 = tpu.memref_slice %arg6[%dma_wait3A_1285, %dma_wait3A_1286] : memref<16x1000000xf32, #tpu.memory_space<hbm>> -> memref<16x128xf32, #tpu.memory_space<hbm>>
    tpu.wait_dma2 semaphore(%arg21 : memref<!tpu.dma_semaphore, #tpu.memory_space<semaphore_mem>>) src(%dma_wait3A_1287 : memref<16x128xf32, #tpu.memory_space<hbm>>) dst(%dma_wait3A_1284 : memref<16x128xf32, #tpu.memory_space<vmem>>)
    %eq3A_1288 = arith.constant 0 : i32
    %eq3A_1289 = vector.broadcast %eq3A_1288 : i32 to vector<16xi32>
    %eq3A_1290 = arith.cmpi eq, %iota3A, %eq3A_1289 : vector<16xi32>
    %jit3A_1291 = arith.constant 0 : i32
    %broadcast_in_dim3A_1292 = vector.broadcast %jit3A_1291 : i32 to vector<16xi32>
    %select_n3A_1293 = arith.select %eq3A_1290, %get3A_1026, %broadcast_in_dim3A_1292 : vector<16xi1>, vector<16xi32>
    %reduce_sum3A_1294 = arith.constant true
    %reduce_sum3A_1295 = vector.broadcast %reduce_sum3A_1294 : i1 to vector<16xi1>
    %reduce_sum3A_1296 = tpu.scan <sum>, %select_n3A_1293 masked %reduce_sum3A_1295 : vector<16xi32>, vector<16xi1> -> vector<16xi32>
    %reduce_sum3A_1297 = vector.extract %reduce_sum3A_1296[15] : i32 from vector<16xi32>
    %rem3A_1298 = arith.constant 128 : i32
    %rem3A_1299 = arith.remsi %reduce_sum3A_1297, %rem3A_1298 : i32
    %broadcast_in_dim3A_1300 = vector.broadcast %rem3A_1299 : i32 to vector<16xi32>
    %add3A_1301 = arith.constant 0 : i32
    %add3A_1302 = arith.addi %mul3A_1031, %add3A_1301 : i32
    %broadcast_in_dim3A_1303 = vector.broadcast %add3A_1302 : i32 to vector<16xi32>
    %gather3A_1304 = tpu.vector_load_idx %arg16[%broadcast_in_dim3A_1303, %iota3A, %broadcast_in_dim3A_1300] : memref<32x16x128xf32, #tpu.memory_space<vmem>>[vector<16xi32>, vector<16xi32>, vector<16xi32>], vector<16xf32>,
    %broadcast_in_dim3A_1305 = arith.constant 496 : i32
    %broadcast_in_dim3A_1306 = vector.broadcast %broadcast_in_dim3A_1305 : i32 to vector<16xi32>
    tpu.vector_store_idx %arg17[%iota3A, %broadcast_in_dim3A_1306], %gather3A_1304 : memref<74x512xf32, #tpu.memory_space<vmem>>[vector<16xi32>, vector<16xi32>], vector<16xf32>,
    %eq3A_1307 = arith.constant 1 : i32
    %eq3A_1308 = vector.broadcast %eq3A_1307 : i32 to vector<16xi32>
    %eq3A_1309 = arith.cmpi eq, %iota3A, %eq3A_1308 : vector<16xi32>
    %jit3A_1310 = arith.constant 0 : i32
    %broadcast_in_dim3A_1311 = vector.broadcast %jit3A_1310 : i32 to vector<16xi32>
    %select_n3A_1312 = arith.select %eq3A_1309, %get3A_1026, %broadcast_in_dim3A_1311 : vector<16xi1>, vector<16xi32>
    %reduce_sum3A_1313 = arith.constant true
    %reduce_sum3A_1314 = vector.broadcast %reduce_sum3A_1313 : i1 to vector<16xi1>
    %reduce_sum3A_1315 = tpu.scan <sum>, %select_n3A_1312 masked %reduce_sum3A_1314 : vector<16xi32>, vector<16xi1> -> vector<16xi32>
    %reduce_sum3A_1316 = vector.extract %reduce_sum3A_1315[15] : i32 from vector<16xi32>
    %rem3A_1317 = arith.constant 128 : i32
    %rem3A_1318 = arith.remsi %reduce_sum3A_1316, %rem3A_1317 : i32
    %broadcast_in_dim3A_1319 = vector.broadcast %rem3A_1318 : i32 to vector<16xi32>
    %add3A_1320 = arith.constant 1 : i32
    %add3A_1321 = arith.addi %mul3A_1031, %add3A_1320 : i32
    %broadcast_in_dim3A_1322 = vector.broadcast %add3A_1321 : i32 to vector<16xi32>
    %gather3A_1323 = tpu.vector_load_idx %arg16[%broadcast_in_dim3A_1322, %iota3A, %broadcast_in_dim3A_1319] : memref<32x16x128xf32, #tpu.memory_space<vmem>>[vector<16xi32>, vector<16xi32>, vector<16xi32>], vector<16xf32>,
    %broadcast_in_dim3A_1324 = arith.constant 497 : i32
    %broadcast_in_dim3A_1325 = vector.broadcast %broadcast_in_dim3A_1324 : i32 to vector<16xi32>
    tpu.vector_store_idx %arg17[%iota3A, %broadcast_in_dim3A_1325], %gather3A_1323 : memref<74x512xf32, #tpu.memory_space<vmem>>[vector<16xi32>, vector<16xi32>], vector<16xf32>,
    %eq3A_1326 = arith.constant 2 : i32
    %eq3A_1327 = vector.broadcast %eq3A_1326 : i32 to vector<16xi32>
    %eq3A_1328 = arith.cmpi eq, %iota3A, %eq3A_1327 : vector<16xi32>
    %jit3A_1329 = arith.constant 0 : i32
    %broadcast_in_dim3A_1330 = vector.broadcast %jit3A_1329 : i32 to vector<16xi32>
    %select_n3A_1331 = arith.select %eq3A_1328, %get3A_1026, %broadcast_in_dim3A_1330 : vector<16xi1>, vector<16xi32>
    %reduce_sum3A_1332 = arith.constant true
    %reduce_sum3A_1333 = vector.broadcast %reduce_sum3A_1332 : i1 to vector<16xi1>
    %reduce_sum3A_1334 = tpu.scan <sum>, %select_n3A_1331 masked %reduce_sum3A_1333 : vector<16xi32>, vector<16xi1> -> vector<16xi32>
    %reduce_sum3A_1335 = vector.extract %reduce_sum3A_1334[15] : i32 from vector<16xi32>
    %rem3A_1336 = arith.constant 128 : i32
    %rem3A_1337 = arith.remsi %reduce_sum3A_1335, %rem3A_1336 : i32
    %broadcast_in_dim3A_1338 = vector.broadcast %rem3A_1337 : i32 to vector<16xi32>
    %add3A_1339 = arith.constant 2 : i32
    %add3A_1340 = arith.addi %mul3A_1031, %add3A_1339 : i32
    %broadcast_in_dim3A_1341 = vector.broadcast %add3A_1340 : i32 to vector<16xi32>
    %gather3A_1342 = tpu.vector_load_idx %arg16[%broadcast_in_dim3A_1341, %iota3A, %broadcast_in_dim3A_1338] : memref<32x16x128xf32, #tpu.memory_space<vmem>>[vector<16xi32>, vector<16xi32>, vector<16xi32>], vector<16xf32>,
    %broadcast_in_dim3A_1343 = arith.constant 498 : i32
    %broadcast_in_dim3A_1344 = vector.broadcast %broadcast_in_dim3A_1343 : i32 to vector<16xi32>
    tpu.vector_store_idx %arg17[%iota3A, %broadcast_in_dim3A_1344], %gather3A_1342 : memref<74x512xf32, #tpu.memory_space<vmem>>[vector<16xi32>, vector<16xi32>], vector<16xf32>,
    %eq3A_1345 = arith.constant 3 : i32
    %eq3A_1346 = vector.broadcast %eq3A_1345 : i32 to vector<16xi32>
    %eq3A_1347 = arith.cmpi eq, %iota3A, %eq3A_1346 : vector<16xi32>
    %jit3A_1348 = arith.constant 0 : i32
    %broadcast_in_dim3A_1349 = vector.broadcast %jit3A_1348 : i32 to vector<16xi32>
    %select_n3A_1350 = arith.select %eq3A_1347, %get3A_1026, %broadcast_in_dim3A_1349 : vector<16xi1>, vector<16xi32>
    %reduce_sum3A_1351 = arith.constant true
    %reduce_sum3A_1352 = vector.broadcast %reduce_sum3A_1351 : i1 to vector<16xi1>
    %reduce_sum3A_1353 = tpu.scan <sum>, %select_n3A_1350 masked %reduce_sum3A_1352 : vector<16xi32>, vector<16xi1> -> vector<16xi32>
    %reduce_sum3A_1354 = vector.extract %reduce_sum3A_1353[15] : i32 from vector<16xi32>
    %rem3A_1355 = arith.constant 128 : i32
    %rem3A_1356 = arith.remsi %reduce_sum3A_1354, %rem3A_1355 : i32
    %broadcast_in_dim3A_1357 = vector.broadcast %rem3A_1356 : i32 to vector<16xi32>
    %add3A_1358 = arith.constant 3 : i32
    %add3A_1359 = arith.addi %mul3A_1031, %add3A_1358 : i32
    %broadcast_in_dim3A_1360 = vector.broadcast %add3A_1359 : i32 to vector<16xi32>
    %gather3A_1361 = tpu.vector_load_idx %arg16[%broadcast_in_dim3A_1360, %iota3A, %broadcast_in_dim3A_1357] : memref<32x16x128xf32, #tpu.memory_space<vmem>>[vector<16xi32>, vector<16xi32>, vector<16xi32>], vector<16xf32>,
    %broadcast_in_dim3A_1362 = arith.constant 499 : i32
    %broadcast_in_dim3A_1363 = vector.broadcast %broadcast_in_dim3A_1362 : i32 to vector<16xi32>
    tpu.vector_store_idx %arg17[%iota3A, %broadcast_in_dim3A_1363], %gather3A_1361 : memref<74x512xf32, #tpu.memory_space<vmem>>[vector<16xi32>, vector<16xi32>], vector<16xf32>,
    %eq3A_1364 = arith.constant 4 : i32
    %eq3A_1365 = vector.broadcast %eq3A_1364 : i32 to vector<16xi32>
    %eq3A_1366 = arith.cmpi eq, %iota3A, %eq3A_1365 : vector<16xi32>
    %jit3A_1367 = arith.constant 0 : i32
    %broadcast_in_dim3A_1368 = vector.broadcast %jit3A_1367 : i32 to vector<16xi32>
    %select_n3A_1369 = arith.select %eq3A_1366, %get3A_1026, %broadcast_in_dim3A_1368 : vector<16xi1>, vector<16xi32>
    %reduce_sum3A_1370 = arith.constant true
    %reduce_sum3A_1371 = vector.broadcast %reduce_sum3A_1370 : i1 to vector<16xi1>
    %reduce_sum3A_1372 = tpu.scan <sum>, %select_n3A_1369 masked %reduce_sum3A_1371 : vector<16xi32>, vector<16xi1> -> vector<16xi32>
    %reduce_sum3A_1373 = vector.extract %reduce_sum3A_1372[15] : i32 from vector<16xi32>
    %rem3A_1374 = arith.constant 128 : i32
    %rem3A_1375 = arith.remsi %reduce_sum3A_1373, %rem3A_1374 : i32
    %broadcast_in_dim3A_1376 = vector.broadcast %rem3A_1375 : i32 to vector<16xi32>
    %add3A_1377 = arith.constant 4 : i32
    %add3A_1378 = arith.addi %mul3A_1031, %add3A_1377 : i32
    %broadcast_in_dim3A_1379 = vector.broadcast %add3A_1378 : i32 to vector<16xi32>
    %gather3A_1380 = tpu.vector_load_idx %arg16[%broadcast_in_dim3A_1379, %iota3A, %broadcast_in_dim3A_1376] : memref<32x16x128xf32, #tpu.memory_space<vmem>>[vector<16xi32>, vector<16xi32>, vector<16xi32>], vector<16xf32>,
    %broadcast_in_dim3A_1381 = arith.constant 500 : i32
    %broadcast_in_dim3A_1382 = vector.broadcast %broadcast_in_dim3A_1381 : i32 to vector<16xi32>
    tpu.vector_store_idx %arg17[%iota3A, %broadcast_in_dim3A_1382], %gather3A_1380 : memref<74x512xf32, #tpu.memory_space<vmem>>[vector<16xi32>, vector<16xi32>], vector<16xf32>,
    %eq3A_1383 = arith.constant 5 : i32
    %eq3A_1384 = vector.broadcast %eq3A_1383 : i32 to vector<16xi32>
    %eq3A_1385 = arith.cmpi eq, %iota3A, %eq3A_1384 : vector<16xi32>
    %jit3A_1386 = arith.constant 0 : i32
    %broadcast_in_dim3A_1387 = vector.broadcast %jit3A_1386 : i32 to vector<16xi32>
    %select_n3A_1388 = arith.select %eq3A_1385, %get3A_1026, %broadcast_in_dim3A_1387 : vector<16xi1>, vector<16xi32>
    %reduce_sum3A_1389 = arith.constant true
    %reduce_sum3A_1390 = vector.broadcast %reduce_sum3A_1389 : i1 to vector<16xi1>
    %reduce_sum3A_1391 = tpu.scan <sum>, %select_n3A_1388 masked %reduce_sum3A_1390 : vector<16xi32>, vector<16xi1> -> vector<16xi32>
    %reduce_sum3A_1392 = vector.extract %reduce_sum3A_1391[15] : i32 from vector<16xi32>
    %rem3A_1393 = arith.constant 128 : i32
    %rem3A_1394 = arith.remsi %reduce_sum3A_1392, %rem3A_1393 : i32
    %broadcast_in_dim3A_1395 = vector.broadcast %rem3A_1394 : i32 to vector<16xi32>
    %add3A_1396 = arith.constant 5 : i32
    %add3A_1397 = arith.addi %mul3A_1031, %add3A_1396 : i32
    %broadcast_in_dim3A_1398 = vector.broadcast %add3A_1397 : i32 to vector<16xi32>
    %gather3A_1399 = tpu.vector_load_idx %arg16[%broadcast_in_dim3A_1398, %iota3A, %broadcast_in_dim3A_1395] : memref<32x16x128xf32, #tpu.memory_space<vmem>>[vector<16xi32>, vector<16xi32>, vector<16xi32>], vector<16xf32>,
    %broadcast_in_dim3A_1400 = arith.constant 501 : i32
    %broadcast_in_dim3A_1401 = vector.broadcast %broadcast_in_dim3A_1400 : i32 to vector<16xi32>
    tpu.vector_store_idx %arg17[%iota3A, %broadcast_in_dim3A_1401], %gather3A_1399 : memref<74x512xf32, #tpu.memory_space<vmem>>[vector<16xi32>, vector<16xi32>], vector<16xf32>,
    %eq3A_1402 = arith.constant 6 : i32
    %eq3A_1403 = vector.broadcast %eq3A_1402 : i32 to vector<16xi32>
    %eq3A_1404 = arith.cmpi eq, %iota3A, %eq3A_1403 : vector<16xi32>
    %jit3A_1405 = arith.constant 0 : i32
    %broadcast_in_dim3A_1406 = vector.broadcast %jit3A_1405 : i32 to vector<16xi32>
    %select_n3A_1407 = arith.select %eq3A_1404, %get3A_1026, %broadcast_in_dim3A_1406 : vector<16xi1>, vector<16xi32>
    %reduce_sum3A_1408 = arith.constant true
    %reduce_sum3A_1409 = vector.broadcast %reduce_sum3A_1408 : i1 to vector<16xi1>
    %reduce_sum3A_1410 = tpu.scan <sum>, %select_n3A_1407 masked %reduce_sum3A_1409 : vector<16xi32>, vector<16xi1> -> vector<16xi32>
    %reduce_sum3A_1411 = vector.extract %reduce_sum3A_1410[15] : i32 from vector<16xi32>
    %rem3A_1412 = arith.constant 128 : i32
    %rem3A_1413 = arith.remsi %reduce_sum3A_1411, %rem3A_1412 : i32
    %broadcast_in_dim3A_1414 = vector.broadcast %rem3A_1413 : i32 to vector<16xi32>
    %add3A_1415 = arith.constant 6 : i32
    %add3A_1416 = arith.addi %mul3A_1031, %add3A_1415 : i32
    %broadcast_in_dim3A_1417 = vector.broadcast %add3A_1416 : i32 to vector<16xi32>
    %gather3A_1418 = tpu.vector_load_idx %arg16[%broadcast_in_dim3A_1417, %iota3A, %broadcast_in_dim3A_1414] : memref<32x16x128xf32, #tpu.memory_space<vmem>>[vector<16xi32>, vector<16xi32>, vector<16xi32>], vector<16xf32>,
    %broadcast_in_dim3A_1419 = arith.constant 502 : i32
    %broadcast_in_dim3A_1420 = vector.broadcast %broadcast_in_dim3A_1419 : i32 to vector<16xi32>
    tpu.vector_store_idx %arg17[%iota3A, %broadcast_in_dim3A_1420], %gather3A_1418 : memref<74x512xf32, #tpu.memory_space<vmem>>[vector<16xi32>, vector<16xi32>], vector<16xf32>,
    %eq3A_1421 = arith.constant 7 : i32
    %eq3A_1422 = vector.broadcast %eq3A_1421 : i32 to vector<16xi32>
    %eq3A_1423 = arith.cmpi eq, %iota3A, %eq3A_1422 : vector<16xi32>
    %jit3A_1424 = arith.constant 0 : i32
    %broadcast_in_dim3A_1425 = vector.broadcast %jit3A_1424 : i32 to vector<16xi32>
    %select_n3A_1426 = arith.select %eq3A_1423, %get3A_1026, %broadcast_in_dim3A_1425 : vector<16xi1>, vector<16xi32>
    %reduce_sum3A_1427 = arith.constant true
    %reduce_sum3A_1428 = vector.broadcast %reduce_sum3A_1427 : i1 to vector<16xi1>
    %reduce_sum3A_1429 = tpu.scan <sum>, %select_n3A_1426 masked %reduce_sum3A_1428 : vector<16xi32>, vector<16xi1> -> vector<16xi32>
    %reduce_sum3A_1430 = vector.extract %reduce_sum3A_1429[15] : i32 from vector<16xi32>
    %rem3A_1431 = arith.constant 128 : i32
    %rem3A_1432 = arith.remsi %reduce_sum3A_1430, %rem3A_1431 : i32
    %broadcast_in_dim3A_1433 = vector.broadcast %rem3A_1432 : i32 to vector<16xi32>
    %add3A_1434 = arith.constant 7 : i32
    %add3A_1435 = arith.addi %mul3A_1031, %add3A_1434 : i32
    %broadcast_in_dim3A_1436 = vector.broadcast %add3A_1435 : i32 to vector<16xi32>
    %gather3A_1437 = tpu.vector_load_idx %arg16[%broadcast_in_dim3A_1436, %iota3A, %broadcast_in_dim3A_1433] : memref<32x16x128xf32, #tpu.memory_space<vmem>>[vector<16xi32>, vector<16xi32>, vector<16xi32>], vector<16xf32>,
    %broadcast_in_dim3A_1438 = arith.constant 503 : i32
    %broadcast_in_dim3A_1439 = vector.broadcast %broadcast_in_dim3A_1438 : i32 to vector<16xi32>
    tpu.vector_store_idx %arg17[%iota3A, %broadcast_in_dim3A_1439], %gather3A_1437 : memref<74x512xf32, #tpu.memory_space<vmem>>[vector<16xi32>, vector<16xi32>], vector<16xf32>,
    %eq3A_1440 = arith.constant 8 : i32
    %eq3A_1441 = vector.broadcast %eq3A_1440 : i32 to vector<16xi32>
    %eq3A_1442 = arith.cmpi eq, %iota3A, %eq3A_1441 : vector<16xi32>
    %jit3A_1443 = arith.constant 0 : i32
    %broadcast_in_dim3A_1444 = vector.broadcast %jit3A_1443 : i32 to vector<16xi32>
    %select_n3A_1445 = arith.select %eq3A_1442, %get3A_1026, %broadcast_in_dim3A_1444 : vector<16xi1>, vector<16xi32>
    %reduce_sum3A_1446 = arith.constant true
    %reduce_sum3A_1447 = vector.broadcast %reduce_sum3A_1446 : i1 to vector<16xi1>
    %reduce_sum3A_1448 = tpu.scan <sum>, %select_n3A_1445 masked %reduce_sum3A_1447 : vector<16xi32>, vector<16xi1> -> vector<16xi32>
    %reduce_sum3A_1449 = vector.extract %reduce_sum3A_1448[15] : i32 from vector<16xi32>
    %rem3A_1450 = arith.constant 128 : i32
    %rem3A_1451 = arith.remsi %reduce_sum3A_1449, %rem3A_1450 : i32
    %broadcast_in_dim3A_1452 = vector.broadcast %rem3A_1451 : i32 to vector<16xi32>
    %add3A_1453 = arith.constant 8 : i32
    %add3A_1454 = arith.addi %mul3A_1031, %add3A_1453 : i32
    %broadcast_in_dim3A_1455 = vector.broadcast %add3A_1454 : i32 to vector<16xi32>
    %gather3A_1456 = tpu.vector_load_idx %arg16[%broadcast_in_dim3A_1455, %iota3A, %broadcast_in_dim3A_1452] : memref<32x16x128xf32, #tpu.memory_space<vmem>>[vector<16xi32>, vector<16xi32>, vector<16xi32>], vector<16xf32>,
    %broadcast_in_dim3A_1457 = arith.constant 504 : i32
    %broadcast_in_dim3A_1458 = vector.broadcast %broadcast_in_dim3A_1457 : i32 to vector<16xi32>
    tpu.vector_store_idx %arg17[%iota3A, %broadcast_in_dim3A_1458], %gather3A_1456 : memref<74x512xf32, #tpu.memory_space<vmem>>[vector<16xi32>, vector<16xi32>], vector<16xf32>,
    %eq3A_1459 = arith.constant 9 : i32
    %eq3A_1460 = vector.broadcast %eq3A_1459 : i32 to vector<16xi32>
    %eq3A_1461 = arith.cmpi eq, %iota3A, %eq3A_1460 : vector<16xi32>
    %jit3A_1462 = arith.constant 0 : i32
    %broadcast_in_dim3A_1463 = vector.broadcast %jit3A_1462 : i32 to vector<16xi32>
    %select_n3A_1464 = arith.select %eq3A_1461, %get3A_1026, %broadcast_in_dim3A_1463 : vector<16xi1>, vector<16xi32>
    %reduce_sum3A_1465 = arith.constant true
    %reduce_sum3A_1466 = vector.broadcast %reduce_sum3A_1465 : i1 to vector<16xi1>
    %reduce_sum3A_1467 = tpu.scan <sum>, %select_n3A_1464 masked %reduce_sum3A_1466 : vector<16xi32>, vector<16xi1> -> vector<16xi32>
    %reduce_sum3A_1468 = vector.extract %reduce_sum3A_1467[15] : i32 from vector<16xi32>
    %rem3A_1469 = arith.constant 128 : i32
    %rem3A_1470 = arith.remsi %reduce_sum3A_1468, %rem3A_1469 : i32
    %broadcast_in_dim3A_1471 = vector.broadcast %rem3A_1470 : i32 to vector<16xi32>
    %add3A_1472 = arith.constant 9 : i32
    %add3A_1473 = arith.addi %mul3A_1031, %add3A_1472 : i32
    %broadcast_in_dim3A_1474 = vector.broadcast %add3A_1473 : i32 to vector<16xi32>
    %gather3A_1475 = tpu.vector_load_idx %arg16[%broadcast_in_dim3A_1474, %iota3A, %broadcast_in_dim3A_1471] : memref<32x16x128xf32, #tpu.memory_space<vmem>>[vector<16xi32>, vector<16xi32>, vector<16xi32>], vector<16xf32>,
    %broadcast_in_dim3A_1476 = arith.constant 505 : i32
    %broadcast_in_dim3A_1477 = vector.broadcast %broadcast_in_dim3A_1476 : i32 to vector<16xi32>
    tpu.vector_store_idx %arg17[%iota3A, %broadcast_in_dim3A_1477], %gather3A_1475 : memref<74x512xf32, #tpu.memory_space<vmem>>[vector<16xi32>, vector<16xi32>], vector<16xf32>,
    %eq3A_1478 = arith.constant 10 : i32
    %eq3A_1479 = vector.broadcast %eq3A_1478 : i32 to vector<16xi32>
    %eq3A_1480 = arith.cmpi eq, %iota3A, %eq3A_1479 : vector<16xi32>
    %jit3A_1481 = arith.constant 0 : i32
    %broadcast_in_dim3A_1482 = vector.broadcast %jit3A_1481 : i32 to vector<16xi32>
    %select_n3A_1483 = arith.select %eq3A_1480, %get3A_1026, %broadcast_in_dim3A_1482 : vector<16xi1>, vector<16xi32>
    %reduce_sum3A_1484 = arith.constant true
    %reduce_sum3A_1485 = vector.broadcast %reduce_sum3A_1484 : i1 to vector<16xi1>
    %reduce_sum3A_1486 = tpu.scan <sum>, %select_n3A_1483 masked %reduce_sum3A_1485 : vector<16xi32>, vector<16xi1> -> vector<16xi32>
    %reduce_sum3A_1487 = vector.extract %reduce_sum3A_1486[15] : i32 from vector<16xi32>
    %rem3A_1488 = arith.constant 128 : i32
    %rem3A_1489 = arith.remsi %reduce_sum3A_1487, %rem3A_1488 : i32
    %broadcast_in_dim3A_1490 = vector.broadcast %rem3A_1489 : i32 to vector<16xi32>
    %add3A_1491 = arith.constant 10 : i32
    %add3A_1492 = arith.addi %mul3A_1031, %add3A_1491 : i32
    %broadcast_in_dim3A_1493 = vector.broadcast %add3A_1492 : i32 to vector<16xi32>
    %gather3A_1494 = tpu.vector_load_idx %arg16[%broadcast_in_dim3A_1493, %iota3A, %broadcast_in_dim3A_1490] : memref<32x16x128xf32, #tpu.memory_space<vmem>>[vector<16xi32>, vector<16xi32>, vector<16xi32>], vector<16xf32>,
    %broadcast_in_dim3A_1495 = arith.constant 506 : i32
    %broadcast_in_dim3A_1496 = vector.broadcast %broadcast_in_dim3A_1495 : i32 to vector<16xi32>
    tpu.vector_store_idx %arg17[%iota3A, %broadcast_in_dim3A_1496], %gather3A_1494 : memref<74x512xf32, #tpu.memory_space<vmem>>[vector<16xi32>, vector<16xi32>], vector<16xf32>,
    %eq3A_1497 = arith.constant 11 : i32
    %eq3A_1498 = vector.broadcast %eq3A_1497 : i32 to vector<16xi32>
    %eq3A_1499 = arith.cmpi eq, %iota3A, %eq3A_1498 : vector<16xi32>
    %jit3A_1500 = arith.constant 0 : i32
    %broadcast_in_dim3A_1501 = vector.broadcast %jit3A_1500 : i32 to vector<16xi32>
    %select_n3A_1502 = arith.select %eq3A_1499, %get3A_1026, %broadcast_in_dim3A_1501 : vector<16xi1>, vector<16xi32>
    %reduce_sum3A_1503 = arith.constant true
    %reduce_sum3A_1504 = vector.broadcast %reduce_sum3A_1503 : i1 to vector<16xi1>
    %reduce_sum3A_1505 = tpu.scan <sum>, %select_n3A_1502 masked %reduce_sum3A_1504 : vector<16xi32>, vector<16xi1> -> vector<16xi32>
    %reduce_sum3A_1506 = vector.extract %reduce_sum3A_1505[15] : i32 from vector<16xi32>
    %rem3A_1507 = arith.constant 128 : i32
    %rem3A_1508 = arith.remsi %reduce_sum3A_1506, %rem3A_1507 : i32
    %broadcast_in_dim3A_1509 = vector.broadcast %rem3A_1508 : i32 to vector<16xi32>
    %add3A_1510 = arith.constant 11 : i32
    %add3A_1511 = arith.addi %mul3A_1031, %add3A_1510 : i32
    %broadcast_in_dim3A_1512 = vector.broadcast %add3A_1511 : i32 to vector<16xi32>
    %gather3A_1513 = tpu.vector_load_idx %arg16[%broadcast_in_dim3A_1512, %iota3A, %broadcast_in_dim3A_1509] : memref<32x16x128xf32, #tpu.memory_space<vmem>>[vector<16xi32>, vector<16xi32>, vector<16xi32>], vector<16xf32>,
    %broadcast_in_dim3A_1514 = arith.constant 507 : i32
    %broadcast_in_dim3A_1515 = vector.broadcast %broadcast_in_dim3A_1514 : i32 to vector<16xi32>
    tpu.vector_store_idx %arg17[%iota3A, %broadcast_in_dim3A_1515], %gather3A_1513 : memref<74x512xf32, #tpu.memory_space<vmem>>[vector<16xi32>, vector<16xi32>], vector<16xf32>,
    %eq3A_1516 = arith.constant 12 : i32
    %eq3A_1517 = vector.broadcast %eq3A_1516 : i32 to vector<16xi32>
    %eq3A_1518 = arith.cmpi eq, %iota3A, %eq3A_1517 : vector<16xi32>
    %jit3A_1519 = arith.constant 0 : i32
    %broadcast_in_dim3A_1520 = vector.broadcast %jit3A_1519 : i32 to vector<16xi32>
    %select_n3A_1521 = arith.select %eq3A_1518, %get3A_1026, %broadcast_in_dim3A_1520 : vector<16xi1>, vector<16xi32>
    %reduce_sum3A_1522 = arith.constant true
    %reduce_sum3A_1523 = vector.broadcast %reduce_sum3A_1522 : i1 to vector<16xi1>
    %reduce_sum3A_1524 = tpu.scan <sum>, %select_n3A_1521 masked %reduce_sum3A_1523 : vector<16xi32>, vector<16xi1> -> vector<16xi32>
    %reduce_sum3A_1525 = vector.extract %reduce_sum3A_1524[15] : i32 from vector<16xi32>
    %rem3A_1526 = arith.constant 128 : i32
    %rem3A_1527 = arith.remsi %reduce_sum3A_1525, %rem3A_1526 : i32
    %broadcast_in_dim3A_1528 = vector.broadcast %rem3A_1527 : i32 to vector<16xi32>
    %add3A_1529 = arith.constant 12 : i32
    %add3A_1530 = arith.addi %mul3A_1031, %add3A_1529 : i32
    %broadcast_in_dim3A_1531 = vector.broadcast %add3A_1530 : i32 to vector<16xi32>
    %gather3A_1532 = tpu.vector_load_idx %arg16[%broadcast_in_dim3A_1531, %iota3A, %broadcast_in_dim3A_1528] : memref<32x16x128xf32, #tpu.memory_space<vmem>>[vector<16xi32>, vector<16xi32>, vector<16xi32>], vector<16xf32>,
    %broadcast_in_dim3A_1533 = arith.constant 508 : i32
    %broadcast_in_dim3A_1534 = vector.broadcast %broadcast_in_dim3A_1533 : i32 to vector<16xi32>
    tpu.vector_store_idx %arg17[%iota3A, %broadcast_in_dim3A_1534], %gather3A_1532 : memref<74x512xf32, #tpu.memory_space<vmem>>[vector<16xi32>, vector<16xi32>], vector<16xf32>,
    %eq3A_1535 = arith.constant 13 : i32
    %eq3A_1536 = vector.broadcast %eq3A_1535 : i32 to vector<16xi32>
    %eq3A_1537 = arith.cmpi eq, %iota3A, %eq3A_1536 : vector<16xi32>
    %jit3A_1538 = arith.constant 0 : i32
    %broadcast_in_dim3A_1539 = vector.broadcast %jit3A_1538 : i32 to vector<16xi32>
    %select_n3A_1540 = arith.select %eq3A_1537, %get3A_1026, %broadcast_in_dim3A_1539 : vector<16xi1>, vector<16xi32>
    %reduce_sum3A_1541 = arith.constant true
    %reduce_sum3A_1542 = vector.broadcast %reduce_sum3A_1541 : i1 to vector<16xi1>
    %reduce_sum3A_1543 = tpu.scan <sum>, %select_n3A_1540 masked %reduce_sum3A_1542 : vector<16xi32>, vector<16xi1> -> vector<16xi32>
    %reduce_sum3A_1544 = vector.extract %reduce_sum3A_1543[15] : i32 from vector<16xi32>
    %rem3A_1545 = arith.constant 128 : i32
    %rem3A_1546 = arith.remsi %reduce_sum3A_1544, %rem3A_1545 : i32
    %broadcast_in_dim3A_1547 = vector.broadcast %rem3A_1546 : i32 to vector<16xi32>
    %add3A_1548 = arith.constant 13 : i32
    %add3A_1549 = arith.addi %mul3A_1031, %add3A_1548 : i32
    %broadcast_in_dim3A_1550 = vector.broadcast %add3A_1549 : i32 to vector<16xi32>
    %gather3A_1551 = tpu.vector_load_idx %arg16[%broadcast_in_dim3A_1550, %iota3A, %broadcast_in_dim3A_1547] : memref<32x16x128xf32, #tpu.memory_space<vmem>>[vector<16xi32>, vector<16xi32>, vector<16xi32>], vector<16xf32>,
    %broadcast_in_dim3A_1552 = arith.constant 509 : i32
    %broadcast_in_dim3A_1553 = vector.broadcast %broadcast_in_dim3A_1552 : i32 to vector<16xi32>
    tpu.vector_store_idx %arg17[%iota3A, %broadcast_in_dim3A_1553], %gather3A_1551 : memref<74x512xf32, #tpu.memory_space<vmem>>[vector<16xi32>, vector<16xi32>], vector<16xf32>,
    %eq3A_1554 = arith.constant 14 : i32
    %eq3A_1555 = vector.broadcast %eq3A_1554 : i32 to vector<16xi32>
    %eq3A_1556 = arith.cmpi eq, %iota3A, %eq3A_1555 : vector<16xi32>
    %jit3A_1557 = arith.constant 0 : i32
    %broadcast_in_dim3A_1558 = vector.broadcast %jit3A_1557 : i32 to vector<16xi32>
    %select_n3A_1559 = arith.select %eq3A_1556, %get3A_1026, %broadcast_in_dim3A_1558 : vector<16xi1>, vector<16xi32>
    %reduce_sum3A_1560 = arith.constant true
    %reduce_sum3A_1561 = vector.broadcast %reduce_sum3A_1560 : i1 to vector<16xi1>
    %reduce_sum3A_1562 = tpu.scan <sum>, %select_n3A_1559 masked %reduce_sum3A_1561 : vector<16xi32>, vector<16xi1> -> vector<16xi32>
    %reduce_sum3A_1563 = vector.extract %reduce_sum3A_1562[15] : i32 from vector<16xi32>
    %rem3A_1564 = arith.constant 128 : i32
    %rem3A_1565 = arith.remsi %reduce_sum3A_1563, %rem3A_1564 : i32
    %broadcast_in_dim3A_1566 = vector.broadcast %rem3A_1565 : i32 to vector<16xi32>
    %add3A_1567 = arith.constant 14 : i32
    %add3A_1568 = arith.addi %mul3A_1031, %add3A_1567 : i32
    %broadcast_in_dim3A_1569 = vector.broadcast %add3A_1568 : i32 to vector<16xi32>
    %gather3A_1570 = tpu.vector_load_idx %arg16[%broadcast_in_dim3A_1569, %iota3A, %broadcast_in_dim3A_1566] : memref<32x16x128xf32, #tpu.memory_space<vmem>>[vector<16xi32>, vector<16xi32>, vector<16xi32>], vector<16xf32>,
    %broadcast_in_dim3A_1571 = arith.constant 510 : i32
    %broadcast_in_dim3A_1572 = vector.broadcast %broadcast_in_dim3A_1571 : i32 to vector<16xi32>
    tpu.vector_store_idx %arg17[%iota3A, %broadcast_in_dim3A_1572], %gather3A_1570 : memref<74x512xf32, #tpu.memory_space<vmem>>[vector<16xi32>, vector<16xi32>], vector<16xf32>,
    %eq3A_1573 = arith.constant 15 : i32
    %eq3A_1574 = vector.broadcast %eq3A_1573 : i32 to vector<16xi32>
    %eq3A_1575 = arith.cmpi eq, %iota3A, %eq3A_1574 : vector<16xi32>
    %jit3A_1576 = arith.constant 0 : i32
    %broadcast_in_dim3A_1577 = vector.broadcast %jit3A_1576 : i32 to vector<16xi32>
    %select_n3A_1578 = arith.select %eq3A_1575, %get3A_1026, %broadcast_in_dim3A_1577 : vector<16xi1>, vector<16xi32>
    %reduce_sum3A_1579 = arith.constant true
    %reduce_sum3A_1580 = vector.broadcast %reduce_sum3A_1579 : i1 to vector<16xi1>
    %reduce_sum3A_1581 = tpu.scan <sum>, %select_n3A_1578 masked %reduce_sum3A_1580 : vector<16xi32>, vector<16xi1> -> vector<16xi32>
    %reduce_sum3A_1582 = vector.extract %reduce_sum3A_1581[15] : i32 from vector<16xi32>
    %rem3A_1583 = arith.constant 128 : i32
    %rem3A_1584 = arith.remsi %reduce_sum3A_1582, %rem3A_1583 : i32
    %broadcast_in_dim3A_1585 = vector.broadcast %rem3A_1584 : i32 to vector<16xi32>
    %add3A_1586 = arith.constant 15 : i32
    %add3A_1587 = arith.addi %mul3A_1031, %add3A_1586 : i32
    %broadcast_in_dim3A_1588 = vector.broadcast %add3A_1587 : i32 to vector<16xi32>
    %gather3A_1589 = tpu.vector_load_idx %arg16[%broadcast_in_dim3A_1588, %iota3A, %broadcast_in_dim3A_1585] : memref<32x16x128xf32, #tpu.memory_space<vmem>>[vector<16xi32>, vector<16xi32>, vector<16xi32>], vector<16xf32>,
    %broadcast_in_dim3A_1590 = arith.constant 511 : i32
    %broadcast_in_dim3A_1591 = vector.broadcast %broadcast_in_dim3A_1590 : i32 to vector<16xi32>
    tpu.vector_store_idx %arg17[%iota3A, %broadcast_in_dim3A_1591], %gather3A_1589 : memref<74x512xf32, #tpu.memory_space<vmem>>[vector<16xi32>, vector<16xi32>], vector<16xf32>,
    %dma_wait3A_1592 = arith.constant 64 : i32
    %dma_wait3A_1593 = arith.constant 0 : i32
    %dma_wait3A_1594 = tpu.memref_slice %arg17[%dma_wait3A_1592, %dma_wait3A_1593] : memref<74x512xf32, #tpu.memory_space<vmem>> -> memref<10x512xf32, #tpu.memory_space<vmem>>
    %dma_wait3A_1595 = arith.constant 0 : i32
    %dma_wait3A_1596 = tpu.memref_slice %arg10[%dma_wait3A_1595, %mul3A_2] : memref<10x16384xf32, #tpu.memory_space<hbm>> -> memref<10x512xf32, #tpu.memory_space<hbm>>
    %dma_wait3A_1597 = arith.constant 64 : i32
    %dma_wait3A_1598 = arith.constant 0 : i32
    %dma_wait3A_1599 = tpu.memref_slice %arg17[%dma_wait3A_1597, %dma_wait3A_1598] : memref<74x512xf32, #tpu.memory_space<vmem>> -> memref<10x512xf32, #tpu.memory_space<vmem>>
    %dma_wait3A_1600 = arith.constant 0 : i32
    %dma_wait3A_1601 = tpu.memref_slice %arg10[%dma_wait3A_1600, %mul3A_2] : memref<10x16384xf32, #tpu.memory_space<hbm>> -> memref<10x512xf32, #tpu.memory_space<hbm>>
    tpu.wait_dma2 semaphore(%arg22 : memref<!tpu.dma_semaphore, #tpu.memory_space<semaphore_mem>>) src(%dma_wait3A_1601 : memref<10x512xf32, #tpu.memory_space<hbm>>) dst(%dma_wait3A_1599 : memref<10x512xf32, #tpu.memory_space<vmem>>)
    "tpu.region"() ({
      %run_scoped3A = tpu.sem_alloc : memref<!tpu.dma_semaphore, #tpu.memory_space<semaphore_mem>>
      %dma_start3A_1602 = arith.constant 0 : i32
      %dma_start3A_1603 = tpu.memref_slice %arg11[%dma_start3A_1602, %mul3A_2] : memref<74x16384xf32, #tpu.memory_space<hbm>> -> memref<74x512xf32, #tpu.memory_space<hbm>>
      %dma_start3A_1604 = arith.constant 0 : i32
      %dma_start3A_1605 = tpu.memref_slice %arg11[%dma_start3A_1604, %mul3A_2] : memref<74x16384xf32, #tpu.memory_space<hbm>> -> memref<74x512xf32, #tpu.memory_space<hbm>>
      tpu.enqueue_dma source(%arg17 : memref<74x512xf32, #tpu.memory_space<vmem>>) target(%dma_start3A_1605 : memref<74x512xf32, #tpu.memory_space<hbm>>) target_semaphore(%run_scoped3A : memref<!tpu.dma_semaphore, #tpu.memory_space<semaphore_mem>>)
      %dma_wait3A_1606 = arith.constant 0 : i32
      %dma_wait3A_1607 = tpu.memref_slice %arg11[%dma_wait3A_1606, %mul3A_2] : memref<74x16384xf32, #tpu.memory_space<hbm>> -> memref<74x512xf32, #tpu.memory_space<hbm>>
      %dma_wait3A_1608 = arith.constant 0 : i32
      %dma_wait3A_1609 = tpu.memref_slice %arg11[%dma_wait3A_1608, %mul3A_2] : memref<74x16384xf32, #tpu.memory_space<hbm>> -> memref<74x512xf32, #tpu.memory_space<hbm>>
      tpu.wait_dma2 semaphore(%run_scoped3A : memref<!tpu.dma_semaphore, #tpu.memory_space<semaphore_mem>>) src(%arg17 : memref<74x512xf32, #tpu.memory_space<vmem>>) dst(%dma_wait3A_1609 : memref<74x512xf32, #tpu.memory_space<hbm>>)
      tpu.yield
    }) : () -> ()
    return
  }
}

module attributes {stable_mosaic.version = 14 : i64} {
  func.func @_poi_body(%arg0: memref<10x85xf32, #tpu.memory_space<vmem>>, %arg1: memref<85x16384xf32, #tpu.memory_space<vmem>>, %arg2: memref<10x1xf32, #tpu.memory_space<vmem>>, %arg3: memref<10x16384xf32, #tpu.memory_space<vmem>>) attributes {dimension_semantics = [], scalar_prefetch = 0 : i64, scratch_operands = 0 : i64, tpu.core_type = #tpu.core_type<tc>} {
    %get3A = arith.constant 0 : index
    %get3A_0 = arith.constant 0 : index
    %get3A_1 = vector.load %arg0[%get3A, %get3A_0] : memref<10x85xf32, #tpu.memory_space<vmem>>, vector<10x85xf32>
    %get3A_2 = arith.constant 0 : index
    %get3A_3 = arith.constant 0 : index
    %get3A_4 = vector.load %arg1[%get3A_2, %get3A_3] : memref<85x16384xf32, #tpu.memory_space<vmem>>, vector<85x16384xf32>
    %dot_general3A = arith.constant dense<0.000000e+00> : vector<10x16384xf32>
    %dot_general3A_5 = tpu.matmul %get3A_1, %get3A_4, %dot_general3A {dimension_numbers = #tpu.dot_dimension_numbers<[1], [0], [0], [1], [0, 0, 1, 1], [], []>, transpose_lhs_hint = false} : vector<10x85xf32>, vector<85x16384xf32>, vector<10x16384xf32> -> vector<10x16384xf32>
    %get3A_6 = arith.constant 0 : index
    %get3A_7 = arith.constant 0 : index
    %get3A_8 = vector.load %arg2[%get3A_6, %get3A_7] : memref<10x1xf32, #tpu.memory_space<vmem>>, vector<10x1xf32>
    %add3A = vector.broadcast %get3A_8 : vector<10x1xf32> to vector<10x16384xf32>
    %add3A_9 = arith.addf %dot_general3A_5, %add3A : vector<10x16384xf32>
    %max3A = arith.constant 0.000000e+00 : f32
    %max3A_10 = vector.broadcast %max3A : f32 to vector<10x16384xf32>
    %max3A_11 = arith.maximumf %add3A_9, %max3A_10 : vector<10x16384xf32>
    %swap3A = arith.constant 0 : index
    %swap3A_12 = arith.constant 0 : index
    %swap3A_13 = vector.load %arg3[%swap3A, %swap3A_12] : memref<10x16384xf32, #tpu.memory_space<vmem>>, vector<10x16384xf32>
    tpu.vector_store %arg3[%swap3A, %swap3A_12], %max3A_11 {strides = array<i32>} : memref<10x16384xf32, #tpu.memory_space<vmem>>, vector<10x16384xf32>,
    return
  }
}

</mosaic_0001>

<sc_bundles>
// kernel: kernel.4.cloned.1.call-start
scs
__scs_entry_jumppad:
0x0: {  	(pc) =	sbr.rel $0x88, $3  }
0x1: {  	(tag) =	ssettag $0x0;
	lr =	simm.s32 $0x1  }
0x2: {  	[smem:$0x3F96] =	sst lr;
	_ =	strace $0xD0000000  }
0x3: {  	_ = 	snop  }
0x4: {  	_ = 	snop  }
0x5: {  	_ = 	snop  }
0x6: {  	_ = 	snop  }
0x7: {  	_ = 	snop  }
__scs_overlays_trampoline_lowered:
0x8: {  	[smem:$0x3FA5] =	sst s0  }
0x9: {  	[smem:$0x3FA6] =	sst s1  }
0xa: {  	[smem:$0x3FA7] =	sst s2  }
0xb: {  	[smem:$0x3FA8] =	sst s3  }
0xc: {  	[smem:$0x3FA9] =	sst s4  }
0xd: {  	[smem:$0x3FAA] =	sst s5  }
0xe: {  	[smem:$0x3FAB] =	sst s6  }
0xf: {  	[smem:$0x3FAC] =	sst s7  }
0x10: {  	[smem:$0x3FAD] =	sst s8  }
0x11: {  	[smem:$0x3FAE] =	sst s9;
	s0 =	simm.s32 @!p0 $0x0  }
0x12: {  	s1 =	sld [smem:$0x3F94];
	s0 =	simm.s32 @p0 $0x1  }
0x13: {  	[smem:$0x3FAF] =	sst s0;
	s0 =	simm.s32 @!p1 $0x0  }
0x14: {  	s2 =	sld [smem:$0x3F93];
	s0 =	simm.s32 @p1 $0x1  }
0x15: {  	[smem:$0x3FB0] =	sst s0;
	s0 =	simm.s32 @!p2 $0x0  }
0x16: {  	s3 =	sld [smem:$0x3FDB];
	s0 =	simm.s32 @p2 $0x1  }
0x17: {  	s4 =	simm.s32 $0x1BF5;
	[smem:$0x3FB2] =	sst s0  }
0x18: {  	s0 =	sld [smem:$0x3F95];
	_ =	swait.ge [sflag:s4], $0x0  }
0x19: {  	s7 =	sld [smem:$0x3F96]  }
0x1a: {  	s8 =	sadd.s32 $0xFFFFE003, lr  }
0x1b: {  	s9 =	sadd.s32 $0xFFFFFEF7, lr;
	s5 =	simm.s32 $0xFFFFFFFF;
	p2 =	slt.u32 s8, $0xFFFFF086  }
0x1c: {  	p1 =	slt.u32 s9, $0xF7A;
	s5 =	simm.s32 @!p2 $0x0  }
0x1d: {  	s5 =	simm.s32 @p1 $0x1;
	p0 =	seq.s32 s7, s2  }
0x1e: {  	s7 =	smul.u32 @!p0 $0xF7A, s2;
	p2 =	seq.s32 @!p0 s5, $0x0  }
0x1f: {  	s9 =	smul.u32 $0xF7A, s1;
	s8 =	simm.s32 @!p0 $0x1BF5;
	p2 =	por !p2, p0  }
0x20: {  	[sflag:s8] =	ssyncset.s32 @!p0 $0xFFFFF086;
	s6 =	sadd.s32 @!p0 s3, s7;
	s7 =	simm.s32 @!p0 $0x108  }
0x21: {  	s3 =	sadd.s32 s3, s9;
	s6 =	sadd.s32 @!p0 $0x88, s6;
	s7 =	simm.s32 @p2 $0x1082  }
0x22: {  	[simem:s7], [sflag:s8] =	dma.local @!p0 [hbm:s6], $0xF7A  }
0x23: {  	s9 =	sor.u32 $0xD0000000, s2;
	s6 =	simm.s32 $0x108;
	_ =	swait.ge @!p0 [sflag:s8], $0x0  }
0x24: {  	s3 =	sadd.s32 $0x88, s3;
	s6 =	simm.s32 @!p1 $0x1082;
	[sflag:s4] =	ssyncset.s32 $0xFFFFF086  }
0x25: {  	[simem:s6], [sflag:s4] =	dma.local [hbm:s3], $0xF7A  }
0x26: {  	[smem:$0x3F96] =	sst s1;
	(tag) =	ssettag s2;
	_ =	strace s9  }
0x27: {  	s1 =	sld [smem:$0x3FA6]  }
0x28: {  	s2 =	sld [smem:$0x3FA7]  }
0x29: {  	s4 =	sld [smem:$0x3FA9]  }
0x2a: {  	p0 =	seq.s32 s5, $0x0;
	s5 =	sld [smem:$0x3FAA]  }
0x2b: {  	s6 =	sld [smem:$0x3FAB]  }
0x2c: {  	s7 =	sld [smem:$0x3FAC]  }
0x2d: {  	s3 =	simm.s32 $0x108;
	s8 =	sld [smem:$0x3FAD]  }
0x2e: {  	s3 =	simm.s32 @!p0 $0x1082;
	s9 =	sld [smem:$0x3FAE]  }
0x2f: {  	lr =	sadd.s32 s0, s3;
	s0 =	sld [smem:$0x3FA5]  }
0x30: {  	s3 =	sld [smem:$0x3FA8]  }
0x31: {  	[smem:$0x3FB1] =	sst s10  }
0x32: {  	s10 =	sld [smem:$0x3FAF];
	_ =	sdelay $0x3  }
0x33: {  	p0 =	seq.s32 s10, $0x1;
	s10 =	sld [smem:$0x3FB1];
	_ =	sdelay $0x3  }
0x34: {  	[smem:$0x3FB1] =	sst s10  }
0x35: {  	s10 =	sld [smem:$0x3FB0];
	_ =	sdelay $0x3  }
0x36: {  	p1 =	seq.s32 s10, $0x1;
	s10 =	sld [smem:$0x3FB1];
	_ =	sdelay $0x3  }
0x37: {  	[smem:$0x3FB1] =	sst s10  }
0x38: {  	s10 =	sld [smem:$0x3FB2]  }
0x39: {  	_ = 	snop;
	(pc) =	sbr.ind lr, $3  }
0x3a: {  	_ = 	snop  }
0x3b: {  	_ = 	snop  }
0x3c: {  	p2 =	seq.s32 s10, $0x1;
	s10 =	sld [smem:$0x3FB1]  }
0x3d: {  	_ =	shalt  }
0x3e: {  	_ =	shalt  }
0x3f: {  	_ =	shalt  }
0x40: {  	_ =	shalt  }
0x41: {  	_ =	shalt  }
0x42: {  	_ =	shalt  }
0x43: {  	_ =	shalt  }
0x44: {  	_ =	shalt  }
0x45: {  	_ =	shalt  }
0x46: {  	_ =	shalt  }
0x47: {  	_ =	shalt  }
0x48: {  	_ =	shalt  }
0x49: {  	_ =	shalt  }
0x4a: {  	_ =	shalt  }
0x4b: {  	_ =	shalt  }
0x4c: {  	_ =	shalt  }
0x4d: {  	_ =	shalt  }
0x4e: {  	_ =	shalt  }
0x4f: {  	_ =	shalt  }
0x50: {  	_ =	shalt  }
0x51: {  	_ =	shalt  }
0x52: {  	_ =	shalt  }
0x53: {  	_ =	shalt  }
0x54: {  	_ =	shalt  }
0x55: {  	_ =	shalt  }
0x56: {  	_ =	shalt  }
0x57: {  	_ =	shalt  }
0x58: {  	_ =	shalt  }
0x59: {  	_ =	shalt  }
0x5a: {  	_ =	shalt  }
0x5b: {  	_ =	shalt  }
0x5c: {  	_ =	shalt  }
0x5d: {  	_ =	shalt  }
0x5e: {  	_ =	shalt  }
0x5f: {  	_ =	shalt  }
0x60: {  	_ =	shalt  }
0x61: {  	_ =	shalt  }
0x62: {  	_ =	shalt  }
0x63: {  	_ =	shalt  }
0x64: {  	_ =	shalt  }
0x65: {  	_ =	shalt  }
0x66: {  	_ =	shalt  }
0x67: {  	_ =	shalt  }
0x68: {  	_ =	shalt  }
0x69: {  	_ =	shalt  }
0x6a: {  	_ =	shalt  }
0x6b: {  	_ =	shalt  }
0x6c: {  	_ =	shalt  }
0x6d: {  	_ =	shalt  }
0x6e: {  	_ =	shalt  }
0x6f: {  	_ =	shalt  }
0x70: {  	_ =	shalt  }
0x71: {  	_ =	shalt  }
0x72: {  	_ =	shalt  }
0x73: {  	_ =	shalt  }
0x74: {  	_ =	shalt  }
0x75: {  	_ =	shalt  }
0x76: {  	_ =	shalt  }
0x77: {  	_ =	shalt  }
0x78: {  	_ =	shalt  }
0x79: {  	_ =	shalt  }
0x7a: {  	_ =	shalt  }
0x7b: {  	_ =	shalt  }
0x7c: {  	_ =	shalt  }
0x7d: {  	_ =	shalt  }
0x7e: {  	_ =	shalt  }
0x7f: {  	_ =	shalt  }
0x80: {  	_ =	shalt  }
0x81: {  	_ =	shalt  }
0x82: {  	_ =	shalt  }
0x83: {  	_ =	shalt  }
0x84: {  	_ =	shalt  }
0x85: {  	_ =	shalt  }
0x86: {  	_ =	shalt  }
0x87: {  	_ =	shalt  }
.Lfunc_end0:
.L_simem_size_0:
called_computation_lowered:
.L_overlay_start_0:
0x88: {  	s2 =	sld [smem:$0x3FD9]  }
0x89: {  	s3 =	sld [smem:$0x3FFE];
	_ =	sdelay $0x1  }
0x8a: {  	s1 =	srdreg.scid  }
0x8b: {  	s0 =	sand.u32 $0x1, s1  }
0x8c: {  	s17 =	sshll.u32 s0, $0xA;
	s2 =	sadd.s32 s3, s2  }
0x8d: {  	s2 =	sadd.s32 s2, s17  }
0x8e: {  	[smem:$0x3FBD] =	sst s2  }
0x8f: {  	_ = 	snop  }
0x90: {  	s2 =	sld [smem:$0x3FC9]  }
0x91: {  	s18 =	sld [smem:$0x3FC8]  }
0x92: {  	s4 =	sld [smem:$0x3FC7]  }
0x93: {  	s5 =	sld [smem:$0x3FC6]  }
0x94: {  	s6 =	sld [smem:$0x3FC4]  }
0x95: {  	s7 =	sld [smem:$0x3FC3]  }
0x96: {  	s8 =	sld [smem:$0x3FC2]  }
0x97: {  	s9 =	sld [smem:$0x3FC1]  }
0x98: {  	s10 =	sld [smem:$0x3FD0];
	(tm) =	ssettm $0x1  }
0x99: {  	s11 =	sld [smem:$0x3FFB];
	_ =	sdelay $0x3  }
0x9a: {  	_ =	strace s11  }
0x9b: {  	s11 =	sld [smem:$0x3FFC];
	_ =	sdelay $0x3  }
0x9c: {  	_ =	strace s11  }
0x9d: {  	s11 =	sld [smem:$0x3FFD];
	_ =	sdelay $0x3  }
0x9e: {  	_ =	strace s11  }
0x9f: {  	_ =	strace $0x8FFFFFFF  }
0xa0: {  	s19 =	sld [smem:$0x3FDB];
	_ =	sdelay $0x1  }
0xa1: {  	s12 =	simm.s32 $_scs_section_size  }
0xa2: {  	s13 =	simm.s32 $_size__tile_overlayer_lowered;
	s14 =	simm.s32 $_tile_overlayer_lowered  }
0xa3: {  	s22 =	simm.s32 $0x1BFF;
	s21 =	sshll.u32 s14, $0x1;
	s11 =	sadd.s32 s12, s19  }
0xa4: {  	s15 =	simm.s32 $0x0;
	s20 =	sshll.u32 s13, $0x1;
	s13 =	sadd.s32 s21, s11  }
0xa5: {  	[timem:s15], [sflag:s22] =	dma.local [hbm:s13], s20  }
0xa6: {  	_ =	swait.ge [sflag:s22], s20  }
0xa7: {  	s12 =	ssub.s32 $0x0, s20;
	[sflag:s22] =	ssyncset.done $0x0  }
0xa8: {  	[sflag:s22] =	ssyncadd.s32 s12;
	_ =	sdelay $0x1  }
0xa9: {  	s23 =	simm.s32 $0x1B8B  }
0xaa: {  	_ =	swait.ge [sflag:s23], $0x1  }
0xab: {  	[sflag:s23] =	ssyncset.done $0x0  }
0xac: {  	s25 =	simm.s32 $0x1B8E;
	s24 =	sld [smem:$0x3FFE];
	[sflag:s23] =	ssyncadd.s32 $0xFFFFFFFF  }
0xad: {  	s26 =	simm.s32 $execute0_lowered;
	[smem:$0x3FD2] =	sst s25  }
0xae: {  	s13 =	sshll.u32 s26, $0x1;
	_ =	strace $0x80000046;
	[dreg:$0x1] =	wrdreg $0xFFFFFFFF  }
0xaf: {  	s28 =	simm.s32 $_size_execute0_lowered;
	s11 =	sadd.s32 s11, s13;
	[dreg:$0x0] =	wrdreg $0x0  }
0xb0: {  	s13 =	sshll.u32 s28, $0x1;
	[dreg:$0x2] =	wrdreg s11  }
0xb1: {  	[dreg:$0x3] =	wrdreg s13  }
0xb2: {  	[dreg:$0x4] =	wrdreg $0xC0  }
0xb3: {  	_ =	task [dreg:s15], $0x5FFFF  }
0xb4: {  	[dreg:$0x1] =	wrdreg $0xFFFFFFFF  }
0xb5: {  	[dreg:$0x0] =	wrdreg $0x60  }
0xb6: {  	[dreg:$0x2] =	wrdreg s2  }
0xb7: {  	[dreg:$0x3] =	wrdreg s18  }
0xb8: {  	[dreg:$0x4] =	wrdreg s4  }
0xb9: {  	[dreg:$0x5] =	wrdreg s5  }
0xba: {  	[dreg:$0x6] =	wrdreg s6  }
0xbb: {  	[dreg:$0x7] =	wrdreg s7  }
0xbc: {  	[dreg:$0x8] =	wrdreg s8  }
0xbd: {  	[dreg:$0x9] =	wrdreg s9  }
0xbe: {  	[dreg:$0xa] =	wrdreg s24  }
0xbf: {  	[dreg:$0xb] =	wrdreg s10  }
0xc0: {  	[dreg:$0xc] =	wrdreg $0x9  }
0xc1: {  	_ =	task.clear_ibuf [dreg:s15], $0xDFFFF;
	_ =	strace $0x90000046  }
0xc2: {  	s29 =	simm.s32 $0x9;
	_ =	strace $0x80000048  }
0xc3: {  	_ =	swait.ge [sflag:s29], $0x1  }
0xc4: {  	[sflag:s29] =	ssyncadd.s32 $0xFFFFFFFF  }
0xc5: {  	_ =	strace $0x90000048  }
0xc6: {  	_ =	sfence  }
0xc7: {  	s30 =	sld [smem:$0x0];
	_ =	sdelay $0x2  }
0xc8: {  	s31 =	sshll.u32 s1, $0xD;
	s1 =	sshrl.u32 s1, $0x2  }
0xc9: {  	s3 =	sand.u32 $0x4000, s31;
	s1 =	sadd.s32 s1, s30  }
0xca: {  	s0 =	sor.u32 s3, s0;
	s1 =	sshll.u32 s1, $0x11  }
0xcb: {  	s0 =	sor.u32 s1, s0  }
0xcc: {  	s0 =	sadd.s32 $0x8F2B, s0  }
0xcd: {  	[sflag:s0] =	ssyncadd.remote.s32 $0x1  }
0xce: {  	_ =	sfence.sel $0xFFFF  }
0xcf: {  	[dreg:$0x0] =	wrdreg $0xFFFFFFFF;
	(pc) =	sbr.abs _section_cstart, $3  }
0xd0: {  	[dreg:$0x1] =	wrdreg $0xFFFFFFFF  }
0xd1: {  	_ =	task.clear_ibuf [dreg:s15], $0x2FFFF;
	_ =	strace $0x9FFFFFFF  }
0xd2: {  	(tm) =	ssettm $0x7FFFFFFF  }
0xd3: {  	_ =	shalt  }
tec
execute0_lowered:
.L_overlay_start_1:
0x0: {  	(tag) =	ssettag $0x1  }
0x1: {  	vm0 =	vmmov $0x1;
	vm1 =	vcmask $0x308  }
0x2: {  	vm2 =	vcmask $0x70C;
	vm3 =	vcmask $0xB10;
	vm4 =	vcmask $0xF14  }
0x3: {  	vm5 =	vcmask $0x1318;
	vm6 =	vcmask $0x171C;
	vm7 =	vcmask $0x1B20  }
0x4: {  	vm8 =	vcmask $0x1F24;
	vm9 =	vcmask $0x2328;
	vm10 =	vcmask $0x272C  }
0x5: {  	vm11 =	vcmask $0x2B30;
	v0 =	vimm.s32 $0x1380;
	vm15 =	vcmask $0x300  }
0x6: {  	vm12 =	vcmask $0x2F34;
	vm14 =	vcmask $0x704;
	vm13 =	vcmask $0xB08  }
0x7: {  	v1 =	vimm.s32 $0x1FF0;
	v2 =	vimm.s32 $0x1FF1;
	v3 =	vimm.s32 $0x1FF2  }
0x8: {  	v4 =	vimm.s32 $0x1FF3;
	v5 =	vimm.s32 $0x1FF4;
	v6 =	vimm.s32 $0x1FF5  }
0x9: {  	v7 =	vimm.s32 $0x1FF6;
	v8 =	vimm.s32 $0x1FF7;
	v9 =	vimm.s32 $0x1FF8  }
0xa: {  	v10 =	vimm.s32 $0x1FF9;
	v11 =	vimm.s32 $0x1FFA;
	v12 =	vimm.s32 $0x1FFB  }
0xb: {  	v13 =	vimm.s32 $0x1FFC;
	v14 =	vimm.s32 $0x1FFD;
	v15 =	vimm.s32 $0x1FFE  }
0xc: {  	v16 =	vimm.s32 $0x1FFF;
	v0 =	vsel vm15, $0x0, v0;
	v1 =	vsel vm15, $0xC70, v1  }
0xd: {  	v2 =	vsel vm15, $0xC71, v2;
	v3 =	vsel vm15, $0xC72, v3;
	v4 =	vsel vm15, $0xC73, v4  }
0xe: {  	v5 =	vsel vm15, $0xC74, v5;
	v6 =	vsel vm15, $0xC75, v6;
	v7 =	vsel vm15, $0xC76, v7  }
0xf: {  	v8 =	vsel vm15, $0xC77, v8;
	v9 =	vsel vm15, $0xC78, v9;
	v10 =	vsel vm15, $0xC79, v10  }
0x10: {  	v11 =	vsel vm15, $0xC7A, v11;
	v12 =	vsel vm15, $0xC7B, v12;
	v13 =	vsel vm15, $0xC7C, v13  }
0x11: {  	v14 =	vsel vm15, $0xC7D, v14;
	v15 =	vsel vm15, $0xC7E, v15;
	v16 =	vsel vm15, $0xC7F, v16  }
0x12: {  	vm15 =	vcmask $0xF0C;
	v0 =	vsel vm14, $0x80, v0;
	v1 =	vsel vm14, $0xCF0, v1  }
0x13: {  	v2 =	vsel vm14, $0xCF1, v2;
	v3 =	vsel vm14, $0xCF2, v3;
	v4 =	vsel vm14, $0xCF3, v4  }
0x14: {  	v5 =	vsel vm14, $0xCF4, v5;
	v6 =	vsel vm14, $0xCF5, v6;
	v7 =	vsel vm14, $0xCF6, v7  }
0x15: {  	v8 =	vsel vm14, $0xCF7, v8;
	v9 =	vsel vm14, $0xCF8, v9;
	v10 =	vsel vm14, $0xCF9, v10  }
0x16: {  	v11 =	vsel vm14, $0xCFA, v11;
	v12 =	vsel vm14, $0xCFB, v12;
	v13 =	vsel vm14, $0xCFC, v13  }
0x17: {  	v14 =	vsel vm14, $0xCFD, v14;
	v15 =	vsel vm14, $0xCFE, v15;
	v16 =	vsel vm14, $0xCFF, v16  }
0x18: {  	vm14 =	vcmask $0x1310;
	v0 =	vsel vm13, $0x100, v0;
	v1 =	vsel vm13, $0xD70, v1  }
0x19: {  	v2 =	vsel vm13, $0xD71, v2;
	v3 =	vsel vm13, $0xD72, v3;
	v4 =	vsel vm13, $0xD73, v4  }
0x1a: {  	v5 =	vsel vm13, $0xD74, v5;
	v6 =	vsel vm13, $0xD75, v6;
	v7 =	vsel vm13, $0xD76, v7  }
0x1b: {  	v8 =	vsel vm13, $0xD77, v8;
	v9 =	vsel vm13, $0xD78, v9;
	v10 =	vsel vm13, $0xD79, v10  }
0x1c: {  	v11 =	vsel vm13, $0xD7A, v11;
	v12 =	vsel vm13, $0xD7B, v12;
	v13 =	vsel vm13, $0xD7C, v13  }
0x1d: {  	v14 =	vsel vm13, $0xD7D, v14;
	v15 =	vsel vm13, $0xD7E, v15;
	v16 =	vsel vm13, $0xD7F, v16  }
0x1e: {  	vm13 =	vcmask $0x1714;
	v0 =	vsel vm15, $0x180, v0;
	v1 =	vsel vm15, $0xDF0, v1  }
0x1f: {  	v2 =	vsel vm15, $0xDF1, v2;
	v3 =	vsel vm15, $0xDF2, v3;
	v4 =	vsel vm15, $0xDF3, v4  }
0x20: {  	v5 =	vsel vm15, $0xDF4, v5;
	v6 =	vsel vm15, $0xDF5, v6;
	v7 =	vsel vm15, $0xDF6, v7  }
0x21: {  	v8 =	vsel vm15, $0xDF7, v8;
	v9 =	vsel vm15, $0xDF8, v9;
	v10 =	vsel vm15, $0xDF9, v10  }
0x22: {  	v11 =	vsel vm15, $0xDFA, v11;
	v12 =	vsel vm15, $0xDFB, v12;
	v13 =	vsel vm15, $0xDFC, v13  }
0x23: {  	v14 =	vsel vm15, $0xDFD, v14;
	v15 =	vsel vm15, $0xDFE, v15;
	v16 =	vsel vm15, $0xDFF, v16  }
0x24: {  	vm15 =	vcmask $0x1B18;
	v0 =	vsel vm14, $0x200, v0;
	v1 =	vsel vm14, $0xE70, v1  }
0x25: {  	v2 =	vsel vm14, $0xE71, v2;
	v3 =	vsel vm14, $0xE72, v3;
	v4 =	vsel vm14, $0xE73, v4  }
0x26: {  	v5 =	vsel vm14, $0xE74, v5;
	v6 =	vsel vm14, $0xE75, v6;
	v7 =	vsel vm14, $0xE76, v7  }
0x27: {  	v8 =	vsel vm14, $0xE77, v8;
	v9 =	vsel vm14, $0xE78, v9;
	v10 =	vsel vm14, $0xE79, v10  }
0x28: {  	v11 =	vsel vm14, $0xE7A, v11;
	v12 =	vsel vm14, $0xE7B, v12;
	v13 =	vsel vm14, $0xE7C, v13  }
0x29: {  	v14 =	vsel vm14, $0xE7D, v14;
	v15 =	vsel vm14, $0xE7E, v15;
	v16 =	vsel vm14, $0xE7F, v16  }
0x2a: {  	vm14 =	vcmask $0x1F1C;
	v0 =	vsel vm13, $0x280, v0;
	v1 =	vsel vm13, $0xEF0, v1  }
0x2b: {  	v2 =	vsel vm13, $0xEF1, v2;
	v3 =	vsel vm13, $0xEF2, v3;
	v4 =	vsel vm13, $0xEF3, v4  }
0x2c: {  	v5 =	vsel vm13, $0xEF4, v5;
	v6 =	vsel vm13, $0xEF5, v6;
	v7 =	vsel vm13, $0xEF6, v7  }
0x2d: {  	v8 =	vsel vm13, $0xEF7, v8;
	v9 =	vsel vm13, $0xEF8, v9;
	v10 =	vsel vm13, $0xEF9, v10  }
0x2e: {  	v11 =	vsel vm13, $0xEFA, v11;
	v12 =	vsel vm13, $0xEFB, v12;
	v13 =	vsel vm13, $0xEFC, v13  }
0x2f: {  	v14 =	vsel vm13, $0xEFD, v14;
	v15 =	vsel vm13, $0xEFE, v15;
	v16 =	vsel vm13, $0xEFF, v16  }
0x30: {  	vm13 =	vcmask $0x2320;
	v0 =	vsel vm15, $0x300, v0;
	v1 =	vsel vm15, $0xF70, v1  }
0x31: {  	v2 =	vsel vm15, $0xF71, v2;
	v3 =	vsel vm15, $0xF72, v3;
	v4 =	vsel vm15, $0xF73, v4  }
0x32: {  	v5 =	vsel vm15, $0xF74, v5;
	v6 =	vsel vm15, $0xF75, v6;
	v7 =	vsel vm15, $0xF76, v7  }
0x33: {  	v8 =	vsel vm15, $0xF77, v8;
	v9 =	vsel vm15, $0xF78, v9;
	v10 =	vsel vm15, $0xF79, v10  }
0x34: {  	v11 =	vsel vm15, $0xF7A, v11;
	v12 =	vsel vm15, $0xF7B, v12;
	v13 =	vsel vm15, $0xF7C, v13  }
0x35: {  	v14 =	vsel vm15, $0xF7D, v14;
	v15 =	vsel vm15, $0xF7E, v15;
	v16 =	vsel vm15, $0xF7F, v16  }
0x36: {  	vm15 =	vcmask $0x2724;
	v0 =	vsel vm14, $0x380, v0;
	v1 =	vsel vm14, $0xFF0, v1  }
0x37: {  	v2 =	vsel vm14, $0xFF1, v2;
	v3 =	vsel vm14, $0xFF2, v3;
	v4 =	vsel vm14, $0xFF3, v4  }
0x38: {  	v5 =	vsel vm14, $0xFF4, v5;
	v6 =	vsel vm14, $0xFF5, v6;
	v7 =	vsel vm14, $0xFF6, v7  }
0x39: {  	v8 =	vsel vm14, $0xFF7, v8;
	v9 =	vsel vm14, $0xFF8, v9;
	v10 =	vsel vm14, $0xFF9, v10  }
0x3a: {  	v11 =	vsel vm14, $0xFFA, v11;
	v12 =	vsel vm14, $0xFFB, v12;
	v13 =	vsel vm14, $0xFFC, v13  }
0x3b: {  	v14 =	vsel vm14, $0xFFD, v14;
	v15 =	vsel vm14, $0xFFE, v15;
	v16 =	vsel vm14, $0xFFF, v16  }
0x3c: {  	vm14 =	vcmask $0x2B28;
	v0 =	vsel vm13, $0x1000, v0;
	v1 =	vsel vm13, $0x1C70, v1  }
0x3d: {  	v2 =	vsel vm13, $0x1C71, v2;
	v3 =	vsel vm13, $0x1C72, v3;
	v4 =	vsel vm13, $0x1C73, v4  }
0x3e: {  	v5 =	vsel vm13, $0x1C74, v5;
	v6 =	vsel vm13, $0x1C75, v6;
	v7 =	vsel vm13, $0x1C76, v7  }
0x3f: {  	v8 =	vsel vm13, $0x1C77, v8;
	v9 =	vsel vm13, $0x1C78, v9;
	v10 =	vsel vm13, $0x1C79, v10  }
0x40: {  	v11 =	vsel vm13, $0x1C7A, v11;
	v12 =	vsel vm13, $0x1C7B, v12;
	v13 =	vsel vm13, $0x1C7C, v13  }
0x41: {  	v14 =	vsel vm13, $0x1C7D, v14;
	v15 =	vsel vm13, $0x1C7E, v15;
	v16 =	vsel vm13, $0x1C7F, v16  }
0x42: {  	vm13 =	vcmask $0x2F2C;
	v0 =	vsel vm15, $0x1080, v0;
	v1 =	vsel vm15, $0x1CF0, v1  }
0x43: {  	v2 =	vsel vm15, $0x1CF1, v2;
	v3 =	vsel vm15, $0x1CF2, v3;
	v4 =	vsel vm15, $0x1CF3, v4  }
0x44: {  	v5 =	vsel vm15, $0x1CF4, v5;
	v6 =	vsel vm15, $0x1CF5, v6;
	v7 =	vsel vm15, $0x1CF6, v7  }
0x45: {  	v8 =	vsel vm15, $0x1CF7, v8;
	v9 =	vsel vm15, $0x1CF8, v9;
	v10 =	vsel vm15, $0x1CF9, v10  }
0x46: {  	v11 =	vsel vm15, $0x1CFA, v11;
	v12 =	vsel vm15, $0x1CFB, v12;
	v13 =	vsel vm15, $0x1CFC, v13  }
0x47: {  	v14 =	vsel vm15, $0x1CFD, v14;
	v15 =	vsel vm15, $0x1CFE, v15;
	v16 =	vsel vm15, $0x1CFF, v16  }
0x48: {  	vm15 =	vcmask $0x3330;
	v0 =	vsel vm14, $0x1100, v0;
	v1 =	vsel vm14, $0x1D70, v1  }
0x49: {  	v2 =	vsel vm14, $0x1D71, v2;
	v3 =	vsel vm14, $0x1D72, v3;
	v4 =	vsel vm14, $0x1D73, v4  }
0x4a: {  	v5 =	vsel vm14, $0x1D74, v5;
	v6 =	vsel vm14, $0x1D75, v6;
	v7 =	vsel vm14, $0x1D76, v7  }
0x4b: {  	v8 =	vsel vm14, $0x1D77, v8;
	v9 =	vsel vm14, $0x1D78, v9;
	v10 =	vsel vm14, $0x1D79, v10  }
0x4c: {  	v11 =	vsel vm14, $0x1D7A, v11;
	v12 =	vsel vm14, $0x1D7B, v12;
	v13 =	vsel vm14, $0x1D7C, v13  }
0x4d: {  	v14 =	vsel vm14, $0x1D7D, v14;
	v15 =	vsel vm14, $0x1D7E, v15;
	v16 =	vsel vm14, $0x1D7F, v16  }
0x4e: {  	vm14 =	vcmask $0x3734;
	v0 =	vsel vm13, $0x1180, v0;
	v1 =	vsel vm13, $0x1DF0, v1  }
0x4f: {  	v2 =	vsel vm13, $0x1DF1, v2;
	v3 =	vsel vm13, $0x1DF2, v3;
	v4 =	vsel vm13, $0x1DF3, v4  }
0x50: {  	v5 =	vsel vm13, $0x1DF4, v5;
	v6 =	vsel vm13, $0x1DF5, v6;
	v7 =	vsel vm13, $0x1DF6, v7  }
0x51: {  	v8 =	vsel vm13, $0x1DF7, v8;
	v9 =	vsel vm13, $0x1DF8, v9;
	v10 =	vsel vm13, $0x1DF9, v10  }
0x52: {  	v11 =	vsel vm13, $0x1DFA, v11;
	v12 =	vsel vm13, $0x1DFB, v12;
	v13 =	vsel vm13, $0x1DFC, v13  }
0x53: {  	v14 =	vsel vm13, $0x1DFD, v14;
	v15 =	vsel vm13, $0x1DFE, v15;
	v0 =	vsel vm15, $0x1200, v0  }
0x54: {  	v16 =	vsel vm13, $0x1DFF, v16;
	vm13 =	vcmask $0x3338;
	v17 =	vsel vm14, $0x1280, v0  }
0x55: {  	s1 =	rddreg [dreg:$0x0];
	v0 =	vsel vm15, $0x1E70, v1;
	v1 =	vsel vm15, $0x1E71, v2;
	v2 =	vsel vm15, $0x1E72, v3  }
0x56: {  	s2 =	rddreg [dreg:$0x1];
	v3 =	vsel vm15, $0x1E73, v4;
	v4 =	vsel vm15, $0x1E74, v5;
	v5 =	vsel vm15, $0x1E75, v6  }
0x57: {  	s3 =	rddreg [dreg:$0x2];
	v6 =	vsel vm15, $0x1E76, v7;
	v7 =	vsel vm15, $0x1E77, v8;
	v8 =	vsel vm15, $0x1E78, v9  }
0x58: {  	s4 =	rddreg [dreg:$0x3];
	v9 =	vsel vm15, $0x1E79, v10;
	v10 =	vsel vm15, $0x1E7A, v11;
	v11 =	vsel vm15, $0x1E7B, v12  }
0x59: {  	s0 =	rddreg [dreg:$0x4];
	v12 =	vsel vm15, $0x1E7C, v13;
	v13 =	vsel vm15, $0x1E7D, v14;
	v14 =	vsel vm15, $0x1E7E, v15  }
0x5a: {  	s5 =	rddreg [dreg:$0x8];
	v15 =	vsel vm15, $0x1E7F, v16;
	vm15 =	vcmask $0x3B38;
	v16 =	vsel vm14, $0x1EF0, v0  }
0x5b: {  	s12 =	rddreg [dreg:$0x9];
	s7 =	srdreg.scid;
	s6 =	simm.s32 $0x0;
	v18 =	vsel vm14, $0x1EF1, v1;
	v19 =	vsel vm14, $0x1EF2, v2;
	v20 =	vsel vm14, $0x1EF3, v3  }
0x5c: {  	s8 =	stileid.u32;
	s14 =	simm.s32 $0x1B000;
	s16 =	simm.s32 $0x1B800;
	v21 =	vsel vm14, $0x1EF4, v4;
	v22 =	vsel vm14, $0x1EF5, v5;
	v23 =	vsel vm14, $0x1EF6, v6  }
0x5d: {  	s17 =	simm.s32 $0x7A1400;
	s18 =	simm.s32 $0x1;
	s19 =	simm.s32 $0x800;
	v24 =	vsel vm14, $0x1EF7, v7;
	v25 =	vsel vm14, $0x1EF8, v8;
	v26 =	vsel vm14, $0x1EF9, v9  }
0x5e: {  	s20 =	simm.s32 $0x1000;
	s21 =	simm.s32 $0x400;
	s22 =	simm.s32 $0x10800;
	v27 =	vsel vm14, $0x1EFA, v10;
	v28 =	vsel vm14, $0x1EFB, v11;
	v29 =	vsel vm14, $0x1EFC, v12  }
0x5f: {  	s23 =	simm.s32 $0x20000;
	s25 =	simm.s32 $0x3;
	s7 =	sand.u32 $0x1, s7;
	v30 =	vsel vm14, $0x1EFD, v13;
	v31 =	vsel vm14, $0x1EFE, v14;
	v32 =	vsel vm14, $0x1EFF, v15  }
0x60: {  	s26 =	simm.s32 $0x0;
	s8 =	sshll.u32 s8, $0xA;
	s9 =	sshll.u32 s7, $0x9;
	vm14 =	vcmask $0x373C;
	v0 =	vlaneseq.u32;
	v1 =	vsel vm15, $0x1300, v17  }
0x61: {  	[smem:$0x7FF] =	sst s6;
	s7 =	ssub.s32 $0x2, s7;
	s13 =	sor.u32 s9, s8;
	v2 =	vsel vm15, $0x1F70, v16;
	v3 =	vsel vm15, $0x1F71, v18;
	v4 =	vsel vm15, $0x1F72, v19  }
0x62: {  	_ =	strace $0x80000047;
	s31 =	sshrl.u32 s7, $0x1;
	s5 =	sadd.s32 s13, s5;
	v5 =	vsel vm15, $0x1F73, v20;
	v6 =	vsel vm15, $0x1F74, v21;
	v7 =	vsel vm15, $0x1F75, v22  }
0x63: {  	s10 =	sshrl.u32 s13, $0x3;
	s15 =	ssub.s32 s7, s31;
	s12 =	sadd.s32 s12, s13;
	v8 =	vsel vm15, $0x1F76, v23;
	v9 =	vsel vm15, $0x1F77, v24;
	v10 =	vsel vm15, $0x1F78, v25  }
0x64: {  	s13 =	simm.s32 $0x1A800;
	s1 =	sadd.s32 s1, s10;
	s8 =	sadd.s32 s2, s10;
	v11 =	vsel vm15, $0x1F79, v26;
	v12 =	vsel vm15, $0x1F7A, v27;
	v13 =	vsel vm15, $0x1F7B, v28  }
0x65: {  	s9 =	sadd.s32 s3, s10;
	s10 =	sadd.s32 s4, s10;
	s11 =	sadd.s32 $0xA00, s5;
	v14 =	vsel vm15, $0x1F7C, v29;
	v15 =	vsel vm15, $0x1F7D, v30;
	v16 =	vsel vm15, $0x1F7E, v31  }
0x66: {  	s15 =	smax.u32 s15, $0x1;
	s3 =	simm.s32 $0x2;
	[dreg:$0xb] =	wrdreg s1;
	v17 =	vsel vm15, $0x1F7F, v32;
	vm15 =	vmmov $0x7fff;
	v18 =	vmul.u32 $0x80, v0  }
.LBB2_1:
0x67: {  	s1 =	rddreg [dreg:$0xb]  }
0x68: {  	[tilespmem:s6], [sflag:$0x1] =	stream.linear.gather [hbm4b:s1+s6], $0x200, $0x38;
	[tilespmem:$0x1C800] =	vst v63  }
0x69: {  	s28 =	simm.s32 $0x200  }
0x6a: {  	[tilespmem:s28], [sflag:$0x2] =	stream.linear.gather [hbm4b:s8+s6], $0x200, $0x38;
	[tilespmem:$0x1C800] =	vst v63  }
0x6b: {  	_ = 	snop  }
0x6c: {  	[tilespmem:s21], [sflag:$0x2] =	stream.linear.gather [hbm4b:s9+s6], $0x200, $0x38;
	[tilespmem:$0x1C800] =	vst v63  }
0x6d: {  	s29 =	simm.s32 $0x600  }
0x6e: {  	[tilespmem:s29], [sflag:$0x2] =	stream.linear.gather [hbm4b:s10+s6], $0x200, $0x38;
	[tilespmem:$0x1C800] =	vst v63  }
0x6f: {  	s5 =	rddreg [dreg:$0x5]  }
0x70: {  	[tilespmem:s13], [sflag:$0x2] =	stream.linear.gather [hbm4b:s5+s6], $0x800, $0x38;
	[tilespmem:$0x1C800] =	vst v63  }
0x71: {  	s7 =	rddreg [dreg:$0x6]  }
0x72: {  	[tilespmem:s14], [sflag:$0x2] =	stream.linear.gather [hbm4b:s7+s6], $0x800, $0x38;
	[tilespmem:$0x1C800] =	vst v63  }
0x73: {  	s24 =	rddreg [dreg:$0x7]  }
0x74: {  	[tilespmem:s16], [sflag:$0x2] =	stream.linear.gather [hbm4b:s24+s6], $0x1000, $0x38;
	[tilespmem:$0x1C800] =	vst v63  }
0x75: {  	_ =	swait.ge [sflag:s18], $0x200  }
0x76: {  	[sflag:s18] =	ssyncset.done $0x0  }
0x77: {  	[sflag:s18] =	ssyncadd.s32 $0xFFFFFE00  }
0x78: {  	v19 =	vld [tilespmem:$0x0];
	_ =	sdelay $0x4  }
0x79: {  	v20 =	vnsel vm0, $0x0, v19  }
0x7a: {  	(xrf0) =	vadd.scan.msk.s32 $0xffff, v20;
	_ =	sdelay $0x5  }
0x7b: {  	v20, _, _ =	vpop (xrf0)  }
0x7c: {  	(v2sf) =	vpush v20, $0xF;
	v20 =	vsel vm1, $0x0, v19  }
0x7d: {  	(xrf0) =	vadd.scan.msk.s32 $0xffff, v20;
	_ =	sdelay $0x5  }
0x7e: {  	v20, _, _ =	vpop (xrf0)  }
0x7f: {  	(v2sf) =	vpush v20, $0xF  }
0x80: {  	v20 =	vsel vm2, $0x0, v19  }
0x81: {  	(xrf0) =	vadd.scan.msk.s32 $0xffff, v20;
	_ =	sdelay $0x4  }
0x82: {  	s2 =	spop (v2sf)  }
0x83: {  	v20, _, _ =	vpop (xrf0);
	s4 =	sand.u32 $0x7F, s2  }
0x84: {  	s5 =	sshra.s32 s2, $0x1F;
	p0 =	slt.s32 s2, $0x1;
	(v2sf) =	vpush v20, $0xF;
	p1 =	sne.s32 s4, $0x0  }
0x85: {  	s5 =	sshrl.u32 s5, $0x19;
	p0 =	por !p0, !p1  }
0x86: {  	s4 =	simm.s32 $0x1;
	s1 =	sadd.s32 s5, s2;
	p0 =	por !p0, !p0  }
0x87: {  	s1 =	sshrl.u32 s1, $0x7;
	s4 =	simm.s32 @!p0 $0x0  }
0x88: {  	v20 =	vsel vm3, $0x0, v19;
	s1 =	ssub.s32 s1, s4  }
0x89: {  	(xrf0) =	vadd.scan.msk.s32 $0xffff, v20;
	s1 =	sshll.u32 s1, $0x7  }
0x8a: {  	s1 =	sand.u32 $0x1FFFFF80, s1;
	s7 =	spop (v2sf)  }
0x8b: {  	s1 =	sadd.s32 s0, s1;
	s24 =	sand.u32 $0x7F, s7  }
0x8c: {  	[tilespmem:s19], [sflag:$0x1] =	stream.strided.gather [hbm4b:s1+s21], $0x800, s17, s21, $0x38;
	[tilespmem:$0x1C800] =	vst v63  }
0x8d: {  	s2 =	sshra.s32 s7, $0x1F;
	p1 =	slt.s32 s7, $0x1;
	p2 =	sne.s32 s24, $0x0  }
0x8e: {  	s5 =	sshrl.u32 s2, $0x19;
	p0 =	por !p1, !p2  }
0x8f: {  	s4 =	simm.s32 $0x1;
	v20, _, _ =	vpop (xrf0);
	s1 =	sadd.s32 s5, s7;
	p0 =	por !p0, !p0  }
0x90: {  	(v2sf) =	vpush v20, $0xF;
	s1 =	sshrl.u32 s1, $0x7;
	s4 =	simm.s32 @!p0 $0x0  }
0x91: {  	s1 =	ssub.s32 s1, s4  }
0x92: {  	s1 =	sshll.u32 s1, $0x7  }
0x93: {  	v20 =	vsel vm4, $0x0, v19;
	s1 =	sand.u32 $0x1FFFFF80, s1;
	s7 =	spop (v2sf)  }
0x94: {  	(xrf0) =	vadd.scan.msk.s32 $0xffff, v20;
	s1 =	sadd.s32 s0, s1;
	s24 =	sand.u32 $0x7F, s7  }
0x95: {  	[tilespmem:s20], [sflag:$0x1] =	stream.strided.gather [hbm4b:s1+s21], $0x800, s17, s21, $0x38;
	[tilespmem:$0x1C800] =	vst v63  }
0x96: {  	s2 =	sshra.s32 s7, $0x1F;
	p3 =	slt.s32 s7, $0x1;
	p4 =	sne.s32 s24, $0x0  }
0x97: {  	s5 =	sshrl.u32 s2, $0x19;
	p0 =	por !p3, !p4  }
0x98: {  	s4 =	simm.s32 $0x1;
	s1 =	sadd.s32 s5, s7;
	p0 =	por !p0, !p0  }
0x99: {  	s1 =	sshrl.u32 s1, $0x7;
	s4 =	simm.s32 @!p0 $0x0  }
0x9a: {  	v20, _, _ =	vpop (xrf0);
	s1 =	ssub.s32 s1, s4  }
0x9b: {  	(v2sf) =	vpush v20, $0xF;
	s1 =	sshll.u32 s1, $0x7  }
0x9c: {  	s1 =	sand.u32 $0x1FFFFF80, s1  }
0x9d: {  	s2 =	simm.s32 $0x1800;
	s1 =	sadd.s32 s0, s1  }
0x9e: {  	v20 =	vsel vm5, $0x0, v19;
	[tilespmem:s2], [sflag:$0x1] =	stream.strided.gather [hbm4b:s1+s21], $0x800, s17, s21, $0x38;
	[tilespmem:$0x1C800] =	vst v63  }
0x9f: {  	(xrf0) =	vadd.scan.msk.s32 $0xffff, v20;
	s1 =	spop (v2sf)  }
0xa0: {  	s7 =	sand.u32 $0x7F, s1  }
0xa1: {  	s24 =	sshra.s32 s1, $0x1F;
	p5 =	slt.s32 s1, $0x1;
	p6 =	sne.s32 s7, $0x0  }
0xa2: {  	s2 =	sshrl.u32 s24, $0x19;
	p0 =	por !p5, !p6  }
0xa3: {  	s4 =	simm.s32 $0x1;
	s1 =	sadd.s32 s2, s1;
	p0 =	por !p0, !p0  }
0xa4: {  	s1 =	sshrl.u32 s1, $0x7;
	s4 =	simm.s32 @!p0 $0x0  }
0xa5: {  	v20, _, _ =	vpop (xrf0);
	s1 =	ssub.s32 s1, s4  }
0xa6: {  	(v2sf) =	vpush v20, $0xF;
	s1 =	sshll.u32 s1, $0x7  }
0xa7: {  	s1 =	sand.u32 $0x1FFFFF80, s1  }
0xa8: {  	s5 =	simm.s32 $0x2000;
	s1 =	sadd.s32 s0, s1  }
0xa9: {  	v20 =	vsel vm6, $0x0, v19;
	[tilespmem:s5], [sflag:$0x1] =	stream.strided.gather [hbm4b:s1+s21], $0x800, s17, s21, $0x38;
	[tilespmem:$0x1C800] =	vst v63  }
0xaa: {  	(xrf0) =	vadd.scan.msk.s32 $0xffff, v20;
	s1 =	spop (v2sf)  }
0xab: {  	s7 =	sand.u32 $0x7F, s1  }
0xac: {  	s24 =	sshra.s32 s1, $0x1F;
	p1 =	slt.s32 s1, $0x1;
	p2 =	sne.s32 s7, $0x0  }
0xad: {  	s2 =	sshrl.u32 s24, $0x19;
	p0 =	por !p1, !p2  }
0xae: {  	s4 =	simm.s32 $0x1;
	s1 =	sadd.s32 s2, s1;
	p0 =	por !p0, !p0  }
0xaf: {  	s1 =	sshrl.u32 s1, $0x7;
	s4 =	simm.s32 @!p0 $0x0  }
0xb0: {  	v20, _, _ =	vpop (xrf0);
	s1 =	ssub.s32 s1, s4  }
0xb1: {  	(v2sf) =	vpush v20, $0xF;
	s1 =	sshll.u32 s1, $0x7  }
0xb2: {  	s1 =	sand.u32 $0x1FFFFF80, s1  }
0xb3: {  	s5 =	simm.s32 $0x2800;
	s1 =	sadd.s32 s0, s1  }
0xb4: {  	v20 =	vsel vm7, $0x0, v19;
	[tilespmem:s5], [sflag:$0x1] =	stream.strided.gather [hbm4b:s1+s21], $0x800, s17, s21, $0x38;
	[tilespmem:$0x1C800] =	vst v63  }
0xb5: {  	(xrf0) =	vadd.scan.msk.s32 $0xffff, v20;
	s1 =	spop (v2sf)  }
0xb6: {  	s7 =	sand.u32 $0x7F, s1  }
0xb7: {  	s24 =	sshra.s32 s1, $0x1F;
	p3 =	slt.s32 s1, $0x1;
	p4 =	sne.s32 s7, $0x0  }
0xb8: {  	s2 =	sshrl.u32 s24, $0x19;
	p0 =	por !p3, !p4  }
0xb9: {  	s4 =	simm.s32 $0x1;
	s1 =	sadd.s32 s2, s1;
	p0 =	por !p0, !p0  }
0xba: {  	s1 =	sshrl.u32 s1, $0x7;
	s4 =	simm.s32 @!p0 $0x0  }
0xbb: {  	v20, _, _ =	vpop (xrf0);
	s1 =	ssub.s32 s1, s4  }
0xbc: {  	(v2sf) =	vpush v20, $0xF;
	s1 =	sshll.u32 s1, $0x7  }
0xbd: {  	s1 =	sand.u32 $0x1FFFFF80, s1  }
0xbe: {  	s5 =	simm.s32 $0x3000;
	s1 =	sadd.s32 s0, s1  }
0xbf: {  	v20 =	vsel vm8, $0x0, v19;
	[tilespmem:s5], [sflag:$0x1] =	stream.strided.gather [hbm4b:s1+s21], $0x800, s17, s21, $0x38;
	[tilespmem:$0x1C800] =	vst v63  }
0xc0: {  	(xrf0) =	vadd.scan.msk.s32 $0xffff, v20;
	s1 =	spop (v2sf)  }
0xc1: {  	s7 =	sand.u32 $0x7F, s1  }
0xc2: {  	s24 =	sshra.s32 s1, $0x1F;
	p5 =	slt.s32 s1, $0x1;
	p6 =	sne.s32 s7, $0x0  }
0xc3: {  	s2 =	sshrl.u32 s24, $0x19;
	p0 =	por !p5, !p6  }
0xc4: {  	s4 =	simm.s32 $0x1;
	s1 =	sadd.s32 s2, s1;
	p0 =	por !p0, !p0  }
0xc5: {  	s1 =	sshrl.u32 s1, $0x7;
	s4 =	simm.s32 @!p0 $0x0  }
0xc6: {  	v20, _, _ =	vpop (xrf0);
	s1 =	ssub.s32 s1, s4  }
0xc7: {  	(v2sf) =	vpush v20, $0xF;
	s1 =	sshll.u32 s1, $0x7  }
0xc8: {  	s1 =	sand.u32 $0x1FFFFF80, s1  }
0xc9: {  	s5 =	simm.s32 $0x3800;
	s1 =	sadd.s32 s0, s1  }
0xca: {  	v20 =	vsel vm9, $0x0, v19;
	[tilespmem:s5], [sflag:$0x1] =	stream.strided.gather [hbm4b:s1+s21], $0x800, s17, s21, $0x38;
	[tilespmem:$0x1C800] =	vst v63  }
0xcb: {  	(xrf0) =	vadd.scan.msk.s32 $0xffff, v20;
	s1 =	spop (v2sf)  }
0xcc: {  	s7 =	sand.u32 $0x7F, s1  }
0xcd: {  	s24 =	sshra.s32 s1, $0x1F;
	p1 =	slt.s32 s1, $0x1;
	p2 =	sne.s32 s7, $0x0  }
0xce: {  	s2 =	sshrl.u32 s24, $0x19;
	p0 =	por !p1, !p2  }
0xcf: {  	s4 =	simm.s32 $0x1;
	s1 =	sadd.s32 s2, s1;
	p0 =	por !p0, !p0  }
0xd0: {  	s1 =	sshrl.u32 s1, $0x7;
	s4 =	simm.s32 @!p0 $0x0  }
0xd1: {  	v20, _, _ =	vpop (xrf0);
	s1 =	ssub.s32 s1, s4  }
0xd2: {  	(v2sf) =	vpush v20, $0xF;
	s1 =	sshll.u32 s1, $0x7  }
0xd3: {  	s1 =	sand.u32 $0x1FFFFF80, s1  }
0xd4: {  	s5 =	simm.s32 $0x4000;
	s1 =	sadd.s32 s0, s1  }
0xd5: {  	v20 =	vsel vm10, $0x0, v19;
	[tilespmem:s5], [sflag:$0x1] =	stream.strided.gather [hbm4b:s1+s21], $0x800, s17, s21, $0x38;
	[tilespmem:$0x1C800] =	vst v63  }
0xd6: {  	(xrf0) =	vadd.scan.msk.s32 $0xffff, v20;
	s1 =	spop (v2sf)  }
0xd7: {  	s7 =	sand.u32 $0x7F, s1  }
0xd8: {  	s24 =	sshra.s32 s1, $0x1F;
	p3 =	slt.s32 s1, $0x1;
	p4 =	sne.s32 s7, $0x0  }
0xd9: {  	s2 =	sshrl.u32 s24, $0x19;
	p0 =	por !p3, !p4  }
0xda: {  	s4 =	simm.s32 $0x1;
	s1 =	sadd.s32 s2, s1;
	p0 =	por !p0, !p0  }
0xdb: {  	s1 =	sshrl.u32 s1, $0x7;
	s4 =	simm.s32 @!p0 $0x0  }
0xdc: {  	v20, _, _ =	vpop (xrf0);
	s1 =	ssub.s32 s1, s4  }
0xdd: {  	(v2sf) =	vpush v20, $0xF;
	s1 =	sshll.u32 s1, $0x7  }
0xde: {  	s1 =	sand.u32 $0x1FFFFF80, s1  }
0xdf: {  	s5 =	simm.s32 $0x4800;
	s1 =	sadd.s32 s0, s1  }
0xe0: {  	v20 =	vsel vm11, $0x0, v19;
	[tilespmem:s5], [sflag:$0x1] =	stream.strided.gather [hbm4b:s1+s21], $0x800, s17, s21, $0x38;
	[tilespmem:$0x1C800] =	vst v63  }
0xe1: {  	(xrf0) =	vadd.scan.msk.s32 $0xffff, v20;
	s1 =	spop (v2sf)  }
0xe2: {  	s7 =	sand.u32 $0x7F, s1  }
0xe3: {  	s24 =	sshra.s32 s1, $0x1F;
	p5 =	slt.s32 s1, $0x1;
	p6 =	sne.s32 s7, $0x0  }
0xe4: {  	s2 =	sshrl.u32 s24, $0x19;
	p0 =	por !p5, !p6  }
0xe5: {  	s4 =	simm.s32 $0x1;
	s1 =	sadd.s32 s2, s1;
	p0 =	por !p0, !p0  }
0xe6: {  	s1 =	sshrl.u32 s1, $0x7;
	s4 =	simm.s32 @!p0 $0x0  }
0xe7: {  	v20, _, _ =	vpop (xrf0);
	s1 =	ssub.s32 s1, s4  }
0xe8: {  	(v2sf) =	vpush v20, $0xF;
	s1 =	sshll.u32 s1, $0x7  }
0xe9: {  	v20 =	vsel vm12, $0x0, v19;
	s1 =	sand.u32 $0x1FFFFF80, s1  }
0xea: {  	s5 =	simm.s32 $0x5000;
	(xrf0) =	vadd.scan.msk.s32 $0xffff, v20;
	s1 =	sadd.s32 s0, s1  }
0xeb: {  	[tilespmem:s5], [sflag:$0x1] =	stream.strided.gather [hbm4b:s1+s21], $0x800, s17, s21, $0x38;
	[tilespmem:$0x1C800] =	vst v63  }
0xec: {  	s1 =	spop (v2sf)  }
0xed: {  	s7 =	sand.u32 $0x7F, s1  }
0xee: {  	s24 =	sshra.s32 s1, $0x1F;
	p1 =	slt.s32 s1, $0x1;
	p2 =	sne.s32 s7, $0x0  }
0xef: {  	s2 =	sshrl.u32 s24, $0x19;
	p0 =	por !p1, !p2  }
0xf0: {  	s4 =	simm.s32 $0x1;
	s1 =	sadd.s32 s2, s1;
	p0 =	por !p0, !p0  }
0xf1: {  	v20, _, _ =	vpop (xrf0);
	s1 =	sshrl.u32 s1, $0x7;
	s4 =	simm.s32 @!p0 $0x0  }
0xf2: {  	(v2sf) =	vpush v20, $0xF;
	v20 =	vsel vm13, $0x0, v19;
	s1 =	ssub.s32 s1, s4  }
0xf3: {  	(xrf0) =	vadd.scan.msk.s32 $0xffff, v20;
	s1 =	sshll.u32 s1, $0x7  }
0xf4: {  	s1 =	sand.u32 $0x1FFFFF80, s1  }
0xf5: {  	s5 =	simm.s32 $0x5800;
	s1 =	sadd.s32 s0, s1  }
0xf6: {  	[tilespmem:s5], [sflag:$0x1] =	stream.strided.gather [hbm4b:s1+s21], $0x800, s17, s21, $0x38;
	[tilespmem:$0x1C800] =	vst v63  }
0xf7: {  	s1 =	spop (v2sf)  }
0xf8: {  	s7 =	sand.u32 $0x7F, s1  }
0xf9: {  	v20, _, _ =	vpop (xrf0);
	s24 =	sshra.s32 s1, $0x1F;
	p3 =	slt.s32 s1, $0x1;
	p4 =	sne.s32 s7, $0x0  }
0xfa: {  	(v2sf) =	vpush v20, $0xF;
	s2 =	sshrl.u32 s24, $0x19;
	p0 =	por !p3, !p4  }
0xfb: {  	s4 =	simm.s32 $0x1;
	v20 =	vsel vm14, $0x0, v19;
	s1 =	sadd.s32 s2, s1;
	p0 =	por !p0, !p0  }
0xfc: {  	(xrf0) =	vadd.scan.msk.s32 $0xffff, v20;
	s1 =	sshrl.u32 s1, $0x7;
	s4 =	simm.s32 @!p0 $0x0  }
0xfd: {  	s1 =	ssub.s32 s1, s4  }
0xfe: {  	s1 =	sshll.u32 s1, $0x7  }
0xff: {  	s1 =	sand.u32 $0x1FFFFF80, s1  }
0x100: {  	s5 =	simm.s32 $0x6000;
	s1 =	sadd.s32 s0, s1  }
0x101: {  	[tilespmem:s5], [sflag:$0x1] =	stream.strided.gather [hbm4b:s1+s21], $0x800, s17, s21, $0x38;
	[tilespmem:$0x1C800] =	vst v63  }
0x102: {  	v20, _, _ =	vpop (xrf0);
	s1 =	spop (v2sf)  }
0x103: {  	(v2sf) =	vpush v20, $0xF;
	s7 =	sand.u32 $0x7F, s1  }
0x104: {  	s24 =	sshra.s32 s1, $0x1F;
	p5 =	slt.s32 s1, $0x1;
	p6 =	sne.s32 s7, $0x0  }
0x105: {  	s2 =	sshrl.u32 s24, $0x19;
	p0 =	por !p5, !p6  }
0x106: {  	s4 =	simm.s32 $0x1;
	s1 =	sadd.s32 s2, s1;
	p0 =	por !p0, !p0  }
0x107: {  	v19 =	vsel vm15, $0x0, v19;
	s1 =	sshrl.u32 s1, $0x7;
	s4 =	simm.s32 @!p0 $0x0  }
0x108: {  	(xrf0) =	vadd.scan.msk.s32 $0xffff, v19;
	s1 =	ssub.s32 s1, s4  }
0x109: {  	s5 =	simm.s32 $0x6800;
	s7 =	spop (v2sf);
	s1 =	sshll.u32 s1, $0x7  }
0x10a: {  	s24 =	sand.u32 $0x7F, s7;
	s2 =	sshra.s32 s7, $0x1F;
	s1 =	sand.u32 $0x1FFFFF80, s1  }
0x10b: {  	p1 =	slt.s32 s7, $0x1;
	p2 =	sne.s32 s24, $0x0;
	s1 =	sadd.s32 s0, s1  }
0x10c: {  	[tilespmem:s5], [sflag:$0x1] =	stream.strided.gather [hbm4b:s1+s21], $0x800, s17, s21, $0x38;
	[tilespmem:$0x1C800] =	vst v63  }
0x10d: {  	p0 =	por !p1, !p2;
	s5 =	sshrl.u32 s2, $0x19  }
0x10e: {  	v19, _, _ =	vpop (xrf0);
	s4 =	simm.s32 $0x1;
	p0 =	por !p0, !p0;
	s1 =	sadd.s32 s5, s7  }
0x10f: {  	(v2sf) =	vpush v19, $0xF;
	s4 =	simm.s32 @!p0 $0x0;
	s1 =	sshrl.u32 s1, $0x7  }
0x110: {  	s1 =	ssub.s32 s1, s4  }
0x111: {  	s1 =	sshll.u32 s1, $0x7  }
0x112: {  	s1 =	sand.u32 $0x1FFFFF80, s1;
	s4 =	spop (v2sf)  }
0x113: {  	s7 =	simm.s32 $0x7000;
	s1 =	sadd.s32 s0, s1;
	s24 =	sand.u32 $0x7F, s4  }
0x114: {  	[tilespmem:s7], [sflag:$0x1] =	stream.strided.gather [hbm4b:s1+s21], $0x800, s17, s21, $0x38;
	[tilespmem:$0x1C800] =	vst v63  }
0x115: {  	s2 =	sshra.s32 s4, $0x1F;
	p3 =	slt.s32 s4, $0x1;
	p4 =	sne.s32 s24, $0x0  }
0x116: {  	s5 =	sshrl.u32 s2, $0x19;
	p0 =	por !p3, !p4  }
0x117: {  	s1 =	sadd.s32 s5, s4;
	s4 =	simm.s32 $0x1;
	p0 =	por !p0, !p0  }
0x118: {  	s1 =	sshrl.u32 s1, $0x7;
	s4 =	simm.s32 @!p0 $0x0  }
0x119: {  	s1 =	ssub.s32 s1, s4  }
0x11a: {  	s1 =	sshll.u32 s1, $0x7  }
0x11b: {  	s1 =	sand.u32 $0x1FFFFF80, s1  }
0x11c: {  	s7 =	simm.s32 $0x7800;
	s1 =	sadd.s32 s0, s1  }
0x11d: {  	[tilespmem:s7], [sflag:$0x1] =	stream.strided.gather [hbm4b:s1+s21], $0x800, s17, s21, $0x38;
	[tilespmem:$0x1C800] =	vst v63  }
0x11e: {  	s1 =	spop (v2sf)  }
0x11f: {  	s24 =	sand.u32 $0x7F, s1  }
0x120: {  	s2 =	sshra.s32 s1, $0x1F;
	p5 =	slt.s32 s1, $0x1;
	p6 =	sne.s32 s24, $0x0  }
0x121: {  	s7 =	sshrl.u32 s2, $0x19;
	p0 =	por !p5, !p6  }
0x122: {  	s4 =	simm.s32 $0x1;
	s1 =	sadd.s32 s7, s1;
	p0 =	por !p0, !p0  }
0x123: {  	s1 =	sshrl.u32 s1, $0x7;
	s4 =	simm.s32 @!p0 $0x0  }
0x124: {  	s1 =	ssub.s32 s1, s4  }
0x125: {  	s1 =	sshll.u32 s1, $0x7  }
0x126: {  	s1 =	sand.u32 $0x1FFFFF80, s1  }
0x127: {  	s24 =	simm.s32 $0x8000;
	s1 =	sadd.s32 s0, s1  }
0x128: {  	[tilespmem:s24], [sflag:$0x1] =	stream.strided.gather [hbm4b:s1+s21], $0x800, s17, s21, $0x38;
	[tilespmem:$0x1C800] =	vst v63  }
0x129: {  	_ =	swait.ge [sflag:s3], $0x200  }
0x12a: {  	[sflag:s3] =	ssyncset.done $0x0  }
0x12b: {  	[sflag:s3] =	ssyncadd.s32 $0xFFFFFE00  }
0x12c: {  	_ =	swait.ge [sflag:s3], $0x200  }
0x12d: {  	[sflag:s3] =	ssyncset.done $0x0  }
0x12e: {  	[sflag:s3] =	ssyncadd.s32 $0xFFFFFE00  }
0x12f: {  	_ =	swait.ge [sflag:s3], $0x200  }
0x130: {  	[sflag:s3] =	ssyncset.done $0x0  }
0x131: {  	[sflag:s3] =	ssyncadd.s32 $0xFFFFFE00  }
0x132: {  	_ =	swait.ge [sflag:s3], $0x800  }
0x133: {  	[sflag:s3] =	ssyncset.done $0x0  }
0x134: {  	[sflag:s3] =	ssyncadd.s32 $0xFFFFF800  }
0x135: {  	_ =	swait.ge [sflag:s3], $0x800  }
0x136: {  	[sflag:s3] =	ssyncset.done $0x0  }
0x137: {  	[sflag:s3] =	ssyncadd.s32 $0xFFFFF800  }
0x138: {  	_ =	swait.ge [sflag:s3], $0x1000  }
0x139: {  	s30 =	simm.s32 $0x10;
	s31 =	simm.s32 $0x20000;
	[sflag:s3] =	ssyncset.done $0x0  }
0x13a: {  	s5 =	simm.s32 $0x0;
	s4 =	simm.s32 $0x400;
	[sflag:s3] =	ssyncadd.s32 $0xFFFFF000  }
.LBB2_2:
0x13b: {  	v19 =	vld [tilespmem:s30+$0x0];
	_ =	sdelay $0x4  }
0x13c: {  	v20 =	vnsel vm0, $0x0, v19  }
0x13d: {  	(xrf0) =	vadd.scan.msk.s32 $0xffff, v20;
	_ =	sdelay $0x5  }
0x13e: {  	v20, _, _ =	vpop (xrf0)  }
0x13f: {  	(v2sf) =	vpush v20, $0xF;
	_ =	sdelay $0x2  }
0x140: {  	v20 =	vsel vm1, $0x0, v19  }
0x141: {  	(xrf0) =	vadd.scan.msk.s32 $0xffff, v20;
	_ =	sdelay $0x5  }
0x142: {  	v20, _, _ =	vpop (xrf0)  }
0x143: {  	(v2sf) =	vpush v20, $0xF;
	_ =	sdelay $0x2  }
0x144: {  	v20 =	vsel vm2, $0x0, v19  }
0x145: {  	(xrf0) =	vadd.scan.msk.s32 $0xffff, v20;
	s1 =	spop (v2sf)  }
0x146: {  	s2 =	sand.u32 $0x7F, s1  }
0x147: {  	s24 =	sshra.s32 s1, $0x1F;
	p0 =	slt.s32 s1, $0x1;
	p1 =	sne.s32 s2, $0x0  }
0x148: {  	s7 =	sshrl.u32 s24, $0x19;
	p0 =	por !p0, !p1  }
0x149: {  	s2 =	simm.s32 $0x1;
	s1 =	sadd.s32 s7, s1;
	p0 =	por !p0, !p0  }
0x14a: {  	s1 =	sshrl.u32 s1, $0x7;
	s2 =	simm.s32 @!p0 $0x0  }
0x14b: {  	v20, _, _ =	vpop (xrf0);
	s1 =	ssub.s32 s1, s2  }
0x14c: {  	(v2sf) =	vpush v20, $0xF;
	s24 =	sshrl.u32 s31, $0x2;
	s7 =	sshll.u32 s1, $0x7  }
0x14d: {  	s1 =	sand.u32 $0x8000, s24;
	s24 =	sand.u32 $0x1FFFFF80, s7  }
0x14e: {  	s7 =	sor.u32 $0x800, s1;
	s2 =	sadd.s32 s0, s24  }
0x14f: {  	v20 =	vsel vm3, $0x0, v19;
	[tilespmem:s7], [sflag:$0x1] =	stream.strided.gather [hbm4b:s2+s21], $0x800, s17, s21, $0x38;
	[tilespmem:$0x1C800] =	vst v63  }
0x150: {  	(xrf0) =	vadd.scan.msk.s32 $0xffff, v20;
	s2 =	spop (v2sf)  }
0x151: {  	s24 =	sand.u32 $0x7F, s2  }
0x152: {  	s7 =	sshra.s32 s2, $0x1F;
	p1 =	slt.s32 s2, $0x1;
	p2 =	sne.s32 s24, $0x0  }
0x153: {  	s7 =	sshrl.u32 s7, $0x19;
	p0 =	por !p1, !p2  }
0x154: {  	s2 =	sadd.s32 s7, s2;
	s7 =	simm.s32 $0x1;
	p0 =	por !p0, !p0  }
0x155: {  	s2 =	sshrl.u32 s2, $0x7;
	s7 =	simm.s32 @!p0 $0x0  }
0x156: {  	v20, _, _ =	vpop (xrf0);
	s2 =	ssub.s32 s2, s7  }
0x157: {  	(v2sf) =	vpush v20, $0xF;
	s2 =	sshll.u32 s2, $0x7  }
0x158: {  	s2 =	sand.u32 $0x1FFFFF80, s2  }
0x159: {  	s24 =	sor.u32 $0x1000, s1;
	s2 =	sadd.s32 s0, s2  }
0x15a: {  	v20 =	vsel vm4, $0x0, v19;
	[tilespmem:s24], [sflag:$0x1] =	stream.strided.gather [hbm4b:s2+s21], $0x800, s17, s21, $0x38;
	[tilespmem:$0x1C800] =	vst v63  }
0x15b: {  	(xrf0) =	vadd.scan.msk.s32 $0xffff, v20;
	s2 =	spop (v2sf)  }
0x15c: {  	s7 =	sand.u32 $0x7F, s2  }
0x15d: {  	s24 =	sshra.s32 s2, $0x1F;
	p3 =	slt.s32 s2, $0x1;
	p4 =	sne.s32 s7, $0x0  }
0x15e: {  	s24 =	sshrl.u32 s24, $0x19;
	p0 =	por !p3, !p4  }
0x15f: {  	s7 =	simm.s32 $0x1;
	s2 =	sadd.s32 s24, s2;
	p0 =	por !p0, !p0  }
0x160: {  	s2 =	sshrl.u32 s2, $0x7;
	s7 =	simm.s32 @!p0 $0x0  }
0x161: {  	v20, _, _ =	vpop (xrf0);
	s2 =	ssub.s32 s2, s7  }
0x162: {  	(v2sf) =	vpush v20, $0xF;
	s2 =	sshll.u32 s2, $0x7  }
0x163: {  	s2 =	sand.u32 $0x1FFFFF80, s2  }
0x164: {  	s24 =	sor.u32 $0x1800, s1;
	s2 =	sadd.s32 s0, s2  }
0x165: {  	v20 =	vsel vm5, $0x0, v19;
	[tilespmem:s24], [sflag:$0x1] =	stream.strided.gather [hbm4b:s2+s21], $0x800, s17, s21, $0x38;
	[tilespmem:$0x1C800] =	vst v63  }
0x166: {  	(xrf0) =	vadd.scan.msk.s32 $0xffff, v20;
	s2 =	spop (v2sf)  }
0x167: {  	s7 =	sand.u32 $0x7F, s2  }
0x168: {  	s24 =	sshra.s32 s2, $0x1F;
	p5 =	slt.s32 s2, $0x1;
	p6 =	sne.s32 s7, $0x0  }
0x169: {  	s24 =	sshrl.u32 s24, $0x19;
	p0 =	por !p5, !p6  }
0x16a: {  	s7 =	simm.s32 $0x1;
	s2 =	sadd.s32 s24, s2;
	p0 =	por !p0, !p0  }
0x16b: {  	s2 =	sshrl.u32 s2, $0x7;
	s7 =	simm.s32 @!p0 $0x0  }
0x16c: {  	v20, _, _ =	vpop (xrf0);
	s2 =	ssub.s32 s2, s7  }
0x16d: {  	(v2sf) =	vpush v20, $0xF;
	s2 =	sshll.u32 s2, $0x7  }
0x16e: {  	s2 =	sand.u32 $0x1FFFFF80, s2  }
0x16f: {  	s24 =	sor.u32 $0x2000, s1;
	s2 =	sadd.s32 s0, s2  }
0x170: {  	v20 =	vsel vm6, $0x0, v19;
	[tilespmem:s24], [sflag:$0x1] =	stream.strided.gather [hbm4b:s2+s21], $0x800, s17, s21, $0x38;
	[tilespmem:$0x1C800] =	vst v63  }
0x171: {  	(xrf0) =	vadd.scan.msk.s32 $0xffff, v20;
	s2 =	spop (v2sf)  }
0x172: {  	s7 =	sand.u32 $0x7F, s2  }
0x173: {  	s24 =	sshra.s32 s2, $0x1F;
	p1 =	slt.s32 s2, $0x1;
	p2 =	sne.s32 s7, $0x0  }
0x174: {  	s24 =	sshrl.u32 s24, $0x19;
	p0 =	por !p1, !p2  }
0x175: {  	s7 =	simm.s32 $0x1;
	s2 =	sadd.s32 s24, s2;
	p0 =	por !p0, !p0  }
0x176: {  	s2 =	sshrl.u32 s2, $0x7;
	s7 =	simm.s32 @!p0 $0x0  }
0x177: {  	v20, _, _ =	vpop (xrf0);
	s2 =	ssub.s32 s2, s7  }
0x178: {  	(v2sf) =	vpush v20, $0xF;
	s2 =	sshll.u32 s2, $0x7  }
0x179: {  	s2 =	sand.u32 $0x1FFFFF80, s2  }
0x17a: {  	s24 =	sor.u32 $0x2800, s1;
	s2 =	sadd.s32 s0, s2  }
0x17b: {  	v20 =	vsel vm7, $0x0, v19;
	[tilespmem:s24], [sflag:$0x1] =	stream.strided.gather [hbm4b:s2+s21], $0x800, s17, s21, $0x38;
	[tilespmem:$0x1C800] =	vst v63  }
0x17c: {  	(xrf0) =	vadd.scan.msk.s32 $0xffff, v20;
	s2 =	spop (v2sf)  }
0x17d: {  	s7 =	sand.u32 $0x7F, s2  }
0x17e: {  	s24 =	sshra.s32 s2, $0x1F;
	p3 =	slt.s32 s2, $0x1;
	p4 =	sne.s32 s7, $0x0  }
0x17f: {  	s24 =	sshrl.u32 s24, $0x19;
	p0 =	por !p3, !p4  }
0x180: {  	s7 =	simm.s32 $0x1;
	s2 =	sadd.s32 s24, s2;
	p0 =	por !p0, !p0  }
0x181: {  	s2 =	sshrl.u32 s2, $0x7;
	s7 =	simm.s32 @!p0 $0x0  }
0x182: {  	v20, _, _ =	vpop (xrf0);
	s2 =	ssub.s32 s2, s7  }
0x183: {  	(v2sf) =	vpush v20, $0xF;
	s2 =	sshll.u32 s2, $0x7  }
0x184: {  	s2 =	sand.u32 $0x1FFFFF80, s2  }
0x185: {  	s24 =	sor.u32 $0x3000, s1;
	s2 =	sadd.s32 s0, s2  }
0x186: {  	v20 =	vsel vm8, $0x0, v19;
	[tilespmem:s24], [sflag:$0x1] =	stream.strided.gather [hbm4b:s2+s21], $0x800, s17, s21, $0x38;
	[tilespmem:$0x1C800] =	vst v63  }
0x187: {  	(xrf0) =	vadd.scan.msk.s32 $0xffff, v20;
	s2 =	spop (v2sf)  }
0x188: {  	s7 =	sand.u32 $0x7F, s2  }
0x189: {  	s24 =	sshra.s32 s2, $0x1F;
	p5 =	slt.s32 s2, $0x1;
	p6 =	sne.s32 s7, $0x0  }
0x18a: {  	s24 =	sshrl.u32 s24, $0x19;
	p0 =	por !p5, !p6  }
0x18b: {  	s7 =	simm.s32 $0x1;
	s2 =	sadd.s32 s24, s2;
	p0 =	por !p0, !p0  }
0x18c: {  	s2 =	sshrl.u32 s2, $0x7;
	s7 =	simm.s32 @!p0 $0x0  }
0x18d: {  	v20, _, _ =	vpop (xrf0);
	s2 =	ssub.s32 s2, s7  }
0x18e: {  	(v2sf) =	vpush v20, $0xF;
	s2 =	sshll.u32 s2, $0x7  }
0x18f: {  	s2 =	sand.u32 $0x1FFFFF80, s2  }
0x190: {  	s24 =	sor.u32 $0x3800, s1;
	s2 =	sadd.s32 s0, s2  }
0x191: {  	v20 =	vsel vm9, $0x0, v19;
	[tilespmem:s24], [sflag:$0x1] =	stream.strided.gather [hbm4b:s2+s21], $0x800, s17, s21, $0x38;
	[tilespmem:$0x1C800] =	vst v63  }
0x192: {  	(xrf0) =	vadd.scan.msk.s32 $0xffff, v20;
	s2 =	spop (v2sf)  }
0x193: {  	s7 =	sand.u32 $0x7F, s2  }
0x194: {  	s24 =	sshra.s32 s2, $0x1F;
	p1 =	slt.s32 s2, $0x1;
	p2 =	sne.s32 s7, $0x0  }
0x195: {  	s24 =	sshrl.u32 s24, $0x19;
	p0 =	por !p1, !p2  }
0x196: {  	s7 =	simm.s32 $0x1;
	s2 =	sadd.s32 s24, s2;
	p0 =	por !p0, !p0  }
0x197: {  	s2 =	sshrl.u32 s2, $0x7;
	s7 =	simm.s32 @!p0 $0x0  }
0x198: {  	v20, _, _ =	vpop (xrf0);
	s2 =	ssub.s32 s2, s7  }
0x199: {  	(v2sf) =	vpush v20, $0xF;
	s2 =	sshll.u32 s2, $0x7  }
0x19a: {  	s2 =	sand.u32 $0x1FFFFF80, s2  }
0x19b: {  	s24 =	sor.u32 $0x4000, s1;
	s2 =	sadd.s32 s0, s2  }
0x19c: {  	v20 =	vsel vm10, $0x0, v19;
	[tilespmem:s24], [sflag:$0x1] =	stream.strided.gather [hbm4b:s2+s21], $0x800, s17, s21, $0x38;
	[tilespmem:$0x1C800] =	vst v63  }
0x19d: {  	(xrf0) =	vadd.scan.msk.s32 $0xffff, v20;
	s2 =	spop (v2sf)  }
0x19e: {  	s7 =	sand.u32 $0x7F, s2  }
0x19f: {  	s24 =	sshra.s32 s2, $0x1F;
	p3 =	slt.s32 s2, $0x1;
	p4 =	sne.s32 s7, $0x0  }
0x1a0: {  	s24 =	sshrl.u32 s24, $0x19;
	p0 =	por !p3, !p4  }
0x1a1: {  	s7 =	simm.s32 $0x1;
	s2 =	sadd.s32 s24, s2;
	p0 =	por !p0, !p0  }
0x1a2: {  	s2 =	sshrl.u32 s2, $0x7;
	s7 =	simm.s32 @!p0 $0x0  }
0x1a3: {  	v20, _, _ =	vpop (xrf0);
	s2 =	ssub.s32 s2, s7  }
0x1a4: {  	(v2sf) =	vpush v20, $0xF;
	s2 =	sshll.u32 s2, $0x7  }
0x1a5: {  	s2 =	sand.u32 $0x1FFFFF80, s2  }
0x1a6: {  	s24 =	sor.u32 $0x4800, s1;
	s2 =	sadd.s32 s0, s2  }
0x1a7: {  	v20 =	vsel vm11, $0x0, v19;
	[tilespmem:s24], [sflag:$0x1] =	stream.strided.gather [hbm4b:s2+s21], $0x800, s17, s21, $0x38;
	[tilespmem:$0x1C800] =	vst v63  }
0x1a8: {  	(xrf0) =	vadd.scan.msk.s32 $0xffff, v20;
	s2 =	spop (v2sf)  }
0x1a9: {  	s7 =	sand.u32 $0x7F, s2  }
0x1aa: {  	s24 =	sshra.s32 s2, $0x1F;
	p5 =	slt.s32 s2, $0x1;
	p6 =	sne.s32 s7, $0x0  }
0x1ab: {  	s24 =	sshrl.u32 s24, $0x19;
	p0 =	por !p5, !p6  }
0x1ac: {  	s7 =	simm.s32 $0x1;
	s2 =	sadd.s32 s24, s2;
	p0 =	por !p0, !p0  }
0x1ad: {  	s2 =	sshrl.u32 s2, $0x7;
	s7 =	simm.s32 @!p0 $0x0  }
0x1ae: {  	v20, _, _ =	vpop (xrf0);
	s2 =	ssub.s32 s2, s7  }
0x1af: {  	(v2sf) =	vpush v20, $0xF;
	s2 =	sshll.u32 s2, $0x7  }
0x1b0: {  	s2 =	sand.u32 $0x1FFFFF80, s2  }
0x1b1: {  	s24 =	sor.u32 $0x5000, s1;
	s2 =	sadd.s32 s0, s2  }
0x1b2: {  	v20 =	vsel vm12, $0x0, v19;
	[tilespmem:s24], [sflag:$0x1] =	stream.strided.gather [hbm4b:s2+s21], $0x800, s17, s21, $0x38;
	[tilespmem:$0x1C800] =	vst v63  }
0x1b3: {  	(xrf0) =	vadd.scan.msk.s32 $0xffff, v20;
	s2 =	spop (v2sf)  }
0x1b4: {  	s7 =	sand.u32 $0x7F, s2  }
0x1b5: {  	s24 =	sshra.s32 s2, $0x1F;
	p1 =	slt.s32 s2, $0x1;
	p2 =	sne.s32 s7, $0x0  }
0x1b6: {  	s24 =	sshrl.u32 s24, $0x19;
	p0 =	por !p1, !p2  }
0x1b7: {  	s7 =	simm.s32 $0x1;
	s2 =	sadd.s32 s24, s2;
	p0 =	por !p0, !p0  }
0x1b8: {  	s2 =	sshrl.u32 s2, $0x7;
	s7 =	simm.s32 @!p0 $0x0  }
0x1b9: {  	v20, _, _ =	vpop (xrf0);
	s2 =	ssub.s32 s2, s7  }
0x1ba: {  	(v2sf) =	vpush v20, $0xF;
	s2 =	sshll.u32 s2, $0x7  }
0x1bb: {  	s2 =	sand.u32 $0x1FFFFF80, s2  }
0x1bc: {  	s24 =	sor.u32 $0x5800, s1;
	s2 =	sadd.s32 s0, s2  }
0x1bd: {  	v20 =	vsel vm13, $0x0, v19;
	[tilespmem:s24], [sflag:$0x1] =	stream.strided.gather [hbm4b:s2+s21], $0x800, s17, s21, $0x38;
	[tilespmem:$0x1C800] =	vst v63  }
0x1be: {  	(xrf0) =	vadd.scan.msk.s32 $0xffff, v20;
	s2 =	spop (v2sf)  }
0x1bf: {  	s7 =	sand.u32 $0x7F, s2  }
0x1c0: {  	s24 =	sshra.s32 s2, $0x1F;
	p3 =	slt.s32 s2, $0x1;
	p4 =	sne.s32 s7, $0x0  }
0x1c1: {  	s24 =	sshrl.u32 s24, $0x19;
	p0 =	por !p3, !p4  }
0x1c2: {  	s7 =	simm.s32 $0x1;
	s2 =	sadd.s32 s24, s2;
	p0 =	por !p0, !p0  }
0x1c3: {  	s2 =	sshrl.u32 s2, $0x7;
	s7 =	simm.s32 @!p0 $0x0  }
0x1c4: {  	v20, _, _ =	vpop (xrf0);
	s2 =	ssub.s32 s2, s7  }
0x1c5: {  	(v2sf) =	vpush v20, $0xF;
	s2 =	sshll.u32 s2, $0x7  }
0x1c6: {  	s2 =	sand.u32 $0x1FFFFF80, s2  }
0x1c7: {  	s24 =	sor.u32 $0x6000, s1;
	s2 =	sadd.s32 s0, s2  }
0x1c8: {  	v20 =	vsel vm14, $0x0, v19;
	[tilespmem:s24], [sflag:$0x1] =	stream.strided.gather [hbm4b:s2+s21], $0x800, s17, s21, $0x38;
	[tilespmem:$0x1C800] =	vst v63  }
0x1c9: {  	(xrf0) =	vadd.scan.msk.s32 $0xffff, v20;
	s2 =	spop (v2sf)  }
0x1ca: {  	s7 =	sand.u32 $0x7F, s2  }
0x1cb: {  	s24 =	sshra.s32 s2, $0x1F;
	p5 =	slt.s32 s2, $0x1;
	p6 =	sne.s32 s7, $0x0  }
0x1cc: {  	s24 =	sshrl.u32 s24, $0x19;
	p0 =	por !p5, !p6  }
0x1cd: {  	s7 =	simm.s32 $0x1;
	s2 =	sadd.s32 s24, s2;
	p0 =	por !p0, !p0  }
0x1ce: {  	s2 =	sshrl.u32 s2, $0x7;
	s7 =	simm.s32 @!p0 $0x0  }
0x1cf: {  	v20, _, _ =	vpop (xrf0);
	s2 =	ssub.s32 s2, s7  }
0x1d0: {  	(v2sf) =	vpush v20, $0xF;
	s2 =	sshll.u32 s2, $0x7  }
0x1d1: {  	s2 =	sand.u32 $0x1FFFFF80, s2  }
0x1d2: {  	s24 =	sor.u32 $0x6800, s1;
	s2 =	sadd.s32 s0, s2  }
0x1d3: {  	v19 =	vsel vm15, $0x0, v19;
	[tilespmem:s24], [sflag:$0x1] =	stream.strided.gather [hbm4b:s2+s21], $0x800, s17, s21, $0x38;
	[tilespmem:$0x1C800] =	vst v63  }
0x1d4: {  	(xrf0) =	vadd.scan.msk.s32 $0xffff, v19;
	s2 =	spop (v2sf)  }
0x1d5: {  	s7 =	sand.u32 $0x7F, s2  }
0x1d6: {  	s24 =	sshra.s32 s2, $0x1F;
	p1 =	slt.s32 s2, $0x1;
	p2 =	sne.s32 s7, $0x0  }
0x1d7: {  	s24 =	sshrl.u32 s24, $0x19;
	p0 =	por !p1, !p2  }
0x1d8: {  	s7 =	simm.s32 $0x1;
	s2 =	sadd.s32 s24, s2;
	p0 =	por !p0, !p0  }
0x1d9: {  	s2 =	sshrl.u32 s2, $0x7;
	s7 =	simm.s32 @!p0 $0x0  }
0x1da: {  	v19, _, _ =	vpop (xrf0);
	s2 =	ssub.s32 s2, s7  }
0x1db: {  	(v2sf) =	vpush v19, $0xF;
	s2 =	sshll.u32 s2, $0x7  }
0x1dc: {  	s2 =	sand.u32 $0x1FFFFF80, s2  }
0x1dd: {  	s24 =	sor.u32 $0x7000, s1;
	s2 =	sadd.s32 s0, s2  }
0x1de: {  	[tilespmem:s24], [sflag:$0x1] =	stream.strided.gather [hbm4b:s2+s21], $0x800, s17, s21, $0x38;
	[tilespmem:$0x1C800] =	vst v63  }
0x1df: {  	s2 =	spop (v2sf)  }
0x1e0: {  	s7 =	sand.u32 $0x7F, s2  }
0x1e1: {  	s24 =	sshra.s32 s2, $0x1F;
	p3 =	slt.s32 s2, $0x1;
	p4 =	sne.s32 s7, $0x0  }
0x1e2: {  	s24 =	sshrl.u32 s24, $0x19;
	p0 =	por !p3, !p4  }
0x1e3: {  	s7 =	simm.s32 $0x1;
	s2 =	sadd.s32 s24, s2;
	p0 =	por !p0, !p0  }
0x1e4: {  	s2 =	sshrl.u32 s2, $0x7;
	s7 =	simm.s32 @!p0 $0x0  }
0x1e5: {  	s2 =	ssub.s32 s2, s7  }
0x1e6: {  	s2 =	sshll.u32 s2, $0x7  }
0x1e7: {  	s2 =	sand.u32 $0x1FFFFF80, s2  }
0x1e8: {  	s24 =	sor.u32 $0x7800, s1;
	s2 =	sadd.s32 s0, s2  }
0x1e9: {  	[tilespmem:s24], [sflag:$0x1] =	stream.strided.gather [hbm4b:s2+s21], $0x800, s17, s21, $0x38;
	[tilespmem:$0x1C800] =	vst v63  }
0x1ea: {  	s2 =	spop (v2sf)  }
0x1eb: {  	s7 =	sand.u32 $0x7F, s2  }
0x1ec: {  	s24 =	sshra.s32 s2, $0x1F;
	p5 =	slt.s32 s2, $0x1;
	p6 =	sne.s32 s7, $0x0  }
0x1ed: {  	s24 =	sshrl.u32 s24, $0x19;
	p0 =	por !p5, !p6  }
0x1ee: {  	s7 =	simm.s32 $0x1;
	s2 =	sadd.s32 s24, s2;
	p0 =	por !p0, !p0  }
0x1ef: {  	s2 =	sshrl.u32 s2, $0x7;
	s7 =	simm.s32 @!p0 $0x0  }
0x1f0: {  	s2 =	ssub.s32 s2, s7  }
0x1f1: {  	s2 =	sshll.u32 s2, $0x7  }
0x1f2: {  	s2 =	sand.u32 $0x1FFFFF80, s2  }
0x1f3: {  	s1 =	sadd.s32 $0x8000, s1;
	s2 =	sadd.s32 s0, s2  }
0x1f4: {  	[tilespmem:s1], [sflag:$0x1] =	stream.strided.gather [hbm4b:s2+s21], $0x800, s17, s21, $0x38;
	[tilespmem:$0x1C800] =	vst v63  }
0x1f5: {  	v23 =	vld [tilespmem:s28+$0x0];
	_ =	sdelay $0x3  }
0x1f6: {  	v20 =	vmov s5  }
0x1f7: {  	v22 =	vshll.u32 v20, $0x3;
	v19 =	vor.u32 s5, v0  }
0x1f8: {  	v21 =	vand.u32 $0xC00, v22;
	v24 =	vand.u32 $0x7F, v19  }
0x1f9: {  	v19 =	vor.u32 v21, v24  }
0x1fa: {  	v26 =	vor.u32 $0x2000, v19;
	v25 =	vld.idx.msk [tilespmem:v23+s13+$0x0], $0xffff  }
0x1fb: {  	v27 =	vadd.s32 $0x80, v23;
	_ =	sdelay $0x3  }
0x1fc: {  	[tilespmem:v26+s22+$0x0] =	vst.idx.msk $0xffff, v25  }
0x1fd: {  	v48 =	vor.u32 $0x2080, v19;
	v25 =	vld.idx.msk [tilespmem:v27+s13+$0x0], $0xffff  }
0x1fe: {  	v49 =	vadd.s32 $0x100, v23;
	_ =	sdelay $0x3  }
0x1ff: {  	[tilespmem:v48+s22+$0x0] =	vst.idx.msk $0xffff, v25  }
0x200: {  	v50 =	vor.u32 $0x2100, v19;
	v25 =	vld.idx.msk [tilespmem:v49+s13+$0x0], $0xffff  }
0x201: {  	v51 =	vadd.s32 $0x180, v23;
	_ =	sdelay $0x3  }
0x202: {  	[tilespmem:v50+s22+$0x0] =	vst.idx.msk $0xffff, v25  }
0x203: {  	v52 =	vor.u32 $0x2180, v19;
	v25 =	vld.idx.msk [tilespmem:v51+s13+$0x0], $0xffff  }
0x204: {  	v53 =	vadd.s32 $0x200, v23;
	_ =	sdelay $0x3  }
0x205: {  	[tilespmem:v52+s22+$0x0] =	vst.idx.msk $0xffff, v25  }
0x206: {  	v54 =	vor.u32 $0x2200, v19;
	v25 =	vld.idx.msk [tilespmem:v53+s13+$0x0], $0xffff  }
0x207: {  	v55 =	vadd.s32 $0x280, v23;
	_ =	sdelay $0x3  }
0x208: {  	[tilespmem:v54+s22+$0x0] =	vst.idx.msk $0xffff, v25  }
0x209: {  	v56 =	vor.u32 $0x2280, v19;
	v25 =	vld.idx.msk [tilespmem:v55+s13+$0x0], $0xffff  }
0x20a: {  	v57 =	vadd.s32 $0x300, v23;
	_ =	sdelay $0x3  }
0x20b: {  	[tilespmem:v56+s22+$0x0] =	vst.idx.msk $0xffff, v25  }
0x20c: {  	v58 =	vor.u32 $0x2300, v19;
	v25 =	vld.idx.msk [tilespmem:v57+s13+$0x0], $0xffff  }
0x20d: {  	v59 =	vadd.s32 $0x380, v23;
	_ =	sdelay $0x3  }
0x20e: {  	v22 =	vor.u32 v22, v24;
	[tilespmem:v58+s22+$0x0] =	vst.idx.msk $0xffff, v25  }
0x20f: {  	v61 =	vor.u32 $0x2380, v22;
	v60 =	vld.idx.msk [tilespmem:v59+s13+$0x0], $0xffff  }
0x210: {  	v62 =	vadd.s32 $0x400, v23;
	_ =	sdelay $0x3  }
0x211: {  	[tilespmem:v61+s22+$0x0] =	vst.idx.msk $0xffff, v60  }
0x212: {  	v63 =	vor.u32 $0x3000, v19;
	v24 =	vld.idx.msk [tilespmem:v62+s13+$0x0], $0xffff  }
0x213: {  	v28 =	vadd.s32 $0x480, v23;
	_ =	sdelay $0x3  }
0x214: {  	[tilespmem:v63+s22+$0x0] =	vst.idx.msk $0xffff, v24  }
0x215: {  	v29 =	vor.u32 $0x3080, v19;
	v24 =	vld.idx.msk [tilespmem:v28+s13+$0x0], $0xffff  }
0x216: {  	v30 =	vadd.s32 $0x500, v23;
	_ =	sdelay $0x3  }
0x217: {  	[tilespmem:v29+s22+$0x0] =	vst.idx.msk $0xffff, v24  }
0x218: {  	v31 =	vor.u32 $0x3100, v19;
	v24 =	vld.idx.msk [tilespmem:v30+s13+$0x0], $0xffff  }
0x219: {  	v32 =	vadd.s32 $0x580, v23;
	_ =	sdelay $0x3  }
0x21a: {  	[tilespmem:v31+s22+$0x0] =	vst.idx.msk $0xffff, v24  }
0x21b: {  	v33 =	vor.u32 $0x3180, v19;
	v24 =	vld.idx.msk [tilespmem:v32+s13+$0x0], $0xffff  }
0x21c: {  	v34 =	vadd.s32 $0x600, v23;
	_ =	sdelay $0x3  }
0x21d: {  	[tilespmem:v33+s22+$0x0] =	vst.idx.msk $0xffff, v24  }
0x21e: {  	v35 =	vor.u32 $0x3200, v19;
	v24 =	vld.idx.msk [tilespmem:v34+s13+$0x0], $0xffff  }
0x21f: {  	v36 =	vadd.s32 $0x680, v23;
	_ =	sdelay $0x3  }
0x220: {  	[tilespmem:v35+s22+$0x0] =	vst.idx.msk $0xffff, v24  }
0x221: {  	v37 =	vor.u32 $0x3280, v19;
	v24 =	vld.idx.msk [tilespmem:v36+s13+$0x0], $0xffff  }
0x222: {  	v38 =	vadd.s32 $0x700, v23;
	_ =	sdelay $0x3  }
0x223: {  	[tilespmem:v37+s22+$0x0] =	vst.idx.msk $0xffff, v24  }
0x224: {  	v39 =	vor.u32 $0x3300, v19;
	v24 =	vld.idx.msk [tilespmem:v38+s13+$0x0], $0xffff  }
0x225: {  	v23 =	vadd.s32 $0x780, v23;
	_ =	sdelay $0x3  }
0x226: {  	[tilespmem:v39+s22+$0x0] =	vst.idx.msk $0xffff, v24  }
0x227: {  	v40 =	vor.u32 $0x3380, v22;
	v23 =	vld.idx.msk [tilespmem:v23+s13+$0x0], $0xffff;
	_ =	sdelay $0x4  }
0x228: {  	[tilespmem:v40+s22+$0x0] =	vst.idx.msk $0xffff, v23  }
0x229: {  	v23 =	vld [tilespmem:s4+$0x0];
	_ =	sdelay $0x7  }
0x22a: {  	v41 =	vor.u32 $0x4000, v19;
	v24 =	vld.idx.msk [tilespmem:v23+s14+$0x0], $0xffff  }
0x22b: {  	v42 =	vadd.s32 $0x80, v23;
	_ =	sdelay $0x3  }
0x22c: {  	[tilespmem:v41+s22+$0x0] =	vst.idx.msk $0xffff, v24  }
0x22d: {  	v43 =	vor.u32 $0x4080, v19;
	v24 =	vld.idx.msk [tilespmem:v42+s14+$0x0], $0xffff  }
0x22e: {  	v44 =	vadd.s32 $0x100, v23;
	_ =	sdelay $0x3  }
0x22f: {  	[tilespmem:v43+s22+$0x0] =	vst.idx.msk $0xffff, v24  }
0x230: {  	v45 =	vor.u32 $0x4100, v19;
	v24 =	vld.idx.msk [tilespmem:v44+s14+$0x0], $0xffff  }
0x231: {  	v46 =	vadd.s32 $0x180, v23;
	_ =	sdelay $0x3  }
0x232: {  	[tilespmem:v45+s22+$0x0] =	vst.idx.msk $0xffff, v24  }
0x233: {  	v47 =	vor.u32 $0x4180, v19;
	v24 =	vld.idx.msk [tilespmem:v46+s14+$0x0], $0xffff  }
0x234: {  	v48 =	vadd.s32 $0x200, v23;
	_ =	sdelay $0x3  }
0x235: {  	[tilespmem:v47+s22+$0x0] =	vst.idx.msk $0xffff, v24  }
0x236: {  	v49 =	vor.u32 $0x4200, v19;
	v24 =	vld.idx.msk [tilespmem:v48+s14+$0x0], $0xffff  }
0x237: {  	v50 =	vadd.s32 $0x280, v23;
	_ =	sdelay $0x3  }
0x238: {  	[tilespmem:v49+s22+$0x0] =	vst.idx.msk $0xffff, v24  }
0x239: {  	v51 =	vor.u32 $0x4280, v19;
	v24 =	vld.idx.msk [tilespmem:v50+s14+$0x0], $0xffff  }
0x23a: {  	v52 =	vadd.s32 $0x300, v23;
	_ =	sdelay $0x3  }
0x23b: {  	[tilespmem:v51+s22+$0x0] =	vst.idx.msk $0xffff, v24  }
0x23c: {  	v53 =	vor.u32 $0x4300, v19;
	v24 =	vld.idx.msk [tilespmem:v52+s14+$0x0], $0xffff  }
0x23d: {  	v54 =	vadd.s32 $0x380, v23;
	_ =	sdelay $0x3  }
0x23e: {  	[tilespmem:v53+s22+$0x0] =	vst.idx.msk $0xffff, v24  }
0x23f: {  	v55 =	vor.u32 $0x4380, v22;
	v24 =	vld.idx.msk [tilespmem:v54+s14+$0x0], $0xffff  }
0x240: {  	v56 =	vadd.s32 $0x400, v23;
	_ =	sdelay $0x3  }
0x241: {  	[tilespmem:v55+s22+$0x0] =	vst.idx.msk $0xffff, v24  }
0x242: {  	v57 =	vor.u32 $0x5000, v19;
	v24 =	vld.idx.msk [tilespmem:v56+s14+$0x0], $0xffff  }
0x243: {  	v58 =	vadd.s32 $0x480, v23;
	_ =	sdelay $0x3  }
0x244: {  	[tilespmem:v57+s22+$0x0] =	vst.idx.msk $0xffff, v24  }
0x245: {  	v59 =	vor.u32 $0x5080, v19;
	v24 =	vld.idx.msk [tilespmem:v58+s14+$0x0], $0xffff  }
0x246: {  	v60 =	vadd.s32 $0x500, v23;
	_ =	sdelay $0x3  }
0x247: {  	[tilespmem:v59+s22+$0x0] =	vst.idx.msk $0xffff, v24  }
0x248: {  	v61 =	vor.u32 $0x5100, v19;
	v24 =	vld.idx.msk [tilespmem:v60+s14+$0x0], $0xffff  }
0x249: {  	v62 =	vadd.s32 $0x580, v23;
	_ =	sdelay $0x3  }
0x24a: {  	[tilespmem:v61+s22+$0x0] =	vst.idx.msk $0xffff, v24  }
0x24b: {  	v63 =	vor.u32 $0x5180, v19;
	v24 =	vld.idx.msk [tilespmem:v62+s14+$0x0], $0xffff  }
0x24c: {  	v28 =	vadd.s32 $0x600, v23;
	_ =	sdelay $0x3  }
0x24d: {  	[tilespmem:v63+s22+$0x0] =	vst.idx.msk $0xffff, v24  }
0x24e: {  	v29 =	vor.u32 $0x5200, v19;
	v24 =	vld.idx.msk [tilespmem:v28+s14+$0x0], $0xffff  }
0x24f: {  	v30 =	vadd.s32 $0x680, v23;
	_ =	sdelay $0x3  }
0x250: {  	[tilespmem:v29+s22+$0x0] =	vst.idx.msk $0xffff, v24  }
0x251: {  	v31 =	vor.u32 $0x5280, v19;
	v24 =	vld.idx.msk [tilespmem:v30+s14+$0x0], $0xffff  }
0x252: {  	v32 =	vadd.s32 $0x700, v23;
	_ =	sdelay $0x3  }
0x253: {  	[tilespmem:v31+s22+$0x0] =	vst.idx.msk $0xffff, v24  }
0x254: {  	v33 =	vor.u32 $0x5300, v19;
	v24 =	vld.idx.msk [tilespmem:v32+s14+$0x0], $0xffff  }
0x255: {  	v23 =	vadd.s32 $0x780, v23;
	_ =	sdelay $0x3  }
0x256: {  	[tilespmem:v33+s22+$0x0] =	vst.idx.msk $0xffff, v24  }
0x257: {  	v34 =	vor.u32 $0x5380, v22;
	v23 =	vld.idx.msk [tilespmem:v23+s14+$0x0], $0xffff;
	_ =	sdelay $0x4  }
0x258: {  	[tilespmem:v34+s22+$0x0] =	vst.idx.msk $0xffff, v23  }
0x259: {  	v23 =	vld [tilespmem:s29+$0x0];
	_ =	sdelay $0x4  }
0x25a: {  	v35 =	vshll.u32 v23, $0x3  }
0x25b: {  	v23 =	vand.u32 $0x7F, v23;
	v24 =	vand.u32 $0xFFFFFC00, v35  }
0x25c: {  	v23 =	vor.u32 v23, v24;
	_ =	sdelay $0x4  }
0x25d: {  	v36 =	vor.u32 $0x6000, v19;
	v24 =	vld.idx.msk [tilespmem:v23+s16+$0x0], $0xffff  }
0x25e: {  	v37 =	vor.u32 $0x80, v23;
	_ =	sdelay $0x3  }
0x25f: {  	[tilespmem:v36+s22+$0x0] =	vst.idx.msk $0xffff, v24  }
0x260: {  	v38 =	vor.u32 $0x6080, v19;
	v24 =	vld.idx.msk [tilespmem:v37+s16+$0x0], $0xffff  }
0x261: {  	v39 =	vor.u32 $0x100, v23;
	_ =	sdelay $0x3  }
0x262: {  	[tilespmem:v38+s22+$0x0] =	vst.idx.msk $0xffff, v24  }
0x263: {  	v40 =	vor.u32 $0x6100, v19;
	v24 =	vld.idx.msk [tilespmem:v39+s16+$0x0], $0xffff  }
0x264: {  	v41 =	vor.u32 $0x180, v23;
	_ =	sdelay $0x3  }
0x265: {  	[tilespmem:v40+s22+$0x0] =	vst.idx.msk $0xffff, v24  }
0x266: {  	v42 =	vor.u32 $0x6180, v19;
	v24 =	vld.idx.msk [tilespmem:v41+s16+$0x0], $0xffff  }
0x267: {  	v43 =	vor.u32 $0x200, v23;
	_ =	sdelay $0x3  }
0x268: {  	[tilespmem:v42+s22+$0x0] =	vst.idx.msk $0xffff, v24  }
0x269: {  	v44 =	vor.u32 $0x6200, v19;
	v24 =	vld.idx.msk [tilespmem:v43+s16+$0x0], $0xffff  }
0x26a: {  	v45 =	vor.u32 $0x280, v23;
	_ =	sdelay $0x3  }
0x26b: {  	[tilespmem:v44+s22+$0x0] =	vst.idx.msk $0xffff, v24  }
0x26c: {  	v46 =	vor.u32 $0x6280, v19;
	v24 =	vld.idx.msk [tilespmem:v45+s16+$0x0], $0xffff  }
0x26d: {  	v47 =	vor.u32 $0x300, v23;
	_ =	sdelay $0x3  }
0x26e: {  	[tilespmem:v46+s22+$0x0] =	vst.idx.msk $0xffff, v24  }
0x26f: {  	v48 =	vor.u32 $0x6300, v19;
	v24 =	vld.idx.msk [tilespmem:v47+s16+$0x0], $0xffff  }
0x270: {  	v49 =	vor.u32 $0x380, v23;
	_ =	sdelay $0x3  }
0x271: {  	[tilespmem:v48+s22+$0x0] =	vst.idx.msk $0xffff, v24  }
0x272: {  	v50 =	vor.u32 $0x6380, v22;
	v24 =	vld.idx.msk [tilespmem:v49+s16+$0x0], $0xffff  }
0x273: {  	v51 =	vadd.s32 $0x800, v23;
	_ =	sdelay $0x3  }
0x274: {  	[tilespmem:v50+s22+$0x0] =	vst.idx.msk $0xffff, v24  }
0x275: {  	v52 =	vor.u32 $0x7000, v19;
	v24 =	vld.idx.msk [tilespmem:v51+s16+$0x0], $0xffff  }
0x276: {  	v53 =	vadd.s32 $0x880, v23;
	_ =	sdelay $0x3  }
0x277: {  	[tilespmem:v52+s22+$0x0] =	vst.idx.msk $0xffff, v24  }
0x278: {  	v54 =	vor.u32 $0x7080, v19;
	v24 =	vld.idx.msk [tilespmem:v53+s16+$0x0], $0xffff  }
0x279: {  	v55 =	vadd.s32 $0x900, v23;
	_ =	sdelay $0x3  }
0x27a: {  	[tilespmem:v54+s22+$0x0] =	vst.idx.msk $0xffff, v24  }
0x27b: {  	v56 =	vor.u32 $0x7100, v19;
	v24 =	vld.idx.msk [tilespmem:v55+s16+$0x0], $0xffff  }
0x27c: {  	v57 =	vadd.s32 $0x980, v23;
	_ =	sdelay $0x3  }
0x27d: {  	[tilespmem:v56+s22+$0x0] =	vst.idx.msk $0xffff, v24  }
0x27e: {  	v58 =	vor.u32 $0x7180, v19;
	v24 =	vld.idx.msk [tilespmem:v57+s16+$0x0], $0xffff  }
0x27f: {  	v59 =	vadd.s32 $0xA00, v23;
	_ =	sdelay $0x3  }
0x280: {  	[tilespmem:v58+s22+$0x0] =	vst.idx.msk $0xffff, v24  }
0x281: {  	v60 =	vor.u32 $0x7200, v19;
	v24 =	vld.idx.msk [tilespmem:v59+s16+$0x0], $0xffff  }
0x282: {  	v61 =	vadd.s32 $0xA80, v23;
	_ =	sdelay $0x3  }
0x283: {  	[tilespmem:v60+s22+$0x0] =	vst.idx.msk $0xffff, v24  }
0x284: {  	v62 =	vor.u32 $0x7280, v19;
	v24 =	vld.idx.msk [tilespmem:v61+s16+$0x0], $0xffff  }
0x285: {  	v63 =	vadd.s32 $0xB00, v23;
	_ =	sdelay $0x3  }
0x286: {  	[tilespmem:v62+s22+$0x0] =	vst.idx.msk $0xffff, v24  }
0x287: {  	v19 =	vor.u32 $0x7300, v19;
	v24 =	vld.idx.msk [tilespmem:v63+s16+$0x0], $0xffff  }
0x288: {  	v23 =	vadd.s32 $0xB80, v23;
	_ =	sdelay $0x3  }
0x289: {  	[tilespmem:v19+s22+$0x0] =	vst.idx.msk $0xffff, v24  }
0x28a: {  	v22 =	vor.u32 $0x7380, v22;
	v19 =	vld.idx.msk [tilespmem:v23+s16+$0x0], $0xffff;
	_ =	sdelay $0x4  }
0x28b: {  	[tilespmem:v22+s22+$0x0] =	vst.idx.msk $0xffff, v19  }
0x28c: {  	v19 =	vld [tilespmem:s30+$0xFFFFFFF0];
	_ =	swait.ge [sflag:s18], $0x800  }
0x28d: {  	[sflag:s18] =	ssyncset.done $0x0  }
0x28e: {  	[sflag:s18] =	ssyncadd.s32 $0xFFFFF800  }
0x28f: {  	_ =	swait.ge [sflag:s18], $0x800  }
0x290: {  	[sflag:s18] =	ssyncset.done $0x0  }
0x291: {  	[sflag:s18] =	ssyncadd.s32 $0xFFFFF800  }
0x292: {  	_ =	swait.ge [sflag:s18], $0x800  }
0x293: {  	[sflag:s18] =	ssyncset.done $0x0  }
0x294: {  	[sflag:s18] =	ssyncadd.s32 $0xFFFFF800  }
0x295: {  	_ =	swait.ge [sflag:s18], $0x800  }
0x296: {  	[sflag:s18] =	ssyncset.done $0x0  }
0x297: {  	[sflag:s18] =	ssyncadd.s32 $0xFFFFF800  }
0x298: {  	_ =	swait.ge [sflag:s18], $0x800  }
0x299: {  	[sflag:s18] =	ssyncset.done $0x0  }
0x29a: {  	[sflag:s18] =	ssyncadd.s32 $0xFFFFF800  }
0x29b: {  	_ =	swait.ge [sflag:s18], $0x800  }
0x29c: {  	[sflag:s18] =	ssyncset.done $0x0  }
0x29d: {  	[sflag:s18] =	ssyncadd.s32 $0xFFFFF800  }
0x29e: {  	_ =	swait.ge [sflag:s18], $0x800  }
0x29f: {  	[sflag:s18] =	ssyncset.done $0x0  }
0x2a0: {  	[sflag:s18] =	ssyncadd.s32 $0xFFFFF800  }
0x2a1: {  	_ =	swait.ge [sflag:s18], $0x800  }
0x2a2: {  	[sflag:s18] =	ssyncset.done $0x0  }
0x2a3: {  	[sflag:s18] =	ssyncadd.s32 $0xFFFFF800  }
0x2a4: {  	_ =	swait.ge [sflag:s18], $0x800  }
0x2a5: {  	[sflag:s18] =	ssyncset.done $0x0  }
0x2a6: {  	[sflag:s18] =	ssyncadd.s32 $0xFFFFF800  }
0x2a7: {  	_ =	swait.ge [sflag:s18], $0x800  }
0x2a8: {  	[sflag:s18] =	ssyncset.done $0x0  }
0x2a9: {  	[sflag:s18] =	ssyncadd.s32 $0xFFFFF800  }
0x2aa: {  	_ =	swait.ge [sflag:s18], $0x800  }
0x2ab: {  	[sflag:s18] =	ssyncset.done $0x0  }
0x2ac: {  	[sflag:s18] =	ssyncadd.s32 $0xFFFFF800  }
0x2ad: {  	_ =	swait.ge [sflag:s18], $0x800  }
0x2ae: {  	[sflag:s18] =	ssyncset.done $0x0  }
0x2af: {  	[sflag:s18] =	ssyncadd.s32 $0xFFFFF800  }
0x2b0: {  	_ =	swait.ge [sflag:s18], $0x800  }
0x2b1: {  	[sflag:s18] =	ssyncset.done $0x0  }
0x2b2: {  	[sflag:s18] =	ssyncadd.s32 $0xFFFFF800  }
0x2b3: {  	_ =	swait.ge [sflag:s18], $0x800  }
0x2b4: {  	[sflag:s18] =	ssyncset.done $0x0  }
0x2b5: {  	[sflag:s18] =	ssyncadd.s32 $0xFFFFF800  }
0x2b6: {  	_ =	swait.ge [sflag:s18], $0x800  }
0x2b7: {  	[sflag:s18] =	ssyncset.done $0x0  }
0x2b8: {  	[sflag:s18] =	ssyncadd.s32 $0xFFFFF800  }
0x2b9: {  	v26 =	vnsel vm0, $0x0, v19;
	_ =	swait.ge [sflag:s18], $0x800  }
0x2ba: {  	(xrf0) =	vadd.scan.msk.s32 $0xffff, v26;
	_ =	sdelay $0x4  }
0x2bb: {  	v27 =	vsel vm1, $0x0, v19  }
0x2bc: {  	v28, _, _ =	vpop (xrf0);
	(xrf0) =	vadd.scan.msk.s32 $0xffff, v27  }
0x2bd: {  	(v2sf) =	vpush v28, $0xF;
	_ =	sdelay $0x4  }
0x2be: {  	v29 =	vsel vm2, $0x0, v19;
	v22, _, _ =	vpop (xrf0)  }
0x2bf: {  	(xrf0) =	vadd.scan.msk.s32 $0xffff, v29;
	(v2sf) =	vpush v22, $0xF;
	_ =	sdelay $0x4  }
0x2c0: {  	v30 =	vsel vm3, $0x0, v19  }
0x2c1: {  	v23, _, _ =	vpop (xrf0);
	(xrf0) =	vadd.scan.msk.s32 $0xffff, v30  }
0x2c2: {  	(v2sf) =	vpush v23, $0xF;
	_ =	sdelay $0x1  }
0x2c3: {  	s7 =	spop (v2sf)  }
0x2c4: {  	s24 =	sshra.s32 s7, $0x1F  }
0x2c5: {  	v31 =	vsel vm4, $0x0, v19;
	s2 =	sshrl.u32 s24, $0x19  }
0x2c6: {  	v32, _, _ =	vpop (xrf0);
	(xrf0) =	vadd.scan.msk.s32 $0xffff, v31;
	s2 =	sadd.s32 s2, s7  }
0x2c7: {  	(v2sf) =	vpush v32, $0xF;
	s2 =	sand.u32 $0xFFFFFF80, s2  }
0x2c8: {  	s1 =	ssub.s32 s7, s2  }
0x2c9: {  	s7 =	sshll.u32 s5, $0xB;
	v33 =	vmov s1;
	s2 =	spop (v2sf)  }
0x2ca: {  	s1 =	sand.u32 $0x8000, s7;
	v34 =	vand.u32 $0xFFFFFF80, v33;
	s24 =	sshra.s32 s2, $0x1F  }
0x2cb: {  	v35 =	vsel vm5, $0x0, v19;
	v22 =	vand.u32 $0x7F, v33;
	v23 =	vadd.s32 s1, v34;
	s7 =	sshrl.u32 s24, $0x19  }
0x2cc: {  	v36, _, _ =	vpop (xrf0);
	(xrf0) =	vadd.scan.msk.s32 $0xffff, v35;
	v22 =	vor.u32 v22, v23;
	s7 =	sadd.s32 s7, s2  }
0x2cd: {  	(v2sf) =	vpush v36, $0xF;
	v22 =	vadd.s32 v18, v22;
	s7 =	sand.u32 $0xFFFFFF80, s7  }
0x2ce: {  	s2 =	ssub.s32 s2, s7  }
0x2cf: {  	v20 =	vand.u32 $0x70, v20;
	v37 =	vmov s2  }
0x2d0: {  	v20 =	vor.u32 v21, v20;
	[sflag:s18] =	ssyncset.done $0x0;
	s24 =	sor.u32 $0x800, s1;
	s7 =	spop (v2sf);
	v38 =	vand.u32 $0xFFFFFF80, v37  }
0x2d1: {  	v39 =	vsel vm6, $0x0, v19;
	[sflag:s18] =	ssyncadd.s32 $0xFFFFF800;
	v23 =	vand.u32 $0x7F, v37;
	v21 =	vadd.s32 s24, v38;
	s24 =	sshra.s32 s7, $0x1F  }
0x2d2: {  	v20 =	vor.u32 v1, v20;
	v40, _, _ =	vpop (xrf0);
	(xrf0) =	vadd.scan.msk.s32 $0xffff, v39;
	v22 =	vld.idx.msk [tilespmem:v22+s19+$0x0], $0xffff;
	v21 =	vor.u32 v23, v21;
	s2 =	sshrl.u32 s24, $0x19  }
0x2d3: {  	s24 =	sadd.s32 $0x1, s5;
	(v2sf) =	vpush v40, $0xF;
	v21 =	vadd.s32 v18, v21;
	s2 =	sadd.s32 s2, s7  }
0x2d4: {  	v41 =	vmov s24;
	s2 =	sand.u32 $0xFFFFFF80, s2  }
0x2d5: {  	v42 =	vshll.u32 v41, $0x3;
	s2 =	ssub.s32 s7, s2  }
0x2d6: {  	v23 =	vand.u32 $0x71, v41;
	v24 =	vand.u32 $0xC00, v42;
	v43 =	vmov s2;
	s2 =	spop (v2sf)  }
0x2d7: {  	v45 =	vsel vm7, $0x0, v19;
	s7 =	sor.u32 $0x1000, s1;
	[tilespmem:v20+s22+$0x0] =	vst.idx.msk $0xffff, v22;
	v20 =	vor.u32 v24, v23;
	v44 =	vand.u32 $0xFFFFFF80, v43;
	s24 =	sshra.s32 s2, $0x1F  }
0x2d8: {  	v46 =	vand.u32 $0x7F, v43;
	v47, _, _ =	vpop (xrf0);
	(xrf0) =	vadd.scan.msk.s32 $0xffff, v45;
	v21 =	vld.idx.msk [tilespmem:v21+s19+$0x0], $0xffff;
	v20 =	vor.u32 v1, v20;
	v22 =	vadd.s32 s7, v44;
	s24 =	sshrl.u32 s24, $0x19  }
0x2d9: {  	(v2sf) =	vpush v47, $0xF;
	v22 =	vor.u32 v46, v22;
	s7 =	sadd.s32 s24, s2  }
0x2da: {  	s24 =	sadd.s32 $0x2, s5;
	v22 =	vadd.s32 v18, v22;
	s7 =	sand.u32 $0xFFFFFF80, s7  }
0x2db: {  	v48 =	vmov s24;
	s2 =	ssub.s32 s2, s7  }
0x2dc: {  	v52 =	vsel vm8, $0x0, v19;
	v23 =	vshll.u32 v48, $0x3;
	v50 =	vmov s2;
	s2 =	spop (v2sf)  }
0x2dd: {  	v49 =	vand.u32 $0x72, v48;
	s7 =	sor.u32 $0x1800, s1;
	[tilespmem:v20+s22+$0x0] =	vst.idx.msk $0xffff, v21;
	v20 =	vand.u32 $0xC00, v23;
	v51 =	vand.u32 $0xFFFFFF80, v50;
	s24 =	sshra.s32 s2, $0x1F  }
0x2de: {  	v53 =	vand.u32 $0x7F, v50;
	v54, _, _ =	vpop (xrf0);
	(xrf0) =	vadd.scan.msk.s32 $0xffff, v52;
	v20 =	vor.u32 v20, v49;
	v21 =	vadd.s32 s7, v51;
	s7 =	sshrl.u32 s24, $0x19  }
0x2df: {  	(v2sf) =	vpush v54, $0xF;
	v22 =	vld.idx.msk [tilespmem:v22+s19+$0x0], $0xffff;
	v20 =	vor.u32 v1, v20;
	v21 =	vor.u32 v53, v21;
	s7 =	sadd.s32 s7, s2  }
0x2e0: {  	s24 =	sadd.s32 $0x3, s5;
	v21 =	vadd.s32 v18, v21;
	s7 =	sand.u32 $0xFFFFFF80, s7  }
0x2e1: {  	v55 =	vmov s24;
	s2 =	ssub.s32 s2, s7  }
0x2e2: {  	v61 =	vsel vm9, $0x0, v19;
	v56 =	vshll.u32 v55, $0x3;
	v57 =	vmov s2;
	s2 =	spop (v2sf)  }
0x2e3: {  	v23 =	vand.u32 $0x73, v55;
	v24 =	vand.u32 $0xC00, v56;
	s7 =	sor.u32 $0x2000, s1;
	v58 =	vand.u32 $0xFFFFFF80, v57;
	s24 =	sshra.s32 s2, $0x1F  }
0x2e4: {  	v23 =	vor.u32 v24, v23;
	v60, _, _ =	vpop (xrf0);
	[tilespmem:v20+s22+$0x0] =	vst.idx.msk $0xffff, v22;
	v20 =	vand.u32 $0x7F, v57;
	v59 =	vadd.s32 s7, v58;
	s7 =	sshrl.u32 s24, $0x19  }
0x2e5: {  	v23 =	vor.u32 v1, v23;
	(xrf0) =	vadd.scan.msk.s32 $0xffff, v61;
	(v2sf) =	vpush v60, $0xF;
	v21 =	vld.idx.msk [tilespmem:v21+s19+$0x0], $0xffff;
	v20 =	vor.u32 v20, v59;
	s7 =	sadd.s32 s7, s2  }
0x2e6: {  	s24 =	sadd.s32 $0x4, s5;
	v20 =	vadd.s32 v18, v20;
	s7 =	sand.u32 $0xFFFFFF80, s7  }
0x2e7: {  	v62 =	vmov s24;
	s2 =	ssub.s32 s2, s7  }
0x2e8: {  	v32 =	vsel vm10, $0x0, v19;
	v63 =	vshll.u32 v62, $0x3;
	v28 =	vmov s2;
	s2 =	spop (v2sf)  }
0x2e9: {  	v22 =	vand.u32 $0x74, v62;
	v24 =	vand.u32 $0xC00, v63;
	s7 =	sor.u32 $0x2800, s1;
	v29 =	vand.u32 $0xFFFFFF80, v28;
	s24 =	sshra.s32 s2, $0x1F  }
0x2ea: {  	v22 =	vor.u32 v24, v22;
	v30 =	vand.u32 $0x7F, v28;
	[tilespmem:v23+s22+$0x0] =	vst.idx.msk $0xffff, v21;
	v31 =	vadd.s32 s7, v29;
	s7 =	sshrl.u32 s24, $0x19  }
0x2eb: {  	v22 =	vor.u32 v1, v22;
	v33, _, _ =	vpop (xrf0);
	(xrf0) =	vadd.scan.msk.s32 $0xffff, v32;
	v20 =	vld.idx.msk [tilespmem:v20+s19+$0x0], $0xffff;
	v21 =	vor.u32 v30, v31;
	s7 =	sadd.s32 s7, s2  }
0x2ec: {  	s24 =	sadd.s32 $0x5, s5;
	(v2sf) =	vpush v33, $0xF;
	v21 =	vadd.s32 v18, v21;
	s7 =	sand.u32 $0xFFFFFF80, s7  }
0x2ed: {  	v34 =	vmov s24;
	s2 =	ssub.s32 s2, s7  }
0x2ee: {  	v39 =	vsel vm11, $0x0, v19;
	v35 =	vshll.u32 v34, $0x3;
	v36 =	vmov s2;
	s2 =	spop (v2sf)  }
0x2ef: {  	v24 =	vand.u32 $0x75, v34;
	v23 =	vand.u32 $0xC00, v35;
	s7 =	sor.u32 $0x3000, s1;
	v37 =	vand.u32 $0xFFFFFF80, v36;
	s24 =	sshra.s32 s2, $0x1F  }
0x2f0: {  	v23 =	vor.u32 v23, v24;
	[tilespmem:v22+s22+$0x0] =	vst.idx.msk $0xffff, v20;
	v20 =	vand.u32 $0x7F, v36;
	v38 =	vadd.s32 s7, v37;
	s7 =	sshrl.u32 s24, $0x19  }
0x2f1: {  	v23 =	vor.u32 v1, v23;
	v40, _, _ =	vpop (xrf0);
	(xrf0) =	vadd.scan.msk.s32 $0xffff, v39;
	v21 =	vld.idx.msk [tilespmem:v21+s19+$0x0], $0xffff;
	v20 =	vor.u32 v20, v38;
	s7 =	sadd.s32 s7, s2  }
0x2f2: {  	s24 =	sadd.s32 $0x6, s5;
	(v2sf) =	vpush v40, $0xF;
	v20 =	vadd.s32 v18, v20;
	s7 =	sand.u32 $0xFFFFFF80, s7  }
0x2f3: {  	v41 =	vmov s24;
	s2 =	ssub.s32 s2, s7  }
0x2f4: {  	v47 =	vsel vm12, $0x0, v19;
	v42 =	vshll.u32 v41, $0x3;
	v43 =	vmov s2;
	s2 =	spop (v2sf)  }
0x2f5: {  	v24 =	vand.u32 $0x76, v41;
	v22 =	vand.u32 $0xC00, v42;
	s7 =	sor.u32 $0x3800, s1;
	v44 =	vand.u32 $0xFFFFFF80, v43;
	s24 =	sshra.s32 s2, $0x1F  }
0x2f6: {  	v22 =	vor.u32 v22, v24;
	v45 =	vand.u32 $0x7F, v43;
	[tilespmem:v23+s22+$0x0] =	vst.idx.msk $0xffff, v21;
	v46 =	vadd.s32 s7, v44;
	s7 =	sshrl.u32 s24, $0x19  }
0x2f7: {  	v22 =	vor.u32 v1, v22;
	v48, _, _ =	vpop (xrf0);
	(xrf0) =	vadd.scan.msk.s32 $0xffff, v47;
	v20 =	vld.idx.msk [tilespmem:v20+s19+$0x0], $0xffff;
	v21 =	vor.u32 v45, v46;
	s7 =	sadd.s32 s7, s2  }
0x2f8: {  	s24 =	sadd.s32 $0x7, s5;
	(v2sf) =	vpush v48, $0xF;
	v21 =	vadd.s32 v18, v21;
	s7 =	sand.u32 $0xFFFFFF80, s7  }
0x2f9: {  	v49 =	vmov s24;
	s2 =	ssub.s32 s2, s7  }
0x2fa: {  	v54 =	vsel vm13, $0x0, v19;
	v50 =	vshll.u32 v49, $0x3;
	v51 =	vmov s2  }
0x2fb: {  	s24 =	sor.u32 $0x4000, s1;
	v24 =	vand.u32 $0x77, v49;
	v23 =	vand.u32 $0xC00, v50;
	s7 =	spop (v2sf);
	v52 =	vand.u32 $0xFFFFFF80, v51  }
0x2fc: {  	v23 =	vor.u32 v23, v24;
	[tilespmem:v22+s22+$0x0] =	vst.idx.msk $0xffff, v20;
	v20 =	vand.u32 $0x7F, v51;
	v53 =	vadd.s32 s24, v52;
	s24 =	sshra.s32 s7, $0x1F  }
0x2fd: {  	v23 =	vor.u32 v1, v23;
	v55, _, _ =	vpop (xrf0);
	(xrf0) =	vadd.scan.msk.s32 $0xffff, v54;
	v21 =	vld.idx.msk [tilespmem:v21+s19+$0x0], $0xffff;
	v20 =	vor.u32 v20, v53;
	s2 =	sshrl.u32 s24, $0x19  }
0x2fe: {  	(v2sf) =	vpush v55, $0xF;
	s24 =	sadd.s32 $0x8, s5;
	v20 =	vadd.s32 v18, v20;
	s2 =	sadd.s32 s2, s7  }
0x2ff: {  	v56 =	vmov s24;
	s2 =	sand.u32 $0xFFFFFF80, s2  }
0x300: {  	v57 =	vshll.u32 v56, $0x3;
	s2 =	ssub.s32 s7, s2  }
0x301: {  	v22 =	vand.u32 $0x78, v56;
	v24 =	vand.u32 $0xC00, v57;
	v58 =	vmov s2;
	s2 =	spop (v2sf)  }
0x302: {  	v61 =	vsel vm14, $0x0, v19;
	s7 =	sor.u32 $0x4800, s1;
	v59 =	vor.u32 v24, v22;
	[tilespmem:v23+s22+$0x0] =	vst.idx.msk $0xffff, v21;
	v60 =	vand.u32 $0xFFFFFF80, v58;
	s24 =	sshra.s32 s2, $0x1F  }
0x303: {  	v63, _, _ =	vpop (xrf0);
	(xrf0) =	vadd.scan.msk.s32 $0xffff, v61;
	v21 =	vor.u32 v1, v59;
	v62 =	vand.u32 $0x7F, v58;
	v20 =	vld.idx.msk [tilespmem:v20+s19+$0x0], $0xffff;
	v22 =	vadd.s32 s7, v60;
	s24 =	sshrl.u32 s24, $0x19  }
0x304: {  	(v2sf) =	vpush v63, $0xF;
	v22 =	vor.u32 v62, v22;
	s7 =	sadd.s32 s24, s2  }
0x305: {  	s24 =	sadd.s32 $0x9, s5;
	v22 =	vadd.s32 v18, v22;
	s7 =	sand.u32 $0xFFFFFF80, s7  }
0x306: {  	v28 =	vmov s24;
	s2 =	ssub.s32 s2, s7  }
0x307: {  	v19 =	vsel vm15, $0x0, v19;
	v23 =	vshll.u32 v28, $0x3;
	v30 =	vmov s2;
	s2 =	spop (v2sf)  }
0x308: {  	v29 =	vand.u32 $0x79, v28;
	s7 =	sor.u32 $0x5000, s1;
	[tilespmem:v21+s22+$0x0] =	vst.idx.msk $0xffff, v20;
	v20 =	vand.u32 $0xC00, v23;
	v31 =	vand.u32 $0xFFFFFF80, v30;
	s24 =	sshra.s32 s2, $0x1F  }
0x309: {  	v33, _, _ =	vpop (xrf0);
	(xrf0) =	vadd.scan.msk.s32 $0xffff, v19;
	v32 =	vand.u32 $0x7F, v30;
	v20 =	vor.u32 v20, v29;
	v21 =	vadd.s32 s7, v31;
	s24 =	sshrl.u32 s24, $0x19  }
0x30a: {  	(v2sf) =	vpush v33, $0xF;
	v19 =	vld.idx.msk [tilespmem:v22+s19+$0x0], $0xffff;
	v20 =	vor.u32 v1, v20;
	v21 =	vor.u32 v32, v21;
	s7 =	sadd.s32 s24, s2  }
0x30b: {  	s24 =	sadd.s32 $0xA, s5;
	v21 =	vadd.s32 v18, v21;
	s7 =	sand.u32 $0xFFFFFF80, s7  }
0x30c: {  	v34 =	vmov s24;
	s2 =	ssub.s32 s2, s7  }
0x30d: {  	v35 =	vshll.u32 v34, $0x3;
	v36 =	vmov s2;
	s2 =	spop (v2sf)  }
0x30e: {  	v22 =	vand.u32 $0x7A, v34;
	s7 =	sor.u32 $0x5800, s1;
	v23 =	vand.u32 $0xC00, v35;
	v37 =	vand.u32 $0xFFFFFF80, v36;
	s24 =	sshra.s32 s2, $0x1F  }
0x30f: {  	v39, _, _ =	vpop (xrf0);
	[tilespmem:v20+s22+$0x0] =	vst.idx.msk $0xffff, v19;
	v19 =	vor.u32 v23, v22;
	v20 =	vand.u32 $0x7F, v36;
	v38 =	vadd.s32 s7, v37;
	s24 =	sshrl.u32 s24, $0x19  }
0x310: {  	(v2sf) =	vpush v39, $0xF;
	v21 =	vld.idx.msk [tilespmem:v21+s19+$0x0], $0xffff;
	v19 =	vor.u32 v1, v19;
	v20 =	vor.u32 v20, v38;
	s7 =	sadd.s32 s24, s2  }
0x311: {  	s24 =	sadd.s32 $0xB, s5;
	v20 =	vadd.s32 v18, v20;
	s7 =	sand.u32 $0xFFFFFF80, s7  }
0x312: {  	v40 =	vmov s24;
	s2 =	ssub.s32 s2, s7  }
0x313: {  	s7 =	spop (v2sf);
	v41 =	vshll.u32 v40, $0x3;
	v42 =	vmov s2  }
0x314: {  	v22 =	vand.u32 $0x7B, v40;
	v23 =	vand.u32 $0xC00, v41;
	s2 =	sor.u32 $0x6000, s1;
	s24 =	sshra.s32 s7, $0x1F;
	v43 =	vand.u32 $0xFFFFFF80, v42  }
0x315: {  	v44 =	vand.u32 $0x7F, v42;
	s24 =	sshrl.u32 s24, $0x19;
	[tilespmem:v19+s22+$0x0] =	vst.idx.msk $0xffff, v21;
	v19 =	vor.u32 v23, v22;
	v45 =	vadd.s32 s2, v43  }
0x316: {  	s2 =	sadd.s32 s24, s7;
	v20 =	vld.idx.msk [tilespmem:v20+s19+$0x0], $0xffff;
	v19 =	vor.u32 v1, v19;
	v21 =	vor.u32 v44, v45  }
0x317: {  	s24 =	sadd.s32 $0xC, s5;
	s2 =	sand.u32 $0xFFFFFF80, s2;
	v21 =	vadd.s32 v18, v21  }
0x318: {  	v46 =	vmov s24;
	s2 =	ssub.s32 s7, s2  }
0x319: {  	s7 =	spop (v2sf);
	v47 =	vshll.u32 v46, $0x3;
	v48 =	vmov s2  }
0x31a: {  	v22 =	vand.u32 $0x7C, v46;
	v23 =	vand.u32 $0xC00, v47;
	s2 =	sor.u32 $0x6800, s1;
	s24 =	sshra.s32 s7, $0x1F;
	v49 =	vand.u32 $0xFFFFFF80, v48  }
0x31b: {  	s24 =	sshrl.u32 s24, $0x19;
	v50 =	vadd.s32 s2, v49;
	[tilespmem:v19+s22+$0x0] =	vst.idx.msk $0xffff, v20;
	v19 =	vor.u32 v23, v22;
	v20 =	vand.u32 $0x7F, v48  }
0x31c: {  	s2 =	sadd.s32 s24, s7;
	v21 =	vld.idx.msk [tilespmem:v21+s19+$0x0], $0xffff;
	v19 =	vor.u32 v1, v19;
	v20 =	vor.u32 v20, v50  }
0x31d: {  	s24 =	sadd.s32 $0xD, s5;
	s2 =	sand.u32 $0xFFFFFF80, s2;
	v20 =	vadd.s32 v18, v20  }
0x31e: {  	v51 =	vmov s24;
	s2 =	ssub.s32 s7, s2  }
0x31f: {  	v52 =	vshll.u32 v51, $0x3;
	v53 =	vmov s2;
	s2 =	spop (v2sf)  }
0x320: {  	v22 =	vand.u32 $0x7D, v51;
	s7 =	sor.u32 $0x7000, s1;
	v23 =	vand.u32 $0xC00, v52;
	v54 =	vand.u32 $0xFFFFFF80, v53;
	s24 =	sshra.s32 s2, $0x1F  }
0x321: {  	v55 =	vand.u32 $0x7F, v53;
	v56 =	vadd.s32 s7, v54;
	s24 =	sshrl.u32 s24, $0x19;
	[tilespmem:v19+s22+$0x0] =	vst.idx.msk $0xffff, v21;
	v19 =	vor.u32 v23, v22  }
0x322: {  	s7 =	sadd.s32 s24, s2;
	v21 =	vor.u32 v55, v56;
	v20 =	vld.idx.msk [tilespmem:v20+s19+$0x0], $0xffff;
	v19 =	vor.u32 v1, v19  }
0x323: {  	s24 =	sadd.s32 $0xE, s5;
	s7 =	sand.u32 $0xFFFFFF80, s7;
	v21 =	vadd.s32 v18, v21  }
0x324: {  	v57 =	vmov s24;
	s2 =	ssub.s32 s2, s7  }
0x325: {  	v58 =	vshll.u32 v57, $0x3;
	v59 =	vmov s2  }
0x326: {  	s1 =	sor.u32 $0x7800, s1;
	v22 =	vand.u32 $0x7E, v57;
	v23 =	vand.u32 $0xC00, v58;
	v60 =	vand.u32 $0xFFFFFF80, v59  }
0x327: {  	v61 =	vadd.s32 s1, v60;
	[tilespmem:v19+s22+$0x0] =	vst.idx.msk $0xffff, v20;
	v19 =	vor.u32 v23, v22;
	v20 =	vand.u32 $0x7F, v59  }
0x328: {  	v21 =	vld.idx.msk [tilespmem:v21+s19+$0x0], $0xffff;
	v19 =	vor.u32 v1, v19;
	v20 =	vor.u32 v20, v61  }
0x329: {  	s24 =	sadd.s32 $0xF, s5;
	v20 =	vadd.s32 v18, v20  }
0x32a: {  	v62 =	vmov s24  }
0x32b: {  	v63 =	vshll.u32 v62, $0x3  }
0x32c: {  	v22 =	vand.u32 $0x7F, v62;
	v23 =	vand.u32 $0xC00, v63  }
0x32d: {  	[tilespmem:v19+s22+$0x0] =	vst.idx.msk $0xffff, v21;
	v19 =	vor.u32 v23, v22  }
0x32e: {  	p0 =	sne.s32 s5, $0x1E0;
	v20 =	vld.idx.msk [tilespmem:v20+s19+$0x0], $0xffff;
	v19 =	vor.u32 v1, v19  }
.Ltmp0:
0x32f: {  	_ = 	snop;
	(pc) =	sbr.rel @p0 .LBB2_2-.Ltmp0, $3  }
0x330: {  	_ =	sdelay $0x1  }
0x331: {  	s31 =	sadd.s32 $0x20000, s31;
	s28 =	sadd.s32 $0x10, s28;
	s4 =	sadd.s32 $0x10, s4  }
0x332: {  	s29 =	sadd.s32 $0x10, s29;
	s30 =	sadd.s32 $0x10, s30;
	s5 =	sadd.s32 $0x10, s5;
	[tilespmem:v19+s22+$0x0] =	vst.idx.msk $0xffff, v20  }
0x333: {  	s1 =	simm.s32 $0x18800  }
0x334: {  	[tilespmem:s1], [sflag:$0x2] =	stream.strided.gather [hbm4b:s11+s20], $0x2000, s23, s20, $0x38;
	[tilespmem:$0x1C800] =	vst v63  }
0x335: {  	v19 =	vld [tilespmem:$0x3F0];
	_ =	sdelay $0x7  }
0x336: {  	v21 =	vor.u32 $0x2C70, v0;
	v20 =	vld.idx.msk [tilespmem:v19+s13+$0x0], $0xffff  }
0x337: {  	v22 =	vadd.s32 $0x80, v19;
	_ =	sdelay $0x3  }
0x338: {  	[tilespmem:v21+s22+$0x0] =	vst.idx.msk $0xffff, v20  }
0x339: {  	v25 =	vor.u32 $0x2CF0, v0;
	v20 =	vld.idx.msk [tilespmem:v22+s13+$0x0], $0xffff  }
0x33a: {  	v26 =	vadd.s32 $0x100, v19;
	_ =	sdelay $0x3  }
0x33b: {  	[tilespmem:v25+s22+$0x0] =	vst.idx.msk $0xffff, v20  }
0x33c: {  	v27 =	vor.u32 $0x2D70, v0;
	v20 =	vld.idx.msk [tilespmem:v26+s13+$0x0], $0xffff  }
0x33d: {  	v28 =	vadd.s32 $0x180, v19;
	_ =	sdelay $0x3  }
0x33e: {  	[tilespmem:v27+s22+$0x0] =	vst.idx.msk $0xffff, v20  }
0x33f: {  	v29 =	vor.u32 $0x2DF0, v0;
	v20 =	vld.idx.msk [tilespmem:v28+s13+$0x0], $0xffff  }
0x340: {  	v30 =	vadd.s32 $0x200, v19;
	_ =	sdelay $0x3  }
0x341: {  	[tilespmem:v29+s22+$0x0] =	vst.idx.msk $0xffff, v20  }
0x342: {  	v31 =	vor.u32 $0x2E70, v0;
	v20 =	vld.idx.msk [tilespmem:v30+s13+$0x0], $0xffff  }
0x343: {  	v32 =	vadd.s32 $0x280, v19;
	_ =	sdelay $0x3  }
0x344: {  	[tilespmem:v31+s22+$0x0] =	vst.idx.msk $0xffff, v20  }
0x345: {  	v33 =	vor.u32 $0x2EF0, v0;
	v20 =	vld.idx.msk [tilespmem:v32+s13+$0x0], $0xffff  }
0x346: {  	v34 =	vadd.s32 $0x300, v19;
	_ =	sdelay $0x3  }
0x347: {  	[tilespmem:v33+s22+$0x0] =	vst.idx.msk $0xffff, v20  }
0x348: {  	v35 =	vor.u32 $0x2F70, v0;
	v20 =	vld.idx.msk [tilespmem:v34+s13+$0x0], $0xffff  }
0x349: {  	v36 =	vadd.s32 $0x380, v19;
	_ =	sdelay $0x3  }
0x34a: {  	[tilespmem:v35+s22+$0x0] =	vst.idx.msk $0xffff, v20  }
0x34b: {  	v37 =	vor.u32 $0x2FF0, v0;
	v20 =	vld.idx.msk [tilespmem:v36+s13+$0x0], $0xffff  }
0x34c: {  	v38 =	vadd.s32 $0x400, v19;
	_ =	sdelay $0x3  }
0x34d: {  	[tilespmem:v37+s22+$0x0] =	vst.idx.msk $0xffff, v20  }
0x34e: {  	v39 =	vor.u32 $0x3C70, v0;
	v20 =	vld.idx.msk [tilespmem:v38+s13+$0x0], $0xffff  }
0x34f: {  	v40 =	vadd.s32 $0x480, v19;
	_ =	sdelay $0x3  }
0x350: {  	[tilespmem:v39+s22+$0x0] =	vst.idx.msk $0xffff, v20  }
0x351: {  	v41 =	vor.u32 $0x3CF0, v0;
	v20 =	vld.idx.msk [tilespmem:v40+s13+$0x0], $0xffff  }
0x352: {  	v42 =	vadd.s32 $0x500, v19;
	_ =	sdelay $0x3  }
0x353: {  	[tilespmem:v41+s22+$0x0] =	vst.idx.msk $0xffff, v20  }
0x354: {  	v43 =	vor.u32 $0x3D70, v0;
	v20 =	vld.idx.msk [tilespmem:v42+s13+$0x0], $0xffff  }
0x355: {  	v44 =	vadd.s32 $0x580, v19;
	_ =	sdelay $0x3  }
0x356: {  	[tilespmem:v43+s22+$0x0] =	vst.idx.msk $0xffff, v20  }
0x357: {  	v45 =	vor.u32 $0x3DF0, v0;
	v20 =	vld.idx.msk [tilespmem:v44+s13+$0x0], $0xffff  }
0x358: {  	v46 =	vadd.s32 $0x600, v19;
	_ =	sdelay $0x3  }
0x359: {  	[tilespmem:v45+s22+$0x0] =	vst.idx.msk $0xffff, v20  }
0x35a: {  	v47 =	vor.u32 $0x3E70, v0;
	v20 =	vld.idx.msk [tilespmem:v46+s13+$0x0], $0xffff  }
0x35b: {  	v48 =	vadd.s32 $0x680, v19;
	_ =	sdelay $0x3  }
0x35c: {  	[tilespmem:v47+s22+$0x0] =	vst.idx.msk $0xffff, v20  }
0x35d: {  	v49 =	vor.u32 $0x3EF0, v0;
	v20 =	vld.idx.msk [tilespmem:v48+s13+$0x0], $0xffff  }
0x35e: {  	v50 =	vadd.s32 $0x700, v19;
	_ =	sdelay $0x3  }
0x35f: {  	[tilespmem:v49+s22+$0x0] =	vst.idx.msk $0xffff, v20  }
0x360: {  	v51 =	vor.u32 $0x3F70, v0;
	v20 =	vld.idx.msk [tilespmem:v50+s13+$0x0], $0xffff  }
0x361: {  	v19 =	vadd.s32 $0x780, v19;
	_ =	sdelay $0x3  }
0x362: {  	[tilespmem:v51+s22+$0x0] =	vst.idx.msk $0xffff, v20  }
0x363: {  	v20 =	vor.u32 $0x3FF0, v0;
	v19 =	vld.idx.msk [tilespmem:v19+s13+$0x0], $0xffff;
	_ =	sdelay $0x4  }
0x364: {  	[tilespmem:v20+s22+$0x0] =	vst.idx.msk $0xffff, v19  }
0x365: {  	v19 =	vld [tilespmem:$0x5F0];
	_ =	sdelay $0x7  }
0x366: {  	v52 =	vor.u32 $0x4C70, v0;
	v20 =	vld.idx.msk [tilespmem:v19+s14+$0x0], $0xffff  }
0x367: {  	v53 =	vadd.s32 $0x80, v19;
	_ =	sdelay $0x3  }
0x368: {  	[tilespmem:v52+s22+$0x0] =	vst.idx.msk $0xffff, v20  }
0x369: {  	v54 =	vor.u32 $0x4CF0, v0;
	v20 =	vld.idx.msk [tilespmem:v53+s14+$0x0], $0xffff  }
0x36a: {  	v55 =	vadd.s32 $0x100, v19;
	_ =	sdelay $0x3  }
0x36b: {  	[tilespmem:v54+s22+$0x0] =	vst.idx.msk $0xffff, v20  }
0x36c: {  	v56 =	vor.u32 $0x4D70, v0;
	v20 =	vld.idx.msk [tilespmem:v55+s14+$0x0], $0xffff  }
0x36d: {  	v57 =	vadd.s32 $0x180, v19;
	_ =	sdelay $0x3  }
0x36e: {  	[tilespmem:v56+s22+$0x0] =	vst.idx.msk $0xffff, v20  }
0x36f: {  	v58 =	vor.u32 $0x4DF0, v0;
	v20 =	vld.idx.msk [tilespmem:v57+s14+$0x0], $0xffff  }
0x370: {  	v59 =	vadd.s32 $0x200, v19;
	_ =	sdelay $0x3  }
0x371: {  	[tilespmem:v58+s22+$0x0] =	vst.idx.msk $0xffff, v20  }
0x372: {  	v60 =	vor.u32 $0x4E70, v0;
	v20 =	vld.idx.msk [tilespmem:v59+s14+$0x0], $0xffff  }
0x373: {  	v61 =	vadd.s32 $0x280, v19;
	_ =	sdelay $0x3  }
0x374: {  	[tilespmem:v60+s22+$0x0] =	vst.idx.msk $0xffff, v20  }
0x375: {  	v62 =	vor.u32 $0x4EF0, v0;
	v20 =	vld.idx.msk [tilespmem:v61+s14+$0x0], $0xffff  }
0x376: {  	v63 =	vadd.s32 $0x300, v19;
	_ =	sdelay $0x3  }
0x377: {  	[tilespmem:v62+s22+$0x0] =	vst.idx.msk $0xffff, v20  }
0x378: {  	v24 =	vor.u32 $0x4F70, v0;
	v20 =	vld.idx.msk [tilespmem:v63+s14+$0x0], $0xffff  }
0x379: {  	v25 =	vadd.s32 $0x380, v19;
	_ =	sdelay $0x3  }
0x37a: {  	[tilespmem:v24+s22+$0x0] =	vst.idx.msk $0xffff, v20  }
0x37b: {  	v26 =	vor.u32 $0x4FF0, v0;
	v20 =	vld.idx.msk [tilespmem:v25+s14+$0x0], $0xffff  }
0x37c: {  	v27 =	vadd.s32 $0x400, v19;
	_ =	sdelay $0x3  }
0x37d: {  	[tilespmem:v26+s22+$0x0] =	vst.idx.msk $0xffff, v20  }
0x37e: {  	v28 =	vor.u32 $0x5C70, v0;
	v20 =	vld.idx.msk [tilespmem:v27+s14+$0x0], $0xffff  }
0x37f: {  	v29 =	vadd.s32 $0x480, v19;
	_ =	sdelay $0x3  }
0x380: {  	[tilespmem:v28+s22+$0x0] =	vst.idx.msk $0xffff, v20  }
0x381: {  	v30 =	vor.u32 $0x5CF0, v0;
	v20 =	vld.idx.msk [tilespmem:v29+s14+$0x0], $0xffff  }
0x382: {  	v31 =	vadd.s32 $0x500, v19;
	_ =	sdelay $0x3  }
0x383: {  	[tilespmem:v30+s22+$0x0] =	vst.idx.msk $0xffff, v20  }
0x384: {  	v32 =	vor.u32 $0x5D70, v0;
	v20 =	vld.idx.msk [tilespmem:v31+s14+$0x0], $0xffff  }
0x385: {  	v33 =	vadd.s32 $0x580, v19;
	_ =	sdelay $0x3  }
0x386: {  	[tilespmem:v32+s22+$0x0] =	vst.idx.msk $0xffff, v20  }
0x387: {  	v34 =	vor.u32 $0x5DF0, v0;
	v20 =	vld.idx.msk [tilespmem:v33+s14+$0x0], $0xffff  }
0x388: {  	v35 =	vadd.s32 $0x600, v19;
	_ =	sdelay $0x3  }
0x389: {  	[tilespmem:v34+s22+$0x0] =	vst.idx.msk $0xffff, v20  }
0x38a: {  	v36 =	vor.u32 $0x5E70, v0;
	v20 =	vld.idx.msk [tilespmem:v35+s14+$0x0], $0xffff  }
0x38b: {  	v37 =	vadd.s32 $0x680, v19;
	_ =	sdelay $0x3  }
0x38c: {  	[tilespmem:v36+s22+$0x0] =	vst.idx.msk $0xffff, v20  }
0x38d: {  	v38 =	vor.u32 $0x5EF0, v0;
	v20 =	vld.idx.msk [tilespmem:v37+s14+$0x0], $0xffff  }
0x38e: {  	v39 =	vadd.s32 $0x700, v19;
	_ =	sdelay $0x3  }
0x38f: {  	[tilespmem:v38+s22+$0x0] =	vst.idx.msk $0xffff, v20  }
0x390: {  	v40 =	vor.u32 $0x5F70, v0;
	v20 =	vld.idx.msk [tilespmem:v39+s14+$0x0], $0xffff  }
0x391: {  	v19 =	vadd.s32 $0x780, v19;
	_ =	sdelay $0x3  }
0x392: {  	[tilespmem:v40+s22+$0x0] =	vst.idx.msk $0xffff, v20  }
0x393: {  	v20 =	vor.u32 $0x5FF0, v0;
	v19 =	vld.idx.msk [tilespmem:v19+s14+$0x0], $0xffff;
	_ =	sdelay $0x4  }
0x394: {  	[tilespmem:v20+s22+$0x0] =	vst.idx.msk $0xffff, v19  }
0x395: {  	v19 =	vld [tilespmem:$0x7F0];
	_ =	sdelay $0x4  }
0x396: {  	v20 =	vshll.u32 v19, $0x3  }
0x397: {  	v19 =	vand.u32 $0x7F, v19;
	v20 =	vand.u32 $0xFFFFFC00, v20  }
0x398: {  	v19 =	vor.u32 v19, v20;
	_ =	sdelay $0x4  }
0x399: {  	v41 =	vor.u32 $0x6C70, v0;
	v20 =	vld.idx.msk [tilespmem:v19+s16+$0x0], $0xffff  }
0x39a: {  	v42 =	vor.u32 $0x80, v19;
	_ =	sdelay $0x3  }
0x39b: {  	[tilespmem:v41+s22+$0x0] =	vst.idx.msk $0xffff, v20  }
0x39c: {  	v43 =	vor.u32 $0x6CF0, v0;
	v20 =	vld.idx.msk [tilespmem:v42+s16+$0x0], $0xffff  }
0x39d: {  	v44 =	vor.u32 $0x100, v19;
	_ =	sdelay $0x3  }
0x39e: {  	[tilespmem:v43+s22+$0x0] =	vst.idx.msk $0xffff, v20  }
0x39f: {  	v45 =	vor.u32 $0x6D70, v0;
	v20 =	vld.idx.msk [tilespmem:v44+s16+$0x0], $0xffff  }
0x3a0: {  	v46 =	vor.u32 $0x180, v19;
	_ =	sdelay $0x3  }
0x3a1: {  	[tilespmem:v45+s22+$0x0] =	vst.idx.msk $0xffff, v20  }
0x3a2: {  	v47 =	vor.u32 $0x6DF0, v0;
	v20 =	vld.idx.msk [tilespmem:v46+s16+$0x0], $0xffff  }
0x3a3: {  	v48 =	vor.u32 $0x200, v19;
	_ =	sdelay $0x3  }
0x3a4: {  	[tilespmem:v47+s22+$0x0] =	vst.idx.msk $0xffff, v20  }
0x3a5: {  	v49 =	vor.u32 $0x6E70, v0;
	v20 =	vld.idx.msk [tilespmem:v48+s16+$0x0], $0xffff  }
0x3a6: {  	v50 =	vor.u32 $0x280, v19;
	_ =	sdelay $0x3  }
0x3a7: {  	[tilespmem:v49+s22+$0x0] =	vst.idx.msk $0xffff, v20  }
0x3a8: {  	v51 =	vor.u32 $0x6EF0, v0;
	v20 =	vld.idx.msk [tilespmem:v50+s16+$0x0], $0xffff  }
0x3a9: {  	v52 =	vor.u32 $0x300, v19;
	_ =	sdelay $0x3  }
0x3aa: {  	[tilespmem:v51+s22+$0x0] =	vst.idx.msk $0xffff, v20  }
0x3ab: {  	v53 =	vor.u32 $0x6F70, v0;
	v20 =	vld.idx.msk [tilespmem:v52+s16+$0x0], $0xffff  }
0x3ac: {  	v54 =	vor.u32 $0x380, v19;
	_ =	sdelay $0x3  }
0x3ad: {  	[tilespmem:v53+s22+$0x0] =	vst.idx.msk $0xffff, v20  }
0x3ae: {  	v55 =	vor.u32 $0x6FF0, v0;
	v20 =	vld.idx.msk [tilespmem:v54+s16+$0x0], $0xffff  }
0x3af: {  	v56 =	vadd.s32 $0x800, v19;
	_ =	sdelay $0x3  }
0x3b0: {  	[tilespmem:v55+s22+$0x0] =	vst.idx.msk $0xffff, v20  }
0x3b1: {  	v57 =	vor.u32 $0x7C70, v0;
	v20 =	vld.idx.msk [tilespmem:v56+s16+$0x0], $0xffff  }
0x3b2: {  	v58 =	vadd.s32 $0x880, v19;
	_ =	sdelay $0x3  }
0x3b3: {  	[tilespmem:v57+s22+$0x0] =	vst.idx.msk $0xffff, v20  }
0x3b4: {  	v59 =	vor.u32 $0x7CF0, v0;
	v20 =	vld.idx.msk [tilespmem:v58+s16+$0x0], $0xffff  }
0x3b5: {  	v60 =	vadd.s32 $0x900, v19;
	_ =	sdelay $0x3  }
0x3b6: {  	[tilespmem:v59+s22+$0x0] =	vst.idx.msk $0xffff, v20  }
0x3b7: {  	v61 =	vor.u32 $0x7D70, v0;
	v20 =	vld.idx.msk [tilespmem:v60+s16+$0x0], $0xffff  }
0x3b8: {  	v62 =	vadd.s32 $0x980, v19;
	_ =	sdelay $0x3  }
0x3b9: {  	[tilespmem:v61+s22+$0x0] =	vst.idx.msk $0xffff, v20  }
0x3ba: {  	v63 =	vor.u32 $0x7DF0, v0;
	v20 =	vld.idx.msk [tilespmem:v62+s16+$0x0], $0xffff  }
0x3bb: {  	v24 =	vadd.s32 $0xA00, v19;
	_ =	sdelay $0x3  }
0x3bc: {  	[tilespmem:v63+s22+$0x0] =	vst.idx.msk $0xffff, v20  }
0x3bd: {  	v25 =	vor.u32 $0x7E70, v0;
	v20 =	vld.idx.msk [tilespmem:v24+s16+$0x0], $0xffff  }
0x3be: {  	v26 =	vadd.s32 $0xA80, v19;
	_ =	sdelay $0x3  }
0x3bf: {  	[tilespmem:v25+s22+$0x0] =	vst.idx.msk $0xffff, v20  }
0x3c0: {  	v27 =	vor.u32 $0x7EF0, v0;
	v20 =	vld.idx.msk [tilespmem:v26+s16+$0x0], $0xffff  }
0x3c1: {  	v28 =	vadd.s32 $0xB00, v19;
	_ =	sdelay $0x3  }
0x3c2: {  	[tilespmem:v27+s22+$0x0] =	vst.idx.msk $0xffff, v20  }
0x3c3: {  	v29 =	vor.u32 $0x7F70, v0;
	v20 =	vld.idx.msk [tilespmem:v28+s16+$0x0], $0xffff  }
0x3c4: {  	v19 =	vadd.s32 $0xB80, v19;
	_ =	sdelay $0x3  }
0x3c5: {  	[tilespmem:v29+s22+$0x0] =	vst.idx.msk $0xffff, v20  }
0x3c6: {  	v20 =	vor.u32 $0x7FF0, v0;
	v19 =	vld.idx.msk [tilespmem:v19+s16+$0x0], $0xffff;
	_ =	sdelay $0x4  }
0x3c7: {  	[tilespmem:v20+s22+$0x0] =	vst.idx.msk $0xffff, v19  }
0x3c8: {  	v19 =	vld [tilespmem:$0x1F0];
	_ =	swait.ge [sflag:s18], $0x800  }
0x3c9: {  	[sflag:s18] =	ssyncset.done $0x0  }
0x3ca: {  	[sflag:s18] =	ssyncadd.s32 $0xFFFFF800  }
0x3cb: {  	_ =	swait.ge [sflag:s18], $0x800  }
0x3cc: {  	[sflag:s18] =	ssyncset.done $0x0  }
0x3cd: {  	[sflag:s18] =	ssyncadd.s32 $0xFFFFF800  }
0x3ce: {  	_ =	swait.ge [sflag:s18], $0x800  }
0x3cf: {  	[sflag:s18] =	ssyncset.done $0x0  }
0x3d0: {  	[sflag:s18] =	ssyncadd.s32 $0xFFFFF800  }
0x3d1: {  	_ =	swait.ge [sflag:s18], $0x800  }
0x3d2: {  	[sflag:s18] =	ssyncset.done $0x0  }
0x3d3: {  	[sflag:s18] =	ssyncadd.s32 $0xFFFFF800  }
0x3d4: {  	_ =	swait.ge [sflag:s18], $0x800  }
0x3d5: {  	[sflag:s18] =	ssyncset.done $0x0  }
0x3d6: {  	[sflag:s18] =	ssyncadd.s32 $0xFFFFF800  }
0x3d7: {  	_ =	swait.ge [sflag:s18], $0x800  }
0x3d8: {  	[sflag:s18] =	ssyncset.done $0x0  }
0x3d9: {  	[sflag:s18] =	ssyncadd.s32 $0xFFFFF800  }
0x3da: {  	_ =	swait.ge [sflag:s18], $0x800  }
0x3db: {  	[sflag:s18] =	ssyncset.done $0x0  }
0x3dc: {  	[sflag:s18] =	ssyncadd.s32 $0xFFFFF800  }
0x3dd: {  	_ =	swait.ge [sflag:s18], $0x800  }
0x3de: {  	[sflag:s18] =	ssyncset.done $0x0  }
0x3df: {  	[sflag:s18] =	ssyncadd.s32 $0xFFFFF800  }
0x3e0: {  	_ =	swait.ge [sflag:s18], $0x800  }
0x3e1: {  	[sflag:s18] =	ssyncset.done $0x0  }
0x3e2: {  	[sflag:s18] =	ssyncadd.s32 $0xFFFFF800  }
0x3e3: {  	_ =	swait.ge [sflag:s18], $0x800  }
0x3e4: {  	[sflag:s18] =	ssyncset.done $0x0  }
0x3e5: {  	[sflag:s18] =	ssyncadd.s32 $0xFFFFF800  }
0x3e6: {  	_ =	swait.ge [sflag:s18], $0x800  }
0x3e7: {  	[sflag:s18] =	ssyncset.done $0x0  }
0x3e8: {  	[sflag:s18] =	ssyncadd.s32 $0xFFFFF800  }
0x3e9: {  	_ =	swait.ge [sflag:s18], $0x800  }
0x3ea: {  	[sflag:s18] =	ssyncset.done $0x0  }
0x3eb: {  	[sflag:s18] =	ssyncadd.s32 $0xFFFFF800  }
0x3ec: {  	_ =	swait.ge [sflag:s18], $0x800  }
0x3ed: {  	[sflag:s18] =	ssyncset.done $0x0  }
0x3ee: {  	[sflag:s18] =	ssyncadd.s32 $0xFFFFF800  }
0x3ef: {  	_ =	swait.ge [sflag:s18], $0x800  }
0x3f0: {  	[sflag:s18] =	ssyncset.done $0x0  }
0x3f1: {  	[sflag:s18] =	ssyncadd.s32 $0xFFFFF800  }
0x3f2: {  	_ =	swait.ge [sflag:s18], $0x800  }
0x3f3: {  	[sflag:s18] =	ssyncset.done $0x0  }
0x3f4: {  	[sflag:s18] =	ssyncadd.s32 $0xFFFFF800  }
0x3f5: {  	v20 =	vnsel vm0, $0x0, v19;
	_ =	swait.ge [sflag:s18], $0x800  }
0x3f6: {  	(xrf0) =	vadd.scan.msk.s32 $0xffff, v20;
	_ =	sdelay $0x4  }
0x3f7: {  	v20 =	vsel vm1, $0x0, v19  }
0x3f8: {  	v30, _, _ =	vpop (xrf0);
	(xrf0) =	vadd.scan.msk.s32 $0xffff, v20  }
0x3f9: {  	(v2sf) =	vpush v30, $0xF;
	_ =	sdelay $0x3  }
0x3fa: {  	v20 =	vsel vm2, $0x0, v19  }
0x3fb: {  	v31, _, _ =	vpop (xrf0);
	(xrf0) =	vadd.scan.msk.s32 $0xffff, v20  }
0x3fc: {  	(v2sf) =	vpush v31, $0xF;
	_ =	sdelay $0x3  }
0x3fd: {  	v20 =	vsel vm3, $0x0, v19  }
0x3fe: {  	v32, _, _ =	vpop (xrf0);
	(xrf0) =	vadd.scan.msk.s32 $0xffff, v20  }
0x3ff: {  	(v2sf) =	vpush v32, $0xF;
	_ =	sdelay $0x2  }
0x400: {  	s5 =	spop (v2sf)  }
0x401: {  	v20 =	vsel vm4, $0x0, v19;
	s2 =	sshra.s32 s5, $0x1F  }
0x402: {  	s2 =	sshrl.u32 s2, $0x19;
	v33, _, _ =	vpop (xrf0);
	(xrf0) =	vadd.scan.msk.s32 $0xffff, v20  }
0x403: {  	s2 =	sadd.s32 s2, s5;
	(v2sf) =	vpush v33, $0xF  }
0x404: {  	s2 =	sand.u32 $0xFFFFFF80, s2  }
0x405: {  	v20 =	vor.u32 $0x8000, v18;
	s1 =	ssub.s32 s5, s2  }
0x406: {  	v20 =	vadd.s32 s1, v20;
	s7 =	spop (v2sf)  }
0x407: {  	v34 =	vsel vm5, $0x0, v19;
	s24 =	sshra.s32 s7, $0x1F  }
0x408: {  	s2 =	sshrl.u32 s24, $0x19;
	v35, _, _ =	vpop (xrf0);
	(xrf0) =	vadd.scan.msk.s32 $0xffff, v34  }
0x409: {  	[sflag:s18] =	ssyncset.done $0x0;
	s2 =	sadd.s32 s2, s7;
	(v2sf) =	vpush v35, $0xF  }
0x40a: {  	[sflag:s18] =	ssyncadd.s32 $0xFFFFF800;
	s2 =	sand.u32 $0xFFFFFF80, s2  }
0x40b: {  	v36 =	vor.u32 $0x8800, v18;
	v20 =	vld.idx.msk [tilespmem:v20+s19+$0x0], $0xffff;
	s1 =	ssub.s32 s7, s2  }
0x40c: {  	v21 =	vadd.s32 s1, v36;
	s28 =	spop (v2sf)  }
0x40d: {  	v37 =	vsel vm6, $0x0, v19;
	s29 =	sshra.s32 s28, $0x1F  }
0x40e: {  	s2 =	sshrl.u32 s29, $0x19;
	v23, _, _ =	vpop (xrf0);
	(xrf0) =	vadd.scan.msk.s32 $0xffff, v37  }
0x40f: {  	s2 =	sadd.s32 s2, s28;
	(v2sf) =	vpush v23, $0xF  }
0x410: {  	[tilespmem:v2+s22+$0x0] =	vst.idx.msk $0xffff, v20;
	s2 =	sand.u32 $0xFFFFFF80, s2  }
0x411: {  	v38 =	vor.u32 $0x9000, v18;
	v20 =	vld.idx.msk [tilespmem:v21+s19+$0x0], $0xffff;
	s1 =	ssub.s32 s28, s2  }
0x412: {  	v21 =	vadd.s32 s1, v38;
	s30 =	spop (v2sf)  }
0x413: {  	v39 =	vsel vm7, $0x0, v19;
	s31 =	sshra.s32 s30, $0x1F  }
0x414: {  	s2 =	sshrl.u32 s31, $0x19;
	v40, _, _ =	vpop (xrf0);
	(xrf0) =	vadd.scan.msk.s32 $0xffff, v39  }
0x415: {  	s2 =	sadd.s32 s2, s30;
	(v2sf) =	vpush v40, $0xF  }
0x416: {  	[tilespmem:v3+s22+$0x0] =	vst.idx.msk $0xffff, v20;
	s2 =	sand.u32 $0xFFFFFF80, s2  }
0x417: {  	v41 =	vor.u32 $0x9800, v18;
	v20 =	vld.idx.msk [tilespmem:v21+s19+$0x0], $0xffff;
	s1 =	ssub.s32 s30, s2  }
0x418: {  	v21 =	vadd.s32 s1, v41;
	s4 =	spop (v2sf)  }
0x419: {  	v42 =	vsel vm8, $0x0, v19;
	s5 =	sshra.s32 s4, $0x1F  }
0x41a: {  	s2 =	sshrl.u32 s5, $0x19;
	v43, _, _ =	vpop (xrf0);
	(xrf0) =	vadd.scan.msk.s32 $0xffff, v42  }
0x41b: {  	s2 =	sadd.s32 s2, s4;
	(v2sf) =	vpush v43, $0xF  }
0x41c: {  	[tilespmem:v4+s22+$0x0] =	vst.idx.msk $0xffff, v20;
	s2 =	sand.u32 $0xFFFFFF80, s2  }
0x41d: {  	v44 =	vor.u32 $0xA000, v18;
	v20 =	vld.idx.msk [tilespmem:v21+s19+$0x0], $0xffff;
	s1 =	ssub.s32 s4, s2  }
0x41e: {  	v21 =	vadd.s32 s1, v44;
	s7 =	spop (v2sf)  }
0x41f: {  	v45 =	vsel vm9, $0x0, v19;
	s24 =	sshra.s32 s7, $0x1F  }
0x420: {  	s2 =	sshrl.u32 s24, $0x19;
	v46, _, _ =	vpop (xrf0);
	(xrf0) =	vadd.scan.msk.s32 $0xffff, v45  }
0x421: {  	s2 =	sadd.s32 s2, s7;
	(v2sf) =	vpush v46, $0xF  }
0x422: {  	[tilespmem:v5+s22+$0x0] =	vst.idx.msk $0xffff, v20;
	s2 =	sand.u32 $0xFFFFFF80, s2  }
0x423: {  	v47 =	vor.u32 $0xA800, v18;
	v20 =	vld.idx.msk [tilespmem:v21+s19+$0x0], $0xffff;
	s1 =	ssub.s32 s7, s2  }
0x424: {  	v21 =	vadd.s32 s1, v47;
	s28 =	spop (v2sf)  }
0x425: {  	v48 =	vsel vm10, $0x0, v19;
	s29 =	sshra.s32 s28, $0x1F  }
0x426: {  	s2 =	sshrl.u32 s29, $0x19;
	v49, _, _ =	vpop (xrf0);
	(xrf0) =	vadd.scan.msk.s32 $0xffff, v48  }
0x427: {  	s2 =	sadd.s32 s2, s28;
	(v2sf) =	vpush v49, $0xF  }
0x428: {  	[tilespmem:v6+s22+$0x0] =	vst.idx.msk $0xffff, v20;
	s2 =	sand.u32 $0xFFFFFF80, s2  }
0x429: {  	v50 =	vor.u32 $0xB000, v18;
	v20 =	vld.idx.msk [tilespmem:v21+s19+$0x0], $0xffff;
	s1 =	ssub.s32 s28, s2  }
0x42a: {  	v21 =	vadd.s32 s1, v50;
	s30 =	spop (v2sf)  }
0x42b: {  	v51 =	vsel vm11, $0x0, v19;
	s31 =	sshra.s32 s30, $0x1F  }
0x42c: {  	s2 =	sshrl.u32 s31, $0x19;
	v52, _, _ =	vpop (xrf0);
	(xrf0) =	vadd.scan.msk.s32 $0xffff, v51  }
0x42d: {  	s2 =	sadd.s32 s2, s30;
	(v2sf) =	vpush v52, $0xF  }
0x42e: {  	[tilespmem:v7+s22+$0x0] =	vst.idx.msk $0xffff, v20;
	s2 =	sand.u32 $0xFFFFFF80, s2  }
0x42f: {  	v53 =	vor.u32 $0xB800, v18;
	v20 =	vld.idx.msk [tilespmem:v21+s19+$0x0], $0xffff;
	s1 =	ssub.s32 s30, s2  }
0x430: {  	v21 =	vadd.s32 s1, v53;
	s4 =	spop (v2sf)  }
0x431: {  	v54 =	vsel vm12, $0x0, v19;
	s5 =	sshra.s32 s4, $0x1F  }
0x432: {  	s2 =	sshrl.u32 s5, $0x19;
	v55, _, _ =	vpop (xrf0);
	(xrf0) =	vadd.scan.msk.s32 $0xffff, v54  }
0x433: {  	s2 =	sadd.s32 s2, s4;
	(v2sf) =	vpush v55, $0xF  }
0x434: {  	[tilespmem:v8+s22+$0x0] =	vst.idx.msk $0xffff, v20;
	s2 =	sand.u32 $0xFFFFFF80, s2  }
0x435: {  	v56 =	vor.u32 $0xC000, v18;
	v20 =	vld.idx.msk [tilespmem:v21+s19+$0x0], $0xffff;
	s1 =	ssub.s32 s4, s2  }
0x436: {  	v21 =	vadd.s32 s1, v56;
	s7 =	spop (v2sf)  }
0x437: {  	v57 =	vsel vm13, $0x0, v19;
	s24 =	sshra.s32 s7, $0x1F  }
0x438: {  	s2 =	sshrl.u32 s24, $0x19;
	v58, _, _ =	vpop (xrf0);
	(xrf0) =	vadd.scan.msk.s32 $0xffff, v57  }
0x439: {  	s2 =	sadd.s32 s2, s7;
	(v2sf) =	vpush v58, $0xF  }
0x43a: {  	[tilespmem:v9+s22+$0x0] =	vst.idx.msk $0xffff, v20;
	s2 =	sand.u32 $0xFFFFFF80, s2  }
0x43b: {  	v59 =	vor.u32 $0xC800, v18;
	v20 =	vld.idx.msk [tilespmem:v21+s19+$0x0], $0xffff;
	s1 =	ssub.s32 s7, s2  }
0x43c: {  	v21 =	vadd.s32 s1, v59;
	s28 =	spop (v2sf)  }
0x43d: {  	v60 =	vsel vm14, $0x0, v19;
	s29 =	sshra.s32 s28, $0x1F  }
0x43e: {  	v61, _, _ =	vpop (xrf0);
	(xrf0) =	vadd.scan.msk.s32 $0xffff, v60;
	s2 =	sshrl.u32 s29, $0x19  }
0x43f: {  	s2 =	sadd.s32 s2, s28;
	(v2sf) =	vpush v61, $0xF  }
0x440: {  	[tilespmem:v10+s22+$0x0] =	vst.idx.msk $0xffff, v20;
	s2 =	sand.u32 $0xFFFFFF80, s2  }
0x441: {  	v62 =	vor.u32 $0xD000, v18;
	v20 =	vld.idx.msk [tilespmem:v21+s19+$0x0], $0xffff;
	s1 =	ssub.s32 s28, s2  }
0x442: {  	v21 =	vadd.s32 s1, v62;
	s30 =	spop (v2sf)  }
0x443: {  	v19 =	vsel vm15, $0x0, v19;
	s31 =	sshra.s32 s30, $0x1F  }
0x444: {  	v22, _, _ =	vpop (xrf0);
	(xrf0) =	vadd.scan.msk.s32 $0xffff, v19;
	s2 =	sshrl.u32 s31, $0x19  }
0x445: {  	s2 =	sadd.s32 s2, s30;
	(v2sf) =	vpush v22, $0xF  }
0x446: {  	[tilespmem:v11+s22+$0x0] =	vst.idx.msk $0xffff, v20;
	s2 =	sand.u32 $0xFFFFFF80, s2  }
0x447: {  	v20 =	vor.u32 $0xD800, v18;
	v19 =	vld.idx.msk [tilespmem:v21+s19+$0x0], $0xffff;
	s1 =	ssub.s32 s30, s2  }
0x448: {  	v20 =	vadd.s32 s1, v20;
	s4 =	spop (v2sf)  }
0x449: {  	s5 =	sshra.s32 s4, $0x1F  }
0x44a: {  	s2 =	sshrl.u32 s5, $0x19;
	v63, _, _ =	vpop (xrf0)  }
0x44b: {  	s2 =	sadd.s32 s2, s4;
	(v2sf) =	vpush v63, $0xF  }
0x44c: {  	[tilespmem:v12+s22+$0x0] =	vst.idx.msk $0xffff, v19;
	s2 =	sand.u32 $0xFFFFFF80, s2  }
0x44d: {  	v19 =	vld.idx.msk [tilespmem:v20+s19+$0x0], $0xffff;
	s1 =	ssub.s32 s4, s2;
	v20 =	vor.u32 $0xE000, v18  }
0x44e: {  	s7 =	spop (v2sf);
	v20 =	vadd.s32 s1, v20  }
0x44f: {  	s24 =	sshra.s32 s7, $0x1F  }
0x450: {  	s1 =	sshrl.u32 s24, $0x19  }
0x451: {  	s1 =	sadd.s32 s1, s7  }
0x452: {  	[tilespmem:v13+s22+$0x0] =	vst.idx.msk $0xffff, v19;
	s1 =	sand.u32 $0xFFFFFF80, s1  }
0x453: {  	v19 =	vld.idx.msk [tilespmem:v20+s19+$0x0], $0xffff;
	s1 =	ssub.s32 s7, s1;
	v20 =	vor.u32 $0xE800, v18  }
0x454: {  	s28 =	spop (v2sf);
	v20 =	vadd.s32 s1, v20  }
0x455: {  	s29 =	sshra.s32 s28, $0x1F  }
0x456: {  	s1 =	sshrl.u32 s29, $0x19  }
0x457: {  	s1 =	sadd.s32 s1, s28  }
0x458: {  	[tilespmem:v14+s22+$0x0] =	vst.idx.msk $0xffff, v19;
	s1 =	sand.u32 $0xFFFFFF80, s1  }
0x459: {  	v19 =	vld.idx.msk [tilespmem:v20+s19+$0x0], $0xffff;
	s1 =	ssub.s32 s28, s1;
	v20 =	vor.u32 $0xF000, v18  }
0x45a: {  	v20 =	vadd.s32 s1, v20;
	s30 =	spop (v2sf)  }
0x45b: {  	s31 =	sshra.s32 s30, $0x1F  }
0x45c: {  	s2 =	sshrl.u32 s31, $0x19  }
0x45d: {  	s2 =	sadd.s32 s2, s30  }
0x45e: {  	[tilespmem:v15+s22+$0x0] =	vst.idx.msk $0xffff, v19;
	s2 =	sand.u32 $0xFFFFFF80, s2  }
0x45f: {  	v19 =	vld.idx.msk [tilespmem:v20+s19+$0x0], $0xffff;
	s1 =	ssub.s32 s30, s2;
	v20 =	vor.u32 $0xF800, v18  }
0x460: {  	v20 =	vadd.s32 s1, v20;
	_ =	sdelay $0x3  }
0x461: {  	[tilespmem:v16+s22+$0x0] =	vst.idx.msk $0xffff, v19  }
0x462: {  	v19 =	vld.idx.msk [tilespmem:v20+s19+$0x0], $0xffff;
	_ =	sdelay $0x4  }
0x463: {  	[tilespmem:v17+s22+$0x0] =	vst.idx.msk $0xffff, v19  }
0x464: {  	s26 =	sadd.s32 $0x1, s26;
	_ =	swait.ge [sflag:s3], $0x2000  }
0x465: {  	p0 =	sne.s32 s26, s15;
	[sflag:s3] =	ssyncset.done $0x0  }
.Ltmp1:
0x466: {  	[sflag:s3] =	ssyncadd.s32 $0xFFFFE000;
	(pc) =	sbr.rel @p0 .LBB2_1-.Ltmp1, $4  }
0x467: {  	[hbm4b:s12+s20] =	stream.strided.scatter [tilespmem:s22], [sflag:$0x3], $0xA000, s23, s20, $0x38;
	[tilespmem:$0x1C800] =	vst v63  }
0x468: {  	_ =	swait.ge [sflag:s25], $0xA000  }
0x469: {  	[sflag:s25] =	ssyncset.done $0x0  }
0x46a: {  	[sflag:s25] =	ssyncadd.s32 $0xFFFF6000  }
0x46b: {  	_ =	sfence.sel $0x180000  }
0x46c: {  	[bflag:$0x0] =	sbarrier.arrive $0xFFFF  }
0x46d: {  	_ =	strace $0x90000047  }
0x46e: {  	s0 =	stileid.u32;
	[bflag:$0x2] =	sbarrier.arrive $0xFFFF  }
0x46f: {  	p0 =	sne.s32 s0, $0x0;
	s0 =	rddreg [dreg:$0xa]  }
0x470: {  	s0 =	sadd.s32 @!p0 $0x100000, s0  }
0x471: {  	[sflag:s0] =	ssyncadd.tile.s32 @!p0 $0x1;
	_ =	shalt  }
.Lfunc_end2:
_tile_overlayer_lowered:
.L_overlay_start_2:
0x472: {  	(tag) =	ssettag $0x2  }
0x473: {  	s0 =	rddreg [dreg:$0x0];
	s2 =	stileid.u32  }
0x474: {  	s1 =	rddreg [dreg:$0x1];
	p0 =	sne.s32 s2, $0x0  }
0x475: {  	s3 =	rddreg [dreg:$0x2];
	[bflag:$0x3] =	sbarrier.arrive $0xFFFF;
	s2 =	simm.s32 @!p0 $0x1C03  }
0x476: {  	[timem:s3], [sflag:s2] =	dma.local @!p0 [hbm:s0], s1  }
0x477: {  	s0 =	simm.s32 @!p0 $0x3  }
0x478: {  	_ =	swait.ge @!p0 [sflag:s0], s1  }
0x479: {  	s1 =	ssub.s32 @!p0 $0x0, s1;
	[sflag:s0] =	ssyncset.done @!p0 $0x0  }
0x47a: {  	[sflag:s0] =	ssyncadd.s32 @!p0 s1  }
0x47b: {  	[bflag:$0x3] =	sbarrier.arrive $0xFFFF  }
0x47c: {  	_ =	shalt  }

</sc_bundles>
